<compile_context>
chip_gen: v7x
topology: tpu7x:2x2x1
jax: 0.10.2.dev20260603
libtpu: 0.0.44.dev20260713+nightly
codegen_flags: <defaults>
</compile_context>

<pallas_src>
import functools

import jax
import jax.numpy as jnp
from jax import lax
from jax.experimental import pallas as pl
from jax.experimental.pallas import tpu as pltpu
from jax.experimental.pallas import tpu_sc as plsc

B = 4096
K = 50
M = 100000
D = 128
L = 16
ND = D // L
NW = 32
WIN_B = 4
WIN = WIN_B * K
NSUB = 1
SUBW = WIN // NSUB
BPW = B // NW
CH = BPW // WIN_B
NBUF = 4


def _make_sc_kernel():
    mesh = plsc.VectorSubcoreMesh(
        core_axis_name="core", subcore_axis_name="subcore"
    )

    @functools.partial(
        pl.kernel,
        out_type=jax.ShapeDtypeStruct((K, B, D), jnp.float32),
        mesh=mesh,
        scratch_types=[
            pltpu.VMEM((CH, NSUB, SUBW), jnp.int32),
            pltpu.VMEM((BPW, D), jnp.float32),
            pltpu.VMEM((WIN, D), jnp.float32),
            pltpu.VMEM((WIN, D), jnp.float32),
            pltpu.VMEM((WIN, D), jnp.float32),
            pltpu.VMEM((WIN, D), jnp.float32),
            pltpu.SemaphoreType.DMA,
            pltpu.SemaphoreType.DMA,
            pltpu.SemaphoreType.DMA,
            pltpu.SemaphoreType.DMA,
            pltpu.SemaphoreType.DMA,
            pltpu.SemaphoreType.DMA,
            pltpu.SemaphoreType.DMA,
            pltpu.SemaphoreType.DMA,
        ],
        compiler_params=pltpu.CompilerParams(use_tc_tiling_on_sc=False),
    )
    def run(table_hbm, idx_hbm, pts_hbm, out_hbm,
            idx_v, pts_v, r0, r1, r2, r3,
            gs0, gs1, gs2, gs3, os0, os1, os2, os3):
        rows = (r0, r1, r2, r3)
        gsem = (gs0, gs1, gs2, gs3)
        osem = (os0, os1, os2, os3)

        wid = lax.axis_index("core") * 16 + lax.axis_index("subcore")

        pltpu.sync_copy(idx_hbm.at[pl.ds(wid * CH, CH)], idx_v)
        pltpu.sync_copy(pts_hbm.at[pl.ds(wid * BPW, BPW)], pts_v)

        def start_gather(q, j):
            for s in range(NSUB):
                pltpu.async_copy(
                    table_hbm.at[idx_v.at[q, s]],
                    rows[j].at[pl.ds(s * SUBW, SUBW)],
                    gsem[j],
                )

        def wait_gather(q, j):
            for s in range(NSUB):
                pltpu.make_async_copy(
                    table_hbm.at[idx_v.at[q, s]],
                    rows[j].at[pl.ds(s * SUBW, SUBW)],
                    gsem[j],
                ).wait()

        def wb_pair(q, j, b):
            src = rows[j].at[pl.ds(b * K, K)]
            dst = out_hbm.at[:, wid * BPW + q * WIN_B + b, :]
            return src, dst

        start_gather(0, 0)
        start_gather(1, 1)

        @pl.loop(0, CH, step=NBUF)
        def _(qq):
            for j in range(NBUF):
                q = qq + j

                j2 = (j + 2) % NBUF

                @pl.when(q + 2 < CH)
                def _():
                    start_gather(q + 2, j2)

                wait_gather(q, j)

                for b in range(WIN_B):
                    bb = q * WIN_B + b
                    pvecs = [pts_v[bb, pl.ds(d * L, L)] for d in range(ND)]

                    @plsc.parallel_loop(0, K, unroll=2)
                    def _(k, b=b, pvecs=pvecs):
                        r = b * K + k
                        for d in range(ND):
                            sl = pl.ds(d * L, L)
                            rows[j][r, sl] = rows[j][r, sl] - pvecs[d]

                pass

        pass

    return run


_sc_kernel = _make_sc_kernel()


def kernel(indices, points, sampleLocs):
    idx_flat = indices.astype(jnp.int32).reshape(B // WIN_B, NSUB, SUBW)
    out_kmajor = _sc_kernel(sampleLocs, idx_flat, points)
    return jnp.transpose(out_kmajor, (1, 0, 2))

# --- scband reference (transcript-rebuilt; emitter-appended) ---
"""Pipeline reference for scband-mvec-layer-910533067120 (READ-ONLY COPY).

The authoritative reference and input builder live on the scoring server;
editing this copy changes nothing except your own understanding.
"""

import jax, jax.numpy as jnp
import numpy as np

B = 4096
K = 50
M = 100000
D = 128


def setup_inputs(seed: int = 0) -> dict:
    key = jax.random.key(seed)
    k1, k2, k3 = jax.random.split(key, 3)
    indices = jax.random.randint(k1, (B, K), 0, M)
    points = jax.random.normal(k2, (B, D), dtype=jnp.float32)
    sampleLocs = jax.random.normal(k3, (M, D), dtype=jnp.float32)
    return {"indices": indices, "points": points, "sampleLocs": sampleLocs}


def reference(indices, points, sampleLocs):
    # Faithful translation of:
    #   tf.vectorized_map(lambda i: tf.gather(sampleLocs, indices[i]) - points[i], range(B))
    # gather [B, K, D] rows from the table, subtract each batch's point (broadcast over K)
    gathered = jnp.take(sampleLocs, indices, axis=0)  # [B, K, D]
    return gathered - points[:, None, :]

if __name__ == "__main__":
    import jax
    _d = setup_inputs()
    print(jax.jit(kernel)(*tuple(_d.values())))

</pallas_src>

<mosaic_0001>
#map = affine_map<(d0, d1) -> (0, 0)>
#map1 = affine_map<(d0, d1) -> (0, 0, 0)>
module attributes {stable_mosaic.version = 14 : i64} {
  func.func @run(%arg0: i32, %arg1: i32, %arg2: memref<100000x128xf32, #tpu.memory_space<hbm>>, %arg3: memref<1024x1x200xi32, #tpu.memory_space<hbm>>, %arg4: memref<4096x128xf32, #tpu.memory_space<hbm>>, %arg5: memref<50x4096x128xf32, #tpu.memory_space<hbm>>, %arg6: memref<32x1x200xi32, #tpu.memory_space<vmem>>, %arg7: memref<128x128xf32, #tpu.memory_space<vmem>>, %arg8: memref<200x128xf32, #tpu.memory_space<vmem>>, %arg9: memref<200x128xf32, #tpu.memory_space<vmem>>, %arg10: memref<200x128xf32, #tpu.memory_space<vmem>>, %arg11: memref<200x128xf32, #tpu.memory_space<vmem>>, %arg12: memref<!tpu.dma_semaphore, #tpu.memory_space<semaphore_mem>>, %arg13: memref<!tpu.dma_semaphore, #tpu.memory_space<semaphore_mem>>, %arg14: memref<!tpu.dma_semaphore, #tpu.memory_space<semaphore_mem>>, %arg15: memref<!tpu.dma_semaphore, #tpu.memory_space<semaphore_mem>>, %arg16: memref<!tpu.dma_semaphore, #tpu.memory_space<semaphore_mem>>, %arg17: memref<!tpu.dma_semaphore, #tpu.memory_space<semaphore_mem>>, %arg18: memref<!tpu.dma_semaphore, #tpu.memory_space<semaphore_mem>>, %arg19: memref<!tpu.dma_semaphore, #tpu.memory_space<semaphore_mem>>) attributes {dimension_semantics = [#tpu.dimension_semantics<core_parallel>, #tpu.dimension_semantics<subcore_parallel>], iteration_bounds = array<i64: 2, 16>, scalar_prefetch = 0 : i64, scratch_operands = 14 : i64, tpu.core_type = #tpu.core_type<sc_vector_subcore>, window_params = [{transform_indices = #map}, {transform_indices = #map1}, {transform_indices = #map}, {transform_indices = #map1}]} {
    %mul3A = arith.constant 16 : i32
    %mul3A_0 = arith.muli %arg0, %mul3A : i32
    %add3A = arith.addi %mul3A_0, %arg1 : i32
    %mul3A_1 = arith.constant 32 : i32
    %mul3A_2 = arith.muli %add3A, %mul3A_1 : i32
    "tpu.region"() ({
      %run_scoped3A = tpu.sem_alloc : memref<!tpu.dma_semaphore, #tpu.memory_space<semaphore_mem>>
      %dma_start3A_30 = arith.constant 0 : i32
      %dma_start3A_31 = arith.constant 0 : i32
      %dma_start3A_32 = tpu.memref_slice %arg3[%mul3A_2, %dma_start3A_30, %dma_start3A_31] : memref<1024x1x200xi32, #tpu.memory_space<hbm>> -> memref<32x1x200xi32, #tpu.memory_space<hbm>>
      %dma_start3A_33 = arith.constant 0 : i32
      %dma_start3A_34 = arith.constant 0 : i32
      %dma_start3A_35 = tpu.memref_slice %arg3[%mul3A_2, %dma_start3A_33, %dma_start3A_34] : memref<1024x1x200xi32, #tpu.memory_space<hbm>> -> memref<32x1x200xi32, #tpu.memory_space<hbm>>
      tpu.enqueue_dma source(%dma_start3A_35 : memref<32x1x200xi32, #tpu.memory_space<hbm>>) target(%arg6 : memref<32x1x200xi32, #tpu.memory_space<vmem>>) target_semaphore(%run_scoped3A : memref<!tpu.dma_semaphore, #tpu.memory_space<semaphore_mem>>)
      %dma_wait3A = arith.constant 0 : i32
      %dma_wait3A_36 = arith.constant 0 : i32
      %dma_wait3A_37 = tpu.memref_slice %arg3[%mul3A_2, %dma_wait3A, %dma_wait3A_36] : memref<1024x1x200xi32, #tpu.memory_space<hbm>> -> memref<32x1x200xi32, #tpu.memory_space<hbm>>
      %dma_wait3A_38 = arith.constant 0 : i32
      %dma_wait3A_39 = arith.constant 0 : i32
      %dma_wait3A_40 = tpu.memref_slice %arg3[%mul3A_2, %dma_wait3A_38, %dma_wait3A_39] : memref<1024x1x200xi32, #tpu.memory_space<hbm>> -> memref<32x1x200xi32, #tpu.memory_space<hbm>>
      tpu.wait_dma2 semaphore(%run_scoped3A : memref<!tpu.dma_semaphore, #tpu.memory_space<semaphore_mem>>) src(%dma_wait3A_40 : memref<32x1x200xi32, #tpu.memory_space<hbm>>) dst(%arg6 : memref<32x1x200xi32, #tpu.memory_space<vmem>>)
      tpu.yield
    }) : () -> ()
    %mul3A_3 = arith.constant 128 : i32
    %mul3A_4 = arith.muli %add3A, %mul3A_3 : i32
    "tpu.region"() ({
      %run_scoped3A = tpu.sem_alloc : memref<!tpu.dma_semaphore, #tpu.memory_space<semaphore_mem>>
      %dma_start3A_30 = arith.constant 0 : i32
      %dma_start3A_31 = tpu.memref_slice %arg4[%mul3A_4, %dma_start3A_30] : memref<4096x128xf32, #tpu.memory_space<hbm>> -> memref<128x128xf32, #tpu.memory_space<hbm>>
      %dma_start3A_32 = arith.constant 0 : i32
      %dma_start3A_33 = tpu.memref_slice %arg4[%mul3A_4, %dma_start3A_32] : memref<4096x128xf32, #tpu.memory_space<hbm>> -> memref<128x128xf32, #tpu.memory_space<hbm>>
      tpu.enqueue_dma source(%dma_start3A_33 : memref<128x128xf32, #tpu.memory_space<hbm>>) target(%arg7 : memref<128x128xf32, #tpu.memory_space<vmem>>) target_semaphore(%run_scoped3A : memref<!tpu.dma_semaphore, #tpu.memory_space<semaphore_mem>>)
      %dma_wait3A = arith.constant 0 : i32
      %dma_wait3A_34 = tpu.memref_slice %arg4[%mul3A_4, %dma_wait3A] : memref<4096x128xf32, #tpu.memory_space<hbm>> -> memref<128x128xf32, #tpu.memory_space<hbm>>
      %dma_wait3A_35 = arith.constant 0 : i32
      %dma_wait3A_36 = tpu.memref_slice %arg4[%mul3A_4, %dma_wait3A_35] : memref<4096x128xf32, #tpu.memory_space<hbm>> -> memref<128x128xf32, #tpu.memory_space<hbm>>
      tpu.wait_dma2 semaphore(%run_scoped3A : memref<!tpu.dma_semaphore, #tpu.memory_space<semaphore_mem>>) src(%dma_wait3A_36 : memref<128x128xf32, #tpu.memory_space<hbm>>) dst(%arg7 : memref<128x128xf32, #tpu.memory_space<vmem>>)
      tpu.yield
    }) : () -> ()
    %dma_start3A = arith.constant 0 : i32
    %dma_start3A_5 = arith.constant 0 : i32
    %dma_start3A_6 = arith.constant 0 : i32
    %dma_start3A_7 = arith.constant 0 : i32
    %dma_start3A_8 = tpu.memref_slice %arg8[%dma_start3A_6, %dma_start3A_7] : memref<200x128xf32, #tpu.memory_space<vmem>> -> memref<200x128xf32, #tpu.memory_space<vmem>>
    %dma_start3A_9 = arith.constant 0 : i32
    %dma_start3A_10 = tpu.memref_slice %arg6[%dma_start3A, %dma_start3A_5, %dma_start3A_9] : memref<32x1x200xi32, #tpu.memory_space<vmem>> -> memref<1x1x200xi32, #tpu.memory_space<vmem>>
    %dma_start3A_11 = tpu.memref_squeeze %dma_start3A_10 : memref<1x1x200xi32, #tpu.memory_space<vmem>> -> memref<200xi32, #tpu.memory_space<vmem>>
    %dma_start3A_12 = arith.constant 0 : i32
    %dma_start3A_13 = arith.constant 0 : i32
    %dma_start3A_14 = tpu.memref_slice %arg2[%dma_start3A_12, %dma_start3A_13] : memref<100000x128xf32, #tpu.memory_space<hbm>> -> memref<100000x128xf32, #tpu.memory_space<hbm>>
    tpu.enqueue_indirect_dma source(%dma_start3A_14 : memref<100000x128xf32, #tpu.memory_space<hbm>>) target(%dma_start3A_8 : memref<200x128xf32, #tpu.memory_space<vmem>>) offsets(%dma_start3A_11 : memref<200xi32, #tpu.memory_space<vmem>>) semaphore(%arg12 : memref<!tpu.dma_semaphore, #tpu.memory_space<semaphore_mem>>)
    %dma_start3A_15 = arith.constant 1 : i32
    %dma_start3A_16 = arith.constant 0 : i32
    %dma_start3A_17 = arith.constant 0 : i32
    %dma_start3A_18 = arith.constant 0 : i32
    %dma_start3A_19 = tpu.memref_slice %arg9[%dma_start3A_17, %dma_start3A_18] : memref<200x128xf32, #tpu.memory_space<vmem>> -> memref<200x128xf32, #tpu.memory_space<vmem>>
    %dma_start3A_20 = arith.constant 0 : i32
    %dma_start3A_21 = tpu.memref_slice %arg6[%dma_start3A_15, %dma_start3A_16, %dma_start3A_20] : memref<32x1x200xi32, #tpu.memory_space<vmem>> -> memref<1x1x200xi32, #tpu.memory_space<vmem>>
    %dma_start3A_22 = tpu.memref_squeeze %dma_start3A_21 : memref<1x1x200xi32, #tpu.memory_space<vmem>> -> memref<200xi32, #tpu.memory_space<vmem>>
    %dma_start3A_23 = arith.constant 0 : i32
    %dma_start3A_24 = arith.constant 0 : i32
    %dma_start3A_25 = tpu.memref_slice %arg2[%dma_start3A_23, %dma_start3A_24] : memref<100000x128xf32, #tpu.memory_space<hbm>> -> memref<100000x128xf32, #tpu.memory_space<hbm>>
    tpu.enqueue_indirect_dma source(%dma_start3A_25 : memref<100000x128xf32, #tpu.memory_space<hbm>>) target(%dma_start3A_19 : memref<200x128xf32, #tpu.memory_space<vmem>>) offsets(%dma_start3A_22 : memref<200xi32, #tpu.memory_space<vmem>>) semaphore(%arg13 : memref<!tpu.dma_semaphore, #tpu.memory_space<semaphore_mem>>)
    %scan3A = arith.constant 0 : i32
    %scan3A_26 = arith.constant 8 : i32
    %scan3A_27 = arith.addi %scan3A, %scan3A_26 : i32
    %scan3A_28 = arith.constant 1 : i32
    scf.for %scan3A_30 = %scan3A to %scan3A_27 step %scan3A_28  : i32 {
      %mul3A_31 = arith.constant 4 : i32
      %mul3A_32 = arith.muli %scan3A_30, %mul3A_31 : i32
      %add3A_33 = arith.constant 0 : i32
      %add3A_34 = arith.addi %add3A_33, %mul3A_32 : i32
      %add3A_35 = arith.constant 0 : i32
      %add3A_36 = arith.addi %add3A_34, %add3A_35 : i32
      %add3A_37 = arith.constant 2 : i32
      %add3A_38 = arith.addi %add3A_36, %add3A_37 : i32
      %lt3A = arith.constant 32 : i32
      %lt3A_39 = arith.cmpi slt, %add3A_38, %lt3A : i32
      %convert_element_type3A = arith.extui %lt3A_39 : i1 to i32
      %cond3A = arith.constant 0 : i32
      %cond3A_40 = arith.cmpi ne, %convert_element_type3A, %cond3A : i32
      scf.if %cond3A_40 {
        %add3A_729 = arith.constant 2 : i32
        %add3A_730 = arith.addi %add3A_36, %add3A_729 : i32
        %dma_start3A_731 = arith.constant 0 : i32
        %dma_start3A_732 = arith.constant 0 : i32
        %dma_start3A_733 = arith.constant 0 : i32
        %dma_start3A_734 = tpu.memref_slice %arg10[%dma_start3A_732, %dma_start3A_733] : memref<200x128xf32, #tpu.memory_space<vmem>> -> memref<200x128xf32, #tpu.memory_space<vmem>>
        %dma_start3A_735 = arith.constant 0 : i32
        %dma_start3A_736 = tpu.memref_slice %arg6[%add3A_730, %dma_start3A_731, %dma_start3A_735] : memref<32x1x200xi32, #tpu.memory_space<vmem>> -> memref<1x1x200xi32, #tpu.memory_space<vmem>>
        %dma_start3A_737 = tpu.memref_squeeze %dma_start3A_736 : memref<1x1x200xi32, #tpu.memory_space<vmem>> -> memref<200xi32, #tpu.memory_space<vmem>>
        %dma_start3A_738 = arith.constant 0 : i32
        %dma_start3A_739 = arith.constant 0 : i32
        %dma_start3A_740 = tpu.memref_slice %arg2[%dma_start3A_738, %dma_start3A_739] : memref<100000x128xf32, #tpu.memory_space<hbm>> -> memref<100000x128xf32, #tpu.memory_space<hbm>>
        tpu.enqueue_indirect_dma source(%dma_start3A_740 : memref<100000x128xf32, #tpu.memory_space<hbm>>) target(%dma_start3A_734 : memref<200x128xf32, #tpu.memory_space<vmem>>) offsets(%dma_start3A_737 : memref<200xi32, #tpu.memory_space<vmem>>) semaphore(%arg14 : memref<!tpu.dma_semaphore, #tpu.memory_space<semaphore_mem>>)
      } else {
      }
      %dma_wait3A = arith.constant 0 : i32
      %dma_wait3A_41 = arith.constant 0 : i32
      %dma_wait3A_42 = arith.constant 0 : i32
      %dma_wait3A_43 = tpu.memref_slice %arg8[%dma_wait3A_41, %dma_wait3A_42] : memref<200x128xf32, #tpu.memory_space<vmem>> -> memref<200x128xf32, #tpu.memory_space<vmem>>
      %dma_wait3A_44 = arith.constant 0 : i32
      %dma_wait3A_45 = tpu.memref_slice %arg6[%add3A_36, %dma_wait3A, %dma_wait3A_44] : memref<32x1x200xi32, #tpu.memory_space<vmem>> -> memref<1x1x200xi32, #tpu.memory_space<vmem>>
      %dma_wait3A_46 = tpu.memref_squeeze %dma_wait3A_45 : memref<1x1x200xi32, #tpu.memory_space<vmem>> -> memref<200xi32, #tpu.memory_space<vmem>>
      %dma_wait3A_47 = arith.constant 0 : i32
      %dma_wait3A_48 = arith.constant 0 : i32
      %dma_wait3A_49 = tpu.memref_slice %arg2[%dma_wait3A_47, %dma_wait3A_48] : memref<100000x128xf32, #tpu.memory_space<hbm>> -> memref<100000x128xf32, #tpu.memory_space<hbm>>
      tpu.wait_indirect_dma semaphore(%arg12 : memref<!tpu.dma_semaphore, #tpu.memory_space<semaphore_mem>>) src(%dma_wait3A_49 : memref<100000x128xf32, #tpu.memory_space<hbm>>) dst(%dma_wait3A_43 : memref<200x128xf32, #tpu.memory_space<vmem>>)
      %mul3A_50 = arith.constant 4 : i32
      %mul3A_51 = arith.muli %add3A_36, %mul3A_50 : i32
      %add3A_52 = arith.constant 0 : i32
      %add3A_53 = arith.addi %mul3A_51, %add3A_52 : i32
      %get3A = arith.index_cast %add3A_53 : i32 to index
      %get3A_54 = arith.constant 0 : index
      %get3A_55 = tpu.vector_load %arg7[%get3A, %get3A_54] {strides = array<i32>} : memref<128x128xf32, #tpu.memory_space<vmem>>, vector<1x16xf32>,
      %get3A_56 = vector.shape_cast %get3A_55 : vector<1x16xf32> to vector<16xf32>
      %get3A_57 = arith.index_cast %add3A_53 : i32 to index
      %get3A_58 = arith.constant 16 : index
      %get3A_59 = tpu.vector_load %arg7[%get3A_57, %get3A_58] {strides = array<i32>} : memref<128x128xf32, #tpu.memory_space<vmem>>, vector<1x16xf32>,
      %get3A_60 = vector.shape_cast %get3A_59 : vector<1x16xf32> to vector<16xf32>
      %get3A_61 = arith.index_cast %add3A_53 : i32 to index
      %get3A_62 = arith.constant 32 : index
      %get3A_63 = tpu.vector_load %arg7[%get3A_61, %get3A_62] {strides = array<i32>} : memref<128x128xf32, #tpu.memory_space<vmem>>, vector<1x16xf32>,
      %get3A_64 = vector.shape_cast %get3A_63 : vector<1x16xf32> to vector<16xf32>
      %get3A_65 = arith.index_cast %add3A_53 : i32 to index
      %get3A_66 = arith.constant 48 : index
      %get3A_67 = tpu.vector_load %arg7[%get3A_65, %get3A_66] {strides = array<i32>} : memref<128x128xf32, #tpu.memory_space<vmem>>, vector<1x16xf32>,
      %get3A_68 = vector.shape_cast %get3A_67 : vector<1x16xf32> to vector<16xf32>
      %get3A_69 = arith.index_cast %add3A_53 : i32 to index
      %get3A_70 = arith.constant 64 : index
      %get3A_71 = tpu.vector_load %arg7[%get3A_69, %get3A_70] {strides = array<i32>} : memref<128x128xf32, #tpu.memory_space<vmem>>, vector<1x16xf32>,
      %get3A_72 = vector.shape_cast %get3A_71 : vector<1x16xf32> to vector<16xf32>
      %get3A_73 = arith.index_cast %add3A_53 : i32 to index
      %get3A_74 = arith.constant 80 : index
      %get3A_75 = tpu.vector_load %arg7[%get3A_73, %get3A_74] {strides = array<i32>} : memref<128x128xf32, #tpu.memory_space<vmem>>, vector<1x16xf32>,
      %get3A_76 = vector.shape_cast %get3A_75 : vector<1x16xf32> to vector<16xf32>
      %get3A_77 = arith.index_cast %add3A_53 : i32 to index
      %get3A_78 = arith.constant 96 : index
      %get3A_79 = tpu.vector_load %arg7[%get3A_77, %get3A_78] {strides = array<i32>} : memref<128x128xf32, #tpu.memory_space<vmem>>, vector<1x16xf32>,
      %get3A_80 = vector.shape_cast %get3A_79 : vector<1x16xf32> to vector<16xf32>
      %get3A_81 = arith.index_cast %add3A_53 : i32 to index
      %get3A_82 = arith.constant 112 : index
      %get3A_83 = tpu.vector_load %arg7[%get3A_81, %get3A_82] {strides = array<i32>} : memref<128x128xf32, #tpu.memory_space<vmem>>, vector<1x16xf32>,
      %get3A_84 = vector.shape_cast %get3A_83 : vector<1x16xf32> to vector<16xf32>
      %parallel_loop3A = arith.constant 0 : i32
      %parallel_loop3A_85 = arith.constant 50 : i32
      %parallel_loop3A_86 = arith.constant 1 : i32
      scf.for %parallel_loop3A_729 = %parallel_loop3A to %parallel_loop3A_85 step %parallel_loop3A_86  : i32 {
        %parallel_loop3A_730 = arith.constant 0 : i32
        %parallel_loop3A_731 = arith.addi %parallel_loop3A_730, %parallel_loop3A_729 : i32
        %parallel_loop3A_732 = arith.index_cast %parallel_loop3A_731 : i32 to index
        %parallel_loop3A_733 = arith.constant 0 : index
        %parallel_loop3A_734 = tpu.vector_load %arg8[%parallel_loop3A_732, %parallel_loop3A_733] {strides = array<i32>} : memref<200x128xf32, #tpu.memory_space<vmem>>, vector<1x16xf32>,
        %parallel_loop3A_735 = vector.shape_cast %parallel_loop3A_734 : vector<1x16xf32> to vector<16xf32>
        %parallel_loop3A_736 = arith.subf %parallel_loop3A_735, %get3A_56 : vector<16xf32>
        %parallel_loop3A_737 = arith.index_cast %parallel_loop3A_731 : i32 to index
        %parallel_loop3A_738 = arith.constant 0 : index
        %parallel_loop3A_739 = tpu.vector_load %arg8[%parallel_loop3A_737, %parallel_loop3A_738] {strides = array<i32>} : memref<200x128xf32, #tpu.memory_space<vmem>>, vector<1x16xf32>,
        %parallel_loop3A_740 = vector.shape_cast %parallel_loop3A_739 : vector<1x16xf32> to vector<16xf32>
        %parallel_loop3A_741 = vector.shape_cast %parallel_loop3A_736 : vector<16xf32> to vector<1x16xf32>
        tpu.vector_store %arg8[%parallel_loop3A_737, %parallel_loop3A_738], %parallel_loop3A_741 {strides = array<i32>} : memref<200x128xf32, #tpu.memory_space<vmem>>, vector<1x16xf32>,
        %parallel_loop3A_742 = arith.index_cast %parallel_loop3A_731 : i32 to index
        %parallel_loop3A_743 = arith.constant 16 : index
        %parallel_loop3A_744 = tpu.vector_load %arg8[%parallel_loop3A_742, %parallel_loop3A_743] {strides = array<i32>} : memref<200x128xf32, #tpu.memory_space<vmem>>, vector<1x16xf32>,
        %parallel_loop3A_745 = vector.shape_cast %parallel_loop3A_744 : vector<1x16xf32> to vector<16xf32>
        %parallel_loop3A_746 = arith.subf %parallel_loop3A_745, %get3A_60 : vector<16xf32>
        %parallel_loop3A_747 = arith.index_cast %parallel_loop3A_731 : i32 to index
        %parallel_loop3A_748 = arith.constant 16 : index
        %parallel_loop3A_749 = tpu.vector_load %arg8[%parallel_loop3A_747, %parallel_loop3A_748] {strides = array<i32>} : memref<200x128xf32, #tpu.memory_space<vmem>>, vector<1x16xf32>,
        %parallel_loop3A_750 = vector.shape_cast %parallel_loop3A_749 : vector<1x16xf32> to vector<16xf32>
        %parallel_loop3A_751 = vector.shape_cast %parallel_loop3A_746 : vector<16xf32> to vector<1x16xf32>
        tpu.vector_store %arg8[%parallel_loop3A_747, %parallel_loop3A_748], %parallel_loop3A_751 {strides = array<i32>} : memref<200x128xf32, #tpu.memory_space<vmem>>, vector<1x16xf32>,
        %parallel_loop3A_752 = arith.index_cast %parallel_loop3A_731 : i32 to index
        %parallel_loop3A_753 = arith.constant 32 : index
        %parallel_loop3A_754 = tpu.vector_load %arg8[%parallel_loop3A_752, %parallel_loop3A_753] {strides = array<i32>} : memref<200x128xf32, #tpu.memory_space<vmem>>, vector<1x16xf32>,
        %parallel_loop3A_755 = vector.shape_cast %parallel_loop3A_754 : vector<1x16xf32> to vector<16xf32>
        %parallel_loop3A_756 = arith.subf %parallel_loop3A_755, %get3A_64 : vector<16xf32>
        %parallel_loop3A_757 = arith.index_cast %parallel_loop3A_731 : i32 to index
        %parallel_loop3A_758 = arith.constant 32 : index
        %parallel_loop3A_759 = tpu.vector_load %arg8[%parallel_loop3A_757, %parallel_loop3A_758] {strides = array<i32>} : memref<200x128xf32, #tpu.memory_space<vmem>>, vector<1x16xf32>,
        %parallel_loop3A_760 = vector.shape_cast %parallel_loop3A_759 : vector<1x16xf32> to vector<16xf32>
        %parallel_loop3A_761 = vector.shape_cast %parallel_loop3A_756 : vector<16xf32> to vector<1x16xf32>
        tpu.vector_store %arg8[%parallel_loop3A_757, %parallel_loop3A_758], %parallel_loop3A_761 {strides = array<i32>} : memref<200x128xf32, #tpu.memory_space<vmem>>, vector<1x16xf32>,
        %parallel_loop3A_762 = arith.index_cast %parallel_loop3A_731 : i32 to index
        %parallel_loop3A_763 = arith.constant 48 : index
        %parallel_loop3A_764 = tpu.vector_load %arg8[%parallel_loop3A_762, %parallel_loop3A_763] {strides = array<i32>} : memref<200x128xf32, #tpu.memory_space<vmem>>, vector<1x16xf32>,
        %parallel_loop3A_765 = vector.shape_cast %parallel_loop3A_764 : vector<1x16xf32> to vector<16xf32>
        %parallel_loop3A_766 = arith.subf %parallel_loop3A_765, %get3A_68 : vector<16xf32>
        %parallel_loop3A_767 = arith.index_cast %parallel_loop3A_731 : i32 to index
        %parallel_loop3A_768 = arith.constant 48 : index
        %parallel_loop3A_769 = tpu.vector_load %arg8[%parallel_loop3A_767, %parallel_loop3A_768] {strides = array<i32>} : memref<200x128xf32, #tpu.memory_space<vmem>>, vector<1x16xf32>,
        %parallel_loop3A_770 = vector.shape_cast %parallel_loop3A_769 : vector<1x16xf32> to vector<16xf32>
        %parallel_loop3A_771 = vector.shape_cast %parallel_loop3A_766 : vector<16xf32> to vector<1x16xf32>
        tpu.vector_store %arg8[%parallel_loop3A_767, %parallel_loop3A_768], %parallel_loop3A_771 {strides = array<i32>} : memref<200x128xf32, #tpu.memory_space<vmem>>, vector<1x16xf32>,
        %parallel_loop3A_772 = arith.index_cast %parallel_loop3A_731 : i32 to index
        %parallel_loop3A_773 = arith.constant 64 : index
        %parallel_loop3A_774 = tpu.vector_load %arg8[%parallel_loop3A_772, %parallel_loop3A_773] {strides = array<i32>} : memref<200x128xf32, #tpu.memory_space<vmem>>, vector<1x16xf32>,
        %parallel_loop3A_775 = vector.shape_cast %parallel_loop3A_774 : vector<1x16xf32> to vector<16xf32>
        %parallel_loop3A_776 = arith.subf %parallel_loop3A_775, %get3A_72 : vector<16xf32>
        %parallel_loop3A_777 = arith.index_cast %parallel_loop3A_731 : i32 to index
        %parallel_loop3A_778 = arith.constant 64 : index
        %parallel_loop3A_779 = tpu.vector_load %arg8[%parallel_loop3A_777, %parallel_loop3A_778] {strides = array<i32>} : memref<200x128xf32, #tpu.memory_space<vmem>>, vector<1x16xf32>,
        %parallel_loop3A_780 = vector.shape_cast %parallel_loop3A_779 : vector<1x16xf32> to vector<16xf32>
        %parallel_loop3A_781 = vector.shape_cast %parallel_loop3A_776 : vector<16xf32> to vector<1x16xf32>
        tpu.vector_store %arg8[%parallel_loop3A_777, %parallel_loop3A_778], %parallel_loop3A_781 {strides = array<i32>} : memref<200x128xf32, #tpu.memory_space<vmem>>, vector<1x16xf32>,
        %parallel_loop3A_782 = arith.index_cast %parallel_loop3A_731 : i32 to index
        %parallel_loop3A_783 = arith.constant 80 : index
        %parallel_loop3A_784 = tpu.vector_load %arg8[%parallel_loop3A_782, %parallel_loop3A_783] {strides = array<i32>} : memref<200x128xf32, #tpu.memory_space<vmem>>, vector<1x16xf32>,
        %parallel_loop3A_785 = vector.shape_cast %parallel_loop3A_784 : vector<1x16xf32> to vector<16xf32>
        %parallel_loop3A_786 = arith.subf %parallel_loop3A_785, %get3A_76 : vector<16xf32>
        %parallel_loop3A_787 = arith.index_cast %parallel_loop3A_731 : i32 to index
        %parallel_loop3A_788 = arith.constant 80 : index
        %parallel_loop3A_789 = tpu.vector_load %arg8[%parallel_loop3A_787, %parallel_loop3A_788] {strides = array<i32>} : memref<200x128xf32, #tpu.memory_space<vmem>>, vector<1x16xf32>,
        %parallel_loop3A_790 = vector.shape_cast %parallel_loop3A_789 : vector<1x16xf32> to vector<16xf32>
        %parallel_loop3A_791 = vector.shape_cast %parallel_loop3A_786 : vector<16xf32> to vector<1x16xf32>
        tpu.vector_store %arg8[%parallel_loop3A_787, %parallel_loop3A_788], %parallel_loop3A_791 {strides = array<i32>} : memref<200x128xf32, #tpu.memory_space<vmem>>, vector<1x16xf32>,
        %parallel_loop3A_792 = arith.index_cast %parallel_loop3A_731 : i32 to index
        %parallel_loop3A_793 = arith.constant 96 : index
        %parallel_loop3A_794 = tpu.vector_load %arg8[%parallel_loop3A_792, %parallel_loop3A_793] {strides = array<i32>} : memref<200x128xf32, #tpu.memory_space<vmem>>, vector<1x16xf32>,
        %parallel_loop3A_795 = vector.shape_cast %parallel_loop3A_794 : vector<1x16xf32> to vector<16xf32>
        %parallel_loop3A_796 = arith.subf %parallel_loop3A_795, %get3A_80 : vector<16xf32>
        %parallel_loop3A_797 = arith.index_cast %parallel_loop3A_731 : i32 to index
        %parallel_loop3A_798 = arith.constant 96 : index
        %parallel_loop3A_799 = tpu.vector_load %arg8[%parallel_loop3A_797, %parallel_loop3A_798] {strides = array<i32>} : memref<200x128xf32, #tpu.memory_space<vmem>>, vector<1x16xf32>,
        %parallel_loop3A_800 = vector.shape_cast %parallel_loop3A_799 : vector<1x16xf32> to vector<16xf32>
        %parallel_loop3A_801 = vector.shape_cast %parallel_loop3A_796 : vector<16xf32> to vector<1x16xf32>
        tpu.vector_store %arg8[%parallel_loop3A_797, %parallel_loop3A_798], %parallel_loop3A_801 {strides = array<i32>} : memref<200x128xf32, #tpu.memory_space<vmem>>, vector<1x16xf32>,
        %parallel_loop3A_802 = arith.index_cast %parallel_loop3A_731 : i32 to index
        %parallel_loop3A_803 = arith.constant 112 : index
        %parallel_loop3A_804 = tpu.vector_load %arg8[%parallel_loop3A_802, %parallel_loop3A_803] {strides = array<i32>} : memref<200x128xf32, #tpu.memory_space<vmem>>, vector<1x16xf32>,
        %parallel_loop3A_805 = vector.shape_cast %parallel_loop3A_804 : vector<1x16xf32> to vector<16xf32>
        %parallel_loop3A_806 = arith.subf %parallel_loop3A_805, %get3A_84 : vector<16xf32>
        %parallel_loop3A_807 = arith.index_cast %parallel_loop3A_731 : i32 to index
        %parallel_loop3A_808 = arith.constant 112 : index
        %parallel_loop3A_809 = tpu.vector_load %arg8[%parallel_loop3A_807, %parallel_loop3A_808] {strides = array<i32>} : memref<200x128xf32, #tpu.memory_space<vmem>>, vector<1x16xf32>,
        %parallel_loop3A_810 = vector.shape_cast %parallel_loop3A_809 : vector<1x16xf32> to vector<16xf32>
        %parallel_loop3A_811 = vector.shape_cast %parallel_loop3A_806 : vector<16xf32> to vector<1x16xf32>
        tpu.vector_store %arg8[%parallel_loop3A_807, %parallel_loop3A_808], %parallel_loop3A_811 {strides = array<i32>} : memref<200x128xf32, #tpu.memory_space<vmem>>, vector<1x16xf32>,
      } {sc.loop_unroll_factor = 2 : i64, sc.parallel_access}
      %mul3A_87 = arith.constant 4 : i32
      %mul3A_88 = arith.muli %add3A_36, %mul3A_87 : i32
      %add3A_89 = arith.constant 1 : i32
      %add3A_90 = arith.addi %mul3A_88, %add3A_89 : i32
      %get3A_91 = arith.index_cast %add3A_90 : i32 to index
      %get3A_92 = arith.constant 0 : index
      %get3A_93 = tpu.vector_load %arg7[%get3A_91, %get3A_92] {strides = array<i32>} : memref<128x128xf32, #tpu.memory_space<vmem>>, vector<1x16xf32>,
      %get3A_94 = vector.shape_cast %get3A_93 : vector<1x16xf32> to vector<16xf32>
      %get3A_95 = arith.index_cast %add3A_90 : i32 to index
      %get3A_96 = arith.constant 16 : index
      %get3A_97 = tpu.vector_load %arg7[%get3A_95, %get3A_96] {strides = array<i32>} : memref<128x128xf32, #tpu.memory_space<vmem>>, vector<1x16xf32>,
      %get3A_98 = vector.shape_cast %get3A_97 : vector<1x16xf32> to vector<16xf32>
      %get3A_99 = arith.index_cast %add3A_90 : i32 to index
      %get3A_100 = arith.constant 32 : index
      %get3A_101 = tpu.vector_load %arg7[%get3A_99, %get3A_100] {strides = array<i32>} : memref<128x128xf32, #tpu.memory_space<vmem>>, vector<1x16xf32>,
      %get3A_102 = vector.shape_cast %get3A_101 : vector<1x16xf32> to vector<16xf32>
      %get3A_103 = arith.index_cast %add3A_90 : i32 to index
      %get3A_104 = arith.constant 48 : index
      %get3A_105 = tpu.vector_load %arg7[%get3A_103, %get3A_104] {strides = array<i32>} : memref<128x128xf32, #tpu.memory_space<vmem>>, vector<1x16xf32>,
      %get3A_106 = vector.shape_cast %get3A_105 : vector<1x16xf32> to vector<16xf32>
      %get3A_107 = arith.index_cast %add3A_90 : i32 to index
      %get3A_108 = arith.constant 64 : index
      %get3A_109 = tpu.vector_load %arg7[%get3A_107, %get3A_108] {strides = array<i32>} : memref<128x128xf32, #tpu.memory_space<vmem>>, vector<1x16xf32>,
      %get3A_110 = vector.shape_cast %get3A_109 : vector<1x16xf32> to vector<16xf32>
      %get3A_111 = arith.index_cast %add3A_90 : i32 to index
      %get3A_112 = arith.constant 80 : index
      %get3A_113 = tpu.vector_load %arg7[%get3A_111, %get3A_112] {strides = array<i32>} : memref<128x128xf32, #tpu.memory_space<vmem>>, vector<1x16xf32>,
      %get3A_114 = vector.shape_cast %get3A_113 : vector<1x16xf32> to vector<16xf32>
      %get3A_115 = arith.index_cast %add3A_90 : i32 to index
      %get3A_116 = arith.constant 96 : index
      %get3A_117 = tpu.vector_load %arg7[%get3A_115, %get3A_116] {strides = array<i32>} : memref<128x128xf32, #tpu.memory_space<vmem>>, vector<1x16xf32>,
      %get3A_118 = vector.shape_cast %get3A_117 : vector<1x16xf32> to vector<16xf32>
      %get3A_119 = arith.index_cast %add3A_90 : i32 to index
      %get3A_120 = arith.constant 112 : index
      %get3A_121 = tpu.vector_load %arg7[%get3A_119, %get3A_120] {strides = array<i32>} : memref<128x128xf32, #tpu.memory_space<vmem>>, vector<1x16xf32>,
      %get3A_122 = vector.shape_cast %get3A_121 : vector<1x16xf32> to vector<16xf32>
      %parallel_loop3A_123 = arith.constant 0 : i32
      %parallel_loop3A_124 = arith.constant 50 : i32
      %parallel_loop3A_125 = arith.constant 1 : i32
      scf.for %parallel_loop3A_729 = %parallel_loop3A_123 to %parallel_loop3A_124 step %parallel_loop3A_125  : i32 {
        %parallel_loop3A_730 = arith.constant 50 : i32
        %parallel_loop3A_731 = arith.addi %parallel_loop3A_730, %parallel_loop3A_729 : i32
        %parallel_loop3A_732 = arith.index_cast %parallel_loop3A_731 : i32 to index
        %parallel_loop3A_733 = arith.constant 0 : index
        %parallel_loop3A_734 = tpu.vector_load %arg8[%parallel_loop3A_732, %parallel_loop3A_733] {strides = array<i32>} : memref<200x128xf32, #tpu.memory_space<vmem>>, vector<1x16xf32>,
        %parallel_loop3A_735 = vector.shape_cast %parallel_loop3A_734 : vector<1x16xf32> to vector<16xf32>
        %parallel_loop3A_736 = arith.subf %parallel_loop3A_735, %get3A_94 : vector<16xf32>
        %parallel_loop3A_737 = arith.index_cast %parallel_loop3A_731 : i32 to index
        %parallel_loop3A_738 = arith.constant 0 : index
        %parallel_loop3A_739 = tpu.vector_load %arg8[%parallel_loop3A_737, %parallel_loop3A_738] {strides = array<i32>} : memref<200x128xf32, #tpu.memory_space<vmem>>, vector<1x16xf32>,
        %parallel_loop3A_740 = vector.shape_cast %parallel_loop3A_739 : vector<1x16xf32> to vector<16xf32>
        %parallel_loop3A_741 = vector.shape_cast %parallel_loop3A_736 : vector<16xf32> to vector<1x16xf32>
        tpu.vector_store %arg8[%parallel_loop3A_737, %parallel_loop3A_738], %parallel_loop3A_741 {strides = array<i32>} : memref<200x128xf32, #tpu.memory_space<vmem>>, vector<1x16xf32>,
        %parallel_loop3A_742 = arith.index_cast %parallel_loop3A_731 : i32 to index
        %parallel_loop3A_743 = arith.constant 16 : index
        %parallel_loop3A_744 = tpu.vector_load %arg8[%parallel_loop3A_742, %parallel_loop3A_743] {strides = array<i32>} : memref<200x128xf32, #tpu.memory_space<vmem>>, vector<1x16xf32>,
        %parallel_loop3A_745 = vector.shape_cast %parallel_loop3A_744 : vector<1x16xf32> to vector<16xf32>
        %parallel_loop3A_746 = arith.subf %parallel_loop3A_745, %get3A_98 : vector<16xf32>
        %parallel_loop3A_747 = arith.index_cast %parallel_loop3A_731 : i32 to index
        %parallel_loop3A_748 = arith.constant 16 : index
        %parallel_loop3A_749 = tpu.vector_load %arg8[%parallel_loop3A_747, %parallel_loop3A_748] {strides = array<i32>} : memref<200x128xf32, #tpu.memory_space<vmem>>, vector<1x16xf32>,
        %parallel_loop3A_750 = vector.shape_cast %parallel_loop3A_749 : vector<1x16xf32> to vector<16xf32>
        %parallel_loop3A_751 = vector.shape_cast %parallel_loop3A_746 : vector<16xf32> to vector<1x16xf32>
        tpu.vector_store %arg8[%parallel_loop3A_747, %parallel_loop3A_748], %parallel_loop3A_751 {strides = array<i32>} : memref<200x128xf32, #tpu.memory_space<vmem>>, vector<1x16xf32>,
        %parallel_loop3A_752 = arith.index_cast %parallel_loop3A_731 : i32 to index
        %parallel_loop3A_753 = arith.constant 32 : index
        %parallel_loop3A_754 = tpu.vector_load %arg8[%parallel_loop3A_752, %parallel_loop3A_753] {strides = array<i32>} : memref<200x128xf32, #tpu.memory_space<vmem>>, vector<1x16xf32>,
        %parallel_loop3A_755 = vector.shape_cast %parallel_loop3A_754 : vector<1x16xf32> to vector<16xf32>
        %parallel_loop3A_756 = arith.subf %parallel_loop3A_755, %get3A_102 : vector<16xf32>
        %parallel_loop3A_757 = arith.index_cast %parallel_loop3A_731 : i32 to index
        %parallel_loop3A_758 = arith.constant 32 : index
        %parallel_loop3A_759 = tpu.vector_load %arg8[%parallel_loop3A_757, %parallel_loop3A_758] {strides = array<i32>} : memref<200x128xf32, #tpu.memory_space<vmem>>, vector<1x16xf32>,
        %parallel_loop3A_760 = vector.shape_cast %parallel_loop3A_759 : vector<1x16xf32> to vector<16xf32>
        %parallel_loop3A_761 = vector.shape_cast %parallel_loop3A_756 : vector<16xf32> to vector<1x16xf32>
        tpu.vector_store %arg8[%parallel_loop3A_757, %parallel_loop3A_758], %parallel_loop3A_761 {strides = array<i32>} : memref<200x128xf32, #tpu.memory_space<vmem>>, vector<1x16xf32>,
        %parallel_loop3A_762 = arith.index_cast %parallel_loop3A_731 : i32 to index
        %parallel_loop3A_763 = arith.constant 48 : index
        %parallel_loop3A_764 = tpu.vector_load %arg8[%parallel_loop3A_762, %parallel_loop3A_763] {strides = array<i32>} : memref<200x128xf32, #tpu.memory_space<vmem>>, vector<1x16xf32>,
        %parallel_loop3A_765 = vector.shape_cast %parallel_loop3A_764 : vector<1x16xf32> to vector<16xf32>
        %parallel_loop3A_766 = arith.subf %parallel_loop3A_765, %get3A_106 : vector<16xf32>
        %parallel_loop3A_767 = arith.index_cast %parallel_loop3A_731 : i32 to index
        %parallel_loop3A_768 = arith.constant 48 : index
        %parallel_loop3A_769 = tpu.vector_load %arg8[%parallel_loop3A_767, %parallel_loop3A_768] {strides = array<i32>} : memref<200x128xf32, #tpu.memory_space<vmem>>, vector<1x16xf32>,
        %parallel_loop3A_770 = vector.shape_cast %parallel_loop3A_769 : vector<1x16xf32> to vector<16xf32>
        %parallel_loop3A_771 = vector.shape_cast %parallel_loop3A_766 : vector<16xf32> to vector<1x16xf32>
        tpu.vector_store %arg8[%parallel_loop3A_767, %parallel_loop3A_768], %parallel_loop3A_771 {strides = array<i32>} : memref<200x128xf32, #tpu.memory_space<vmem>>, vector<1x16xf32>,
        %parallel_loop3A_772 = arith.index_cast %parallel_loop3A_731 : i32 to index
        %parallel_loop3A_773 = arith.constant 64 : index
        %parallel_loop3A_774 = tpu.vector_load %arg8[%parallel_loop3A_772, %parallel_loop3A_773] {strides = array<i32>} : memref<200x128xf32, #tpu.memory_space<vmem>>, vector<1x16xf32>,
        %parallel_loop3A_775 = vector.shape_cast %parallel_loop3A_774 : vector<1x16xf32> to vector<16xf32>
        %parallel_loop3A_776 = arith.subf %parallel_loop3A_775, %get3A_110 : vector<16xf32>
        %parallel_loop3A_777 = arith.index_cast %parallel_loop3A_731 : i32 to index
        %parallel_loop3A_778 = arith.constant 64 : index
        %parallel_loop3A_779 = tpu.vector_load %arg8[%parallel_loop3A_777, %parallel_loop3A_778] {strides = array<i32>} : memref<200x128xf32, #tpu.memory_space<vmem>>, vector<1x16xf32>,
        %parallel_loop3A_780 = vector.shape_cast %parallel_loop3A_779 : vector<1x16xf32> to vector<16xf32>
        %parallel_loop3A_781 = vector.shape_cast %parallel_loop3A_776 : vector<16xf32> to vector<1x16xf32>
        tpu.vector_store %arg8[%parallel_loop3A_777, %parallel_loop3A_778], %parallel_loop3A_781 {strides = array<i32>} : memref<200x128xf32, #tpu.memory_space<vmem>>, vector<1x16xf32>,
        %parallel_loop3A_782 = arith.index_cast %parallel_loop3A_731 : i32 to index
        %parallel_loop3A_783 = arith.constant 80 : index
        %parallel_loop3A_784 = tpu.vector_load %arg8[%parallel_loop3A_782, %parallel_loop3A_783] {strides = array<i32>} : memref<200x128xf32, #tpu.memory_space<vmem>>, vector<1x16xf32>,
        %parallel_loop3A_785 = vector.shape_cast %parallel_loop3A_784 : vector<1x16xf32> to vector<16xf32>
        %parallel_loop3A_786 = arith.subf %parallel_loop3A_785, %get3A_114 : vector<16xf32>
        %parallel_loop3A_787 = arith.index_cast %parallel_loop3A_731 : i32 to index
        %parallel_loop3A_788 = arith.constant 80 : index
        %parallel_loop3A_789 = tpu.vector_load %arg8[%parallel_loop3A_787, %parallel_loop3A_788] {strides = array<i32>} : memref<200x128xf32, #tpu.memory_space<vmem>>, vector<1x16xf32>,
        %parallel_loop3A_790 = vector.shape_cast %parallel_loop3A_789 : vector<1x16xf32> to vector<16xf32>
        %parallel_loop3A_791 = vector.shape_cast %parallel_loop3A_786 : vector<16xf32> to vector<1x16xf32>
        tpu.vector_store %arg8[%parallel_loop3A_787, %parallel_loop3A_788], %parallel_loop3A_791 {strides = array<i32>} : memref<200x128xf32, #tpu.memory_space<vmem>>, vector<1x16xf32>,
        %parallel_loop3A_792 = arith.index_cast %parallel_loop3A_731 : i32 to index
        %parallel_loop3A_793 = arith.constant 96 : index
        %parallel_loop3A_794 = tpu.vector_load %arg8[%parallel_loop3A_792, %parallel_loop3A_793] {strides = array<i32>} : memref<200x128xf32, #tpu.memory_space<vmem>>, vector<1x16xf32>,
        %parallel_loop3A_795 = vector.shape_cast %parallel_loop3A_794 : vector<1x16xf32> to vector<16xf32>
        %parallel_loop3A_796 = arith.subf %parallel_loop3A_795, %get3A_118 : vector<16xf32>
        %parallel_loop3A_797 = arith.index_cast %parallel_loop3A_731 : i32 to index
        %parallel_loop3A_798 = arith.constant 96 : index
        %parallel_loop3A_799 = tpu.vector_load %arg8[%parallel_loop3A_797, %parallel_loop3A_798] {strides = array<i32>} : memref<200x128xf32, #tpu.memory_space<vmem>>, vector<1x16xf32>,
        %parallel_loop3A_800 = vector.shape_cast %parallel_loop3A_799 : vector<1x16xf32> to vector<16xf32>
        %parallel_loop3A_801 = vector.shape_cast %parallel_loop3A_796 : vector<16xf32> to vector<1x16xf32>
        tpu.vector_store %arg8[%parallel_loop3A_797, %parallel_loop3A_798], %parallel_loop3A_801 {strides = array<i32>} : memref<200x128xf32, #tpu.memory_space<vmem>>, vector<1x16xf32>,
        %parallel_loop3A_802 = arith.index_cast %parallel_loop3A_731 : i32 to index
        %parallel_loop3A_803 = arith.constant 112 : index
        %parallel_loop3A_804 = tpu.vector_load %arg8[%parallel_loop3A_802, %parallel_loop3A_803] {strides = array<i32>} : memref<200x128xf32, #tpu.memory_space<vmem>>, vector<1x16xf32>,
        %parallel_loop3A_805 = vector.shape_cast %parallel_loop3A_804 : vector<1x16xf32> to vector<16xf32>
        %parallel_loop3A_806 = arith.subf %parallel_loop3A_805, %get3A_122 : vector<16xf32>
        %parallel_loop3A_807 = arith.index_cast %parallel_loop3A_731 : i32 to index
        %parallel_loop3A_808 = arith.constant 112 : index
        %parallel_loop3A_809 = tpu.vector_load %arg8[%parallel_loop3A_807, %parallel_loop3A_808] {strides = array<i32>} : memref<200x128xf32, #tpu.memory_space<vmem>>, vector<1x16xf32>,
        %parallel_loop3A_810 = vector.shape_cast %parallel_loop3A_809 : vector<1x16xf32> to vector<16xf32>
        %parallel_loop3A_811 = vector.shape_cast %parallel_loop3A_806 : vector<16xf32> to vector<1x16xf32>
        tpu.vector_store %arg8[%parallel_loop3A_807, %parallel_loop3A_808], %parallel_loop3A_811 {strides = array<i32>} : memref<200x128xf32, #tpu.memory_space<vmem>>, vector<1x16xf32>,
      } {sc.loop_unroll_factor = 2 : i64, sc.parallel_access}
      %mul3A_126 = arith.constant 4 : i32
      %mul3A_127 = arith.muli %add3A_36, %mul3A_126 : i32
      %add3A_128 = arith.constant 2 : i32
      %add3A_129 = arith.addi %mul3A_127, %add3A_128 : i32
      %get3A_130 = arith.index_cast %add3A_129 : i32 to index
      %get3A_131 = arith.constant 0 : index
      %get3A_132 = tpu.vector_load %arg7[%get3A_130, %get3A_131] {strides = array<i32>} : memref<128x128xf32, #tpu.memory_space<vmem>>, vector<1x16xf32>,
      %get3A_133 = vector.shape_cast %get3A_132 : vector<1x16xf32> to vector<16xf32>
      %get3A_134 = arith.index_cast %add3A_129 : i32 to index
      %get3A_135 = arith.constant 16 : index
      %get3A_136 = tpu.vector_load %arg7[%get3A_134, %get3A_135] {strides = array<i32>} : memref<128x128xf32, #tpu.memory_space<vmem>>, vector<1x16xf32>,
      %get3A_137 = vector.shape_cast %get3A_136 : vector<1x16xf32> to vector<16xf32>
      %get3A_138 = arith.index_cast %add3A_129 : i32 to index
      %get3A_139 = arith.constant 32 : index
      %get3A_140 = tpu.vector_load %arg7[%get3A_138, %get3A_139] {strides = array<i32>} : memref<128x128xf32, #tpu.memory_space<vmem>>, vector<1x16xf32>,
      %get3A_141 = vector.shape_cast %get3A_140 : vector<1x16xf32> to vector<16xf32>
      %get3A_142 = arith.index_cast %add3A_129 : i32 to index
      %get3A_143 = arith.constant 48 : index
      %get3A_144 = tpu.vector_load %arg7[%get3A_142, %get3A_143] {strides = array<i32>} : memref<128x128xf32, #tpu.memory_space<vmem>>, vector<1x16xf32>,
      %get3A_145 = vector.shape_cast %get3A_144 : vector<1x16xf32> to vector<16xf32>
      %get3A_146 = arith.index_cast %add3A_129 : i32 to index
      %get3A_147 = arith.constant 64 : index
      %get3A_148 = tpu.vector_load %arg7[%get3A_146, %get3A_147] {strides = array<i32>} : memref<128x128xf32, #tpu.memory_space<vmem>>, vector<1x16xf32>,
      %get3A_149 = vector.shape_cast %get3A_148 : vector<1x16xf32> to vector<16xf32>
      %get3A_150 = arith.index_cast %add3A_129 : i32 to index
      %get3A_151 = arith.constant 80 : index
      %get3A_152 = tpu.vector_load %arg7[%get3A_150, %get3A_151] {strides = array<i32>} : memref<128x128xf32, #tpu.memory_space<vmem>>, vector<1x16xf32>,
      %get3A_153 = vector.shape_cast %get3A_152 : vector<1x16xf32> to vector<16xf32>
      %get3A_154 = arith.index_cast %add3A_129 : i32 to index
      %get3A_155 = arith.constant 96 : index
      %get3A_156 = tpu.vector_load %arg7[%get3A_154, %get3A_155] {strides = array<i32>} : memref<128x128xf32, #tpu.memory_space<vmem>>, vector<1x16xf32>,
      %get3A_157 = vector.shape_cast %get3A_156 : vector<1x16xf32> to vector<16xf32>
      %get3A_158 = arith.index_cast %add3A_129 : i32 to index
      %get3A_159 = arith.constant 112 : index
      %get3A_160 = tpu.vector_load %arg7[%get3A_158, %get3A_159] {strides = array<i32>} : memref<128x128xf32, #tpu.memory_space<vmem>>, vector<1x16xf32>,
      %get3A_161 = vector.shape_cast %get3A_160 : vector<1x16xf32> to vector<16xf32>
      %parallel_loop3A_162 = arith.constant 0 : i32
      %parallel_loop3A_163 = arith.constant 50 : i32
      %parallel_loop3A_164 = arith.constant 1 : i32
      scf.for %parallel_loop3A_729 = %parallel_loop3A_162 to %parallel_loop3A_163 step %parallel_loop3A_164  : i32 {
        %parallel_loop3A_730 = arith.constant 100 : i32
        %parallel_loop3A_731 = arith.addi %parallel_loop3A_730, %parallel_loop3A_729 : i32
        %parallel_loop3A_732 = arith.index_cast %parallel_loop3A_731 : i32 to index
        %parallel_loop3A_733 = arith.constant 0 : index
        %parallel_loop3A_734 = tpu.vector_load %arg8[%parallel_loop3A_732, %parallel_loop3A_733] {strides = array<i32>} : memref<200x128xf32, #tpu.memory_space<vmem>>, vector<1x16xf32>,
        %parallel_loop3A_735 = vector.shape_cast %parallel_loop3A_734 : vector<1x16xf32> to vector<16xf32>
        %parallel_loop3A_736 = arith.subf %parallel_loop3A_735, %get3A_133 : vector<16xf32>
        %parallel_loop3A_737 = arith.index_cast %parallel_loop3A_731 : i32 to index
        %parallel_loop3A_738 = arith.constant 0 : index
        %parallel_loop3A_739 = tpu.vector_load %arg8[%parallel_loop3A_737, %parallel_loop3A_738] {strides = array<i32>} : memref<200x128xf32, #tpu.memory_space<vmem>>, vector<1x16xf32>,
        %parallel_loop3A_740 = vector.shape_cast %parallel_loop3A_739 : vector<1x16xf32> to vector<16xf32>
        %parallel_loop3A_741 = vector.shape_cast %parallel_loop3A_736 : vector<16xf32> to vector<1x16xf32>
        tpu.vector_store %arg8[%parallel_loop3A_737, %parallel_loop3A_738], %parallel_loop3A_741 {strides = array<i32>} : memref<200x128xf32, #tpu.memory_space<vmem>>, vector<1x16xf32>,
        %parallel_loop3A_742 = arith.index_cast %parallel_loop3A_731 : i32 to index
        %parallel_loop3A_743 = arith.constant 16 : index
        %parallel_loop3A_744 = tpu.vector_load %arg8[%parallel_loop3A_742, %parallel_loop3A_743] {strides = array<i32>} : memref<200x128xf32, #tpu.memory_space<vmem>>, vector<1x16xf32>,
        %parallel_loop3A_745 = vector.shape_cast %parallel_loop3A_744 : vector<1x16xf32> to vector<16xf32>
        %parallel_loop3A_746 = arith.subf %parallel_loop3A_745, %get3A_137 : vector<16xf32>
        %parallel_loop3A_747 = arith.index_cast %parallel_loop3A_731 : i32 to index
        %parallel_loop3A_748 = arith.constant 16 : index
        %parallel_loop3A_749 = tpu.vector_load %arg8[%parallel_loop3A_747, %parallel_loop3A_748] {strides = array<i32>} : memref<200x128xf32, #tpu.memory_space<vmem>>, vector<1x16xf32>,
        %parallel_loop3A_750 = vector.shape_cast %parallel_loop3A_749 : vector<1x16xf32> to vector<16xf32>
        %parallel_loop3A_751 = vector.shape_cast %parallel_loop3A_746 : vector<16xf32> to vector<1x16xf32>
        tpu.vector_store %arg8[%parallel_loop3A_747, %parallel_loop3A_748], %parallel_loop3A_751 {strides = array<i32>} : memref<200x128xf32, #tpu.memory_space<vmem>>, vector<1x16xf32>,
        %parallel_loop3A_752 = arith.index_cast %parallel_loop3A_731 : i32 to index
        %parallel_loop3A_753 = arith.constant 32 : index
        %parallel_loop3A_754 = tpu.vector_load %arg8[%parallel_loop3A_752, %parallel_loop3A_753] {strides = array<i32>} : memref<200x128xf32, #tpu.memory_space<vmem>>, vector<1x16xf32>,
        %parallel_loop3A_755 = vector.shape_cast %parallel_loop3A_754 : vector<1x16xf32> to vector<16xf32>
        %parallel_loop3A_756 = arith.subf %parallel_loop3A_755, %get3A_141 : vector<16xf32>
        %parallel_loop3A_757 = arith.index_cast %parallel_loop3A_731 : i32 to index
        %parallel_loop3A_758 = arith.constant 32 : index
        %parallel_loop3A_759 = tpu.vector_load %arg8[%parallel_loop3A_757, %parallel_loop3A_758] {strides = array<i32>} : memref<200x128xf32, #tpu.memory_space<vmem>>, vector<1x16xf32>,
        %parallel_loop3A_760 = vector.shape_cast %parallel_loop3A_759 : vector<1x16xf32> to vector<16xf32>
        %parallel_loop3A_761 = vector.shape_cast %parallel_loop3A_756 : vector<16xf32> to vector<1x16xf32>
        tpu.vector_store %arg8[%parallel_loop3A_757, %parallel_loop3A_758], %parallel_loop3A_761 {strides = array<i32>} : memref<200x128xf32, #tpu.memory_space<vmem>>, vector<1x16xf32>,
        %parallel_loop3A_762 = arith.index_cast %parallel_loop3A_731 : i32 to index
        %parallel_loop3A_763 = arith.constant 48 : index
        %parallel_loop3A_764 = tpu.vector_load %arg8[%parallel_loop3A_762, %parallel_loop3A_763] {strides = array<i32>} : memref<200x128xf32, #tpu.memory_space<vmem>>, vector<1x16xf32>,
        %parallel_loop3A_765 = vector.shape_cast %parallel_loop3A_764 : vector<1x16xf32> to vector<16xf32>
        %parallel_loop3A_766 = arith.subf %parallel_loop3A_765, %get3A_145 : vector<16xf32>
        %parallel_loop3A_767 = arith.index_cast %parallel_loop3A_731 : i32 to index
        %parallel_loop3A_768 = arith.constant 48 : index
        %parallel_loop3A_769 = tpu.vector_load %arg8[%parallel_loop3A_767, %parallel_loop3A_768] {strides = array<i32>} : memref<200x128xf32, #tpu.memory_space<vmem>>, vector<1x16xf32>,
        %parallel_loop3A_770 = vector.shape_cast %parallel_loop3A_769 : vector<1x16xf32> to vector<16xf32>
        %parallel_loop3A_771 = vector.shape_cast %parallel_loop3A_766 : vector<16xf32> to vector<1x16xf32>
        tpu.vector_store %arg8[%parallel_loop3A_767, %parallel_loop3A_768], %parallel_loop3A_771 {strides = array<i32>} : memref<200x128xf32, #tpu.memory_space<vmem>>, vector<1x16xf32>,
        %parallel_loop3A_772 = arith.index_cast %parallel_loop3A_731 : i32 to index
        %parallel_loop3A_773 = arith.constant 64 : index
        %parallel_loop3A_774 = tpu.vector_load %arg8[%parallel_loop3A_772, %parallel_loop3A_773] {strides = array<i32>} : memref<200x128xf32, #tpu.memory_space<vmem>>, vector<1x16xf32>,
        %parallel_loop3A_775 = vector.shape_cast %parallel_loop3A_774 : vector<1x16xf32> to vector<16xf32>
        %parallel_loop3A_776 = arith.subf %parallel_loop3A_775, %get3A_149 : vector<16xf32>
        %parallel_loop3A_777 = arith.index_cast %parallel_loop3A_731 : i32 to index
        %parallel_loop3A_778 = arith.constant 64 : index
        %parallel_loop3A_779 = tpu.vector_load %arg8[%parallel_loop3A_777, %parallel_loop3A_778] {strides = array<i32>} : memref<200x128xf32, #tpu.memory_space<vmem>>, vector<1x16xf32>,
        %parallel_loop3A_780 = vector.shape_cast %parallel_loop3A_779 : vector<1x16xf32> to vector<16xf32>
        %parallel_loop3A_781 = vector.shape_cast %parallel_loop3A_776 : vector<16xf32> to vector<1x16xf32>
        tpu.vector_store %arg8[%parallel_loop3A_777, %parallel_loop3A_778], %parallel_loop3A_781 {strides = array<i32>} : memref<200x128xf32, #tpu.memory_space<vmem>>, vector<1x16xf32>,
        %parallel_loop3A_782 = arith.index_cast %parallel_loop3A_731 : i32 to index
        %parallel_loop3A_783 = arith.constant 80 : index
        %parallel_loop3A_784 = tpu.vector_load %arg8[%parallel_loop3A_782, %parallel_loop3A_783] {strides = array<i32>} : memref<200x128xf32, #tpu.memory_space<vmem>>, vector<1x16xf32>,
        %parallel_loop3A_785 = vector.shape_cast %parallel_loop3A_784 : vector<1x16xf32> to vector<16xf32>
        %parallel_loop3A_786 = arith.subf %parallel_loop3A_785, %get3A_153 : vector<16xf32>
        %parallel_loop3A_787 = arith.index_cast %parallel_loop3A_731 : i32 to index
        %parallel_loop3A_788 = arith.constant 80 : index
        %parallel_loop3A_789 = tpu.vector_load %arg8[%parallel_loop3A_787, %parallel_loop3A_788] {strides = array<i32>} : memref<200x128xf32, #tpu.memory_space<vmem>>, vector<1x16xf32>,
        %parallel_loop3A_790 = vector.shape_cast %parallel_loop3A_789 : vector<1x16xf32> to vector<16xf32>
        %parallel_loop3A_791 = vector.shape_cast %parallel_loop3A_786 : vector<16xf32> to vector<1x16xf32>
        tpu.vector_store %arg8[%parallel_loop3A_787, %parallel_loop3A_788], %parallel_loop3A_791 {strides = array<i32>} : memref<200x128xf32, #tpu.memory_space<vmem>>, vector<1x16xf32>,
        %parallel_loop3A_792 = arith.index_cast %parallel_loop3A_731 : i32 to index
        %parallel_loop3A_793 = arith.constant 96 : index
        %parallel_loop3A_794 = tpu.vector_load %arg8[%parallel_loop3A_792, %parallel_loop3A_793] {strides = array<i32>} : memref<200x128xf32, #tpu.memory_space<vmem>>, vector<1x16xf32>,
        %parallel_loop3A_795 = vector.shape_cast %parallel_loop3A_794 : vector<1x16xf32> to vector<16xf32>
        %parallel_loop3A_796 = arith.subf %parallel_loop3A_795, %get3A_157 : vector<16xf32>
        %parallel_loop3A_797 = arith.index_cast %parallel_loop3A_731 : i32 to index
        %parallel_loop3A_798 = arith.constant 96 : index
        %parallel_loop3A_799 = tpu.vector_load %arg8[%parallel_loop3A_797, %parallel_loop3A_798] {strides = array<i32>} : memref<200x128xf32, #tpu.memory_space<vmem>>, vector<1x16xf32>,
        %parallel_loop3A_800 = vector.shape_cast %parallel_loop3A_799 : vector<1x16xf32> to vector<16xf32>
        %parallel_loop3A_801 = vector.shape_cast %parallel_loop3A_796 : vector<16xf32> to vector<1x16xf32>
        tpu.vector_store %arg8[%parallel_loop3A_797, %parallel_loop3A_798], %parallel_loop3A_801 {strides = array<i32>} : memref<200x128xf32, #tpu.memory_space<vmem>>, vector<1x16xf32>,
        %parallel_loop3A_802 = arith.index_cast %parallel_loop3A_731 : i32 to index
        %parallel_loop3A_803 = arith.constant 112 : index
        %parallel_loop3A_804 = tpu.vector_load %arg8[%parallel_loop3A_802, %parallel_loop3A_803] {strides = array<i32>} : memref<200x128xf32, #tpu.memory_space<vmem>>, vector<1x16xf32>,
        %parallel_loop3A_805 = vector.shape_cast %parallel_loop3A_804 : vector<1x16xf32> to vector<16xf32>
        %parallel_loop3A_806 = arith.subf %parallel_loop3A_805, %get3A_161 : vector<16xf32>
        %parallel_loop3A_807 = arith.index_cast %parallel_loop3A_731 : i32 to index
        %parallel_loop3A_808 = arith.constant 112 : index
        %parallel_loop3A_809 = tpu.vector_load %arg8[%parallel_loop3A_807, %parallel_loop3A_808] {strides = array<i32>} : memref<200x128xf32, #tpu.memory_space<vmem>>, vector<1x16xf32>,
        %parallel_loop3A_810 = vector.shape_cast %parallel_loop3A_809 : vector<1x16xf32> to vector<16xf32>
        %parallel_loop3A_811 = vector.shape_cast %parallel_loop3A_806 : vector<16xf32> to vector<1x16xf32>
        tpu.vector_store %arg8[%parallel_loop3A_807, %parallel_loop3A_808], %parallel_loop3A_811 {strides = array<i32>} : memref<200x128xf32, #tpu.memory_space<vmem>>, vector<1x16xf32>,
      } {sc.loop_unroll_factor = 2 : i64, sc.parallel_access}
      %mul3A_165 = arith.constant 4 : i32
      %mul3A_166 = arith.muli %add3A_36, %mul3A_165 : i32
      %add3A_167 = arith.constant 3 : i32
      %add3A_168 = arith.addi %mul3A_166, %add3A_167 : i32
      %get3A_169 = arith.index_cast %add3A_168 : i32 to index
      %get3A_170 = arith.constant 0 : index
      %get3A_171 = tpu.vector_load %arg7[%get3A_169, %get3A_170] {strides = array<i32>} : memref<128x128xf32, #tpu.memory_space<vmem>>, vector<1x16xf32>,
      %get3A_172 = vector.shape_cast %get3A_171 : vector<1x16xf32> to vector<16xf32>
      %get3A_173 = arith.index_cast %add3A_168 : i32 to index
      %get3A_174 = arith.constant 16 : index
      %get3A_175 = tpu.vector_load %arg7[%get3A_173, %get3A_174] {strides = array<i32>} : memref<128x128xf32, #tpu.memory_space<vmem>>, vector<1x16xf32>,
      %get3A_176 = vector.shape_cast %get3A_175 : vector<1x16xf32> to vector<16xf32>
      %get3A_177 = arith.index_cast %add3A_168 : i32 to index
      %get3A_178 = arith.constant 32 : index
      %get3A_179 = tpu.vector_load %arg7[%get3A_177, %get3A_178] {strides = array<i32>} : memref<128x128xf32, #tpu.memory_space<vmem>>, vector<1x16xf32>,
      %get3A_180 = vector.shape_cast %get3A_179 : vector<1x16xf32> to vector<16xf32>
      %get3A_181 = arith.index_cast %add3A_168 : i32 to index
      %get3A_182 = arith.constant 48 : index
      %get3A_183 = tpu.vector_load %arg7[%get3A_181, %get3A_182] {strides = array<i32>} : memref<128x128xf32, #tpu.memory_space<vmem>>, vector<1x16xf32>,
      %get3A_184 = vector.shape_cast %get3A_183 : vector<1x16xf32> to vector<16xf32>
      %get3A_185 = arith.index_cast %add3A_168 : i32 to index
      %get3A_186 = arith.constant 64 : index
      %get3A_187 = tpu.vector_load %arg7[%get3A_185, %get3A_186] {strides = array<i32>} : memref<128x128xf32, #tpu.memory_space<vmem>>, vector<1x16xf32>,
      %get3A_188 = vector.shape_cast %get3A_187 : vector<1x16xf32> to vector<16xf32>
      %get3A_189 = arith.index_cast %add3A_168 : i32 to index
      %get3A_190 = arith.constant 80 : index
      %get3A_191 = tpu.vector_load %arg7[%get3A_189, %get3A_190] {strides = array<i32>} : memref<128x128xf32, #tpu.memory_space<vmem>>, vector<1x16xf32>,
      %get3A_192 = vector.shape_cast %get3A_191 : vector<1x16xf32> to vector<16xf32>
      %get3A_193 = arith.index_cast %add3A_168 : i32 to index
      %get3A_194 = arith.constant 96 : index
      %get3A_195 = tpu.vector_load %arg7[%get3A_193, %get3A_194] {strides = array<i32>} : memref<128x128xf32, #tpu.memory_space<vmem>>, vector<1x16xf32>,
      %get3A_196 = vector.shape_cast %get3A_195 : vector<1x16xf32> to vector<16xf32>
      %get3A_197 = arith.index_cast %add3A_168 : i32 to index
      %get3A_198 = arith.constant 112 : index
      %get3A_199 = tpu.vector_load %arg7[%get3A_197, %get3A_198] {strides = array<i32>} : memref<128x128xf32, #tpu.memory_space<vmem>>, vector<1x16xf32>,
      %get3A_200 = vector.shape_cast %get3A_199 : vector<1x16xf32> to vector<16xf32>
      %parallel_loop3A_201 = arith.constant 0 : i32
      %parallel_loop3A_202 = arith.constant 50 : i32
      %parallel_loop3A_203 = arith.constant 1 : i32
      scf.for %parallel_loop3A_729 = %parallel_loop3A_201 to %parallel_loop3A_202 step %parallel_loop3A_203  : i32 {
        %parallel_loop3A_730 = arith.constant 150 : i32
        %parallel_loop3A_731 = arith.addi %parallel_loop3A_730, %parallel_loop3A_729 : i32
        %parallel_loop3A_732 = arith.index_cast %parallel_loop3A_731 : i32 to index
        %parallel_loop3A_733 = arith.constant 0 : index
        %parallel_loop3A_734 = tpu.vector_load %arg8[%parallel_loop3A_732, %parallel_loop3A_733] {strides = array<i32>} : memref<200x128xf32, #tpu.memory_space<vmem>>, vector<1x16xf32>,
        %parallel_loop3A_735 = vector.shape_cast %parallel_loop3A_734 : vector<1x16xf32> to vector<16xf32>
        %parallel_loop3A_736 = arith.subf %parallel_loop3A_735, %get3A_172 : vector<16xf32>
        %parallel_loop3A_737 = arith.index_cast %parallel_loop3A_731 : i32 to index
        %parallel_loop3A_738 = arith.constant 0 : index
        %parallel_loop3A_739 = tpu.vector_load %arg8[%parallel_loop3A_737, %parallel_loop3A_738] {strides = array<i32>} : memref<200x128xf32, #tpu.memory_space<vmem>>, vector<1x16xf32>,
        %parallel_loop3A_740 = vector.shape_cast %parallel_loop3A_739 : vector<1x16xf32> to vector<16xf32>
        %parallel_loop3A_741 = vector.shape_cast %parallel_loop3A_736 : vector<16xf32> to vector<1x16xf32>
        tpu.vector_store %arg8[%parallel_loop3A_737, %parallel_loop3A_738], %parallel_loop3A_741 {strides = array<i32>} : memref<200x128xf32, #tpu.memory_space<vmem>>, vector<1x16xf32>,
        %parallel_loop3A_742 = arith.index_cast %parallel_loop3A_731 : i32 to index
        %parallel_loop3A_743 = arith.constant 16 : index
        %parallel_loop3A_744 = tpu.vector_load %arg8[%parallel_loop3A_742, %parallel_loop3A_743] {strides = array<i32>} : memref<200x128xf32, #tpu.memory_space<vmem>>, vector<1x16xf32>,
        %parallel_loop3A_745 = vector.shape_cast %parallel_loop3A_744 : vector<1x16xf32> to vector<16xf32>
        %parallel_loop3A_746 = arith.subf %parallel_loop3A_745, %get3A_176 : vector<16xf32>
        %parallel_loop3A_747 = arith.index_cast %parallel_loop3A_731 : i32 to index
        %parallel_loop3A_748 = arith.constant 16 : index
        %parallel_loop3A_749 = tpu.vector_load %arg8[%parallel_loop3A_747, %parallel_loop3A_748] {strides = array<i32>} : memref<200x128xf32, #tpu.memory_space<vmem>>, vector<1x16xf32>,
        %parallel_loop3A_750 = vector.shape_cast %parallel_loop3A_749 : vector<1x16xf32> to vector<16xf32>
        %parallel_loop3A_751 = vector.shape_cast %parallel_loop3A_746 : vector<16xf32> to vector<1x16xf32>
        tpu.vector_store %arg8[%parallel_loop3A_747, %parallel_loop3A_748], %parallel_loop3A_751 {strides = array<i32>} : memref<200x128xf32, #tpu.memory_space<vmem>>, vector<1x16xf32>,
        %parallel_loop3A_752 = arith.index_cast %parallel_loop3A_731 : i32 to index
        %parallel_loop3A_753 = arith.constant 32 : index
        %parallel_loop3A_754 = tpu.vector_load %arg8[%parallel_loop3A_752, %parallel_loop3A_753] {strides = array<i32>} : memref<200x128xf32, #tpu.memory_space<vmem>>, vector<1x16xf32>,
        %parallel_loop3A_755 = vector.shape_cast %parallel_loop3A_754 : vector<1x16xf32> to vector<16xf32>
        %parallel_loop3A_756 = arith.subf %parallel_loop3A_755, %get3A_180 : vector<16xf32>
        %parallel_loop3A_757 = arith.index_cast %parallel_loop3A_731 : i32 to index
        %parallel_loop3A_758 = arith.constant 32 : index
        %parallel_loop3A_759 = tpu.vector_load %arg8[%parallel_loop3A_757, %parallel_loop3A_758] {strides = array<i32>} : memref<200x128xf32, #tpu.memory_space<vmem>>, vector<1x16xf32>,
        %parallel_loop3A_760 = vector.shape_cast %parallel_loop3A_759 : vector<1x16xf32> to vector<16xf32>
        %parallel_loop3A_761 = vector.shape_cast %parallel_loop3A_756 : vector<16xf32> to vector<1x16xf32>
        tpu.vector_store %arg8[%parallel_loop3A_757, %parallel_loop3A_758], %parallel_loop3A_761 {strides = array<i32>} : memref<200x128xf32, #tpu.memory_space<vmem>>, vector<1x16xf32>,
        %parallel_loop3A_762 = arith.index_cast %parallel_loop3A_731 : i32 to index
        %parallel_loop3A_763 = arith.constant 48 : index
        %parallel_loop3A_764 = tpu.vector_load %arg8[%parallel_loop3A_762, %parallel_loop3A_763] {strides = array<i32>} : memref<200x128xf32, #tpu.memory_space<vmem>>, vector<1x16xf32>,
        %parallel_loop3A_765 = vector.shape_cast %parallel_loop3A_764 : vector<1x16xf32> to vector<16xf32>
        %parallel_loop3A_766 = arith.subf %parallel_loop3A_765, %get3A_184 : vector<16xf32>
        %parallel_loop3A_767 = arith.index_cast %parallel_loop3A_731 : i32 to index
        %parallel_loop3A_768 = arith.constant 48 : index
        %parallel_loop3A_769 = tpu.vector_load %arg8[%parallel_loop3A_767, %parallel_loop3A_768] {strides = array<i32>} : memref<200x128xf32, #tpu.memory_space<vmem>>, vector<1x16xf32>,
        %parallel_loop3A_770 = vector.shape_cast %parallel_loop3A_769 : vector<1x16xf32> to vector<16xf32>
        %parallel_loop3A_771 = vector.shape_cast %parallel_loop3A_766 : vector<16xf32> to vector<1x16xf32>
        tpu.vector_store %arg8[%parallel_loop3A_767, %parallel_loop3A_768], %parallel_loop3A_771 {strides = array<i32>} : memref<200x128xf32, #tpu.memory_space<vmem>>, vector<1x16xf32>,
        %parallel_loop3A_772 = arith.index_cast %parallel_loop3A_731 : i32 to index
        %parallel_loop3A_773 = arith.constant 64 : index
        %parallel_loop3A_774 = tpu.vector_load %arg8[%parallel_loop3A_772, %parallel_loop3A_773] {strides = array<i32>} : memref<200x128xf32, #tpu.memory_space<vmem>>, vector<1x16xf32>,
        %parallel_loop3A_775 = vector.shape_cast %parallel_loop3A_774 : vector<1x16xf32> to vector<16xf32>
        %parallel_loop3A_776 = arith.subf %parallel_loop3A_775, %get3A_188 : vector<16xf32>
        %parallel_loop3A_777 = arith.index_cast %parallel_loop3A_731 : i32 to index
        %parallel_loop3A_778 = arith.constant 64 : index
        %parallel_loop3A_779 = tpu.vector_load %arg8[%parallel_loop3A_777, %parallel_loop3A_778] {strides = array<i32>} : memref<200x128xf32, #tpu.memory_space<vmem>>, vector<1x16xf32>,
        %parallel_loop3A_780 = vector.shape_cast %parallel_loop3A_779 : vector<1x16xf32> to vector<16xf32>
        %parallel_loop3A_781 = vector.shape_cast %parallel_loop3A_776 : vector<16xf32> to vector<1x16xf32>
        tpu.vector_store %arg8[%parallel_loop3A_777, %parallel_loop3A_778], %parallel_loop3A_781 {strides = array<i32>} : memref<200x128xf32, #tpu.memory_space<vmem>>, vector<1x16xf32>,
        %parallel_loop3A_782 = arith.index_cast %parallel_loop3A_731 : i32 to index
        %parallel_loop3A_783 = arith.constant 80 : index
        %parallel_loop3A_784 = tpu.vector_load %arg8[%parallel_loop3A_782, %parallel_loop3A_783] {strides = array<i32>} : memref<200x128xf32, #tpu.memory_space<vmem>>, vector<1x16xf32>,
        %parallel_loop3A_785 = vector.shape_cast %parallel_loop3A_784 : vector<1x16xf32> to vector<16xf32>
        %parallel_loop3A_786 = arith.subf %parallel_loop3A_785, %get3A_192 : vector<16xf32>
        %parallel_loop3A_787 = arith.index_cast %parallel_loop3A_731 : i32 to index
        %parallel_loop3A_788 = arith.constant 80 : index
        %parallel_loop3A_789 = tpu.vector_load %arg8[%parallel_loop3A_787, %parallel_loop3A_788] {strides = array<i32>} : memref<200x128xf32, #tpu.memory_space<vmem>>, vector<1x16xf32>,
        %parallel_loop3A_790 = vector.shape_cast %parallel_loop3A_789 : vector<1x16xf32> to vector<16xf32>
        %parallel_loop3A_791 = vector.shape_cast %parallel_loop3A_786 : vector<16xf32> to vector<1x16xf32>
        tpu.vector_store %arg8[%parallel_loop3A_787, %parallel_loop3A_788], %parallel_loop3A_791 {strides = array<i32>} : memref<200x128xf32, #tpu.memory_space<vmem>>, vector<1x16xf32>,
        %parallel_loop3A_792 = arith.index_cast %parallel_loop3A_731 : i32 to index
        %parallel_loop3A_793 = arith.constant 96 : index
        %parallel_loop3A_794 = tpu.vector_load %arg8[%parallel_loop3A_792, %parallel_loop3A_793] {strides = array<i32>} : memref<200x128xf32, #tpu.memory_space<vmem>>, vector<1x16xf32>,
        %parallel_loop3A_795 = vector.shape_cast %parallel_loop3A_794 : vector<1x16xf32> to vector<16xf32>
        %parallel_loop3A_796 = arith.subf %parallel_loop3A_795, %get3A_196 : vector<16xf32>
        %parallel_loop3A_797 = arith.index_cast %parallel_loop3A_731 : i32 to index
        %parallel_loop3A_798 = arith.constant 96 : index
        %parallel_loop3A_799 = tpu.vector_load %arg8[%parallel_loop3A_797, %parallel_loop3A_798] {strides = array<i32>} : memref<200x128xf32, #tpu.memory_space<vmem>>, vector<1x16xf32>,
        %parallel_loop3A_800 = vector.shape_cast %parallel_loop3A_799 : vector<1x16xf32> to vector<16xf32>
        %parallel_loop3A_801 = vector.shape_cast %parallel_loop3A_796 : vector<16xf32> to vector<1x16xf32>
        tpu.vector_store %arg8[%parallel_loop3A_797, %parallel_loop3A_798], %parallel_loop3A_801 {strides = array<i32>} : memref<200x128xf32, #tpu.memory_space<vmem>>, vector<1x16xf32>,
        %parallel_loop3A_802 = arith.index_cast %parallel_loop3A_731 : i32 to index
        %parallel_loop3A_803 = arith.constant 112 : index
        %parallel_loop3A_804 = tpu.vector_load %arg8[%parallel_loop3A_802, %parallel_loop3A_803] {strides = array<i32>} : memref<200x128xf32, #tpu.memory_space<vmem>>, vector<1x16xf32>,
        %parallel_loop3A_805 = vector.shape_cast %parallel_loop3A_804 : vector<1x16xf32> to vector<16xf32>
        %parallel_loop3A_806 = arith.subf %parallel_loop3A_805, %get3A_200 : vector<16xf32>
        %parallel_loop3A_807 = arith.index_cast %parallel_loop3A_731 : i32 to index
        %parallel_loop3A_808 = arith.constant 112 : index
        %parallel_loop3A_809 = tpu.vector_load %arg8[%parallel_loop3A_807, %parallel_loop3A_808] {strides = array<i32>} : memref<200x128xf32, #tpu.memory_space<vmem>>, vector<1x16xf32>,
        %parallel_loop3A_810 = vector.shape_cast %parallel_loop3A_809 : vector<1x16xf32> to vector<16xf32>
        %parallel_loop3A_811 = vector.shape_cast %parallel_loop3A_806 : vector<16xf32> to vector<1x16xf32>
        tpu.vector_store %arg8[%parallel_loop3A_807, %parallel_loop3A_808], %parallel_loop3A_811 {strides = array<i32>} : memref<200x128xf32, #tpu.memory_space<vmem>>, vector<1x16xf32>,
      } {sc.loop_unroll_factor = 2 : i64, sc.parallel_access}
      %add3A_204 = arith.constant 1 : i32
      %add3A_205 = arith.addi %add3A_34, %add3A_204 : i32
      %add3A_206 = arith.constant 2 : i32
      %add3A_207 = arith.addi %add3A_205, %add3A_206 : i32
      %lt3A_208 = arith.constant 32 : i32
      %lt3A_209 = arith.cmpi slt, %add3A_207, %lt3A_208 : i32
      %convert_element_type3A_210 = arith.extui %lt3A_209 : i1 to i32
      %cond3A_211 = arith.constant 0 : i32
      %cond3A_212 = arith.cmpi ne, %convert_element_type3A_210, %cond3A_211 : i32
      scf.if %cond3A_212 {
        %add3A_729 = arith.constant 2 : i32
        %add3A_730 = arith.addi %add3A_205, %add3A_729 : i32
        %dma_start3A_731 = arith.constant 0 : i32
        %dma_start3A_732 = arith.constant 0 : i32
        %dma_start3A_733 = arith.constant 0 : i32
        %dma_start3A_734 = tpu.memref_slice %arg11[%dma_start3A_732, %dma_start3A_733] : memref<200x128xf32, #tpu.memory_space<vmem>> -> memref<200x128xf32, #tpu.memory_space<vmem>>
        %dma_start3A_735 = arith.constant 0 : i32
        %dma_start3A_736 = tpu.memref_slice %arg6[%add3A_730, %dma_start3A_731, %dma_start3A_735] : memref<32x1x200xi32, #tpu.memory_space<vmem>> -> memref<1x1x200xi32, #tpu.memory_space<vmem>>
        %dma_start3A_737 = tpu.memref_squeeze %dma_start3A_736 : memref<1x1x200xi32, #tpu.memory_space<vmem>> -> memref<200xi32, #tpu.memory_space<vmem>>
        %dma_start3A_738 = arith.constant 0 : i32
        %dma_start3A_739 = arith.constant 0 : i32
        %dma_start3A_740 = tpu.memref_slice %arg2[%dma_start3A_738, %dma_start3A_739] : memref<100000x128xf32, #tpu.memory_space<hbm>> -> memref<100000x128xf32, #tpu.memory_space<hbm>>
        tpu.enqueue_indirect_dma source(%dma_start3A_740 : memref<100000x128xf32, #tpu.memory_space<hbm>>) target(%dma_start3A_734 : memref<200x128xf32, #tpu.memory_space<vmem>>) offsets(%dma_start3A_737 : memref<200xi32, #tpu.memory_space<vmem>>) semaphore(%arg15 : memref<!tpu.dma_semaphore, #tpu.memory_space<semaphore_mem>>)
      } else {
      }
      %dma_wait3A_213 = arith.constant 0 : i32
      %dma_wait3A_214 = arith.constant 0 : i32
      %dma_wait3A_215 = arith.constant 0 : i32
      %dma_wait3A_216 = tpu.memref_slice %arg9[%dma_wait3A_214, %dma_wait3A_215] : memref<200x128xf32, #tpu.memory_space<vmem>> -> memref<200x128xf32, #tpu.memory_space<vmem>>
      %dma_wait3A_217 = arith.constant 0 : i32
      %dma_wait3A_218 = tpu.memref_slice %arg6[%add3A_205, %dma_wait3A_213, %dma_wait3A_217] : memref<32x1x200xi32, #tpu.memory_space<vmem>> -> memref<1x1x200xi32, #tpu.memory_space<vmem>>
      %dma_wait3A_219 = tpu.memref_squeeze %dma_wait3A_218 : memref<1x1x200xi32, #tpu.memory_space<vmem>> -> memref<200xi32, #tpu.memory_space<vmem>>
      %dma_wait3A_220 = arith.constant 0 : i32
      %dma_wait3A_221 = arith.constant 0 : i32
      %dma_wait3A_222 = tpu.memref_slice %arg2[%dma_wait3A_220, %dma_wait3A_221] : memref<100000x128xf32, #tpu.memory_space<hbm>> -> memref<100000x128xf32, #tpu.memory_space<hbm>>
      tpu.wait_indirect_dma semaphore(%arg13 : memref<!tpu.dma_semaphore, #tpu.memory_space<semaphore_mem>>) src(%dma_wait3A_222 : memref<100000x128xf32, #tpu.memory_space<hbm>>) dst(%dma_wait3A_216 : memref<200x128xf32, #tpu.memory_space<vmem>>)
      %mul3A_223 = arith.constant 4 : i32
      %mul3A_224 = arith.muli %add3A_205, %mul3A_223 : i32
      %add3A_225 = arith.constant 0 : i32
      %add3A_226 = arith.addi %mul3A_224, %add3A_225 : i32
      %get3A_227 = arith.index_cast %add3A_226 : i32 to index
      %get3A_228 = arith.constant 0 : index
      %get3A_229 = tpu.vector_load %arg7[%get3A_227, %get3A_228] {strides = array<i32>} : memref<128x128xf32, #tpu.memory_space<vmem>>, vector<1x16xf32>,
      %get3A_230 = vector.shape_cast %get3A_229 : vector<1x16xf32> to vector<16xf32>
      %get3A_231 = arith.index_cast %add3A_226 : i32 to index
      %get3A_232 = arith.constant 16 : index
      %get3A_233 = tpu.vector_load %arg7[%get3A_231, %get3A_232] {strides = array<i32>} : memref<128x128xf32, #tpu.memory_space<vmem>>, vector<1x16xf32>,
      %get3A_234 = vector.shape_cast %get3A_233 : vector<1x16xf32> to vector<16xf32>
      %get3A_235 = arith.index_cast %add3A_226 : i32 to index
      %get3A_236 = arith.constant 32 : index
      %get3A_237 = tpu.vector_load %arg7[%get3A_235, %get3A_236] {strides = array<i32>} : memref<128x128xf32, #tpu.memory_space<vmem>>, vector<1x16xf32>,
      %get3A_238 = vector.shape_cast %get3A_237 : vector<1x16xf32> to vector<16xf32>
      %get3A_239 = arith.index_cast %add3A_226 : i32 to index
      %get3A_240 = arith.constant 48 : index
      %get3A_241 = tpu.vector_load %arg7[%get3A_239, %get3A_240] {strides = array<i32>} : memref<128x128xf32, #tpu.memory_space<vmem>>, vector<1x16xf32>,
      %get3A_242 = vector.shape_cast %get3A_241 : vector<1x16xf32> to vector<16xf32>
      %get3A_243 = arith.index_cast %add3A_226 : i32 to index
      %get3A_244 = arith.constant 64 : index
      %get3A_245 = tpu.vector_load %arg7[%get3A_243, %get3A_244] {strides = array<i32>} : memref<128x128xf32, #tpu.memory_space<vmem>>, vector<1x16xf32>,
      %get3A_246 = vector.shape_cast %get3A_245 : vector<1x16xf32> to vector<16xf32>
      %get3A_247 = arith.index_cast %add3A_226 : i32 to index
      %get3A_248 = arith.constant 80 : index
      %get3A_249 = tpu.vector_load %arg7[%get3A_247, %get3A_248] {strides = array<i32>} : memref<128x128xf32, #tpu.memory_space<vmem>>, vector<1x16xf32>,
      %get3A_250 = vector.shape_cast %get3A_249 : vector<1x16xf32> to vector<16xf32>
      %get3A_251 = arith.index_cast %add3A_226 : i32 to index
      %get3A_252 = arith.constant 96 : index
      %get3A_253 = tpu.vector_load %arg7[%get3A_251, %get3A_252] {strides = array<i32>} : memref<128x128xf32, #tpu.memory_space<vmem>>, vector<1x16xf32>,
      %get3A_254 = vector.shape_cast %get3A_253 : vector<1x16xf32> to vector<16xf32>
      %get3A_255 = arith.index_cast %add3A_226 : i32 to index
      %get3A_256 = arith.constant 112 : index
      %get3A_257 = tpu.vector_load %arg7[%get3A_255, %get3A_256] {strides = array<i32>} : memref<128x128xf32, #tpu.memory_space<vmem>>, vector<1x16xf32>,
      %get3A_258 = vector.shape_cast %get3A_257 : vector<1x16xf32> to vector<16xf32>
      %parallel_loop3A_259 = arith.constant 0 : i32
      %parallel_loop3A_260 = arith.constant 50 : i32
      %parallel_loop3A_261 = arith.constant 1 : i32
      scf.for %parallel_loop3A_729 = %parallel_loop3A_259 to %parallel_loop3A_260 step %parallel_loop3A_261  : i32 {
        %parallel_loop3A_730 = arith.constant 0 : i32
        %parallel_loop3A_731 = arith.addi %parallel_loop3A_730, %parallel_loop3A_729 : i32
        %parallel_loop3A_732 = arith.index_cast %parallel_loop3A_731 : i32 to index
        %parallel_loop3A_733 = arith.constant 0 : index
        %parallel_loop3A_734 = tpu.vector_load %arg9[%parallel_loop3A_732, %parallel_loop3A_733] {strides = array<i32>} : memref<200x128xf32, #tpu.memory_space<vmem>>, vector<1x16xf32>,
        %parallel_loop3A_735 = vector.shape_cast %parallel_loop3A_734 : vector<1x16xf32> to vector<16xf32>
        %parallel_loop3A_736 = arith.subf %parallel_loop3A_735, %get3A_230 : vector<16xf32>
        %parallel_loop3A_737 = arith.index_cast %parallel_loop3A_731 : i32 to index
        %parallel_loop3A_738 = arith.constant 0 : index
        %parallel_loop3A_739 = tpu.vector_load %arg9[%parallel_loop3A_737, %parallel_loop3A_738] {strides = array<i32>} : memref<200x128xf32, #tpu.memory_space<vmem>>, vector<1x16xf32>,
        %parallel_loop3A_740 = vector.shape_cast %parallel_loop3A_739 : vector<1x16xf32> to vector<16xf32>
        %parallel_loop3A_741 = vector.shape_cast %parallel_loop3A_736 : vector<16xf32> to vector<1x16xf32>
        tpu.vector_store %arg9[%parallel_loop3A_737, %parallel_loop3A_738], %parallel_loop3A_741 {strides = array<i32>} : memref<200x128xf32, #tpu.memory_space<vmem>>, vector<1x16xf32>,
        %parallel_loop3A_742 = arith.index_cast %parallel_loop3A_731 : i32 to index
        %parallel_loop3A_743 = arith.constant 16 : index
        %parallel_loop3A_744 = tpu.vector_load %arg9[%parallel_loop3A_742, %parallel_loop3A_743] {strides = array<i32>} : memref<200x128xf32, #tpu.memory_space<vmem>>, vector<1x16xf32>,
        %parallel_loop3A_745 = vector.shape_cast %parallel_loop3A_744 : vector<1x16xf32> to vector<16xf32>
        %parallel_loop3A_746 = arith.subf %parallel_loop3A_745, %get3A_234 : vector<16xf32>
        %parallel_loop3A_747 = arith.index_cast %parallel_loop3A_731 : i32 to index
        %parallel_loop3A_748 = arith.constant 16 : index
        %parallel_loop3A_749 = tpu.vector_load %arg9[%parallel_loop3A_747, %parallel_loop3A_748] {strides = array<i32>} : memref<200x128xf32, #tpu.memory_space<vmem>>, vector<1x16xf32>,
        %parallel_loop3A_750 = vector.shape_cast %parallel_loop3A_749 : vector<1x16xf32> to vector<16xf32>
        %parallel_loop3A_751 = vector.shape_cast %parallel_loop3A_746 : vector<16xf32> to vector<1x16xf32>
        tpu.vector_store %arg9[%parallel_loop3A_747, %parallel_loop3A_748], %parallel_loop3A_751 {strides = array<i32>} : memref<200x128xf32, #tpu.memory_space<vmem>>, vector<1x16xf32>,
        %parallel_loop3A_752 = arith.index_cast %parallel_loop3A_731 : i32 to index
        %parallel_loop3A_753 = arith.constant 32 : index
        %parallel_loop3A_754 = tpu.vector_load %arg9[%parallel_loop3A_752, %parallel_loop3A_753] {strides = array<i32>} : memref<200x128xf32, #tpu.memory_space<vmem>>, vector<1x16xf32>,
        %parallel_loop3A_755 = vector.shape_cast %parallel_loop3A_754 : vector<1x16xf32> to vector<16xf32>
        %parallel_loop3A_756 = arith.subf %parallel_loop3A_755, %get3A_238 : vector<16xf32>
        %parallel_loop3A_757 = arith.index_cast %parallel_loop3A_731 : i32 to index
        %parallel_loop3A_758 = arith.constant 32 : index
        %parallel_loop3A_759 = tpu.vector_load %arg9[%parallel_loop3A_757, %parallel_loop3A_758] {strides = array<i32>} : memref<200x128xf32, #tpu.memory_space<vmem>>, vector<1x16xf32>,
        %parallel_loop3A_760 = vector.shape_cast %parallel_loop3A_759 : vector<1x16xf32> to vector<16xf32>
        %parallel_loop3A_761 = vector.shape_cast %parallel_loop3A_756 : vector<16xf32> to vector<1x16xf32>
        tpu.vector_store %arg9[%parallel_loop3A_757, %parallel_loop3A_758], %parallel_loop3A_761 {strides = array<i32>} : memref<200x128xf32, #tpu.memory_space<vmem>>, vector<1x16xf32>,
        %parallel_loop3A_762 = arith.index_cast %parallel_loop3A_731 : i32 to index
        %parallel_loop3A_763 = arith.constant 48 : index
        %parallel_loop3A_764 = tpu.vector_load %arg9[%parallel_loop3A_762, %parallel_loop3A_763] {strides = array<i32>} : memref<200x128xf32, #tpu.memory_space<vmem>>, vector<1x16xf32>,
        %parallel_loop3A_765 = vector.shape_cast %parallel_loop3A_764 : vector<1x16xf32> to vector<16xf32>
        %parallel_loop3A_766 = arith.subf %parallel_loop3A_765, %get3A_242 : vector<16xf32>
        %parallel_loop3A_767 = arith.index_cast %parallel_loop3A_731 : i32 to index
        %parallel_loop3A_768 = arith.constant 48 : index
        %parallel_loop3A_769 = tpu.vector_load %arg9[%parallel_loop3A_767, %parallel_loop3A_768] {strides = array<i32>} : memref<200x128xf32, #tpu.memory_space<vmem>>, vector<1x16xf32>,
        %parallel_loop3A_770 = vector.shape_cast %parallel_loop3A_769 : vector<1x16xf32> to vector<16xf32>
        %parallel_loop3A_771 = vector.shape_cast %parallel_loop3A_766 : vector<16xf32> to vector<1x16xf32>
        tpu.vector_store %arg9[%parallel_loop3A_767, %parallel_loop3A_768], %parallel_loop3A_771 {strides = array<i32>} : memref<200x128xf32, #tpu.memory_space<vmem>>, vector<1x16xf32>,
        %parallel_loop3A_772 = arith.index_cast %parallel_loop3A_731 : i32 to index
        %parallel_loop3A_773 = arith.constant 64 : index
        %parallel_loop3A_774 = tpu.vector_load %arg9[%parallel_loop3A_772, %parallel_loop3A_773] {strides = array<i32>} : memref<200x128xf32, #tpu.memory_space<vmem>>, vector<1x16xf32>,
        %parallel_loop3A_775 = vector.shape_cast %parallel_loop3A_774 : vector<1x16xf32> to vector<16xf32>
        %parallel_loop3A_776 = arith.subf %parallel_loop3A_775, %get3A_246 : vector<16xf32>
        %parallel_loop3A_777 = arith.index_cast %parallel_loop3A_731 : i32 to index
        %parallel_loop3A_778 = arith.constant 64 : index
        %parallel_loop3A_779 = tpu.vector_load %arg9[%parallel_loop3A_777, %parallel_loop3A_778] {strides = array<i32>} : memref<200x128xf32, #tpu.memory_space<vmem>>, vector<1x16xf32>,
        %parallel_loop3A_780 = vector.shape_cast %parallel_loop3A_779 : vector<1x16xf32> to vector<16xf32>
        %parallel_loop3A_781 = vector.shape_cast %parallel_loop3A_776 : vector<16xf32> to vector<1x16xf32>
        tpu.vector_store %arg9[%parallel_loop3A_777, %parallel_loop3A_778], %parallel_loop3A_781 {strides = array<i32>} : memref<200x128xf32, #tpu.memory_space<vmem>>, vector<1x16xf32>,
        %parallel_loop3A_782 = arith.index_cast %parallel_loop3A_731 : i32 to index
        %parallel_loop3A_783 = arith.constant 80 : index
        %parallel_loop3A_784 = tpu.vector_load %arg9[%parallel_loop3A_782, %parallel_loop3A_783] {strides = array<i32>} : memref<200x128xf32, #tpu.memory_space<vmem>>, vector<1x16xf32>,
        %parallel_loop3A_785 = vector.shape_cast %parallel_loop3A_784 : vector<1x16xf32> to vector<16xf32>
        %parallel_loop3A_786 = arith.subf %parallel_loop3A_785, %get3A_250 : vector<16xf32>
        %parallel_loop3A_787 = arith.index_cast %parallel_loop3A_731 : i32 to index
        %parallel_loop3A_788 = arith.constant 80 : index
        %parallel_loop3A_789 = tpu.vector_load %arg9[%parallel_loop3A_787, %parallel_loop3A_788] {strides = array<i32>} : memref<200x128xf32, #tpu.memory_space<vmem>>, vector<1x16xf32>,
        %parallel_loop3A_790 = vector.shape_cast %parallel_loop3A_789 : vector<1x16xf32> to vector<16xf32>
        %parallel_loop3A_791 = vector.shape_cast %parallel_loop3A_786 : vector<16xf32> to vector<1x16xf32>
        tpu.vector_store %arg9[%parallel_loop3A_787, %parallel_loop3A_788], %parallel_loop3A_791 {strides = array<i32>} : memref<200x128xf32, #tpu.memory_space<vmem>>, vector<1x16xf32>,
        %parallel_loop3A_792 = arith.index_cast %parallel_loop3A_731 : i32 to index
        %parallel_loop3A_793 = arith.constant 96 : index
        %parallel_loop3A_794 = tpu.vector_load %arg9[%parallel_loop3A_792, %parallel_loop3A_793] {strides = array<i32>} : memref<200x128xf32, #tpu.memory_space<vmem>>, vector<1x16xf32>,
        %parallel_loop3A_795 = vector.shape_cast %parallel_loop3A_794 : vector<1x16xf32> to vector<16xf32>
        %parallel_loop3A_796 = arith.subf %parallel_loop3A_795, %get3A_254 : vector<16xf32>
        %parallel_loop3A_797 = arith.index_cast %parallel_loop3A_731 : i32 to index
        %parallel_loop3A_798 = arith.constant 96 : index
        %parallel_loop3A_799 = tpu.vector_load %arg9[%parallel_loop3A_797, %parallel_loop3A_798] {strides = array<i32>} : memref<200x128xf32, #tpu.memory_space<vmem>>, vector<1x16xf32>,
        %parallel_loop3A_800 = vector.shape_cast %parallel_loop3A_799 : vector<1x16xf32> to vector<16xf32>
        %parallel_loop3A_801 = vector.shape_cast %parallel_loop3A_796 : vector<16xf32> to vector<1x16xf32>
        tpu.vector_store %arg9[%parallel_loop3A_797, %parallel_loop3A_798], %parallel_loop3A_801 {strides = array<i32>} : memref<200x128xf32, #tpu.memory_space<vmem>>, vector<1x16xf32>,
        %parallel_loop3A_802 = arith.index_cast %parallel_loop3A_731 : i32 to index
        %parallel_loop3A_803 = arith.constant 112 : index
        %parallel_loop3A_804 = tpu.vector_load %arg9[%parallel_loop3A_802, %parallel_loop3A_803] {strides = array<i32>} : memref<200x128xf32, #tpu.memory_space<vmem>>, vector<1x16xf32>,
        %parallel_loop3A_805 = vector.shape_cast %parallel_loop3A_804 : vector<1x16xf32> to vector<16xf32>
        %parallel_loop3A_806 = arith.subf %parallel_loop3A_805, %get3A_258 : vector<16xf32>
        %parallel_loop3A_807 = arith.index_cast %parallel_loop3A_731 : i32 to index
        %parallel_loop3A_808 = arith.constant 112 : index
        %parallel_loop3A_809 = tpu.vector_load %arg9[%parallel_loop3A_807, %parallel_loop3A_808] {strides = array<i32>} : memref<200x128xf32, #tpu.memory_space<vmem>>, vector<1x16xf32>,
        %parallel_loop3A_810 = vector.shape_cast %parallel_loop3A_809 : vector<1x16xf32> to vector<16xf32>
        %parallel_loop3A_811 = vector.shape_cast %parallel_loop3A_806 : vector<16xf32> to vector<1x16xf32>
        tpu.vector_store %arg9[%parallel_loop3A_807, %parallel_loop3A_808], %parallel_loop3A_811 {strides = array<i32>} : memref<200x128xf32, #tpu.memory_space<vmem>>, vector<1x16xf32>,
      } {sc.loop_unroll_factor = 2 : i64, sc.parallel_access}
      %mul3A_262 = arith.constant 4 : i32
      %mul3A_263 = arith.muli %add3A_205, %mul3A_262 : i32
      %add3A_264 = arith.constant 1 : i32
      %add3A_265 = arith.addi %mul3A_263, %add3A_264 : i32
      %get3A_266 = arith.index_cast %add3A_265 : i32 to index
      %get3A_267 = arith.constant 0 : index
      %get3A_268 = tpu.vector_load %arg7[%get3A_266, %get3A_267] {strides = array<i32>} : memref<128x128xf32, #tpu.memory_space<vmem>>, vector<1x16xf32>,
      %get3A_269 = vector.shape_cast %get3A_268 : vector<1x16xf32> to vector<16xf32>
      %get3A_270 = arith.index_cast %add3A_265 : i32 to index
      %get3A_271 = arith.constant 16 : index
      %get3A_272 = tpu.vector_load %arg7[%get3A_270, %get3A_271] {strides = array<i32>} : memref<128x128xf32, #tpu.memory_space<vmem>>, vector<1x16xf32>,
      %get3A_273 = vector.shape_cast %get3A_272 : vector<1x16xf32> to vector<16xf32>
      %get3A_274 = arith.index_cast %add3A_265 : i32 to index
      %get3A_275 = arith.constant 32 : index
      %get3A_276 = tpu.vector_load %arg7[%get3A_274, %get3A_275] {strides = array<i32>} : memref<128x128xf32, #tpu.memory_space<vmem>>, vector<1x16xf32>,
      %get3A_277 = vector.shape_cast %get3A_276 : vector<1x16xf32> to vector<16xf32>
      %get3A_278 = arith.index_cast %add3A_265 : i32 to index
      %get3A_279 = arith.constant 48 : index
      %get3A_280 = tpu.vector_load %arg7[%get3A_278, %get3A_279] {strides = array<i32>} : memref<128x128xf32, #tpu.memory_space<vmem>>, vector<1x16xf32>,
      %get3A_281 = vector.shape_cast %get3A_280 : vector<1x16xf32> to vector<16xf32>
      %get3A_282 = arith.index_cast %add3A_265 : i32 to index
      %get3A_283 = arith.constant 64 : index
      %get3A_284 = tpu.vector_load %arg7[%get3A_282, %get3A_283] {strides = array<i32>} : memref<128x128xf32, #tpu.memory_space<vmem>>, vector<1x16xf32>,
      %get3A_285 = vector.shape_cast %get3A_284 : vector<1x16xf32> to vector<16xf32>
      %get3A_286 = arith.index_cast %add3A_265 : i32 to index
      %get3A_287 = arith.constant 80 : index
      %get3A_288 = tpu.vector_load %arg7[%get3A_286, %get3A_287] {strides = array<i32>} : memref<128x128xf32, #tpu.memory_space<vmem>>, vector<1x16xf32>,
      %get3A_289 = vector.shape_cast %get3A_288 : vector<1x16xf32> to vector<16xf32>
      %get3A_290 = arith.index_cast %add3A_265 : i32 to index
      %get3A_291 = arith.constant 96 : index
      %get3A_292 = tpu.vector_load %arg7[%get3A_290, %get3A_291] {strides = array<i32>} : memref<128x128xf32, #tpu.memory_space<vmem>>, vector<1x16xf32>,
      %get3A_293 = vector.shape_cast %get3A_292 : vector<1x16xf32> to vector<16xf32>
      %get3A_294 = arith.index_cast %add3A_265 : i32 to index
      %get3A_295 = arith.constant 112 : index
      %get3A_296 = tpu.vector_load %arg7[%get3A_294, %get3A_295] {strides = array<i32>} : memref<128x128xf32, #tpu.memory_space<vmem>>, vector<1x16xf32>,
      %get3A_297 = vector.shape_cast %get3A_296 : vector<1x16xf32> to vector<16xf32>
      %parallel_loop3A_298 = arith.constant 0 : i32
      %parallel_loop3A_299 = arith.constant 50 : i32
      %parallel_loop3A_300 = arith.constant 1 : i32
      scf.for %parallel_loop3A_729 = %parallel_loop3A_298 to %parallel_loop3A_299 step %parallel_loop3A_300  : i32 {
        %parallel_loop3A_730 = arith.constant 50 : i32
        %parallel_loop3A_731 = arith.addi %parallel_loop3A_730, %parallel_loop3A_729 : i32
        %parallel_loop3A_732 = arith.index_cast %parallel_loop3A_731 : i32 to index
        %parallel_loop3A_733 = arith.constant 0 : index
        %parallel_loop3A_734 = tpu.vector_load %arg9[%parallel_loop3A_732, %parallel_loop3A_733] {strides = array<i32>} : memref<200x128xf32, #tpu.memory_space<vmem>>, vector<1x16xf32>,
        %parallel_loop3A_735 = vector.shape_cast %parallel_loop3A_734 : vector<1x16xf32> to vector<16xf32>
        %parallel_loop3A_736 = arith.subf %parallel_loop3A_735, %get3A_269 : vector<16xf32>
        %parallel_loop3A_737 = arith.index_cast %parallel_loop3A_731 : i32 to index
        %parallel_loop3A_738 = arith.constant 0 : index
        %parallel_loop3A_739 = tpu.vector_load %arg9[%parallel_loop3A_737, %parallel_loop3A_738] {strides = array<i32>} : memref<200x128xf32, #tpu.memory_space<vmem>>, vector<1x16xf32>,
        %parallel_loop3A_740 = vector.shape_cast %parallel_loop3A_739 : vector<1x16xf32> to vector<16xf32>
        %parallel_loop3A_741 = vector.shape_cast %parallel_loop3A_736 : vector<16xf32> to vector<1x16xf32>
        tpu.vector_store %arg9[%parallel_loop3A_737, %parallel_loop3A_738], %parallel_loop3A_741 {strides = array<i32>} : memref<200x128xf32, #tpu.memory_space<vmem>>, vector<1x16xf32>,
        %parallel_loop3A_742 = arith.index_cast %parallel_loop3A_731 : i32 to index
        %parallel_loop3A_743 = arith.constant 16 : index
        %parallel_loop3A_744 = tpu.vector_load %arg9[%parallel_loop3A_742, %parallel_loop3A_743] {strides = array<i32>} : memref<200x128xf32, #tpu.memory_space<vmem>>, vector<1x16xf32>,
        %parallel_loop3A_745 = vector.shape_cast %parallel_loop3A_744 : vector<1x16xf32> to vector<16xf32>
        %parallel_loop3A_746 = arith.subf %parallel_loop3A_745, %get3A_273 : vector<16xf32>
        %parallel_loop3A_747 = arith.index_cast %parallel_loop3A_731 : i32 to index
        %parallel_loop3A_748 = arith.constant 16 : index
        %parallel_loop3A_749 = tpu.vector_load %arg9[%parallel_loop3A_747, %parallel_loop3A_748] {strides = array<i32>} : memref<200x128xf32, #tpu.memory_space<vmem>>, vector<1x16xf32>,
        %parallel_loop3A_750 = vector.shape_cast %parallel_loop3A_749 : vector<1x16xf32> to vector<16xf32>
        %parallel_loop3A_751 = vector.shape_cast %parallel_loop3A_746 : vector<16xf32> to vector<1x16xf32>
        tpu.vector_store %arg9[%parallel_loop3A_747, %parallel_loop3A_748], %parallel_loop3A_751 {strides = array<i32>} : memref<200x128xf32, #tpu.memory_space<vmem>>, vector<1x16xf32>,
        %parallel_loop3A_752 = arith.index_cast %parallel_loop3A_731 : i32 to index
        %parallel_loop3A_753 = arith.constant 32 : index
        %parallel_loop3A_754 = tpu.vector_load %arg9[%parallel_loop3A_752, %parallel_loop3A_753] {strides = array<i32>} : memref<200x128xf32, #tpu.memory_space<vmem>>, vector<1x16xf32>,
        %parallel_loop3A_755 = vector.shape_cast %parallel_loop3A_754 : vector<1x16xf32> to vector<16xf32>
        %parallel_loop3A_756 = arith.subf %parallel_loop3A_755, %get3A_277 : vector<16xf32>
        %parallel_loop3A_757 = arith.index_cast %parallel_loop3A_731 : i32 to index
        %parallel_loop3A_758 = arith.constant 32 : index
        %parallel_loop3A_759 = tpu.vector_load %arg9[%parallel_loop3A_757, %parallel_loop3A_758] {strides = array<i32>} : memref<200x128xf32, #tpu.memory_space<vmem>>, vector<1x16xf32>,
        %parallel_loop3A_760 = vector.shape_cast %parallel_loop3A_759 : vector<1x16xf32> to vector<16xf32>
        %parallel_loop3A_761 = vector.shape_cast %parallel_loop3A_756 : vector<16xf32> to vector<1x16xf32>
        tpu.vector_store %arg9[%parallel_loop3A_757, %parallel_loop3A_758], %parallel_loop3A_761 {strides = array<i32>} : memref<200x128xf32, #tpu.memory_space<vmem>>, vector<1x16xf32>,
        %parallel_loop3A_762 = arith.index_cast %parallel_loop3A_731 : i32 to index
        %parallel_loop3A_763 = arith.constant 48 : index
        %parallel_loop3A_764 = tpu.vector_load %arg9[%parallel_loop3A_762, %parallel_loop3A_763] {strides = array<i32>} : memref<200x128xf32, #tpu.memory_space<vmem>>, vector<1x16xf32>,
        %parallel_loop3A_765 = vector.shape_cast %parallel_loop3A_764 : vector<1x16xf32> to vector<16xf32>
        %parallel_loop3A_766 = arith.subf %parallel_loop3A_765, %get3A_281 : vector<16xf32>
        %parallel_loop3A_767 = arith.index_cast %parallel_loop3A_731 : i32 to index
        %parallel_loop3A_768 = arith.constant 48 : index
        %parallel_loop3A_769 = tpu.vector_load %arg9[%parallel_loop3A_767, %parallel_loop3A_768] {strides = array<i32>} : memref<200x128xf32, #tpu.memory_space<vmem>>, vector<1x16xf32>,
        %parallel_loop3A_770 = vector.shape_cast %parallel_loop3A_769 : vector<1x16xf32> to vector<16xf32>
        %parallel_loop3A_771 = vector.shape_cast %parallel_loop3A_766 : vector<16xf32> to vector<1x16xf32>
        tpu.vector_store %arg9[%parallel_loop3A_767, %parallel_loop3A_768], %parallel_loop3A_771 {strides = array<i32>} : memref<200x128xf32, #tpu.memory_space<vmem>>, vector<1x16xf32>,
        %parallel_loop3A_772 = arith.index_cast %parallel_loop3A_731 : i32 to index
        %parallel_loop3A_773 = arith.constant 64 : index
        %parallel_loop3A_774 = tpu.vector_load %arg9[%parallel_loop3A_772, %parallel_loop3A_773] {strides = array<i32>} : memref<200x128xf32, #tpu.memory_space<vmem>>, vector<1x16xf32>,
        %parallel_loop3A_775 = vector.shape_cast %parallel_loop3A_774 : vector<1x16xf32> to vector<16xf32>
        %parallel_loop3A_776 = arith.subf %parallel_loop3A_775, %get3A_285 : vector<16xf32>
        %parallel_loop3A_777 = arith.index_cast %parallel_loop3A_731 : i32 to index
        %parallel_loop3A_778 = arith.constant 64 : index
        %parallel_loop3A_779 = tpu.vector_load %arg9[%parallel_loop3A_777, %parallel_loop3A_778] {strides = array<i32>} : memref<200x128xf32, #tpu.memory_space<vmem>>, vector<1x16xf32>,
        %parallel_loop3A_780 = vector.shape_cast %parallel_loop3A_779 : vector<1x16xf32> to vector<16xf32>
        %parallel_loop3A_781 = vector.shape_cast %parallel_loop3A_776 : vector<16xf32> to vector<1x16xf32>
        tpu.vector_store %arg9[%parallel_loop3A_777, %parallel_loop3A_778], %parallel_loop3A_781 {strides = array<i32>} : memref<200x128xf32, #tpu.memory_space<vmem>>, vector<1x16xf32>,
        %parallel_loop3A_782 = arith.index_cast %parallel_loop3A_731 : i32 to index
        %parallel_loop3A_783 = arith.constant 80 : index
        %parallel_loop3A_784 = tpu.vector_load %arg9[%parallel_loop3A_782, %parallel_loop3A_783] {strides = array<i32>} : memref<200x128xf32, #tpu.memory_space<vmem>>, vector<1x16xf32>,
        %parallel_loop3A_785 = vector.shape_cast %parallel_loop3A_784 : vector<1x16xf32> to vector<16xf32>
        %parallel_loop3A_786 = arith.subf %parallel_loop3A_785, %get3A_289 : vector<16xf32>
        %parallel_loop3A_787 = arith.index_cast %parallel_loop3A_731 : i32 to index
        %parallel_loop3A_788 = arith.constant 80 : index
        %parallel_loop3A_789 = tpu.vector_load %arg9[%parallel_loop3A_787, %parallel_loop3A_788] {strides = array<i32>} : memref<200x128xf32, #tpu.memory_space<vmem>>, vector<1x16xf32>,
        %parallel_loop3A_790 = vector.shape_cast %parallel_loop3A_789 : vector<1x16xf32> to vector<16xf32>
        %parallel_loop3A_791 = vector.shape_cast %parallel_loop3A_786 : vector<16xf32> to vector<1x16xf32>
        tpu.vector_store %arg9[%parallel_loop3A_787, %parallel_loop3A_788], %parallel_loop3A_791 {strides = array<i32>} : memref<200x128xf32, #tpu.memory_space<vmem>>, vector<1x16xf32>,
        %parallel_loop3A_792 = arith.index_cast %parallel_loop3A_731 : i32 to index
        %parallel_loop3A_793 = arith.constant 96 : index
        %parallel_loop3A_794 = tpu.vector_load %arg9[%parallel_loop3A_792, %parallel_loop3A_793] {strides = array<i32>} : memref<200x128xf32, #tpu.memory_space<vmem>>, vector<1x16xf32>,
        %parallel_loop3A_795 = vector.shape_cast %parallel_loop3A_794 : vector<1x16xf32> to vector<16xf32>
        %parallel_loop3A_796 = arith.subf %parallel_loop3A_795, %get3A_293 : vector<16xf32>
        %parallel_loop3A_797 = arith.index_cast %parallel_loop3A_731 : i32 to index
        %parallel_loop3A_798 = arith.constant 96 : index
        %parallel_loop3A_799 = tpu.vector_load %arg9[%parallel_loop3A_797, %parallel_loop3A_798] {strides = array<i32>} : memref<200x128xf32, #tpu.memory_space<vmem>>, vector<1x16xf32>,
        %parallel_loop3A_800 = vector.shape_cast %parallel_loop3A_799 : vector<1x16xf32> to vector<16xf32>
        %parallel_loop3A_801 = vector.shape_cast %parallel_loop3A_796 : vector<16xf32> to vector<1x16xf32>
        tpu.vector_store %arg9[%parallel_loop3A_797, %parallel_loop3A_798], %parallel_loop3A_801 {strides = array<i32>} : memref<200x128xf32, #tpu.memory_space<vmem>>, vector<1x16xf32>,
        %parallel_loop3A_802 = arith.index_cast %parallel_loop3A_731 : i32 to index
        %parallel_loop3A_803 = arith.constant 112 : index
        %parallel_loop3A_804 = tpu.vector_load %arg9[%parallel_loop3A_802, %parallel_loop3A_803] {strides = array<i32>} : memref<200x128xf32, #tpu.memory_space<vmem>>, vector<1x16xf32>,
        %parallel_loop3A_805 = vector.shape_cast %parallel_loop3A_804 : vector<1x16xf32> to vector<16xf32>
        %parallel_loop3A_806 = arith.subf %parallel_loop3A_805, %get3A_297 : vector<16xf32>
        %parallel_loop3A_807 = arith.index_cast %parallel_loop3A_731 : i32 to index
        %parallel_loop3A_808 = arith.constant 112 : index
        %parallel_loop3A_809 = tpu.vector_load %arg9[%parallel_loop3A_807, %parallel_loop3A_808] {strides = array<i32>} : memref<200x128xf32, #tpu.memory_space<vmem>>, vector<1x16xf32>,
        %parallel_loop3A_810 = vector.shape_cast %parallel_loop3A_809 : vector<1x16xf32> to vector<16xf32>
        %parallel_loop3A_811 = vector.shape_cast %parallel_loop3A_806 : vector<16xf32> to vector<1x16xf32>
        tpu.vector_store %arg9[%parallel_loop3A_807, %parallel_loop3A_808], %parallel_loop3A_811 {strides = array<i32>} : memref<200x128xf32, #tpu.memory_space<vmem>>, vector<1x16xf32>,
      } {sc.loop_unroll_factor = 2 : i64, sc.parallel_access}
      %mul3A_301 = arith.constant 4 : i32
      %mul3A_302 = arith.muli %add3A_205, %mul3A_301 : i32
      %add3A_303 = arith.constant 2 : i32
      %add3A_304 = arith.addi %mul3A_302, %add3A_303 : i32
      %get3A_305 = arith.index_cast %add3A_304 : i32 to index
      %get3A_306 = arith.constant 0 : index
      %get3A_307 = tpu.vector_load %arg7[%get3A_305, %get3A_306] {strides = array<i32>} : memref<128x128xf32, #tpu.memory_space<vmem>>, vector<1x16xf32>,
      %get3A_308 = vector.shape_cast %get3A_307 : vector<1x16xf32> to vector<16xf32>
      %get3A_309 = arith.index_cast %add3A_304 : i32 to index
      %get3A_310 = arith.constant 16 : index
      %get3A_311 = tpu.vector_load %arg7[%get3A_309, %get3A_310] {strides = array<i32>} : memref<128x128xf32, #tpu.memory_space<vmem>>, vector<1x16xf32>,
      %get3A_312 = vector.shape_cast %get3A_311 : vector<1x16xf32> to vector<16xf32>
      %get3A_313 = arith.index_cast %add3A_304 : i32 to index
      %get3A_314 = arith.constant 32 : index
      %get3A_315 = tpu.vector_load %arg7[%get3A_313, %get3A_314] {strides = array<i32>} : memref<128x128xf32, #tpu.memory_space<vmem>>, vector<1x16xf32>,
      %get3A_316 = vector.shape_cast %get3A_315 : vector<1x16xf32> to vector<16xf32>
      %get3A_317 = arith.index_cast %add3A_304 : i32 to index
      %get3A_318 = arith.constant 48 : index
      %get3A_319 = tpu.vector_load %arg7[%get3A_317, %get3A_318] {strides = array<i32>} : memref<128x128xf32, #tpu.memory_space<vmem>>, vector<1x16xf32>,
      %get3A_320 = vector.shape_cast %get3A_319 : vector<1x16xf32> to vector<16xf32>
      %get3A_321 = arith.index_cast %add3A_304 : i32 to index
      %get3A_322 = arith.constant 64 : index
      %get3A_323 = tpu.vector_load %arg7[%get3A_321, %get3A_322] {strides = array<i32>} : memref<128x128xf32, #tpu.memory_space<vmem>>, vector<1x16xf32>,
      %get3A_324 = vector.shape_cast %get3A_323 : vector<1x16xf32> to vector<16xf32>
      %get3A_325 = arith.index_cast %add3A_304 : i32 to index
      %get3A_326 = arith.constant 80 : index
      %get3A_327 = tpu.vector_load %arg7[%get3A_325, %get3A_326] {strides = array<i32>} : memref<128x128xf32, #tpu.memory_space<vmem>>, vector<1x16xf32>,
      %get3A_328 = vector.shape_cast %get3A_327 : vector<1x16xf32> to vector<16xf32>
      %get3A_329 = arith.index_cast %add3A_304 : i32 to index
      %get3A_330 = arith.constant 96 : index
      %get3A_331 = tpu.vector_load %arg7[%get3A_329, %get3A_330] {strides = array<i32>} : memref<128x128xf32, #tpu.memory_space<vmem>>, vector<1x16xf32>,
      %get3A_332 = vector.shape_cast %get3A_331 : vector<1x16xf32> to vector<16xf32>
      %get3A_333 = arith.index_cast %add3A_304 : i32 to index
      %get3A_334 = arith.constant 112 : index
      %get3A_335 = tpu.vector_load %arg7[%get3A_333, %get3A_334] {strides = array<i32>} : memref<128x128xf32, #tpu.memory_space<vmem>>, vector<1x16xf32>,
      %get3A_336 = vector.shape_cast %get3A_335 : vector<1x16xf32> to vector<16xf32>
      %parallel_loop3A_337 = arith.constant 0 : i32
      %parallel_loop3A_338 = arith.constant 50 : i32
      %parallel_loop3A_339 = arith.constant 1 : i32
      scf.for %parallel_loop3A_729 = %parallel_loop3A_337 to %parallel_loop3A_338 step %parallel_loop3A_339  : i32 {
        %parallel_loop3A_730 = arith.constant 100 : i32
        %parallel_loop3A_731 = arith.addi %parallel_loop3A_730, %parallel_loop3A_729 : i32
        %parallel_loop3A_732 = arith.index_cast %parallel_loop3A_731 : i32 to index
        %parallel_loop3A_733 = arith.constant 0 : index
        %parallel_loop3A_734 = tpu.vector_load %arg9[%parallel_loop3A_732, %parallel_loop3A_733] {strides = array<i32>} : memref<200x128xf32, #tpu.memory_space<vmem>>, vector<1x16xf32>,
        %parallel_loop3A_735 = vector.shape_cast %parallel_loop3A_734 : vector<1x16xf32> to vector<16xf32>
        %parallel_loop3A_736 = arith.subf %parallel_loop3A_735, %get3A_308 : vector<16xf32>
        %parallel_loop3A_737 = arith.index_cast %parallel_loop3A_731 : i32 to index
        %parallel_loop3A_738 = arith.constant 0 : index
        %parallel_loop3A_739 = tpu.vector_load %arg9[%parallel_loop3A_737, %parallel_loop3A_738] {strides = array<i32>} : memref<200x128xf32, #tpu.memory_space<vmem>>, vector<1x16xf32>,
        %parallel_loop3A_740 = vector.shape_cast %parallel_loop3A_739 : vector<1x16xf32> to vector<16xf32>
        %parallel_loop3A_741 = vector.shape_cast %parallel_loop3A_736 : vector<16xf32> to vector<1x16xf32>
        tpu.vector_store %arg9[%parallel_loop3A_737, %parallel_loop3A_738], %parallel_loop3A_741 {strides = array<i32>} : memref<200x128xf32, #tpu.memory_space<vmem>>, vector<1x16xf32>,
        %parallel_loop3A_742 = arith.index_cast %parallel_loop3A_731 : i32 to index
        %parallel_loop3A_743 = arith.constant 16 : index
        %parallel_loop3A_744 = tpu.vector_load %arg9[%parallel_loop3A_742, %parallel_loop3A_743] {strides = array<i32>} : memref<200x128xf32, #tpu.memory_space<vmem>>, vector<1x16xf32>,
        %parallel_loop3A_745 = vector.shape_cast %parallel_loop3A_744 : vector<1x16xf32> to vector<16xf32>
        %parallel_loop3A_746 = arith.subf %parallel_loop3A_745, %get3A_312 : vector<16xf32>
        %parallel_loop3A_747 = arith.index_cast %parallel_loop3A_731 : i32 to index
        %parallel_loop3A_748 = arith.constant 16 : index
        %parallel_loop3A_749 = tpu.vector_load %arg9[%parallel_loop3A_747, %parallel_loop3A_748] {strides = array<i32>} : memref<200x128xf32, #tpu.memory_space<vmem>>, vector<1x16xf32>,
        %parallel_loop3A_750 = vector.shape_cast %parallel_loop3A_749 : vector<1x16xf32> to vector<16xf32>
        %parallel_loop3A_751 = vector.shape_cast %parallel_loop3A_746 : vector<16xf32> to vector<1x16xf32>
        tpu.vector_store %arg9[%parallel_loop3A_747, %parallel_loop3A_748], %parallel_loop3A_751 {strides = array<i32>} : memref<200x128xf32, #tpu.memory_space<vmem>>, vector<1x16xf32>,
        %parallel_loop3A_752 = arith.index_cast %parallel_loop3A_731 : i32 to index
        %parallel_loop3A_753 = arith.constant 32 : index
        %parallel_loop3A_754 = tpu.vector_load %arg9[%parallel_loop3A_752, %parallel_loop3A_753] {strides = array<i32>} : memref<200x128xf32, #tpu.memory_space<vmem>>, vector<1x16xf32>,
        %parallel_loop3A_755 = vector.shape_cast %parallel_loop3A_754 : vector<1x16xf32> to vector<16xf32>
        %parallel_loop3A_756 = arith.subf %parallel_loop3A_755, %get3A_316 : vector<16xf32>
        %parallel_loop3A_757 = arith.index_cast %parallel_loop3A_731 : i32 to index
        %parallel_loop3A_758 = arith.constant 32 : index
        %parallel_loop3A_759 = tpu.vector_load %arg9[%parallel_loop3A_757, %parallel_loop3A_758] {strides = array<i32>} : memref<200x128xf32, #tpu.memory_space<vmem>>, vector<1x16xf32>,
        %parallel_loop3A_760 = vector.shape_cast %parallel_loop3A_759 : vector<1x16xf32> to vector<16xf32>
        %parallel_loop3A_761 = vector.shape_cast %parallel_loop3A_756 : vector<16xf32> to vector<1x16xf32>
        tpu.vector_store %arg9[%parallel_loop3A_757, %parallel_loop3A_758], %parallel_loop3A_761 {strides = array<i32>} : memref<200x128xf32, #tpu.memory_space<vmem>>, vector<1x16xf32>,
        %parallel_loop3A_762 = arith.index_cast %parallel_loop3A_731 : i32 to index
        %parallel_loop3A_763 = arith.constant 48 : index
        %parallel_loop3A_764 = tpu.vector_load %arg9[%parallel_loop3A_762, %parallel_loop3A_763] {strides = array<i32>} : memref<200x128xf32, #tpu.memory_space<vmem>>, vector<1x16xf32>,
        %parallel_loop3A_765 = vector.shape_cast %parallel_loop3A_764 : vector<1x16xf32> to vector<16xf32>
        %parallel_loop3A_766 = arith.subf %parallel_loop3A_765, %get3A_320 : vector<16xf32>
        %parallel_loop3A_767 = arith.index_cast %parallel_loop3A_731 : i32 to index
        %parallel_loop3A_768 = arith.constant 48 : index
        %parallel_loop3A_769 = tpu.vector_load %arg9[%parallel_loop3A_767, %parallel_loop3A_768] {strides = array<i32>} : memref<200x128xf32, #tpu.memory_space<vmem>>, vector<1x16xf32>,
        %parallel_loop3A_770 = vector.shape_cast %parallel_loop3A_769 : vector<1x16xf32> to vector<16xf32>
        %parallel_loop3A_771 = vector.shape_cast %parallel_loop3A_766 : vector<16xf32> to vector<1x16xf32>
        tpu.vector_store %arg9[%parallel_loop3A_767, %parallel_loop3A_768], %parallel_loop3A_771 {strides = array<i32>} : memref<200x128xf32, #tpu.memory_space<vmem>>, vector<1x16xf32>,
        %parallel_loop3A_772 = arith.index_cast %parallel_loop3A_731 : i32 to index
        %parallel_loop3A_773 = arith.constant 64 : index
        %parallel_loop3A_774 = tpu.vector_load %arg9[%parallel_loop3A_772, %parallel_loop3A_773] {strides = array<i32>} : memref<200x128xf32, #tpu.memory_space<vmem>>, vector<1x16xf32>,
        %parallel_loop3A_775 = vector.shape_cast %parallel_loop3A_774 : vector<1x16xf32> to vector<16xf32>
        %parallel_loop3A_776 = arith.subf %parallel_loop3A_775, %get3A_324 : vector<16xf32>
        %parallel_loop3A_777 = arith.index_cast %parallel_loop3A_731 : i32 to index
        %parallel_loop3A_778 = arith.constant 64 : index
        %parallel_loop3A_779 = tpu.vector_load %arg9[%parallel_loop3A_777, %parallel_loop3A_778] {strides = array<i32>} : memref<200x128xf32, #tpu.memory_space<vmem>>, vector<1x16xf32>,
        %parallel_loop3A_780 = vector.shape_cast %parallel_loop3A_779 : vector<1x16xf32> to vector<16xf32>
        %parallel_loop3A_781 = vector.shape_cast %parallel_loop3A_776 : vector<16xf32> to vector<1x16xf32>
        tpu.vector_store %arg9[%parallel_loop3A_777, %parallel_loop3A_778], %parallel_loop3A_781 {strides = array<i32>} : memref<200x128xf32, #tpu.memory_space<vmem>>, vector<1x16xf32>,
        %parallel_loop3A_782 = arith.index_cast %parallel_loop3A_731 : i32 to index
        %parallel_loop3A_783 = arith.constant 80 : index
        %parallel_loop3A_784 = tpu.vector_load %arg9[%parallel_loop3A_782, %parallel_loop3A_783] {strides = array<i32>} : memref<200x128xf32, #tpu.memory_space<vmem>>, vector<1x16xf32>,
        %parallel_loop3A_785 = vector.shape_cast %parallel_loop3A_784 : vector<1x16xf32> to vector<16xf32>
        %parallel_loop3A_786 = arith.subf %parallel_loop3A_785, %get3A_328 : vector<16xf32>
        %parallel_loop3A_787 = arith.index_cast %parallel_loop3A_731 : i32 to index
        %parallel_loop3A_788 = arith.constant 80 : index
        %parallel_loop3A_789 = tpu.vector_load %arg9[%parallel_loop3A_787, %parallel_loop3A_788] {strides = array<i32>} : memref<200x128xf32, #tpu.memory_space<vmem>>, vector<1x16xf32>,
        %parallel_loop3A_790 = vector.shape_cast %parallel_loop3A_789 : vector<1x16xf32> to vector<16xf32>
        %parallel_loop3A_791 = vector.shape_cast %parallel_loop3A_786 : vector<16xf32> to vector<1x16xf32>
        tpu.vector_store %arg9[%parallel_loop3A_787, %parallel_loop3A_788], %parallel_loop3A_791 {strides = array<i32>} : memref<200x128xf32, #tpu.memory_space<vmem>>, vector<1x16xf32>,
        %parallel_loop3A_792 = arith.index_cast %parallel_loop3A_731 : i32 to index
        %parallel_loop3A_793 = arith.constant 96 : index
        %parallel_loop3A_794 = tpu.vector_load %arg9[%parallel_loop3A_792, %parallel_loop3A_793] {strides = array<i32>} : memref<200x128xf32, #tpu.memory_space<vmem>>, vector<1x16xf32>,
        %parallel_loop3A_795 = vector.shape_cast %parallel_loop3A_794 : vector<1x16xf32> to vector<16xf32>
        %parallel_loop3A_796 = arith.subf %parallel_loop3A_795, %get3A_332 : vector<16xf32>
        %parallel_loop3A_797 = arith.index_cast %parallel_loop3A_731 : i32 to index
        %parallel_loop3A_798 = arith.constant 96 : index
        %parallel_loop3A_799 = tpu.vector_load %arg9[%parallel_loop3A_797, %parallel_loop3A_798] {strides = array<i32>} : memref<200x128xf32, #tpu.memory_space<vmem>>, vector<1x16xf32>,
        %parallel_loop3A_800 = vector.shape_cast %parallel_loop3A_799 : vector<1x16xf32> to vector<16xf32>
        %parallel_loop3A_801 = vector.shape_cast %parallel_loop3A_796 : vector<16xf32> to vector<1x16xf32>
        tpu.vector_store %arg9[%parallel_loop3A_797, %parallel_loop3A_798], %parallel_loop3A_801 {strides = array<i32>} : memref<200x128xf32, #tpu.memory_space<vmem>>, vector<1x16xf32>,
        %parallel_loop3A_802 = arith.index_cast %parallel_loop3A_731 : i32 to index
        %parallel_loop3A_803 = arith.constant 112 : index
        %parallel_loop3A_804 = tpu.vector_load %arg9[%parallel_loop3A_802, %parallel_loop3A_803] {strides = array<i32>} : memref<200x128xf32, #tpu.memory_space<vmem>>, vector<1x16xf32>,
        %parallel_loop3A_805 = vector.shape_cast %parallel_loop3A_804 : vector<1x16xf32> to vector<16xf32>
        %parallel_loop3A_806 = arith.subf %parallel_loop3A_805, %get3A_336 : vector<16xf32>
        %parallel_loop3A_807 = arith.index_cast %parallel_loop3A_731 : i32 to index
        %parallel_loop3A_808 = arith.constant 112 : index
        %parallel_loop3A_809 = tpu.vector_load %arg9[%parallel_loop3A_807, %parallel_loop3A_808] {strides = array<i32>} : memref<200x128xf32, #tpu.memory_space<vmem>>, vector<1x16xf32>,
        %parallel_loop3A_810 = vector.shape_cast %parallel_loop3A_809 : vector<1x16xf32> to vector<16xf32>
        %parallel_loop3A_811 = vector.shape_cast %parallel_loop3A_806 : vector<16xf32> to vector<1x16xf32>
        tpu.vector_store %arg9[%parallel_loop3A_807, %parallel_loop3A_808], %parallel_loop3A_811 {strides = array<i32>} : memref<200x128xf32, #tpu.memory_space<vmem>>, vector<1x16xf32>,
      } {sc.loop_unroll_factor = 2 : i64, sc.parallel_access}
      %mul3A_340 = arith.constant 4 : i32
      %mul3A_341 = arith.muli %add3A_205, %mul3A_340 : i32
      %add3A_342 = arith.constant 3 : i32
      %add3A_343 = arith.addi %mul3A_341, %add3A_342 : i32
      %get3A_344 = arith.index_cast %add3A_343 : i32 to index
      %get3A_345 = arith.constant 0 : index
      %get3A_346 = tpu.vector_load %arg7[%get3A_344, %get3A_345] {strides = array<i32>} : memref<128x128xf32, #tpu.memory_space<vmem>>, vector<1x16xf32>,
      %get3A_347 = vector.shape_cast %get3A_346 : vector<1x16xf32> to vector<16xf32>
      %get3A_348 = arith.index_cast %add3A_343 : i32 to index
      %get3A_349 = arith.constant 16 : index
      %get3A_350 = tpu.vector_load %arg7[%get3A_348, %get3A_349] {strides = array<i32>} : memref<128x128xf32, #tpu.memory_space<vmem>>, vector<1x16xf32>,
      %get3A_351 = vector.shape_cast %get3A_350 : vector<1x16xf32> to vector<16xf32>
      %get3A_352 = arith.index_cast %add3A_343 : i32 to index
      %get3A_353 = arith.constant 32 : index
      %get3A_354 = tpu.vector_load %arg7[%get3A_352, %get3A_353] {strides = array<i32>} : memref<128x128xf32, #tpu.memory_space<vmem>>, vector<1x16xf32>,
      %get3A_355 = vector.shape_cast %get3A_354 : vector<1x16xf32> to vector<16xf32>
      %get3A_356 = arith.index_cast %add3A_343 : i32 to index
      %get3A_357 = arith.constant 48 : index
      %get3A_358 = tpu.vector_load %arg7[%get3A_356, %get3A_357] {strides = array<i32>} : memref<128x128xf32, #tpu.memory_space<vmem>>, vector<1x16xf32>,
      %get3A_359 = vector.shape_cast %get3A_358 : vector<1x16xf32> to vector<16xf32>
      %get3A_360 = arith.index_cast %add3A_343 : i32 to index
      %get3A_361 = arith.constant 64 : index
      %get3A_362 = tpu.vector_load %arg7[%get3A_360, %get3A_361] {strides = array<i32>} : memref<128x128xf32, #tpu.memory_space<vmem>>, vector<1x16xf32>,
      %get3A_363 = vector.shape_cast %get3A_362 : vector<1x16xf32> to vector<16xf32>
      %get3A_364 = arith.index_cast %add3A_343 : i32 to index
      %get3A_365 = arith.constant 80 : index
      %get3A_366 = tpu.vector_load %arg7[%get3A_364, %get3A_365] {strides = array<i32>} : memref<128x128xf32, #tpu.memory_space<vmem>>, vector<1x16xf32>,
      %get3A_367 = vector.shape_cast %get3A_366 : vector<1x16xf32> to vector<16xf32>
      %get3A_368 = arith.index_cast %add3A_343 : i32 to index
      %get3A_369 = arith.constant 96 : index
      %get3A_370 = tpu.vector_load %arg7[%get3A_368, %get3A_369] {strides = array<i32>} : memref<128x128xf32, #tpu.memory_space<vmem>>, vector<1x16xf32>,
      %get3A_371 = vector.shape_cast %get3A_370 : vector<1x16xf32> to vector<16xf32>
      %get3A_372 = arith.index_cast %add3A_343 : i32 to index
      %get3A_373 = arith.constant 112 : index
      %get3A_374 = tpu.vector_load %arg7[%get3A_372, %get3A_373] {strides = array<i32>} : memref<128x128xf32, #tpu.memory_space<vmem>>, vector<1x16xf32>,
      %get3A_375 = vector.shape_cast %get3A_374 : vector<1x16xf32> to vector<16xf32>
      %parallel_loop3A_376 = arith.constant 0 : i32
      %parallel_loop3A_377 = arith.constant 50 : i32
      %parallel_loop3A_378 = arith.constant 1 : i32
      scf.for %parallel_loop3A_729 = %parallel_loop3A_376 to %parallel_loop3A_377 step %parallel_loop3A_378  : i32 {
        %parallel_loop3A_730 = arith.constant 150 : i32
        %parallel_loop3A_731 = arith.addi %parallel_loop3A_730, %parallel_loop3A_729 : i32
        %parallel_loop3A_732 = arith.index_cast %parallel_loop3A_731 : i32 to index
        %parallel_loop3A_733 = arith.constant 0 : index
        %parallel_loop3A_734 = tpu.vector_load %arg9[%parallel_loop3A_732, %parallel_loop3A_733] {strides = array<i32>} : memref<200x128xf32, #tpu.memory_space<vmem>>, vector<1x16xf32>,
        %parallel_loop3A_735 = vector.shape_cast %parallel_loop3A_734 : vector<1x16xf32> to vector<16xf32>
        %parallel_loop3A_736 = arith.subf %parallel_loop3A_735, %get3A_347 : vector<16xf32>
        %parallel_loop3A_737 = arith.index_cast %parallel_loop3A_731 : i32 to index
        %parallel_loop3A_738 = arith.constant 0 : index
        %parallel_loop3A_739 = tpu.vector_load %arg9[%parallel_loop3A_737, %parallel_loop3A_738] {strides = array<i32>} : memref<200x128xf32, #tpu.memory_space<vmem>>, vector<1x16xf32>,
        %parallel_loop3A_740 = vector.shape_cast %parallel_loop3A_739 : vector<1x16xf32> to vector<16xf32>
        %parallel_loop3A_741 = vector.shape_cast %parallel_loop3A_736 : vector<16xf32> to vector<1x16xf32>
        tpu.vector_store %arg9[%parallel_loop3A_737, %parallel_loop3A_738], %parallel_loop3A_741 {strides = array<i32>} : memref<200x128xf32, #tpu.memory_space<vmem>>, vector<1x16xf32>,
        %parallel_loop3A_742 = arith.index_cast %parallel_loop3A_731 : i32 to index
        %parallel_loop3A_743 = arith.constant 16 : index
        %parallel_loop3A_744 = tpu.vector_load %arg9[%parallel_loop3A_742, %parallel_loop3A_743] {strides = array<i32>} : memref<200x128xf32, #tpu.memory_space<vmem>>, vector<1x16xf32>,
        %parallel_loop3A_745 = vector.shape_cast %parallel_loop3A_744 : vector<1x16xf32> to vector<16xf32>
        %parallel_loop3A_746 = arith.subf %parallel_loop3A_745, %get3A_351 : vector<16xf32>
        %parallel_loop3A_747 = arith.index_cast %parallel_loop3A_731 : i32 to index
        %parallel_loop3A_748 = arith.constant 16 : index
        %parallel_loop3A_749 = tpu.vector_load %arg9[%parallel_loop3A_747, %parallel_loop3A_748] {strides = array<i32>} : memref<200x128xf32, #tpu.memory_space<vmem>>, vector<1x16xf32>,
        %parallel_loop3A_750 = vector.shape_cast %parallel_loop3A_749 : vector<1x16xf32> to vector<16xf32>
        %parallel_loop3A_751 = vector.shape_cast %parallel_loop3A_746 : vector<16xf32> to vector<1x16xf32>
        tpu.vector_store %arg9[%parallel_loop3A_747, %parallel_loop3A_748], %parallel_loop3A_751 {strides = array<i32>} : memref<200x128xf32, #tpu.memory_space<vmem>>, vector<1x16xf32>,
        %parallel_loop3A_752 = arith.index_cast %parallel_loop3A_731 : i32 to index
        %parallel_loop3A_753 = arith.constant 32 : index
        %parallel_loop3A_754 = tpu.vector_load %arg9[%parallel_loop3A_752, %parallel_loop3A_753] {strides = array<i32>} : memref<200x128xf32, #tpu.memory_space<vmem>>, vector<1x16xf32>,
        %parallel_loop3A_755 = vector.shape_cast %parallel_loop3A_754 : vector<1x16xf32> to vector<16xf32>
        %parallel_loop3A_756 = arith.subf %parallel_loop3A_755, %get3A_355 : vector<16xf32>
        %parallel_loop3A_757 = arith.index_cast %parallel_loop3A_731 : i32 to index
        %parallel_loop3A_758 = arith.constant 32 : index
        %parallel_loop3A_759 = tpu.vector_load %arg9[%parallel_loop3A_757, %parallel_loop3A_758] {strides = array<i32>} : memref<200x128xf32, #tpu.memory_space<vmem>>, vector<1x16xf32>,
        %parallel_loop3A_760 = vector.shape_cast %parallel_loop3A_759 : vector<1x16xf32> to vector<16xf32>
        %parallel_loop3A_761 = vector.shape_cast %parallel_loop3A_756 : vector<16xf32> to vector<1x16xf32>
        tpu.vector_store %arg9[%parallel_loop3A_757, %parallel_loop3A_758], %parallel_loop3A_761 {strides = array<i32>} : memref<200x128xf32, #tpu.memory_space<vmem>>, vector<1x16xf32>,
        %parallel_loop3A_762 = arith.index_cast %parallel_loop3A_731 : i32 to index
        %parallel_loop3A_763 = arith.constant 48 : index
        %parallel_loop3A_764 = tpu.vector_load %arg9[%parallel_loop3A_762, %parallel_loop3A_763] {strides = array<i32>} : memref<200x128xf32, #tpu.memory_space<vmem>>, vector<1x16xf32>,
        %parallel_loop3A_765 = vector.shape_cast %parallel_loop3A_764 : vector<1x16xf32> to vector<16xf32>
        %parallel_loop3A_766 = arith.subf %parallel_loop3A_765, %get3A_359 : vector<16xf32>
        %parallel_loop3A_767 = arith.index_cast %parallel_loop3A_731 : i32 to index
        %parallel_loop3A_768 = arith.constant 48 : index
        %parallel_loop3A_769 = tpu.vector_load %arg9[%parallel_loop3A_767, %parallel_loop3A_768] {strides = array<i32>} : memref<200x128xf32, #tpu.memory_space<vmem>>, vector<1x16xf32>,
        %parallel_loop3A_770 = vector.shape_cast %parallel_loop3A_769 : vector<1x16xf32> to vector<16xf32>
        %parallel_loop3A_771 = vector.shape_cast %parallel_loop3A_766 : vector<16xf32> to vector<1x16xf32>
        tpu.vector_store %arg9[%parallel_loop3A_767, %parallel_loop3A_768], %parallel_loop3A_771 {strides = array<i32>} : memref<200x128xf32, #tpu.memory_space<vmem>>, vector<1x16xf32>,
        %parallel_loop3A_772 = arith.index_cast %parallel_loop3A_731 : i32 to index
        %parallel_loop3A_773 = arith.constant 64 : index
        %parallel_loop3A_774 = tpu.vector_load %arg9[%parallel_loop3A_772, %parallel_loop3A_773] {strides = array<i32>} : memref<200x128xf32, #tpu.memory_space<vmem>>, vector<1x16xf32>,
        %parallel_loop3A_775 = vector.shape_cast %parallel_loop3A_774 : vector<1x16xf32> to vector<16xf32>
        %parallel_loop3A_776 = arith.subf %parallel_loop3A_775, %get3A_363 : vector<16xf32>
        %parallel_loop3A_777 = arith.index_cast %parallel_loop3A_731 : i32 to index
        %parallel_loop3A_778 = arith.constant 64 : index
        %parallel_loop3A_779 = tpu.vector_load %arg9[%parallel_loop3A_777, %parallel_loop3A_778] {strides = array<i32>} : memref<200x128xf32, #tpu.memory_space<vmem>>, vector<1x16xf32>,
        %parallel_loop3A_780 = vector.shape_cast %parallel_loop3A_779 : vector<1x16xf32> to vector<16xf32>
        %parallel_loop3A_781 = vector.shape_cast %parallel_loop3A_776 : vector<16xf32> to vector<1x16xf32>
        tpu.vector_store %arg9[%parallel_loop3A_777, %parallel_loop3A_778], %parallel_loop3A_781 {strides = array<i32>} : memref<200x128xf32, #tpu.memory_space<vmem>>, vector<1x16xf32>,
        %parallel_loop3A_782 = arith.index_cast %parallel_loop3A_731 : i32 to index
        %parallel_loop3A_783 = arith.constant 80 : index
        %parallel_loop3A_784 = tpu.vector_load %arg9[%parallel_loop3A_782, %parallel_loop3A_783] {strides = array<i32>} : memref<200x128xf32, #tpu.memory_space<vmem>>, vector<1x16xf32>,
        %parallel_loop3A_785 = vector.shape_cast %parallel_loop3A_784 : vector<1x16xf32> to vector<16xf32>
        %parallel_loop3A_786 = arith.subf %parallel_loop3A_785, %get3A_367 : vector<16xf32>
        %parallel_loop3A_787 = arith.index_cast %parallel_loop3A_731 : i32 to index
        %parallel_loop3A_788 = arith.constant 80 : index
        %parallel_loop3A_789 = tpu.vector_load %arg9[%parallel_loop3A_787, %parallel_loop3A_788] {strides = array<i32>} : memref<200x128xf32, #tpu.memory_space<vmem>>, vector<1x16xf32>,
        %parallel_loop3A_790 = vector.shape_cast %parallel_loop3A_789 : vector<1x16xf32> to vector<16xf32>
        %parallel_loop3A_791 = vector.shape_cast %parallel_loop3A_786 : vector<16xf32> to vector<1x16xf32>
        tpu.vector_store %arg9[%parallel_loop3A_787, %parallel_loop3A_788], %parallel_loop3A_791 {strides = array<i32>} : memref<200x128xf32, #tpu.memory_space<vmem>>, vector<1x16xf32>,
        %parallel_loop3A_792 = arith.index_cast %parallel_loop3A_731 : i32 to index
        %parallel_loop3A_793 = arith.constant 96 : index
        %parallel_loop3A_794 = tpu.vector_load %arg9[%parallel_loop3A_792, %parallel_loop3A_793] {strides = array<i32>} : memref<200x128xf32, #tpu.memory_space<vmem>>, vector<1x16xf32>,
        %parallel_loop3A_795 = vector.shape_cast %parallel_loop3A_794 : vector<1x16xf32> to vector<16xf32>
        %parallel_loop3A_796 = arith.subf %parallel_loop3A_795, %get3A_371 : vector<16xf32>
        %parallel_loop3A_797 = arith.index_cast %parallel_loop3A_731 : i32 to index
        %parallel_loop3A_798 = arith.constant 96 : index
        %parallel_loop3A_799 = tpu.vector_load %arg9[%parallel_loop3A_797, %parallel_loop3A_798] {strides = array<i32>} : memref<200x128xf32, #tpu.memory_space<vmem>>, vector<1x16xf32>,
        %parallel_loop3A_800 = vector.shape_cast %parallel_loop3A_799 : vector<1x16xf32> to vector<16xf32>
        %parallel_loop3A_801 = vector.shape_cast %parallel_loop3A_796 : vector<16xf32> to vector<1x16xf32>
        tpu.vector_store %arg9[%parallel_loop3A_797, %parallel_loop3A_798], %parallel_loop3A_801 {strides = array<i32>} : memref<200x128xf32, #tpu.memory_space<vmem>>, vector<1x16xf32>,
        %parallel_loop3A_802 = arith.index_cast %parallel_loop3A_731 : i32 to index
        %parallel_loop3A_803 = arith.constant 112 : index
        %parallel_loop3A_804 = tpu.vector_load %arg9[%parallel_loop3A_802, %parallel_loop3A_803] {strides = array<i32>} : memref<200x128xf32, #tpu.memory_space<vmem>>, vector<1x16xf32>,
        %parallel_loop3A_805 = vector.shape_cast %parallel_loop3A_804 : vector<1x16xf32> to vector<16xf32>
        %parallel_loop3A_806 = arith.subf %parallel_loop3A_805, %get3A_375 : vector<16xf32>
        %parallel_loop3A_807 = arith.index_cast %parallel_loop3A_731 : i32 to index
        %parallel_loop3A_808 = arith.constant 112 : index
        %parallel_loop3A_809 = tpu.vector_load %arg9[%parallel_loop3A_807, %parallel_loop3A_808] {strides = array<i32>} : memref<200x128xf32, #tpu.memory_space<vmem>>, vector<1x16xf32>,
        %parallel_loop3A_810 = vector.shape_cast %parallel_loop3A_809 : vector<1x16xf32> to vector<16xf32>
        %parallel_loop3A_811 = vector.shape_cast %parallel_loop3A_806 : vector<16xf32> to vector<1x16xf32>
        tpu.vector_store %arg9[%parallel_loop3A_807, %parallel_loop3A_808], %parallel_loop3A_811 {strides = array<i32>} : memref<200x128xf32, #tpu.memory_space<vmem>>, vector<1x16xf32>,
      } {sc.loop_unroll_factor = 2 : i64, sc.parallel_access}
      %add3A_379 = arith.constant 2 : i32
      %add3A_380 = arith.addi %add3A_34, %add3A_379 : i32
      %add3A_381 = arith.constant 2 : i32
      %add3A_382 = arith.addi %add3A_380, %add3A_381 : i32
      %lt3A_383 = arith.constant 32 : i32
      %lt3A_384 = arith.cmpi slt, %add3A_382, %lt3A_383 : i32
      %convert_element_type3A_385 = arith.extui %lt3A_384 : i1 to i32
      %cond3A_386 = arith.constant 0 : i32
      %cond3A_387 = arith.cmpi ne, %convert_element_type3A_385, %cond3A_386 : i32
      scf.if %cond3A_387 {
        %add3A_729 = arith.constant 2 : i32
        %add3A_730 = arith.addi %add3A_380, %add3A_729 : i32
        %dma_start3A_731 = arith.constant 0 : i32
        %dma_start3A_732 = arith.constant 0 : i32
        %dma_start3A_733 = arith.constant 0 : i32
        %dma_start3A_734 = tpu.memref_slice %arg8[%dma_start3A_732, %dma_start3A_733] : memref<200x128xf32, #tpu.memory_space<vmem>> -> memref<200x128xf32, #tpu.memory_space<vmem>>
        %dma_start3A_735 = arith.constant 0 : i32
        %dma_start3A_736 = tpu.memref_slice %arg6[%add3A_730, %dma_start3A_731, %dma_start3A_735] : memref<32x1x200xi32, #tpu.memory_space<vmem>> -> memref<1x1x200xi32, #tpu.memory_space<vmem>>
        %dma_start3A_737 = tpu.memref_squeeze %dma_start3A_736 : memref<1x1x200xi32, #tpu.memory_space<vmem>> -> memref<200xi32, #tpu.memory_space<vmem>>
        %dma_start3A_738 = arith.constant 0 : i32
        %dma_start3A_739 = arith.constant 0 : i32
        %dma_start3A_740 = tpu.memref_slice %arg2[%dma_start3A_738, %dma_start3A_739] : memref<100000x128xf32, #tpu.memory_space<hbm>> -> memref<100000x128xf32, #tpu.memory_space<hbm>>
        tpu.enqueue_indirect_dma source(%dma_start3A_740 : memref<100000x128xf32, #tpu.memory_space<hbm>>) target(%dma_start3A_734 : memref<200x128xf32, #tpu.memory_space<vmem>>) offsets(%dma_start3A_737 : memref<200xi32, #tpu.memory_space<vmem>>) semaphore(%arg12 : memref<!tpu.dma_semaphore, #tpu.memory_space<semaphore_mem>>)
      } else {
      }
      %dma_wait3A_388 = arith.constant 0 : i32
      %dma_wait3A_389 = arith.constant 0 : i32
      %dma_wait3A_390 = arith.constant 0 : i32
      %dma_wait3A_391 = tpu.memref_slice %arg10[%dma_wait3A_389, %dma_wait3A_390] : memref<200x128xf32, #tpu.memory_space<vmem>> -> memref<200x128xf32, #tpu.memory_space<vmem>>
      %dma_wait3A_392 = arith.constant 0 : i32
      %dma_wait3A_393 = tpu.memref_slice %arg6[%add3A_380, %dma_wait3A_388, %dma_wait3A_392] : memref<32x1x200xi32, #tpu.memory_space<vmem>> -> memref<1x1x200xi32, #tpu.memory_space<vmem>>
      %dma_wait3A_394 = tpu.memref_squeeze %dma_wait3A_393 : memref<1x1x200xi32, #tpu.memory_space<vmem>> -> memref<200xi32, #tpu.memory_space<vmem>>
      %dma_wait3A_395 = arith.constant 0 : i32
      %dma_wait3A_396 = arith.constant 0 : i32
      %dma_wait3A_397 = tpu.memref_slice %arg2[%dma_wait3A_395, %dma_wait3A_396] : memref<100000x128xf32, #tpu.memory_space<hbm>> -> memref<100000x128xf32, #tpu.memory_space<hbm>>
      tpu.wait_indirect_dma semaphore(%arg14 : memref<!tpu.dma_semaphore, #tpu.memory_space<semaphore_mem>>) src(%dma_wait3A_397 : memref<100000x128xf32, #tpu.memory_space<hbm>>) dst(%dma_wait3A_391 : memref<200x128xf32, #tpu.memory_space<vmem>>)
      %mul3A_398 = arith.constant 4 : i32
      %mul3A_399 = arith.muli %add3A_380, %mul3A_398 : i32
      %add3A_400 = arith.constant 0 : i32
      %add3A_401 = arith.addi %mul3A_399, %add3A_400 : i32
      %get3A_402 = arith.index_cast %add3A_401 : i32 to index
      %get3A_403 = arith.constant 0 : index
      %get3A_404 = tpu.vector_load %arg7[%get3A_402, %get3A_403] {strides = array<i32>} : memref<128x128xf32, #tpu.memory_space<vmem>>, vector<1x16xf32>,
      %get3A_405 = vector.shape_cast %get3A_404 : vector<1x16xf32> to vector<16xf32>
      %get3A_406 = arith.index_cast %add3A_401 : i32 to index
      %get3A_407 = arith.constant 16 : index
      %get3A_408 = tpu.vector_load %arg7[%get3A_406, %get3A_407] {strides = array<i32>} : memref<128x128xf32, #tpu.memory_space<vmem>>, vector<1x16xf32>,
      %get3A_409 = vector.shape_cast %get3A_408 : vector<1x16xf32> to vector<16xf32>
      %get3A_410 = arith.index_cast %add3A_401 : i32 to index
      %get3A_411 = arith.constant 32 : index
      %get3A_412 = tpu.vector_load %arg7[%get3A_410, %get3A_411] {strides = array<i32>} : memref<128x128xf32, #tpu.memory_space<vmem>>, vector<1x16xf32>,
      %get3A_413 = vector.shape_cast %get3A_412 : vector<1x16xf32> to vector<16xf32>
      %get3A_414 = arith.index_cast %add3A_401 : i32 to index
      %get3A_415 = arith.constant 48 : index
      %get3A_416 = tpu.vector_load %arg7[%get3A_414, %get3A_415] {strides = array<i32>} : memref<128x128xf32, #tpu.memory_space<vmem>>, vector<1x16xf32>,
      %get3A_417 = vector.shape_cast %get3A_416 : vector<1x16xf32> to vector<16xf32>
      %get3A_418 = arith.index_cast %add3A_401 : i32 to index
      %get3A_419 = arith.constant 64 : index
      %get3A_420 = tpu.vector_load %arg7[%get3A_418, %get3A_419] {strides = array<i32>} : memref<128x128xf32, #tpu.memory_space<vmem>>, vector<1x16xf32>,
      %get3A_421 = vector.shape_cast %get3A_420 : vector<1x16xf32> to vector<16xf32>
      %get3A_422 = arith.index_cast %add3A_401 : i32 to index
      %get3A_423 = arith.constant 80 : index
      %get3A_424 = tpu.vector_load %arg7[%get3A_422, %get3A_423] {strides = array<i32>} : memref<128x128xf32, #tpu.memory_space<vmem>>, vector<1x16xf32>,
      %get3A_425 = vector.shape_cast %get3A_424 : vector<1x16xf32> to vector<16xf32>
      %get3A_426 = arith.index_cast %add3A_401 : i32 to index
      %get3A_427 = arith.constant 96 : index
      %get3A_428 = tpu.vector_load %arg7[%get3A_426, %get3A_427] {strides = array<i32>} : memref<128x128xf32, #tpu.memory_space<vmem>>, vector<1x16xf32>,
      %get3A_429 = vector.shape_cast %get3A_428 : vector<1x16xf32> to vector<16xf32>
      %get3A_430 = arith.index_cast %add3A_401 : i32 to index
      %get3A_431 = arith.constant 112 : index
      %get3A_432 = tpu.vector_load %arg7[%get3A_430, %get3A_431] {strides = array<i32>} : memref<128x128xf32, #tpu.memory_space<vmem>>, vector<1x16xf32>,
      %get3A_433 = vector.shape_cast %get3A_432 : vector<1x16xf32> to vector<16xf32>
      %parallel_loop3A_434 = arith.constant 0 : i32
      %parallel_loop3A_435 = arith.constant 50 : i32
      %parallel_loop3A_436 = arith.constant 1 : i32
      scf.for %parallel_loop3A_729 = %parallel_loop3A_434 to %parallel_loop3A_435 step %parallel_loop3A_436  : i32 {
        %parallel_loop3A_730 = arith.constant 0 : i32
        %parallel_loop3A_731 = arith.addi %parallel_loop3A_730, %parallel_loop3A_729 : i32
        %parallel_loop3A_732 = arith.index_cast %parallel_loop3A_731 : i32 to index
        %parallel_loop3A_733 = arith.constant 0 : index
        %parallel_loop3A_734 = tpu.vector_load %arg10[%parallel_loop3A_732, %parallel_loop3A_733] {strides = array<i32>} : memref<200x128xf32, #tpu.memory_space<vmem>>, vector<1x16xf32>,
        %parallel_loop3A_735 = vector.shape_cast %parallel_loop3A_734 : vector<1x16xf32> to vector<16xf32>
        %parallel_loop3A_736 = arith.subf %parallel_loop3A_735, %get3A_405 : vector<16xf32>
        %parallel_loop3A_737 = arith.index_cast %parallel_loop3A_731 : i32 to index
        %parallel_loop3A_738 = arith.constant 0 : index
        %parallel_loop3A_739 = tpu.vector_load %arg10[%parallel_loop3A_737, %parallel_loop3A_738] {strides = array<i32>} : memref<200x128xf32, #tpu.memory_space<vmem>>, vector<1x16xf32>,
        %parallel_loop3A_740 = vector.shape_cast %parallel_loop3A_739 : vector<1x16xf32> to vector<16xf32>
        %parallel_loop3A_741 = vector.shape_cast %parallel_loop3A_736 : vector<16xf32> to vector<1x16xf32>
        tpu.vector_store %arg10[%parallel_loop3A_737, %parallel_loop3A_738], %parallel_loop3A_741 {strides = array<i32>} : memref<200x128xf32, #tpu.memory_space<vmem>>, vector<1x16xf32>,
        %parallel_loop3A_742 = arith.index_cast %parallel_loop3A_731 : i32 to index
        %parallel_loop3A_743 = arith.constant 16 : index
        %parallel_loop3A_744 = tpu.vector_load %arg10[%parallel_loop3A_742, %parallel_loop3A_743] {strides = array<i32>} : memref<200x128xf32, #tpu.memory_space<vmem>>, vector<1x16xf32>,
        %parallel_loop3A_745 = vector.shape_cast %parallel_loop3A_744 : vector<1x16xf32> to vector<16xf32>
        %parallel_loop3A_746 = arith.subf %parallel_loop3A_745, %get3A_409 : vector<16xf32>
        %parallel_loop3A_747 = arith.index_cast %parallel_loop3A_731 : i32 to index
        %parallel_loop3A_748 = arith.constant 16 : index
        %parallel_loop3A_749 = tpu.vector_load %arg10[%parallel_loop3A_747, %parallel_loop3A_748] {strides = array<i32>} : memref<200x128xf32, #tpu.memory_space<vmem>>, vector<1x16xf32>,
        %parallel_loop3A_750 = vector.shape_cast %parallel_loop3A_749 : vector<1x16xf32> to vector<16xf32>
        %parallel_loop3A_751 = vector.shape_cast %parallel_loop3A_746 : vector<16xf32> to vector<1x16xf32>
        tpu.vector_store %arg10[%parallel_loop3A_747, %parallel_loop3A_748], %parallel_loop3A_751 {strides = array<i32>} : memref<200x128xf32, #tpu.memory_space<vmem>>, vector<1x16xf32>,
        %parallel_loop3A_752 = arith.index_cast %parallel_loop3A_731 : i32 to index
        %parallel_loop3A_753 = arith.constant 32 : index
        %parallel_loop3A_754 = tpu.vector_load %arg10[%parallel_loop3A_752, %parallel_loop3A_753] {strides = array<i32>} : memref<200x128xf32, #tpu.memory_space<vmem>>, vector<1x16xf32>,
        %parallel_loop3A_755 = vector.shape_cast %parallel_loop3A_754 : vector<1x16xf32> to vector<16xf32>
        %parallel_loop3A_756 = arith.subf %parallel_loop3A_755, %get3A_413 : vector<16xf32>
        %parallel_loop3A_757 = arith.index_cast %parallel_loop3A_731 : i32 to index
        %parallel_loop3A_758 = arith.constant 32 : index
        %parallel_loop3A_759 = tpu.vector_load %arg10[%parallel_loop3A_757, %parallel_loop3A_758] {strides = array<i32>} : memref<200x128xf32, #tpu.memory_space<vmem>>, vector<1x16xf32>,
        %parallel_loop3A_760 = vector.shape_cast %parallel_loop3A_759 : vector<1x16xf32> to vector<16xf32>
        %parallel_loop3A_761 = vector.shape_cast %parallel_loop3A_756 : vector<16xf32> to vector<1x16xf32>
        tpu.vector_store %arg10[%parallel_loop3A_757, %parallel_loop3A_758], %parallel_loop3A_761 {strides = array<i32>} : memref<200x128xf32, #tpu.memory_space<vmem>>, vector<1x16xf32>,
        %parallel_loop3A_762 = arith.index_cast %parallel_loop3A_731 : i32 to index
        %parallel_loop3A_763 = arith.constant 48 : index
        %parallel_loop3A_764 = tpu.vector_load %arg10[%parallel_loop3A_762, %parallel_loop3A_763] {strides = array<i32>} : memref<200x128xf32, #tpu.memory_space<vmem>>, vector<1x16xf32>,
        %parallel_loop3A_765 = vector.shape_cast %parallel_loop3A_764 : vector<1x16xf32> to vector<16xf32>
        %parallel_loop3A_766 = arith.subf %parallel_loop3A_765, %get3A_417 : vector<16xf32>
        %parallel_loop3A_767 = arith.index_cast %parallel_loop3A_731 : i32 to index
        %parallel_loop3A_768 = arith.constant 48 : index
        %parallel_loop3A_769 = tpu.vector_load %arg10[%parallel_loop3A_767, %parallel_loop3A_768] {strides = array<i32>} : memref<200x128xf32, #tpu.memory_space<vmem>>, vector<1x16xf32>,
        %parallel_loop3A_770 = vector.shape_cast %parallel_loop3A_769 : vector<1x16xf32> to vector<16xf32>
        %parallel_loop3A_771 = vector.shape_cast %parallel_loop3A_766 : vector<16xf32> to vector<1x16xf32>
        tpu.vector_store %arg10[%parallel_loop3A_767, %parallel_loop3A_768], %parallel_loop3A_771 {strides = array<i32>} : memref<200x128xf32, #tpu.memory_space<vmem>>, vector<1x16xf32>,
        %parallel_loop3A_772 = arith.index_cast %parallel_loop3A_731 : i32 to index
        %parallel_loop3A_773 = arith.constant 64 : index
        %parallel_loop3A_774 = tpu.vector_load %arg10[%parallel_loop3A_772, %parallel_loop3A_773] {strides = array<i32>} : memref<200x128xf32, #tpu.memory_space<vmem>>, vector<1x16xf32>,
        %parallel_loop3A_775 = vector.shape_cast %parallel_loop3A_774 : vector<1x16xf32> to vector<16xf32>
        %parallel_loop3A_776 = arith.subf %parallel_loop3A_775, %get3A_421 : vector<16xf32>
        %parallel_loop3A_777 = arith.index_cast %parallel_loop3A_731 : i32 to index
        %parallel_loop3A_778 = arith.constant 64 : index
        %parallel_loop3A_779 = tpu.vector_load %arg10[%parallel_loop3A_777, %parallel_loop3A_778] {strides = array<i32>} : memref<200x128xf32, #tpu.memory_space<vmem>>, vector<1x16xf32>,
        %parallel_loop3A_780 = vector.shape_cast %parallel_loop3A_779 : vector<1x16xf32> to vector<16xf32>
        %parallel_loop3A_781 = vector.shape_cast %parallel_loop3A_776 : vector<16xf32> to vector<1x16xf32>
        tpu.vector_store %arg10[%parallel_loop3A_777, %parallel_loop3A_778], %parallel_loop3A_781 {strides = array<i32>} : memref<200x128xf32, #tpu.memory_space<vmem>>, vector<1x16xf32>,
        %parallel_loop3A_782 = arith.index_cast %parallel_loop3A_731 : i32 to index
        %parallel_loop3A_783 = arith.constant 80 : index
        %parallel_loop3A_784 = tpu.vector_load %arg10[%parallel_loop3A_782, %parallel_loop3A_783] {strides = array<i32>} : memref<200x128xf32, #tpu.memory_space<vmem>>, vector<1x16xf32>,
        %parallel_loop3A_785 = vector.shape_cast %parallel_loop3A_784 : vector<1x16xf32> to vector<16xf32>
        %parallel_loop3A_786 = arith.subf %parallel_loop3A_785, %get3A_425 : vector<16xf32>
        %parallel_loop3A_787 = arith.index_cast %parallel_loop3A_731 : i32 to index
        %parallel_loop3A_788 = arith.constant 80 : index
        %parallel_loop3A_789 = tpu.vector_load %arg10[%parallel_loop3A_787, %parallel_loop3A_788] {strides = array<i32>} : memref<200x128xf32, #tpu.memory_space<vmem>>, vector<1x16xf32>,
        %parallel_loop3A_790 = vector.shape_cast %parallel_loop3A_789 : vector<1x16xf32> to vector<16xf32>
        %parallel_loop3A_791 = vector.shape_cast %parallel_loop3A_786 : vector<16xf32> to vector<1x16xf32>
        tpu.vector_store %arg10[%parallel_loop3A_787, %parallel_loop3A_788], %parallel_loop3A_791 {strides = array<i32>} : memref<200x128xf32, #tpu.memory_space<vmem>>, vector<1x16xf32>,
        %parallel_loop3A_792 = arith.index_cast %parallel_loop3A_731 : i32 to index
        %parallel_loop3A_793 = arith.constant 96 : index
        %parallel_loop3A_794 = tpu.vector_load %arg10[%parallel_loop3A_792, %parallel_loop3A_793] {strides = array<i32>} : memref<200x128xf32, #tpu.memory_space<vmem>>, vector<1x16xf32>,
        %parallel_loop3A_795 = vector.shape_cast %parallel_loop3A_794 : vector<1x16xf32> to vector<16xf32>
        %parallel_loop3A_796 = arith.subf %parallel_loop3A_795, %get3A_429 : vector<16xf32>
        %parallel_loop3A_797 = arith.index_cast %parallel_loop3A_731 : i32 to index
        %parallel_loop3A_798 = arith.constant 96 : index
        %parallel_loop3A_799 = tpu.vector_load %arg10[%parallel_loop3A_797, %parallel_loop3A_798] {strides = array<i32>} : memref<200x128xf32, #tpu.memory_space<vmem>>, vector<1x16xf32>,
        %parallel_loop3A_800 = vector.shape_cast %parallel_loop3A_799 : vector<1x16xf32> to vector<16xf32>
        %parallel_loop3A_801 = vector.shape_cast %parallel_loop3A_796 : vector<16xf32> to vector<1x16xf32>
        tpu.vector_store %arg10[%parallel_loop3A_797, %parallel_loop3A_798], %parallel_loop3A_801 {strides = array<i32>} : memref<200x128xf32, #tpu.memory_space<vmem>>, vector<1x16xf32>,
        %parallel_loop3A_802 = arith.index_cast %parallel_loop3A_731 : i32 to index
        %parallel_loop3A_803 = arith.constant 112 : index
        %parallel_loop3A_804 = tpu.vector_load %arg10[%parallel_loop3A_802, %parallel_loop3A_803] {strides = array<i32>} : memref<200x128xf32, #tpu.memory_space<vmem>>, vector<1x16xf32>,
        %parallel_loop3A_805 = vector.shape_cast %parallel_loop3A_804 : vector<1x16xf32> to vector<16xf32>
        %parallel_loop3A_806 = arith.subf %parallel_loop3A_805, %get3A_433 : vector<16xf32>
        %parallel_loop3A_807 = arith.index_cast %parallel_loop3A_731 : i32 to index
        %parallel_loop3A_808 = arith.constant 112 : index
        %parallel_loop3A_809 = tpu.vector_load %arg10[%parallel_loop3A_807, %parallel_loop3A_808] {strides = array<i32>} : memref<200x128xf32, #tpu.memory_space<vmem>>, vector<1x16xf32>,
        %parallel_loop3A_810 = vector.shape_cast %parallel_loop3A_809 : vector<1x16xf32> to vector<16xf32>
        %parallel_loop3A_811 = vector.shape_cast %parallel_loop3A_806 : vector<16xf32> to vector<1x16xf32>
        tpu.vector_store %arg10[%parallel_loop3A_807, %parallel_loop3A_808], %parallel_loop3A_811 {strides = array<i32>} : memref<200x128xf32, #tpu.memory_space<vmem>>, vector<1x16xf32>,
      } {sc.loop_unroll_factor = 2 : i64, sc.parallel_access}
      %mul3A_437 = arith.constant 4 : i32
      %mul3A_438 = arith.muli %add3A_380, %mul3A_437 : i32
      %add3A_439 = arith.constant 1 : i32
      %add3A_440 = arith.addi %mul3A_438, %add3A_439 : i32
      %get3A_441 = arith.index_cast %add3A_440 : i32 to index
      %get3A_442 = arith.constant 0 : index
      %get3A_443 = tpu.vector_load %arg7[%get3A_441, %get3A_442] {strides = array<i32>} : memref<128x128xf32, #tpu.memory_space<vmem>>, vector<1x16xf32>,
      %get3A_444 = vector.shape_cast %get3A_443 : vector<1x16xf32> to vector<16xf32>
      %get3A_445 = arith.index_cast %add3A_440 : i32 to index
      %get3A_446 = arith.constant 16 : index
      %get3A_447 = tpu.vector_load %arg7[%get3A_445, %get3A_446] {strides = array<i32>} : memref<128x128xf32, #tpu.memory_space<vmem>>, vector<1x16xf32>,
      %get3A_448 = vector.shape_cast %get3A_447 : vector<1x16xf32> to vector<16xf32>
      %get3A_449 = arith.index_cast %add3A_440 : i32 to index
      %get3A_450 = arith.constant 32 : index
      %get3A_451 = tpu.vector_load %arg7[%get3A_449, %get3A_450] {strides = array<i32>} : memref<128x128xf32, #tpu.memory_space<vmem>>, vector<1x16xf32>,
      %get3A_452 = vector.shape_cast %get3A_451 : vector<1x16xf32> to vector<16xf32>
      %get3A_453 = arith.index_cast %add3A_440 : i32 to index
      %get3A_454 = arith.constant 48 : index
      %get3A_455 = tpu.vector_load %arg7[%get3A_453, %get3A_454] {strides = array<i32>} : memref<128x128xf32, #tpu.memory_space<vmem>>, vector<1x16xf32>,
      %get3A_456 = vector.shape_cast %get3A_455 : vector<1x16xf32> to vector<16xf32>
      %get3A_457 = arith.index_cast %add3A_440 : i32 to index
      %get3A_458 = arith.constant 64 : index
      %get3A_459 = tpu.vector_load %arg7[%get3A_457, %get3A_458] {strides = array<i32>} : memref<128x128xf32, #tpu.memory_space<vmem>>, vector<1x16xf32>,
      %get3A_460 = vector.shape_cast %get3A_459 : vector<1x16xf32> to vector<16xf32>
      %get3A_461 = arith.index_cast %add3A_440 : i32 to index
      %get3A_462 = arith.constant 80 : index
      %get3A_463 = tpu.vector_load %arg7[%get3A_461, %get3A_462] {strides = array<i32>} : memref<128x128xf32, #tpu.memory_space<vmem>>, vector<1x16xf32>,
      %get3A_464 = vector.shape_cast %get3A_463 : vector<1x16xf32> to vector<16xf32>
      %get3A_465 = arith.index_cast %add3A_440 : i32 to index
      %get3A_466 = arith.constant 96 : index
      %get3A_467 = tpu.vector_load %arg7[%get3A_465, %get3A_466] {strides = array<i32>} : memref<128x128xf32, #tpu.memory_space<vmem>>, vector<1x16xf32>,
      %get3A_468 = vector.shape_cast %get3A_467 : vector<1x16xf32> to vector<16xf32>
      %get3A_469 = arith.index_cast %add3A_440 : i32 to index
      %get3A_470 = arith.constant 112 : index
      %get3A_471 = tpu.vector_load %arg7[%get3A_469, %get3A_470] {strides = array<i32>} : memref<128x128xf32, #tpu.memory_space<vmem>>, vector<1x16xf32>,
      %get3A_472 = vector.shape_cast %get3A_471 : vector<1x16xf32> to vector<16xf32>
      %parallel_loop3A_473 = arith.constant 0 : i32
      %parallel_loop3A_474 = arith.constant 50 : i32
      %parallel_loop3A_475 = arith.constant 1 : i32
      scf.for %parallel_loop3A_729 = %parallel_loop3A_473 to %parallel_loop3A_474 step %parallel_loop3A_475  : i32 {
        %parallel_loop3A_730 = arith.constant 50 : i32
        %parallel_loop3A_731 = arith.addi %parallel_loop3A_730, %parallel_loop3A_729 : i32
        %parallel_loop3A_732 = arith.index_cast %parallel_loop3A_731 : i32 to index
        %parallel_loop3A_733 = arith.constant 0 : index
        %parallel_loop3A_734 = tpu.vector_load %arg10[%parallel_loop3A_732, %parallel_loop3A_733] {strides = array<i32>} : memref<200x128xf32, #tpu.memory_space<vmem>>, vector<1x16xf32>,
        %parallel_loop3A_735 = vector.shape_cast %parallel_loop3A_734 : vector<1x16xf32> to vector<16xf32>
        %parallel_loop3A_736 = arith.subf %parallel_loop3A_735, %get3A_444 : vector<16xf32>
        %parallel_loop3A_737 = arith.index_cast %parallel_loop3A_731 : i32 to index
        %parallel_loop3A_738 = arith.constant 0 : index
        %parallel_loop3A_739 = tpu.vector_load %arg10[%parallel_loop3A_737, %parallel_loop3A_738] {strides = array<i32>} : memref<200x128xf32, #tpu.memory_space<vmem>>, vector<1x16xf32>,
        %parallel_loop3A_740 = vector.shape_cast %parallel_loop3A_739 : vector<1x16xf32> to vector<16xf32>
        %parallel_loop3A_741 = vector.shape_cast %parallel_loop3A_736 : vector<16xf32> to vector<1x16xf32>
        tpu.vector_store %arg10[%parallel_loop3A_737, %parallel_loop3A_738], %parallel_loop3A_741 {strides = array<i32>} : memref<200x128xf32, #tpu.memory_space<vmem>>, vector<1x16xf32>,
        %parallel_loop3A_742 = arith.index_cast %parallel_loop3A_731 : i32 to index
        %parallel_loop3A_743 = arith.constant 16 : index
        %parallel_loop3A_744 = tpu.vector_load %arg10[%parallel_loop3A_742, %parallel_loop3A_743] {strides = array<i32>} : memref<200x128xf32, #tpu.memory_space<vmem>>, vector<1x16xf32>,
        %parallel_loop3A_745 = vector.shape_cast %parallel_loop3A_744 : vector<1x16xf32> to vector<16xf32>
        %parallel_loop3A_746 = arith.subf %parallel_loop3A_745, %get3A_448 : vector<16xf32>
        %parallel_loop3A_747 = arith.index_cast %parallel_loop3A_731 : i32 to index
        %parallel_loop3A_748 = arith.constant 16 : index
        %parallel_loop3A_749 = tpu.vector_load %arg10[%parallel_loop3A_747, %parallel_loop3A_748] {strides = array<i32>} : memref<200x128xf32, #tpu.memory_space<vmem>>, vector<1x16xf32>,
        %parallel_loop3A_750 = vector.shape_cast %parallel_loop3A_749 : vector<1x16xf32> to vector<16xf32>
        %parallel_loop3A_751 = vector.shape_cast %parallel_loop3A_746 : vector<16xf32> to vector<1x16xf32>
        tpu.vector_store %arg10[%parallel_loop3A_747, %parallel_loop3A_748], %parallel_loop3A_751 {strides = array<i32>} : memref<200x128xf32, #tpu.memory_space<vmem>>, vector<1x16xf32>,
        %parallel_loop3A_752 = arith.index_cast %parallel_loop3A_731 : i32 to index
        %parallel_loop3A_753 = arith.constant 32 : index
        %parallel_loop3A_754 = tpu.vector_load %arg10[%parallel_loop3A_752, %parallel_loop3A_753] {strides = array<i32>} : memref<200x128xf32, #tpu.memory_space<vmem>>, vector<1x16xf32>,
        %parallel_loop3A_755 = vector.shape_cast %parallel_loop3A_754 : vector<1x16xf32> to vector<16xf32>
        %parallel_loop3A_756 = arith.subf %parallel_loop3A_755, %get3A_452 : vector<16xf32>
        %parallel_loop3A_757 = arith.index_cast %parallel_loop3A_731 : i32 to index
        %parallel_loop3A_758 = arith.constant 32 : index
        %parallel_loop3A_759 = tpu.vector_load %arg10[%parallel_loop3A_757, %parallel_loop3A_758] {strides = array<i32>} : memref<200x128xf32, #tpu.memory_space<vmem>>, vector<1x16xf32>,
        %parallel_loop3A_760 = vector.shape_cast %parallel_loop3A_759 : vector<1x16xf32> to vector<16xf32>
        %parallel_loop3A_761 = vector.shape_cast %parallel_loop3A_756 : vector<16xf32> to vector<1x16xf32>
        tpu.vector_store %arg10[%parallel_loop3A_757, %parallel_loop3A_758], %parallel_loop3A_761 {strides = array<i32>} : memref<200x128xf32, #tpu.memory_space<vmem>>, vector<1x16xf32>,
        %parallel_loop3A_762 = arith.index_cast %parallel_loop3A_731 : i32 to index
        %parallel_loop3A_763 = arith.constant 48 : index
        %parallel_loop3A_764 = tpu.vector_load %arg10[%parallel_loop3A_762, %parallel_loop3A_763] {strides = array<i32>} : memref<200x128xf32, #tpu.memory_space<vmem>>, vector<1x16xf32>,
        %parallel_loop3A_765 = vector.shape_cast %parallel_loop3A_764 : vector<1x16xf32> to vector<16xf32>
        %parallel_loop3A_766 = arith.subf %parallel_loop3A_765, %get3A_456 : vector<16xf32>
        %parallel_loop3A_767 = arith.index_cast %parallel_loop3A_731 : i32 to index
        %parallel_loop3A_768 = arith.constant 48 : index
        %parallel_loop3A_769 = tpu.vector_load %arg10[%parallel_loop3A_767, %parallel_loop3A_768] {strides = array<i32>} : memref<200x128xf32, #tpu.memory_space<vmem>>, vector<1x16xf32>,
        %parallel_loop3A_770 = vector.shape_cast %parallel_loop3A_769 : vector<1x16xf32> to vector<16xf32>
        %parallel_loop3A_771 = vector.shape_cast %parallel_loop3A_766 : vector<16xf32> to vector<1x16xf32>
        tpu.vector_store %arg10[%parallel_loop3A_767, %parallel_loop3A_768], %parallel_loop3A_771 {strides = array<i32>} : memref<200x128xf32, #tpu.memory_space<vmem>>, vector<1x16xf32>,
        %parallel_loop3A_772 = arith.index_cast %parallel_loop3A_731 : i32 to index
        %parallel_loop3A_773 = arith.constant 64 : index
        %parallel_loop3A_774 = tpu.vector_load %arg10[%parallel_loop3A_772, %parallel_loop3A_773] {strides = array<i32>} : memref<200x128xf32, #tpu.memory_space<vmem>>, vector<1x16xf32>,
        %parallel_loop3A_775 = vector.shape_cast %parallel_loop3A_774 : vector<1x16xf32> to vector<16xf32>
        %parallel_loop3A_776 = arith.subf %parallel_loop3A_775, %get3A_460 : vector<16xf32>
        %parallel_loop3A_777 = arith.index_cast %parallel_loop3A_731 : i32 to index
        %parallel_loop3A_778 = arith.constant 64 : index
        %parallel_loop3A_779 = tpu.vector_load %arg10[%parallel_loop3A_777, %parallel_loop3A_778] {strides = array<i32>} : memref<200x128xf32, #tpu.memory_space<vmem>>, vector<1x16xf32>,
        %parallel_loop3A_780 = vector.shape_cast %parallel_loop3A_779 : vector<1x16xf32> to vector<16xf32>
        %parallel_loop3A_781 = vector.shape_cast %parallel_loop3A_776 : vector<16xf32> to vector<1x16xf32>
        tpu.vector_store %arg10[%parallel_loop3A_777, %parallel_loop3A_778], %parallel_loop3A_781 {strides = array<i32>} : memref<200x128xf32, #tpu.memory_space<vmem>>, vector<1x16xf32>,
        %parallel_loop3A_782 = arith.index_cast %parallel_loop3A_731 : i32 to index
        %parallel_loop3A_783 = arith.constant 80 : index
        %parallel_loop3A_784 = tpu.vector_load %arg10[%parallel_loop3A_782, %parallel_loop3A_783] {strides = array<i32>} : memref<200x128xf32, #tpu.memory_space<vmem>>, vector<1x16xf32>,
        %parallel_loop3A_785 = vector.shape_cast %parallel_loop3A_784 : vector<1x16xf32> to vector<16xf32>
        %parallel_loop3A_786 = arith.subf %parallel_loop3A_785, %get3A_464 : vector<16xf32>
        %parallel_loop3A_787 = arith.index_cast %parallel_loop3A_731 : i32 to index
        %parallel_loop3A_788 = arith.constant 80 : index
        %parallel_loop3A_789 = tpu.vector_load %arg10[%parallel_loop3A_787, %parallel_loop3A_788] {strides = array<i32>} : memref<200x128xf32, #tpu.memory_space<vmem>>, vector<1x16xf32>,
        %parallel_loop3A_790 = vector.shape_cast %parallel_loop3A_789 : vector<1x16xf32> to vector<16xf32>
        %parallel_loop3A_791 = vector.shape_cast %parallel_loop3A_786 : vector<16xf32> to vector<1x16xf32>
        tpu.vector_store %arg10[%parallel_loop3A_787, %parallel_loop3A_788], %parallel_loop3A_791 {strides = array<i32>} : memref<200x128xf32, #tpu.memory_space<vmem>>, vector<1x16xf32>,
        %parallel_loop3A_792 = arith.index_cast %parallel_loop3A_731 : i32 to index
        %parallel_loop3A_793 = arith.constant 96 : index
        %parallel_loop3A_794 = tpu.vector_load %arg10[%parallel_loop3A_792, %parallel_loop3A_793] {strides = array<i32>} : memref<200x128xf32, #tpu.memory_space<vmem>>, vector<1x16xf32>,
        %parallel_loop3A_795 = vector.shape_cast %parallel_loop3A_794 : vector<1x16xf32> to vector<16xf32>
        %parallel_loop3A_796 = arith.subf %parallel_loop3A_795, %get3A_468 : vector<16xf32>
        %parallel_loop3A_797 = arith.index_cast %parallel_loop3A_731 : i32 to index
        %parallel_loop3A_798 = arith.constant 96 : index
        %parallel_loop3A_799 = tpu.vector_load %arg10[%parallel_loop3A_797, %parallel_loop3A_798] {strides = array<i32>} : memref<200x128xf32, #tpu.memory_space<vmem>>, vector<1x16xf32>,
        %parallel_loop3A_800 = vector.shape_cast %parallel_loop3A_799 : vector<1x16xf32> to vector<16xf32>
        %parallel_loop3A_801 = vector.shape_cast %parallel_loop3A_796 : vector<16xf32> to vector<1x16xf32>
        tpu.vector_store %arg10[%parallel_loop3A_797, %parallel_loop3A_798], %parallel_loop3A_801 {strides = array<i32>} : memref<200x128xf32, #tpu.memory_space<vmem>>, vector<1x16xf32>,
        %parallel_loop3A_802 = arith.index_cast %parallel_loop3A_731 : i32 to index
        %parallel_loop3A_803 = arith.constant 112 : index
        %parallel_loop3A_804 = tpu.vector_load %arg10[%parallel_loop3A_802, %parallel_loop3A_803] {strides = array<i32>} : memref<200x128xf32, #tpu.memory_space<vmem>>, vector<1x16xf32>,
        %parallel_loop3A_805 = vector.shape_cast %parallel_loop3A_804 : vector<1x16xf32> to vector<16xf32>
        %parallel_loop3A_806 = arith.subf %parallel_loop3A_805, %get3A_472 : vector<16xf32>
        %parallel_loop3A_807 = arith.index_cast %parallel_loop3A_731 : i32 to index
        %parallel_loop3A_808 = arith.constant 112 : index
        %parallel_loop3A_809 = tpu.vector_load %arg10[%parallel_loop3A_807, %parallel_loop3A_808] {strides = array<i32>} : memref<200x128xf32, #tpu.memory_space<vmem>>, vector<1x16xf32>,
        %parallel_loop3A_810 = vector.shape_cast %parallel_loop3A_809 : vector<1x16xf32> to vector<16xf32>
        %parallel_loop3A_811 = vector.shape_cast %parallel_loop3A_806 : vector<16xf32> to vector<1x16xf32>
        tpu.vector_store %arg10[%parallel_loop3A_807, %parallel_loop3A_808], %parallel_loop3A_811 {strides = array<i32>} : memref<200x128xf32, #tpu.memory_space<vmem>>, vector<1x16xf32>,
      } {sc.loop_unroll_factor = 2 : i64, sc.parallel_access}
      %mul3A_476 = arith.constant 4 : i32
      %mul3A_477 = arith.muli %add3A_380, %mul3A_476 : i32
      %add3A_478 = arith.constant 2 : i32
      %add3A_479 = arith.addi %mul3A_477, %add3A_478 : i32
      %get3A_480 = arith.index_cast %add3A_479 : i32 to index
      %get3A_481 = arith.constant 0 : index
      %get3A_482 = tpu.vector_load %arg7[%get3A_480, %get3A_481] {strides = array<i32>} : memref<128x128xf32, #tpu.memory_space<vmem>>, vector<1x16xf32>,
      %get3A_483 = vector.shape_cast %get3A_482 : vector<1x16xf32> to vector<16xf32>
      %get3A_484 = arith.index_cast %add3A_479 : i32 to index
      %get3A_485 = arith.constant 16 : index
      %get3A_486 = tpu.vector_load %arg7[%get3A_484, %get3A_485] {strides = array<i32>} : memref<128x128xf32, #tpu.memory_space<vmem>>, vector<1x16xf32>,
      %get3A_487 = vector.shape_cast %get3A_486 : vector<1x16xf32> to vector<16xf32>
      %get3A_488 = arith.index_cast %add3A_479 : i32 to index
      %get3A_489 = arith.constant 32 : index
      %get3A_490 = tpu.vector_load %arg7[%get3A_488, %get3A_489] {strides = array<i32>} : memref<128x128xf32, #tpu.memory_space<vmem>>, vector<1x16xf32>,
      %get3A_491 = vector.shape_cast %get3A_490 : vector<1x16xf32> to vector<16xf32>
      %get3A_492 = arith.index_cast %add3A_479 : i32 to index
      %get3A_493 = arith.constant 48 : index
      %get3A_494 = tpu.vector_load %arg7[%get3A_492, %get3A_493] {strides = array<i32>} : memref<128x128xf32, #tpu.memory_space<vmem>>, vector<1x16xf32>,
      %get3A_495 = vector.shape_cast %get3A_494 : vector<1x16xf32> to vector<16xf32>
      %get3A_496 = arith.index_cast %add3A_479 : i32 to index
      %get3A_497 = arith.constant 64 : index
      %get3A_498 = tpu.vector_load %arg7[%get3A_496, %get3A_497] {strides = array<i32>} : memref<128x128xf32, #tpu.memory_space<vmem>>, vector<1x16xf32>,
      %get3A_499 = vector.shape_cast %get3A_498 : vector<1x16xf32> to vector<16xf32>
      %get3A_500 = arith.index_cast %add3A_479 : i32 to index
      %get3A_501 = arith.constant 80 : index
      %get3A_502 = tpu.vector_load %arg7[%get3A_500, %get3A_501] {strides = array<i32>} : memref<128x128xf32, #tpu.memory_space<vmem>>, vector<1x16xf32>,
      %get3A_503 = vector.shape_cast %get3A_502 : vector<1x16xf32> to vector<16xf32>
      %get3A_504 = arith.index_cast %add3A_479 : i32 to index
      %get3A_505 = arith.constant 96 : index
      %get3A_506 = tpu.vector_load %arg7[%get3A_504, %get3A_505] {strides = array<i32>} : memref<128x128xf32, #tpu.memory_space<vmem>>, vector<1x16xf32>,
      %get3A_507 = vector.shape_cast %get3A_506 : vector<1x16xf32> to vector<16xf32>
      %get3A_508 = arith.index_cast %add3A_479 : i32 to index
      %get3A_509 = arith.constant 112 : index
      %get3A_510 = tpu.vector_load %arg7[%get3A_508, %get3A_509] {strides = array<i32>} : memref<128x128xf32, #tpu.memory_space<vmem>>, vector<1x16xf32>,
      %get3A_511 = vector.shape_cast %get3A_510 : vector<1x16xf32> to vector<16xf32>
      %parallel_loop3A_512 = arith.constant 0 : i32
      %parallel_loop3A_513 = arith.constant 50 : i32
      %parallel_loop3A_514 = arith.constant 1 : i32
      scf.for %parallel_loop3A_729 = %parallel_loop3A_512 to %parallel_loop3A_513 step %parallel_loop3A_514  : i32 {
        %parallel_loop3A_730 = arith.constant 100 : i32
        %parallel_loop3A_731 = arith.addi %parallel_loop3A_730, %parallel_loop3A_729 : i32
        %parallel_loop3A_732 = arith.index_cast %parallel_loop3A_731 : i32 to index
        %parallel_loop3A_733 = arith.constant 0 : index
        %parallel_loop3A_734 = tpu.vector_load %arg10[%parallel_loop3A_732, %parallel_loop3A_733] {strides = array<i32>} : memref<200x128xf32, #tpu.memory_space<vmem>>, vector<1x16xf32>,
        %parallel_loop3A_735 = vector.shape_cast %parallel_loop3A_734 : vector<1x16xf32> to vector<16xf32>
        %parallel_loop3A_736 = arith.subf %parallel_loop3A_735, %get3A_483 : vector<16xf32>
        %parallel_loop3A_737 = arith.index_cast %parallel_loop3A_731 : i32 to index
        %parallel_loop3A_738 = arith.constant 0 : index
        %parallel_loop3A_739 = tpu.vector_load %arg10[%parallel_loop3A_737, %parallel_loop3A_738] {strides = array<i32>} : memref<200x128xf32, #tpu.memory_space<vmem>>, vector<1x16xf32>,
        %parallel_loop3A_740 = vector.shape_cast %parallel_loop3A_739 : vector<1x16xf32> to vector<16xf32>
        %parallel_loop3A_741 = vector.shape_cast %parallel_loop3A_736 : vector<16xf32> to vector<1x16xf32>
        tpu.vector_store %arg10[%parallel_loop3A_737, %parallel_loop3A_738], %parallel_loop3A_741 {strides = array<i32>} : memref<200x128xf32, #tpu.memory_space<vmem>>, vector<1x16xf32>,
        %parallel_loop3A_742 = arith.index_cast %parallel_loop3A_731 : i32 to index
        %parallel_loop3A_743 = arith.constant 16 : index
        %parallel_loop3A_744 = tpu.vector_load %arg10[%parallel_loop3A_742, %parallel_loop3A_743] {strides = array<i32>} : memref<200x128xf32, #tpu.memory_space<vmem>>, vector<1x16xf32>,
        %parallel_loop3A_745 = vector.shape_cast %parallel_loop3A_744 : vector<1x16xf32> to vector<16xf32>
        %parallel_loop3A_746 = arith.subf %parallel_loop3A_745, %get3A_487 : vector<16xf32>
        %parallel_loop3A_747 = arith.index_cast %parallel_loop3A_731 : i32 to index
        %parallel_loop3A_748 = arith.constant 16 : index
        %parallel_loop3A_749 = tpu.vector_load %arg10[%parallel_loop3A_747, %parallel_loop3A_748] {strides = array<i32>} : memref<200x128xf32, #tpu.memory_space<vmem>>, vector<1x16xf32>,
        %parallel_loop3A_750 = vector.shape_cast %parallel_loop3A_749 : vector<1x16xf32> to vector<16xf32>
        %parallel_loop3A_751 = vector.shape_cast %parallel_loop3A_746 : vector<16xf32> to vector<1x16xf32>
        tpu.vector_store %arg10[%parallel_loop3A_747, %parallel_loop3A_748], %parallel_loop3A_751 {strides = array<i32>} : memref<200x128xf32, #tpu.memory_space<vmem>>, vector<1x16xf32>,
        %parallel_loop3A_752 = arith.index_cast %parallel_loop3A_731 : i32 to index
        %parallel_loop3A_753 = arith.constant 32 : index
        %parallel_loop3A_754 = tpu.vector_load %arg10[%parallel_loop3A_752, %parallel_loop3A_753] {strides = array<i32>} : memref<200x128xf32, #tpu.memory_space<vmem>>, vector<1x16xf32>,
        %parallel_loop3A_755 = vector.shape_cast %parallel_loop3A_754 : vector<1x16xf32> to vector<16xf32>
        %parallel_loop3A_756 = arith.subf %parallel_loop3A_755, %get3A_491 : vector<16xf32>
        %parallel_loop3A_757 = arith.index_cast %parallel_loop3A_731 : i32 to index
        %parallel_loop3A_758 = arith.constant 32 : index
        %parallel_loop3A_759 = tpu.vector_load %arg10[%parallel_loop3A_757, %parallel_loop3A_758] {strides = array<i32>} : memref<200x128xf32, #tpu.memory_space<vmem>>, vector<1x16xf32>,
        %parallel_loop3A_760 = vector.shape_cast %parallel_loop3A_759 : vector<1x16xf32> to vector<16xf32>
        %parallel_loop3A_761 = vector.shape_cast %parallel_loop3A_756 : vector<16xf32> to vector<1x16xf32>
        tpu.vector_store %arg10[%parallel_loop3A_757, %parallel_loop3A_758], %parallel_loop3A_761 {strides = array<i32>} : memref<200x128xf32, #tpu.memory_space<vmem>>, vector<1x16xf32>,
        %parallel_loop3A_762 = arith.index_cast %parallel_loop3A_731 : i32 to index
        %parallel_loop3A_763 = arith.constant 48 : index
        %parallel_loop3A_764 = tpu.vector_load %arg10[%parallel_loop3A_762, %parallel_loop3A_763] {strides = array<i32>} : memref<200x128xf32, #tpu.memory_space<vmem>>, vector<1x16xf32>,
        %parallel_loop3A_765 = vector.shape_cast %parallel_loop3A_764 : vector<1x16xf32> to vector<16xf32>
        %parallel_loop3A_766 = arith.subf %parallel_loop3A_765, %get3A_495 : vector<16xf32>
        %parallel_loop3A_767 = arith.index_cast %parallel_loop3A_731 : i32 to index
        %parallel_loop3A_768 = arith.constant 48 : index
        %parallel_loop3A_769 = tpu.vector_load %arg10[%parallel_loop3A_767, %parallel_loop3A_768] {strides = array<i32>} : memref<200x128xf32, #tpu.memory_space<vmem>>, vector<1x16xf32>,
        %parallel_loop3A_770 = vector.shape_cast %parallel_loop3A_769 : vector<1x16xf32> to vector<16xf32>
        %parallel_loop3A_771 = vector.shape_cast %parallel_loop3A_766 : vector<16xf32> to vector<1x16xf32>
        tpu.vector_store %arg10[%parallel_loop3A_767, %parallel_loop3A_768], %parallel_loop3A_771 {strides = array<i32>} : memref<200x128xf32, #tpu.memory_space<vmem>>, vector<1x16xf32>,
        %parallel_loop3A_772 = arith.index_cast %parallel_loop3A_731 : i32 to index
        %parallel_loop3A_773 = arith.constant 64 : index
        %parallel_loop3A_774 = tpu.vector_load %arg10[%parallel_loop3A_772, %parallel_loop3A_773] {strides = array<i32>} : memref<200x128xf32, #tpu.memory_space<vmem>>, vector<1x16xf32>,
        %parallel_loop3A_775 = vector.shape_cast %parallel_loop3A_774 : vector<1x16xf32> to vector<16xf32>
        %parallel_loop3A_776 = arith.subf %parallel_loop3A_775, %get3A_499 : vector<16xf32>
        %parallel_loop3A_777 = arith.index_cast %parallel_loop3A_731 : i32 to index
        %parallel_loop3A_778 = arith.constant 64 : index
        %parallel_loop3A_779 = tpu.vector_load %arg10[%parallel_loop3A_777, %parallel_loop3A_778] {strides = array<i32>} : memref<200x128xf32, #tpu.memory_space<vmem>>, vector<1x16xf32>,
        %parallel_loop3A_780 = vector.shape_cast %parallel_loop3A_779 : vector<1x16xf32> to vector<16xf32>
        %parallel_loop3A_781 = vector.shape_cast %parallel_loop3A_776 : vector<16xf32> to vector<1x16xf32>
        tpu.vector_store %arg10[%parallel_loop3A_777, %parallel_loop3A_778], %parallel_loop3A_781 {strides = array<i32>} : memref<200x128xf32, #tpu.memory_space<vmem>>, vector<1x16xf32>,
        %parallel_loop3A_782 = arith.index_cast %parallel_loop3A_731 : i32 to index
        %parallel_loop3A_783 = arith.constant 80 : index
        %parallel_loop3A_784 = tpu.vector_load %arg10[%parallel_loop3A_782, %parallel_loop3A_783] {strides = array<i32>} : memref<200x128xf32, #tpu.memory_space<vmem>>, vector<1x16xf32>,
        %parallel_loop3A_785 = vector.shape_cast %parallel_loop3A_784 : vector<1x16xf32> to vector<16xf32>
        %parallel_loop3A_786 = arith.subf %parallel_loop3A_785, %get3A_503 : vector<16xf32>
        %parallel_loop3A_787 = arith.index_cast %parallel_loop3A_731 : i32 to index
        %parallel_loop3A_788 = arith.constant 80 : index
        %parallel_loop3A_789 = tpu.vector_load %arg10[%parallel_loop3A_787, %parallel_loop3A_788] {strides = array<i32>} : memref<200x128xf32, #tpu.memory_space<vmem>>, vector<1x16xf32>,
        %parallel_loop3A_790 = vector.shape_cast %parallel_loop3A_789 : vector<1x16xf32> to vector<16xf32>
        %parallel_loop3A_791 = vector.shape_cast %parallel_loop3A_786 : vector<16xf32> to vector<1x16xf32>
        tpu.vector_store %arg10[%parallel_loop3A_787, %parallel_loop3A_788], %parallel_loop3A_791 {strides = array<i32>} : memref<200x128xf32, #tpu.memory_space<vmem>>, vector<1x16xf32>,
        %parallel_loop3A_792 = arith.index_cast %parallel_loop3A_731 : i32 to index
        %parallel_loop3A_793 = arith.constant 96 : index
        %parallel_loop3A_794 = tpu.vector_load %arg10[%parallel_loop3A_792, %parallel_loop3A_793] {strides = array<i32>} : memref<200x128xf32, #tpu.memory_space<vmem>>, vector<1x16xf32>,
        %parallel_loop3A_795 = vector.shape_cast %parallel_loop3A_794 : vector<1x16xf32> to vector<16xf32>
        %parallel_loop3A_796 = arith.subf %parallel_loop3A_795, %get3A_507 : vector<16xf32>
        %parallel_loop3A_797 = arith.index_cast %parallel_loop3A_731 : i32 to index
        %parallel_loop3A_798 = arith.constant 96 : index
        %parallel_loop3A_799 = tpu.vector_load %arg10[%parallel_loop3A_797, %parallel_loop3A_798] {strides = array<i32>} : memref<200x128xf32, #tpu.memory_space<vmem>>, vector<1x16xf32>,
        %parallel_loop3A_800 = vector.shape_cast %parallel_loop3A_799 : vector<1x16xf32> to vector<16xf32>
        %parallel_loop3A_801 = vector.shape_cast %parallel_loop3A_796 : vector<16xf32> to vector<1x16xf32>
        tpu.vector_store %arg10[%parallel_loop3A_797, %parallel_loop3A_798], %parallel_loop3A_801 {strides = array<i32>} : memref<200x128xf32, #tpu.memory_space<vmem>>, vector<1x16xf32>,
        %parallel_loop3A_802 = arith.index_cast %parallel_loop3A_731 : i32 to index
        %parallel_loop3A_803 = arith.constant 112 : index
        %parallel_loop3A_804 = tpu.vector_load %arg10[%parallel_loop3A_802, %parallel_loop3A_803] {strides = array<i32>} : memref<200x128xf32, #tpu.memory_space<vmem>>, vector<1x16xf32>,
        %parallel_loop3A_805 = vector.shape_cast %parallel_loop3A_804 : vector<1x16xf32> to vector<16xf32>
        %parallel_loop3A_806 = arith.subf %parallel_loop3A_805, %get3A_511 : vector<16xf32>
        %parallel_loop3A_807 = arith.index_cast %parallel_loop3A_731 : i32 to index
        %parallel_loop3A_808 = arith.constant 112 : index
        %parallel_loop3A_809 = tpu.vector_load %arg10[%parallel_loop3A_807, %parallel_loop3A_808] {strides = array<i32>} : memref<200x128xf32, #tpu.memory_space<vmem>>, vector<1x16xf32>,
        %parallel_loop3A_810 = vector.shape_cast %parallel_loop3A_809 : vector<1x16xf32> to vector<16xf32>
        %parallel_loop3A_811 = vector.shape_cast %parallel_loop3A_806 : vector<16xf32> to vector<1x16xf32>
        tpu.vector_store %arg10[%parallel_loop3A_807, %parallel_loop3A_808], %parallel_loop3A_811 {strides = array<i32>} : memref<200x128xf32, #tpu.memory_space<vmem>>, vector<1x16xf32>,
      } {sc.loop_unroll_factor = 2 : i64, sc.parallel_access}
      %mul3A_515 = arith.constant 4 : i32
      %mul3A_516 = arith.muli %add3A_380, %mul3A_515 : i32
      %add3A_517 = arith.constant 3 : i32
      %add3A_518 = arith.addi %mul3A_516, %add3A_517 : i32
      %get3A_519 = arith.index_cast %add3A_518 : i32 to index
      %get3A_520 = arith.constant 0 : index
      %get3A_521 = tpu.vector_load %arg7[%get3A_519, %get3A_520] {strides = array<i32>} : memref<128x128xf32, #tpu.memory_space<vmem>>, vector<1x16xf32>,
      %get3A_522 = vector.shape_cast %get3A_521 : vector<1x16xf32> to vector<16xf32>
      %get3A_523 = arith.index_cast %add3A_518 : i32 to index
      %get3A_524 = arith.constant 16 : index
      %get3A_525 = tpu.vector_load %arg7[%get3A_523, %get3A_524] {strides = array<i32>} : memref<128x128xf32, #tpu.memory_space<vmem>>, vector<1x16xf32>,
      %get3A_526 = vector.shape_cast %get3A_525 : vector<1x16xf32> to vector<16xf32>
      %get3A_527 = arith.index_cast %add3A_518 : i32 to index
      %get3A_528 = arith.constant 32 : index
      %get3A_529 = tpu.vector_load %arg7[%get3A_527, %get3A_528] {strides = array<i32>} : memref<128x128xf32, #tpu.memory_space<vmem>>, vector<1x16xf32>,
      %get3A_530 = vector.shape_cast %get3A_529 : vector<1x16xf32> to vector<16xf32>
      %get3A_531 = arith.index_cast %add3A_518 : i32 to index
      %get3A_532 = arith.constant 48 : index
      %get3A_533 = tpu.vector_load %arg7[%get3A_531, %get3A_532] {strides = array<i32>} : memref<128x128xf32, #tpu.memory_space<vmem>>, vector<1x16xf32>,
      %get3A_534 = vector.shape_cast %get3A_533 : vector<1x16xf32> to vector<16xf32>
      %get3A_535 = arith.index_cast %add3A_518 : i32 to index
      %get3A_536 = arith.constant 64 : index
      %get3A_537 = tpu.vector_load %arg7[%get3A_535, %get3A_536] {strides = array<i32>} : memref<128x128xf32, #tpu.memory_space<vmem>>, vector<1x16xf32>,
      %get3A_538 = vector.shape_cast %get3A_537 : vector<1x16xf32> to vector<16xf32>
      %get3A_539 = arith.index_cast %add3A_518 : i32 to index
      %get3A_540 = arith.constant 80 : index
      %get3A_541 = tpu.vector_load %arg7[%get3A_539, %get3A_540] {strides = array<i32>} : memref<128x128xf32, #tpu.memory_space<vmem>>, vector<1x16xf32>,
      %get3A_542 = vector.shape_cast %get3A_541 : vector<1x16xf32> to vector<16xf32>
      %get3A_543 = arith.index_cast %add3A_518 : i32 to index
      %get3A_544 = arith.constant 96 : index
      %get3A_545 = tpu.vector_load %arg7[%get3A_543, %get3A_544] {strides = array<i32>} : memref<128x128xf32, #tpu.memory_space<vmem>>, vector<1x16xf32>,
      %get3A_546 = vector.shape_cast %get3A_545 : vector<1x16xf32> to vector<16xf32>
      %get3A_547 = arith.index_cast %add3A_518 : i32 to index
      %get3A_548 = arith.constant 112 : index
      %get3A_549 = tpu.vector_load %arg7[%get3A_547, %get3A_548] {strides = array<i32>} : memref<128x128xf32, #tpu.memory_space<vmem>>, vector<1x16xf32>,
      %get3A_550 = vector.shape_cast %get3A_549 : vector<1x16xf32> to vector<16xf32>
      %parallel_loop3A_551 = arith.constant 0 : i32
      %parallel_loop3A_552 = arith.constant 50 : i32
      %parallel_loop3A_553 = arith.constant 1 : i32
      scf.for %parallel_loop3A_729 = %parallel_loop3A_551 to %parallel_loop3A_552 step %parallel_loop3A_553  : i32 {
        %parallel_loop3A_730 = arith.constant 150 : i32
        %parallel_loop3A_731 = arith.addi %parallel_loop3A_730, %parallel_loop3A_729 : i32
        %parallel_loop3A_732 = arith.index_cast %parallel_loop3A_731 : i32 to index
        %parallel_loop3A_733 = arith.constant 0 : index
        %parallel_loop3A_734 = tpu.vector_load %arg10[%parallel_loop3A_732, %parallel_loop3A_733] {strides = array<i32>} : memref<200x128xf32, #tpu.memory_space<vmem>>, vector<1x16xf32>,
        %parallel_loop3A_735 = vector.shape_cast %parallel_loop3A_734 : vector<1x16xf32> to vector<16xf32>
        %parallel_loop3A_736 = arith.subf %parallel_loop3A_735, %get3A_522 : vector<16xf32>
        %parallel_loop3A_737 = arith.index_cast %parallel_loop3A_731 : i32 to index
        %parallel_loop3A_738 = arith.constant 0 : index
        %parallel_loop3A_739 = tpu.vector_load %arg10[%parallel_loop3A_737, %parallel_loop3A_738] {strides = array<i32>} : memref<200x128xf32, #tpu.memory_space<vmem>>, vector<1x16xf32>,
        %parallel_loop3A_740 = vector.shape_cast %parallel_loop3A_739 : vector<1x16xf32> to vector<16xf32>
        %parallel_loop3A_741 = vector.shape_cast %parallel_loop3A_736 : vector<16xf32> to vector<1x16xf32>
        tpu.vector_store %arg10[%parallel_loop3A_737, %parallel_loop3A_738], %parallel_loop3A_741 {strides = array<i32>} : memref<200x128xf32, #tpu.memory_space<vmem>>, vector<1x16xf32>,
        %parallel_loop3A_742 = arith.index_cast %parallel_loop3A_731 : i32 to index
        %parallel_loop3A_743 = arith.constant 16 : index
        %parallel_loop3A_744 = tpu.vector_load %arg10[%parallel_loop3A_742, %parallel_loop3A_743] {strides = array<i32>} : memref<200x128xf32, #tpu.memory_space<vmem>>, vector<1x16xf32>,
        %parallel_loop3A_745 = vector.shape_cast %parallel_loop3A_744 : vector<1x16xf32> to vector<16xf32>
        %parallel_loop3A_746 = arith.subf %parallel_loop3A_745, %get3A_526 : vector<16xf32>
        %parallel_loop3A_747 = arith.index_cast %parallel_loop3A_731 : i32 to index
        %parallel_loop3A_748 = arith.constant 16 : index
        %parallel_loop3A_749 = tpu.vector_load %arg10[%parallel_loop3A_747, %parallel_loop3A_748] {strides = array<i32>} : memref<200x128xf32, #tpu.memory_space<vmem>>, vector<1x16xf32>,
        %parallel_loop3A_750 = vector.shape_cast %parallel_loop3A_749 : vector<1x16xf32> to vector<16xf32>
        %parallel_loop3A_751 = vector.shape_cast %parallel_loop3A_746 : vector<16xf32> to vector<1x16xf32>
        tpu.vector_store %arg10[%parallel_loop3A_747, %parallel_loop3A_748], %parallel_loop3A_751 {strides = array<i32>} : memref<200x128xf32, #tpu.memory_space<vmem>>, vector<1x16xf32>,
        %parallel_loop3A_752 = arith.index_cast %parallel_loop3A_731 : i32 to index
        %parallel_loop3A_753 = arith.constant 32 : index
        %parallel_loop3A_754 = tpu.vector_load %arg10[%parallel_loop3A_752, %parallel_loop3A_753] {strides = array<i32>} : memref<200x128xf32, #tpu.memory_space<vmem>>, vector<1x16xf32>,
        %parallel_loop3A_755 = vector.shape_cast %parallel_loop3A_754 : vector<1x16xf32> to vector<16xf32>
        %parallel_loop3A_756 = arith.subf %parallel_loop3A_755, %get3A_530 : vector<16xf32>
        %parallel_loop3A_757 = arith.index_cast %parallel_loop3A_731 : i32 to index
        %parallel_loop3A_758 = arith.constant 32 : index
        %parallel_loop3A_759 = tpu.vector_load %arg10[%parallel_loop3A_757, %parallel_loop3A_758] {strides = array<i32>} : memref<200x128xf32, #tpu.memory_space<vmem>>, vector<1x16xf32>,
        %parallel_loop3A_760 = vector.shape_cast %parallel_loop3A_759 : vector<1x16xf32> to vector<16xf32>
        %parallel_loop3A_761 = vector.shape_cast %parallel_loop3A_756 : vector<16xf32> to vector<1x16xf32>
        tpu.vector_store %arg10[%parallel_loop3A_757, %parallel_loop3A_758], %parallel_loop3A_761 {strides = array<i32>} : memref<200x128xf32, #tpu.memory_space<vmem>>, vector<1x16xf32>,
        %parallel_loop3A_762 = arith.index_cast %parallel_loop3A_731 : i32 to index
        %parallel_loop3A_763 = arith.constant 48 : index
        %parallel_loop3A_764 = tpu.vector_load %arg10[%parallel_loop3A_762, %parallel_loop3A_763] {strides = array<i32>} : memref<200x128xf32, #tpu.memory_space<vmem>>, vector<1x16xf32>,
        %parallel_loop3A_765 = vector.shape_cast %parallel_loop3A_764 : vector<1x16xf32> to vector<16xf32>
        %parallel_loop3A_766 = arith.subf %parallel_loop3A_765, %get3A_534 : vector<16xf32>
        %parallel_loop3A_767 = arith.index_cast %parallel_loop3A_731 : i32 to index
        %parallel_loop3A_768 = arith.constant 48 : index
        %parallel_loop3A_769 = tpu.vector_load %arg10[%parallel_loop3A_767, %parallel_loop3A_768] {strides = array<i32>} : memref<200x128xf32, #tpu.memory_space<vmem>>, vector<1x16xf32>,
        %parallel_loop3A_770 = vector.shape_cast %parallel_loop3A_769 : vector<1x16xf32> to vector<16xf32>
        %parallel_loop3A_771 = vector.shape_cast %parallel_loop3A_766 : vector<16xf32> to vector<1x16xf32>
        tpu.vector_store %arg10[%parallel_loop3A_767, %parallel_loop3A_768], %parallel_loop3A_771 {strides = array<i32>} : memref<200x128xf32, #tpu.memory_space<vmem>>, vector<1x16xf32>,
        %parallel_loop3A_772 = arith.index_cast %parallel_loop3A_731 : i32 to index
        %parallel_loop3A_773 = arith.constant 64 : index
        %parallel_loop3A_774 = tpu.vector_load %arg10[%parallel_loop3A_772, %parallel_loop3A_773] {strides = array<i32>} : memref<200x128xf32, #tpu.memory_space<vmem>>, vector<1x16xf32>,
        %parallel_loop3A_775 = vector.shape_cast %parallel_loop3A_774 : vector<1x16xf32> to vector<16xf32>
        %parallel_loop3A_776 = arith.subf %parallel_loop3A_775, %get3A_538 : vector<16xf32>
        %parallel_loop3A_777 = arith.index_cast %parallel_loop3A_731 : i32 to index
        %parallel_loop3A_778 = arith.constant 64 : index
        %parallel_loop3A_779 = tpu.vector_load %arg10[%parallel_loop3A_777, %parallel_loop3A_778] {strides = array<i32>} : memref<200x128xf32, #tpu.memory_space<vmem>>, vector<1x16xf32>,
        %parallel_loop3A_780 = vector.shape_cast %parallel_loop3A_779 : vector<1x16xf32> to vector<16xf32>
        %parallel_loop3A_781 = vector.shape_cast %parallel_loop3A_776 : vector<16xf32> to vector<1x16xf32>
        tpu.vector_store %arg10[%parallel_loop3A_777, %parallel_loop3A_778], %parallel_loop3A_781 {strides = array<i32>} : memref<200x128xf32, #tpu.memory_space<vmem>>, vector<1x16xf32>,
        %parallel_loop3A_782 = arith.index_cast %parallel_loop3A_731 : i32 to index
        %parallel_loop3A_783 = arith.constant 80 : index
        %parallel_loop3A_784 = tpu.vector_load %arg10[%parallel_loop3A_782, %parallel_loop3A_783] {strides = array<i32>} : memref<200x128xf32, #tpu.memory_space<vmem>>, vector<1x16xf32>,
        %parallel_loop3A_785 = vector.shape_cast %parallel_loop3A_784 : vector<1x16xf32> to vector<16xf32>
        %parallel_loop3A_786 = arith.subf %parallel_loop3A_785, %get3A_542 : vector<16xf32>
        %parallel_loop3A_787 = arith.index_cast %parallel_loop3A_731 : i32 to index
        %parallel_loop3A_788 = arith.constant 80 : index
        %parallel_loop3A_789 = tpu.vector_load %arg10[%parallel_loop3A_787, %parallel_loop3A_788] {strides = array<i32>} : memref<200x128xf32, #tpu.memory_space<vmem>>, vector<1x16xf32>,
        %parallel_loop3A_790 = vector.shape_cast %parallel_loop3A_789 : vector<1x16xf32> to vector<16xf32>
        %parallel_loop3A_791 = vector.shape_cast %parallel_loop3A_786 : vector<16xf32> to vector<1x16xf32>
        tpu.vector_store %arg10[%parallel_loop3A_787, %parallel_loop3A_788], %parallel_loop3A_791 {strides = array<i32>} : memref<200x128xf32, #tpu.memory_space<vmem>>, vector<1x16xf32>,
        %parallel_loop3A_792 = arith.index_cast %parallel_loop3A_731 : i32 to index
        %parallel_loop3A_793 = arith.constant 96 : index
        %parallel_loop3A_794 = tpu.vector_load %arg10[%parallel_loop3A_792, %parallel_loop3A_793] {strides = array<i32>} : memref<200x128xf32, #tpu.memory_space<vmem>>, vector<1x16xf32>,
        %parallel_loop3A_795 = vector.shape_cast %parallel_loop3A_794 : vector<1x16xf32> to vector<16xf32>
        %parallel_loop3A_796 = arith.subf %parallel_loop3A_795, %get3A_546 : vector<16xf32>
        %parallel_loop3A_797 = arith.index_cast %parallel_loop3A_731 : i32 to index
        %parallel_loop3A_798 = arith.constant 96 : index
        %parallel_loop3A_799 = tpu.vector_load %arg10[%parallel_loop3A_797, %parallel_loop3A_798] {strides = array<i32>} : memref<200x128xf32, #tpu.memory_space<vmem>>, vector<1x16xf32>,
        %parallel_loop3A_800 = vector.shape_cast %parallel_loop3A_799 : vector<1x16xf32> to vector<16xf32>
        %parallel_loop3A_801 = vector.shape_cast %parallel_loop3A_796 : vector<16xf32> to vector<1x16xf32>
        tpu.vector_store %arg10[%parallel_loop3A_797, %parallel_loop3A_798], %parallel_loop3A_801 {strides = array<i32>} : memref<200x128xf32, #tpu.memory_space<vmem>>, vector<1x16xf32>,
        %parallel_loop3A_802 = arith.index_cast %parallel_loop3A_731 : i32 to index
        %parallel_loop3A_803 = arith.constant 112 : index
        %parallel_loop3A_804 = tpu.vector_load %arg10[%parallel_loop3A_802, %parallel_loop3A_803] {strides = array<i32>} : memref<200x128xf32, #tpu.memory_space<vmem>>, vector<1x16xf32>,
        %parallel_loop3A_805 = vector.shape_cast %parallel_loop3A_804 : vector<1x16xf32> to vector<16xf32>
        %parallel_loop3A_806 = arith.subf %parallel_loop3A_805, %get3A_550 : vector<16xf32>
        %parallel_loop3A_807 = arith.index_cast %parallel_loop3A_731 : i32 to index
        %parallel_loop3A_808 = arith.constant 112 : index
        %parallel_loop3A_809 = tpu.vector_load %arg10[%parallel_loop3A_807, %parallel_loop3A_808] {strides = array<i32>} : memref<200x128xf32, #tpu.memory_space<vmem>>, vector<1x16xf32>,
        %parallel_loop3A_810 = vector.shape_cast %parallel_loop3A_809 : vector<1x16xf32> to vector<16xf32>
        %parallel_loop3A_811 = vector.shape_cast %parallel_loop3A_806 : vector<16xf32> to vector<1x16xf32>
        tpu.vector_store %arg10[%parallel_loop3A_807, %parallel_loop3A_808], %parallel_loop3A_811 {strides = array<i32>} : memref<200x128xf32, #tpu.memory_space<vmem>>, vector<1x16xf32>,
      } {sc.loop_unroll_factor = 2 : i64, sc.parallel_access}
      %add3A_554 = arith.constant 3 : i32
      %add3A_555 = arith.addi %add3A_34, %add3A_554 : i32
      %add3A_556 = arith.constant 2 : i32
      %add3A_557 = arith.addi %add3A_555, %add3A_556 : i32
      %lt3A_558 = arith.constant 32 : i32
      %lt3A_559 = arith.cmpi slt, %add3A_557, %lt3A_558 : i32
      %convert_element_type3A_560 = arith.extui %lt3A_559 : i1 to i32
      %cond3A_561 = arith.constant 0 : i32
      %cond3A_562 = arith.cmpi ne, %convert_element_type3A_560, %cond3A_561 : i32
      scf.if %cond3A_562 {
        %add3A_729 = arith.constant 2 : i32
        %add3A_730 = arith.addi %add3A_555, %add3A_729 : i32
        %dma_start3A_731 = arith.constant 0 : i32
        %dma_start3A_732 = arith.constant 0 : i32
        %dma_start3A_733 = arith.constant 0 : i32
        %dma_start3A_734 = tpu.memref_slice %arg9[%dma_start3A_732, %dma_start3A_733] : memref<200x128xf32, #tpu.memory_space<vmem>> -> memref<200x128xf32, #tpu.memory_space<vmem>>
        %dma_start3A_735 = arith.constant 0 : i32
        %dma_start3A_736 = tpu.memref_slice %arg6[%add3A_730, %dma_start3A_731, %dma_start3A_735] : memref<32x1x200xi32, #tpu.memory_space<vmem>> -> memref<1x1x200xi32, #tpu.memory_space<vmem>>
        %dma_start3A_737 = tpu.memref_squeeze %dma_start3A_736 : memref<1x1x200xi32, #tpu.memory_space<vmem>> -> memref<200xi32, #tpu.memory_space<vmem>>
        %dma_start3A_738 = arith.constant 0 : i32
        %dma_start3A_739 = arith.constant 0 : i32
        %dma_start3A_740 = tpu.memref_slice %arg2[%dma_start3A_738, %dma_start3A_739] : memref<100000x128xf32, #tpu.memory_space<hbm>> -> memref<100000x128xf32, #tpu.memory_space<hbm>>
        tpu.enqueue_indirect_dma source(%dma_start3A_740 : memref<100000x128xf32, #tpu.memory_space<hbm>>) target(%dma_start3A_734 : memref<200x128xf32, #tpu.memory_space<vmem>>) offsets(%dma_start3A_737 : memref<200xi32, #tpu.memory_space<vmem>>) semaphore(%arg13 : memref<!tpu.dma_semaphore, #tpu.memory_space<semaphore_mem>>)
      } else {
      }
      %dma_wait3A_563 = arith.constant 0 : i32
      %dma_wait3A_564 = arith.constant 0 : i32
      %dma_wait3A_565 = arith.constant 0 : i32
      %dma_wait3A_566 = tpu.memref_slice %arg11[%dma_wait3A_564, %dma_wait3A_565] : memref<200x128xf32, #tpu.memory_space<vmem>> -> memref<200x128xf32, #tpu.memory_space<vmem>>
      %dma_wait3A_567 = arith.constant 0 : i32
      %dma_wait3A_568 = tpu.memref_slice %arg6[%add3A_555, %dma_wait3A_563, %dma_wait3A_567] : memref<32x1x200xi32, #tpu.memory_space<vmem>> -> memref<1x1x200xi32, #tpu.memory_space<vmem>>
      %dma_wait3A_569 = tpu.memref_squeeze %dma_wait3A_568 : memref<1x1x200xi32, #tpu.memory_space<vmem>> -> memref<200xi32, #tpu.memory_space<vmem>>
      %dma_wait3A_570 = arith.constant 0 : i32
      %dma_wait3A_571 = arith.constant 0 : i32
      %dma_wait3A_572 = tpu.memref_slice %arg2[%dma_wait3A_570, %dma_wait3A_571] : memref<100000x128xf32, #tpu.memory_space<hbm>> -> memref<100000x128xf32, #tpu.memory_space<hbm>>
      tpu.wait_indirect_dma semaphore(%arg15 : memref<!tpu.dma_semaphore, #tpu.memory_space<semaphore_mem>>) src(%dma_wait3A_572 : memref<100000x128xf32, #tpu.memory_space<hbm>>) dst(%dma_wait3A_566 : memref<200x128xf32, #tpu.memory_space<vmem>>)
      %mul3A_573 = arith.constant 4 : i32
      %mul3A_574 = arith.muli %add3A_555, %mul3A_573 : i32
      %add3A_575 = arith.constant 0 : i32
      %add3A_576 = arith.addi %mul3A_574, %add3A_575 : i32
      %get3A_577 = arith.index_cast %add3A_576 : i32 to index
      %get3A_578 = arith.constant 0 : index
      %get3A_579 = tpu.vector_load %arg7[%get3A_577, %get3A_578] {strides = array<i32>} : memref<128x128xf32, #tpu.memory_space<vmem>>, vector<1x16xf32>,
      %get3A_580 = vector.shape_cast %get3A_579 : vector<1x16xf32> to vector<16xf32>
      %get3A_581 = arith.index_cast %add3A_576 : i32 to index
      %get3A_582 = arith.constant 16 : index
      %get3A_583 = tpu.vector_load %arg7[%get3A_581, %get3A_582] {strides = array<i32>} : memref<128x128xf32, #tpu.memory_space<vmem>>, vector<1x16xf32>,
      %get3A_584 = vector.shape_cast %get3A_583 : vector<1x16xf32> to vector<16xf32>
      %get3A_585 = arith.index_cast %add3A_576 : i32 to index
      %get3A_586 = arith.constant 32 : index
      %get3A_587 = tpu.vector_load %arg7[%get3A_585, %get3A_586] {strides = array<i32>} : memref<128x128xf32, #tpu.memory_space<vmem>>, vector<1x16xf32>,
      %get3A_588 = vector.shape_cast %get3A_587 : vector<1x16xf32> to vector<16xf32>
      %get3A_589 = arith.index_cast %add3A_576 : i32 to index
      %get3A_590 = arith.constant 48 : index
      %get3A_591 = tpu.vector_load %arg7[%get3A_589, %get3A_590] {strides = array<i32>} : memref<128x128xf32, #tpu.memory_space<vmem>>, vector<1x16xf32>,
      %get3A_592 = vector.shape_cast %get3A_591 : vector<1x16xf32> to vector<16xf32>
      %get3A_593 = arith.index_cast %add3A_576 : i32 to index
      %get3A_594 = arith.constant 64 : index
      %get3A_595 = tpu.vector_load %arg7[%get3A_593, %get3A_594] {strides = array<i32>} : memref<128x128xf32, #tpu.memory_space<vmem>>, vector<1x16xf32>,
      %get3A_596 = vector.shape_cast %get3A_595 : vector<1x16xf32> to vector<16xf32>
      %get3A_597 = arith.index_cast %add3A_576 : i32 to index
      %get3A_598 = arith.constant 80 : index
      %get3A_599 = tpu.vector_load %arg7[%get3A_597, %get3A_598] {strides = array<i32>} : memref<128x128xf32, #tpu.memory_space<vmem>>, vector<1x16xf32>,
      %get3A_600 = vector.shape_cast %get3A_599 : vector<1x16xf32> to vector<16xf32>
      %get3A_601 = arith.index_cast %add3A_576 : i32 to index
      %get3A_602 = arith.constant 96 : index
      %get3A_603 = tpu.vector_load %arg7[%get3A_601, %get3A_602] {strides = array<i32>} : memref<128x128xf32, #tpu.memory_space<vmem>>, vector<1x16xf32>,
      %get3A_604 = vector.shape_cast %get3A_603 : vector<1x16xf32> to vector<16xf32>
      %get3A_605 = arith.index_cast %add3A_576 : i32 to index
      %get3A_606 = arith.constant 112 : index
      %get3A_607 = tpu.vector_load %arg7[%get3A_605, %get3A_606] {strides = array<i32>} : memref<128x128xf32, #tpu.memory_space<vmem>>, vector<1x16xf32>,
      %get3A_608 = vector.shape_cast %get3A_607 : vector<1x16xf32> to vector<16xf32>
      %parallel_loop3A_609 = arith.constant 0 : i32
      %parallel_loop3A_610 = arith.constant 50 : i32
      %parallel_loop3A_611 = arith.constant 1 : i32
      scf.for %parallel_loop3A_729 = %parallel_loop3A_609 to %parallel_loop3A_610 step %parallel_loop3A_611  : i32 {
        %parallel_loop3A_730 = arith.constant 0 : i32
        %parallel_loop3A_731 = arith.addi %parallel_loop3A_730, %parallel_loop3A_729 : i32
        %parallel_loop3A_732 = arith.index_cast %parallel_loop3A_731 : i32 to index
        %parallel_loop3A_733 = arith.constant 0 : index
        %parallel_loop3A_734 = tpu.vector_load %arg11[%parallel_loop3A_732, %parallel_loop3A_733] {strides = array<i32>} : memref<200x128xf32, #tpu.memory_space<vmem>>, vector<1x16xf32>,
        %parallel_loop3A_735 = vector.shape_cast %parallel_loop3A_734 : vector<1x16xf32> to vector<16xf32>
        %parallel_loop3A_736 = arith.subf %parallel_loop3A_735, %get3A_580 : vector<16xf32>
        %parallel_loop3A_737 = arith.index_cast %parallel_loop3A_731 : i32 to index
        %parallel_loop3A_738 = arith.constant 0 : index
        %parallel_loop3A_739 = tpu.vector_load %arg11[%parallel_loop3A_737, %parallel_loop3A_738] {strides = array<i32>} : memref<200x128xf32, #tpu.memory_space<vmem>>, vector<1x16xf32>,
        %parallel_loop3A_740 = vector.shape_cast %parallel_loop3A_739 : vector<1x16xf32> to vector<16xf32>
        %parallel_loop3A_741 = vector.shape_cast %parallel_loop3A_736 : vector<16xf32> to vector<1x16xf32>
        tpu.vector_store %arg11[%parallel_loop3A_737, %parallel_loop3A_738], %parallel_loop3A_741 {strides = array<i32>} : memref<200x128xf32, #tpu.memory_space<vmem>>, vector<1x16xf32>,
        %parallel_loop3A_742 = arith.index_cast %parallel_loop3A_731 : i32 to index
        %parallel_loop3A_743 = arith.constant 16 : index
        %parallel_loop3A_744 = tpu.vector_load %arg11[%parallel_loop3A_742, %parallel_loop3A_743] {strides = array<i32>} : memref<200x128xf32, #tpu.memory_space<vmem>>, vector<1x16xf32>,
        %parallel_loop3A_745 = vector.shape_cast %parallel_loop3A_744 : vector<1x16xf32> to vector<16xf32>
        %parallel_loop3A_746 = arith.subf %parallel_loop3A_745, %get3A_584 : vector<16xf32>
        %parallel_loop3A_747 = arith.index_cast %parallel_loop3A_731 : i32 to index
        %parallel_loop3A_748 = arith.constant 16 : index
        %parallel_loop3A_749 = tpu.vector_load %arg11[%parallel_loop3A_747, %parallel_loop3A_748] {strides = array<i32>} : memref<200x128xf32, #tpu.memory_space<vmem>>, vector<1x16xf32>,
        %parallel_loop3A_750 = vector.shape_cast %parallel_loop3A_749 : vector<1x16xf32> to vector<16xf32>
        %parallel_loop3A_751 = vector.shape_cast %parallel_loop3A_746 : vector<16xf32> to vector<1x16xf32>
        tpu.vector_store %arg11[%parallel_loop3A_747, %parallel_loop3A_748], %parallel_loop3A_751 {strides = array<i32>} : memref<200x128xf32, #tpu.memory_space<vmem>>, vector<1x16xf32>,
        %parallel_loop3A_752 = arith.index_cast %parallel_loop3A_731 : i32 to index
        %parallel_loop3A_753 = arith.constant 32 : index
        %parallel_loop3A_754 = tpu.vector_load %arg11[%parallel_loop3A_752, %parallel_loop3A_753] {strides = array<i32>} : memref<200x128xf32, #tpu.memory_space<vmem>>, vector<1x16xf32>,
        %parallel_loop3A_755 = vector.shape_cast %parallel_loop3A_754 : vector<1x16xf32> to vector<16xf32>
        %parallel_loop3A_756 = arith.subf %parallel_loop3A_755, %get3A_588 : vector<16xf32>
        %parallel_loop3A_757 = arith.index_cast %parallel_loop3A_731 : i32 to index
        %parallel_loop3A_758 = arith.constant 32 : index
        %parallel_loop3A_759 = tpu.vector_load %arg11[%parallel_loop3A_757, %parallel_loop3A_758] {strides = array<i32>} : memref<200x128xf32, #tpu.memory_space<vmem>>, vector<1x16xf32>,
        %parallel_loop3A_760 = vector.shape_cast %parallel_loop3A_759 : vector<1x16xf32> to vector<16xf32>
        %parallel_loop3A_761 = vector.shape_cast %parallel_loop3A_756 : vector<16xf32> to vector<1x16xf32>
        tpu.vector_store %arg11[%parallel_loop3A_757, %parallel_loop3A_758], %parallel_loop3A_761 {strides = array<i32>} : memref<200x128xf32, #tpu.memory_space<vmem>>, vector<1x16xf32>,
        %parallel_loop3A_762 = arith.index_cast %parallel_loop3A_731 : i32 to index
        %parallel_loop3A_763 = arith.constant 48 : index
        %parallel_loop3A_764 = tpu.vector_load %arg11[%parallel_loop3A_762, %parallel_loop3A_763] {strides = array<i32>} : memref<200x128xf32, #tpu.memory_space<vmem>>, vector<1x16xf32>,
        %parallel_loop3A_765 = vector.shape_cast %parallel_loop3A_764 : vector<1x16xf32> to vector<16xf32>
        %parallel_loop3A_766 = arith.subf %parallel_loop3A_765, %get3A_592 : vector<16xf32>
        %parallel_loop3A_767 = arith.index_cast %parallel_loop3A_731 : i32 to index
        %parallel_loop3A_768 = arith.constant 48 : index
        %parallel_loop3A_769 = tpu.vector_load %arg11[%parallel_loop3A_767, %parallel_loop3A_768] {strides = array<i32>} : memref<200x128xf32, #tpu.memory_space<vmem>>, vector<1x16xf32>,
        %parallel_loop3A_770 = vector.shape_cast %parallel_loop3A_769 : vector<1x16xf32> to vector<16xf32>
        %parallel_loop3A_771 = vector.shape_cast %parallel_loop3A_766 : vector<16xf32> to vector<1x16xf32>
        tpu.vector_store %arg11[%parallel_loop3A_767, %parallel_loop3A_768], %parallel_loop3A_771 {strides = array<i32>} : memref<200x128xf32, #tpu.memory_space<vmem>>, vector<1x16xf32>,
        %parallel_loop3A_772 = arith.index_cast %parallel_loop3A_731 : i32 to index
        %parallel_loop3A_773 = arith.constant 64 : index
        %parallel_loop3A_774 = tpu.vector_load %arg11[%parallel_loop3A_772, %parallel_loop3A_773] {strides = array<i32>} : memref<200x128xf32, #tpu.memory_space<vmem>>, vector<1x16xf32>,
        %parallel_loop3A_775 = vector.shape_cast %parallel_loop3A_774 : vector<1x16xf32> to vector<16xf32>
        %parallel_loop3A_776 = arith.subf %parallel_loop3A_775, %get3A_596 : vector<16xf32>
        %parallel_loop3A_777 = arith.index_cast %parallel_loop3A_731 : i32 to index
        %parallel_loop3A_778 = arith.constant 64 : index
        %parallel_loop3A_779 = tpu.vector_load %arg11[%parallel_loop3A_777, %parallel_loop3A_778] {strides = array<i32>} : memref<200x128xf32, #tpu.memory_space<vmem>>, vector<1x16xf32>,
        %parallel_loop3A_780 = vector.shape_cast %parallel_loop3A_779 : vector<1x16xf32> to vector<16xf32>
        %parallel_loop3A_781 = vector.shape_cast %parallel_loop3A_776 : vector<16xf32> to vector<1x16xf32>
        tpu.vector_store %arg11[%parallel_loop3A_777, %parallel_loop3A_778], %parallel_loop3A_781 {strides = array<i32>} : memref<200x128xf32, #tpu.memory_space<vmem>>, vector<1x16xf32>,
        %parallel_loop3A_782 = arith.index_cast %parallel_loop3A_731 : i32 to index
        %parallel_loop3A_783 = arith.constant 80 : index
        %parallel_loop3A_784 = tpu.vector_load %arg11[%parallel_loop3A_782, %parallel_loop3A_783] {strides = array<i32>} : memref<200x128xf32, #tpu.memory_space<vmem>>, vector<1x16xf32>,
        %parallel_loop3A_785 = vector.shape_cast %parallel_loop3A_784 : vector<1x16xf32> to vector<16xf32>
        %parallel_loop3A_786 = arith.subf %parallel_loop3A_785, %get3A_600 : vector<16xf32>
        %parallel_loop3A_787 = arith.index_cast %parallel_loop3A_731 : i32 to index
        %parallel_loop3A_788 = arith.constant 80 : index
        %parallel_loop3A_789 = tpu.vector_load %arg11[%parallel_loop3A_787, %parallel_loop3A_788] {strides = array<i32>} : memref<200x128xf32, #tpu.memory_space<vmem>>, vector<1x16xf32>,
        %parallel_loop3A_790 = vector.shape_cast %parallel_loop3A_789 : vector<1x16xf32> to vector<16xf32>
        %parallel_loop3A_791 = vector.shape_cast %parallel_loop3A_786 : vector<16xf32> to vector<1x16xf32>
        tpu.vector_store %arg11[%parallel_loop3A_787, %parallel_loop3A_788], %parallel_loop3A_791 {strides = array<i32>} : memref<200x128xf32, #tpu.memory_space<vmem>>, vector<1x16xf32>,
        %parallel_loop3A_792 = arith.index_cast %parallel_loop3A_731 : i32 to index
        %parallel_loop3A_793 = arith.constant 96 : index
        %parallel_loop3A_794 = tpu.vector_load %arg11[%parallel_loop3A_792, %parallel_loop3A_793] {strides = array<i32>} : memref<200x128xf32, #tpu.memory_space<vmem>>, vector<1x16xf32>,
        %parallel_loop3A_795 = vector.shape_cast %parallel_loop3A_794 : vector<1x16xf32> to vector<16xf32>
        %parallel_loop3A_796 = arith.subf %parallel_loop3A_795, %get3A_604 : vector<16xf32>
        %parallel_loop3A_797 = arith.index_cast %parallel_loop3A_731 : i32 to index
        %parallel_loop3A_798 = arith.constant 96 : index
        %parallel_loop3A_799 = tpu.vector_load %arg11[%parallel_loop3A_797, %parallel_loop3A_798] {strides = array<i32>} : memref<200x128xf32, #tpu.memory_space<vmem>>, vector<1x16xf32>,
        %parallel_loop3A_800 = vector.shape_cast %parallel_loop3A_799 : vector<1x16xf32> to vector<16xf32>
        %parallel_loop3A_801 = vector.shape_cast %parallel_loop3A_796 : vector<16xf32> to vector<1x16xf32>
        tpu.vector_store %arg11[%parallel_loop3A_797, %parallel_loop3A_798], %parallel_loop3A_801 {strides = array<i32>} : memref<200x128xf32, #tpu.memory_space<vmem>>, vector<1x16xf32>,
        %parallel_loop3A_802 = arith.index_cast %parallel_loop3A_731 : i32 to index
        %parallel_loop3A_803 = arith.constant 112 : index
        %parallel_loop3A_804 = tpu.vector_load %arg11[%parallel_loop3A_802, %parallel_loop3A_803] {strides = array<i32>} : memref<200x128xf32, #tpu.memory_space<vmem>>, vector<1x16xf32>,
        %parallel_loop3A_805 = vector.shape_cast %parallel_loop3A_804 : vector<1x16xf32> to vector<16xf32>
        %parallel_loop3A_806 = arith.subf %parallel_loop3A_805, %get3A_608 : vector<16xf32>
        %parallel_loop3A_807 = arith.index_cast %parallel_loop3A_731 : i32 to index
        %parallel_loop3A_808 = arith.constant 112 : index
        %parallel_loop3A_809 = tpu.vector_load %arg11[%parallel_loop3A_807, %parallel_loop3A_808] {strides = array<i32>} : memref<200x128xf32, #tpu.memory_space<vmem>>, vector<1x16xf32>,
        %parallel_loop3A_810 = vector.shape_cast %parallel_loop3A_809 : vector<1x16xf32> to vector<16xf32>
        %parallel_loop3A_811 = vector.shape_cast %parallel_loop3A_806 : vector<16xf32> to vector<1x16xf32>
        tpu.vector_store %arg11[%parallel_loop3A_807, %parallel_loop3A_808], %parallel_loop3A_811 {strides = array<i32>} : memref<200x128xf32, #tpu.memory_space<vmem>>, vector<1x16xf32>,
      } {sc.loop_unroll_factor = 2 : i64, sc.parallel_access}
      %mul3A_612 = arith.constant 4 : i32
      %mul3A_613 = arith.muli %add3A_555, %mul3A_612 : i32
      %add3A_614 = arith.constant 1 : i32
      %add3A_615 = arith.addi %mul3A_613, %add3A_614 : i32
      %get3A_616 = arith.index_cast %add3A_615 : i32 to index
      %get3A_617 = arith.constant 0 : index
      %get3A_618 = tpu.vector_load %arg7[%get3A_616, %get3A_617] {strides = array<i32>} : memref<128x128xf32, #tpu.memory_space<vmem>>, vector<1x16xf32>,
      %get3A_619 = vector.shape_cast %get3A_618 : vector<1x16xf32> to vector<16xf32>
      %get3A_620 = arith.index_cast %add3A_615 : i32 to index
      %get3A_621 = arith.constant 16 : index
      %get3A_622 = tpu.vector_load %arg7[%get3A_620, %get3A_621] {strides = array<i32>} : memref<128x128xf32, #tpu.memory_space<vmem>>, vector<1x16xf32>,
      %get3A_623 = vector.shape_cast %get3A_622 : vector<1x16xf32> to vector<16xf32>
      %get3A_624 = arith.index_cast %add3A_615 : i32 to index
      %get3A_625 = arith.constant 32 : index
      %get3A_626 = tpu.vector_load %arg7[%get3A_624, %get3A_625] {strides = array<i32>} : memref<128x128xf32, #tpu.memory_space<vmem>>, vector<1x16xf32>,
      %get3A_627 = vector.shape_cast %get3A_626 : vector<1x16xf32> to vector<16xf32>
      %get3A_628 = arith.index_cast %add3A_615 : i32 to index
      %get3A_629 = arith.constant 48 : index
      %get3A_630 = tpu.vector_load %arg7[%get3A_628, %get3A_629] {strides = array<i32>} : memref<128x128xf32, #tpu.memory_space<vmem>>, vector<1x16xf32>,
      %get3A_631 = vector.shape_cast %get3A_630 : vector<1x16xf32> to vector<16xf32>
      %get3A_632 = arith.index_cast %add3A_615 : i32 to index
      %get3A_633 = arith.constant 64 : index
      %get3A_634 = tpu.vector_load %arg7[%get3A_632, %get3A_633] {strides = array<i32>} : memref<128x128xf32, #tpu.memory_space<vmem>>, vector<1x16xf32>,
      %get3A_635 = vector.shape_cast %get3A_634 : vector<1x16xf32> to vector<16xf32>
      %get3A_636 = arith.index_cast %add3A_615 : i32 to index
      %get3A_637 = arith.constant 80 : index
      %get3A_638 = tpu.vector_load %arg7[%get3A_636, %get3A_637] {strides = array<i32>} : memref<128x128xf32, #tpu.memory_space<vmem>>, vector<1x16xf32>,
      %get3A_639 = vector.shape_cast %get3A_638 : vector<1x16xf32> to vector<16xf32>
      %get3A_640 = arith.index_cast %add3A_615 : i32 to index
      %get3A_641 = arith.constant 96 : index
      %get3A_642 = tpu.vector_load %arg7[%get3A_640, %get3A_641] {strides = array<i32>} : memref<128x128xf32, #tpu.memory_space<vmem>>, vector<1x16xf32>,
      %get3A_643 = vector.shape_cast %get3A_642 : vector<1x16xf32> to vector<16xf32>
      %get3A_644 = arith.index_cast %add3A_615 : i32 to index
      %get3A_645 = arith.constant 112 : index
      %get3A_646 = tpu.vector_load %arg7[%get3A_644, %get3A_645] {strides = array<i32>} : memref<128x128xf32, #tpu.memory_space<vmem>>, vector<1x16xf32>,
      %get3A_647 = vector.shape_cast %get3A_646 : vector<1x16xf32> to vector<16xf32>
      %parallel_loop3A_648 = arith.constant 0 : i32
      %parallel_loop3A_649 = arith.constant 50 : i32
      %parallel_loop3A_650 = arith.constant 1 : i32
      scf.for %parallel_loop3A_729 = %parallel_loop3A_648 to %parallel_loop3A_649 step %parallel_loop3A_650  : i32 {
        %parallel_loop3A_730 = arith.constant 50 : i32
        %parallel_loop3A_731 = arith.addi %parallel_loop3A_730, %parallel_loop3A_729 : i32
        %parallel_loop3A_732 = arith.index_cast %parallel_loop3A_731 : i32 to index
        %parallel_loop3A_733 = arith.constant 0 : index
        %parallel_loop3A_734 = tpu.vector_load %arg11[%parallel_loop3A_732, %parallel_loop3A_733] {strides = array<i32>} : memref<200x128xf32, #tpu.memory_space<vmem>>, vector<1x16xf32>,
        %parallel_loop3A_735 = vector.shape_cast %parallel_loop3A_734 : vector<1x16xf32> to vector<16xf32>
        %parallel_loop3A_736 = arith.subf %parallel_loop3A_735, %get3A_619 : vector<16xf32>
        %parallel_loop3A_737 = arith.index_cast %parallel_loop3A_731 : i32 to index
        %parallel_loop3A_738 = arith.constant 0 : index
        %parallel_loop3A_739 = tpu.vector_load %arg11[%parallel_loop3A_737, %parallel_loop3A_738] {strides = array<i32>} : memref<200x128xf32, #tpu.memory_space<vmem>>, vector<1x16xf32>,
        %parallel_loop3A_740 = vector.shape_cast %parallel_loop3A_739 : vector<1x16xf32> to vector<16xf32>
        %parallel_loop3A_741 = vector.shape_cast %parallel_loop3A_736 : vector<16xf32> to vector<1x16xf32>
        tpu.vector_store %arg11[%parallel_loop3A_737, %parallel_loop3A_738], %parallel_loop3A_741 {strides = array<i32>} : memref<200x128xf32, #tpu.memory_space<vmem>>, vector<1x16xf32>,
        %parallel_loop3A_742 = arith.index_cast %parallel_loop3A_731 : i32 to index
        %parallel_loop3A_743 = arith.constant 16 : index
        %parallel_loop3A_744 = tpu.vector_load %arg11[%parallel_loop3A_742, %parallel_loop3A_743] {strides = array<i32>} : memref<200x128xf32, #tpu.memory_space<vmem>>, vector<1x16xf32>,
        %parallel_loop3A_745 = vector.shape_cast %parallel_loop3A_744 : vector<1x16xf32> to vector<16xf32>
        %parallel_loop3A_746 = arith.subf %parallel_loop3A_745, %get3A_623 : vector<16xf32>
        %parallel_loop3A_747 = arith.index_cast %parallel_loop3A_731 : i32 to index
        %parallel_loop3A_748 = arith.constant 16 : index
        %parallel_loop3A_749 = tpu.vector_load %arg11[%parallel_loop3A_747, %parallel_loop3A_748] {strides = array<i32>} : memref<200x128xf32, #tpu.memory_space<vmem>>, vector<1x16xf32>,
        %parallel_loop3A_750 = vector.shape_cast %parallel_loop3A_749 : vector<1x16xf32> to vector<16xf32>
        %parallel_loop3A_751 = vector.shape_cast %parallel_loop3A_746 : vector<16xf32> to vector<1x16xf32>
        tpu.vector_store %arg11[%parallel_loop3A_747, %parallel_loop3A_748], %parallel_loop3A_751 {strides = array<i32>} : memref<200x128xf32, #tpu.memory_space<vmem>>, vector<1x16xf32>,
        %parallel_loop3A_752 = arith.index_cast %parallel_loop3A_731 : i32 to index
        %parallel_loop3A_753 = arith.constant 32 : index
        %parallel_loop3A_754 = tpu.vector_load %arg11[%parallel_loop3A_752, %parallel_loop3A_753] {strides = array<i32>} : memref<200x128xf32, #tpu.memory_space<vmem>>, vector<1x16xf32>,
        %parallel_loop3A_755 = vector.shape_cast %parallel_loop3A_754 : vector<1x16xf32> to vector<16xf32>
        %parallel_loop3A_756 = arith.subf %parallel_loop3A_755, %get3A_627 : vector<16xf32>
        %parallel_loop3A_757 = arith.index_cast %parallel_loop3A_731 : i32 to index
        %parallel_loop3A_758 = arith.constant 32 : index
        %parallel_loop3A_759 = tpu.vector_load %arg11[%parallel_loop3A_757, %parallel_loop3A_758] {strides = array<i32>} : memref<200x128xf32, #tpu.memory_space<vmem>>, vector<1x16xf32>,
        %parallel_loop3A_760 = vector.shape_cast %parallel_loop3A_759 : vector<1x16xf32> to vector<16xf32>
        %parallel_loop3A_761 = vector.shape_cast %parallel_loop3A_756 : vector<16xf32> to vector<1x16xf32>
        tpu.vector_store %arg11[%parallel_loop3A_757, %parallel_loop3A_758], %parallel_loop3A_761 {strides = array<i32>} : memref<200x128xf32, #tpu.memory_space<vmem>>, vector<1x16xf32>,
        %parallel_loop3A_762 = arith.index_cast %parallel_loop3A_731 : i32 to index
        %parallel_loop3A_763 = arith.constant 48 : index
        %parallel_loop3A_764 = tpu.vector_load %arg11[%parallel_loop3A_762, %parallel_loop3A_763] {strides = array<i32>} : memref<200x128xf32, #tpu.memory_space<vmem>>, vector<1x16xf32>,
        %parallel_loop3A_765 = vector.shape_cast %parallel_loop3A_764 : vector<1x16xf32> to vector<16xf32>
        %parallel_loop3A_766 = arith.subf %parallel_loop3A_765, %get3A_631 : vector<16xf32>
        %parallel_loop3A_767 = arith.index_cast %parallel_loop3A_731 : i32 to index
        %parallel_loop3A_768 = arith.constant 48 : index
        %parallel_loop3A_769 = tpu.vector_load %arg11[%parallel_loop3A_767, %parallel_loop3A_768] {strides = array<i32>} : memref<200x128xf32, #tpu.memory_space<vmem>>, vector<1x16xf32>,
        %parallel_loop3A_770 = vector.shape_cast %parallel_loop3A_769 : vector<1x16xf32> to vector<16xf32>
        %parallel_loop3A_771 = vector.shape_cast %parallel_loop3A_766 : vector<16xf32> to vector<1x16xf32>
        tpu.vector_store %arg11[%parallel_loop3A_767, %parallel_loop3A_768], %parallel_loop3A_771 {strides = array<i32>} : memref<200x128xf32, #tpu.memory_space<vmem>>, vector<1x16xf32>,
        %parallel_loop3A_772 = arith.index_cast %parallel_loop3A_731 : i32 to index
        %parallel_loop3A_773 = arith.constant 64 : index
        %parallel_loop3A_774 = tpu.vector_load %arg11[%parallel_loop3A_772, %parallel_loop3A_773] {strides = array<i32>} : memref<200x128xf32, #tpu.memory_space<vmem>>, vector<1x16xf32>,
        %parallel_loop3A_775 = vector.shape_cast %parallel_loop3A_774 : vector<1x16xf32> to vector<16xf32>
        %parallel_loop3A_776 = arith.subf %parallel_loop3A_775, %get3A_635 : vector<16xf32>
        %parallel_loop3A_777 = arith.index_cast %parallel_loop3A_731 : i32 to index
        %parallel_loop3A_778 = arith.constant 64 : index
        %parallel_loop3A_779 = tpu.vector_load %arg11[%parallel_loop3A_777, %parallel_loop3A_778] {strides = array<i32>} : memref<200x128xf32, #tpu.memory_space<vmem>>, vector<1x16xf32>,
        %parallel_loop3A_780 = vector.shape_cast %parallel_loop3A_779 : vector<1x16xf32> to vector<16xf32>
        %parallel_loop3A_781 = vector.shape_cast %parallel_loop3A_776 : vector<16xf32> to vector<1x16xf32>
        tpu.vector_store %arg11[%parallel_loop3A_777, %parallel_loop3A_778], %parallel_loop3A_781 {strides = array<i32>} : memref<200x128xf32, #tpu.memory_space<vmem>>, vector<1x16xf32>,
        %parallel_loop3A_782 = arith.index_cast %parallel_loop3A_731 : i32 to index
        %parallel_loop3A_783 = arith.constant 80 : index
        %parallel_loop3A_784 = tpu.vector_load %arg11[%parallel_loop3A_782, %parallel_loop3A_783] {strides = array<i32>} : memref<200x128xf32, #tpu.memory_space<vmem>>, vector<1x16xf32>,
        %parallel_loop3A_785 = vector.shape_cast %parallel_loop3A_784 : vector<1x16xf32> to vector<16xf32>
        %parallel_loop3A_786 = arith.subf %parallel_loop3A_785, %get3A_639 : vector<16xf32>
        %parallel_loop3A_787 = arith.index_cast %parallel_loop3A_731 : i32 to index
        %parallel_loop3A_788 = arith.constant 80 : index
        %parallel_loop3A_789 = tpu.vector_load %arg11[%parallel_loop3A_787, %parallel_loop3A_788] {strides = array<i32>} : memref<200x128xf32, #tpu.memory_space<vmem>>, vector<1x16xf32>,
        %parallel_loop3A_790 = vector.shape_cast %parallel_loop3A_789 : vector<1x16xf32> to vector<16xf32>
        %parallel_loop3A_791 = vector.shape_cast %parallel_loop3A_786 : vector<16xf32> to vector<1x16xf32>
        tpu.vector_store %arg11[%parallel_loop3A_787, %parallel_loop3A_788], %parallel_loop3A_791 {strides = array<i32>} : memref<200x128xf32, #tpu.memory_space<vmem>>, vector<1x16xf32>,
        %parallel_loop3A_792 = arith.index_cast %parallel_loop3A_731 : i32 to index
        %parallel_loop3A_793 = arith.constant 96 : index
        %parallel_loop3A_794 = tpu.vector_load %arg11[%parallel_loop3A_792, %parallel_loop3A_793] {strides = array<i32>} : memref<200x128xf32, #tpu.memory_space<vmem>>, vector<1x16xf32>,
        %parallel_loop3A_795 = vector.shape_cast %parallel_loop3A_794 : vector<1x16xf32> to vector<16xf32>
        %parallel_loop3A_796 = arith.subf %parallel_loop3A_795, %get3A_643 : vector<16xf32>
        %parallel_loop3A_797 = arith.index_cast %parallel_loop3A_731 : i32 to index
        %parallel_loop3A_798 = arith.constant 96 : index
        %parallel_loop3A_799 = tpu.vector_load %arg11[%parallel_loop3A_797, %parallel_loop3A_798] {strides = array<i32>} : memref<200x128xf32, #tpu.memory_space<vmem>>, vector<1x16xf32>,
        %parallel_loop3A_800 = vector.shape_cast %parallel_loop3A_799 : vector<1x16xf32> to vector<16xf32>
        %parallel_loop3A_801 = vector.shape_cast %parallel_loop3A_796 : vector<16xf32> to vector<1x16xf32>
        tpu.vector_store %arg11[%parallel_loop3A_797, %parallel_loop3A_798], %parallel_loop3A_801 {strides = array<i32>} : memref<200x128xf32, #tpu.memory_space<vmem>>, vector<1x16xf32>,
        %parallel_loop3A_802 = arith.index_cast %parallel_loop3A_731 : i32 to index
        %parallel_loop3A_803 = arith.constant 112 : index
        %parallel_loop3A_804 = tpu.vector_load %arg11[%parallel_loop3A_802, %parallel_loop3A_803] {strides = array<i32>} : memref<200x128xf32, #tpu.memory_space<vmem>>, vector<1x16xf32>,
        %parallel_loop3A_805 = vector.shape_cast %parallel_loop3A_804 : vector<1x16xf32> to vector<16xf32>
        %parallel_loop3A_806 = arith.subf %parallel_loop3A_805, %get3A_647 : vector<16xf32>
        %parallel_loop3A_807 = arith.index_cast %parallel_loop3A_731 : i32 to index
        %parallel_loop3A_808 = arith.constant 112 : index
        %parallel_loop3A_809 = tpu.vector_load %arg11[%parallel_loop3A_807, %parallel_loop3A_808] {strides = array<i32>} : memref<200x128xf32, #tpu.memory_space<vmem>>, vector<1x16xf32>,
        %parallel_loop3A_810 = vector.shape_cast %parallel_loop3A_809 : vector<1x16xf32> to vector<16xf32>
        %parallel_loop3A_811 = vector.shape_cast %parallel_loop3A_806 : vector<16xf32> to vector<1x16xf32>
        tpu.vector_store %arg11[%parallel_loop3A_807, %parallel_loop3A_808], %parallel_loop3A_811 {strides = array<i32>} : memref<200x128xf32, #tpu.memory_space<vmem>>, vector<1x16xf32>,
      } {sc.loop_unroll_factor = 2 : i64, sc.parallel_access}
      %mul3A_651 = arith.constant 4 : i32
      %mul3A_652 = arith.muli %add3A_555, %mul3A_651 : i32
      %add3A_653 = arith.constant 2 : i32
      %add3A_654 = arith.addi %mul3A_652, %add3A_653 : i32
      %get3A_655 = arith.index_cast %add3A_654 : i32 to index
      %get3A_656 = arith.constant 0 : index
      %get3A_657 = tpu.vector_load %arg7[%get3A_655, %get3A_656] {strides = array<i32>} : memref<128x128xf32, #tpu.memory_space<vmem>>, vector<1x16xf32>,
      %get3A_658 = vector.shape_cast %get3A_657 : vector<1x16xf32> to vector<16xf32>
      %get3A_659 = arith.index_cast %add3A_654 : i32 to index
      %get3A_660 = arith.constant 16 : index
      %get3A_661 = tpu.vector_load %arg7[%get3A_659, %get3A_660] {strides = array<i32>} : memref<128x128xf32, #tpu.memory_space<vmem>>, vector<1x16xf32>,
      %get3A_662 = vector.shape_cast %get3A_661 : vector<1x16xf32> to vector<16xf32>
      %get3A_663 = arith.index_cast %add3A_654 : i32 to index
      %get3A_664 = arith.constant 32 : index
      %get3A_665 = tpu.vector_load %arg7[%get3A_663, %get3A_664] {strides = array<i32>} : memref<128x128xf32, #tpu.memory_space<vmem>>, vector<1x16xf32>,
      %get3A_666 = vector.shape_cast %get3A_665 : vector<1x16xf32> to vector<16xf32>
      %get3A_667 = arith.index_cast %add3A_654 : i32 to index
      %get3A_668 = arith.constant 48 : index
      %get3A_669 = tpu.vector_load %arg7[%get3A_667, %get3A_668] {strides = array<i32>} : memref<128x128xf32, #tpu.memory_space<vmem>>, vector<1x16xf32>,
      %get3A_670 = vector.shape_cast %get3A_669 : vector<1x16xf32> to vector<16xf32>
      %get3A_671 = arith.index_cast %add3A_654 : i32 to index
      %get3A_672 = arith.constant 64 : index
      %get3A_673 = tpu.vector_load %arg7[%get3A_671, %get3A_672] {strides = array<i32>} : memref<128x128xf32, #tpu.memory_space<vmem>>, vector<1x16xf32>,
      %get3A_674 = vector.shape_cast %get3A_673 : vector<1x16xf32> to vector<16xf32>
      %get3A_675 = arith.index_cast %add3A_654 : i32 to index
      %get3A_676 = arith.constant 80 : index
      %get3A_677 = tpu.vector_load %arg7[%get3A_675, %get3A_676] {strides = array<i32>} : memref<128x128xf32, #tpu.memory_space<vmem>>, vector<1x16xf32>,
      %get3A_678 = vector.shape_cast %get3A_677 : vector<1x16xf32> to vector<16xf32>
      %get3A_679 = arith.index_cast %add3A_654 : i32 to index
      %get3A_680 = arith.constant 96 : index
      %get3A_681 = tpu.vector_load %arg7[%get3A_679, %get3A_680] {strides = array<i32>} : memref<128x128xf32, #tpu.memory_space<vmem>>, vector<1x16xf32>,
      %get3A_682 = vector.shape_cast %get3A_681 : vector<1x16xf32> to vector<16xf32>
      %get3A_683 = arith.index_cast %add3A_654 : i32 to index
      %get3A_684 = arith.constant 112 : index
      %get3A_685 = tpu.vector_load %arg7[%get3A_683, %get3A_684] {strides = array<i32>} : memref<128x128xf32, #tpu.memory_space<vmem>>, vector<1x16xf32>,
      %get3A_686 = vector.shape_cast %get3A_685 : vector<1x16xf32> to vector<16xf32>
      %parallel_loop3A_687 = arith.constant 0 : i32
      %parallel_loop3A_688 = arith.constant 50 : i32
      %parallel_loop3A_689 = arith.constant 1 : i32
      scf.for %parallel_loop3A_729 = %parallel_loop3A_687 to %parallel_loop3A_688 step %parallel_loop3A_689  : i32 {
        %parallel_loop3A_730 = arith.constant 100 : i32
        %parallel_loop3A_731 = arith.addi %parallel_loop3A_730, %parallel_loop3A_729 : i32
        %parallel_loop3A_732 = arith.index_cast %parallel_loop3A_731 : i32 to index
        %parallel_loop3A_733 = arith.constant 0 : index
        %parallel_loop3A_734 = tpu.vector_load %arg11[%parallel_loop3A_732, %parallel_loop3A_733] {strides = array<i32>} : memref<200x128xf32, #tpu.memory_space<vmem>>, vector<1x16xf32>,
        %parallel_loop3A_735 = vector.shape_cast %parallel_loop3A_734 : vector<1x16xf32> to vector<16xf32>
        %parallel_loop3A_736 = arith.subf %parallel_loop3A_735, %get3A_658 : vector<16xf32>
        %parallel_loop3A_737 = arith.index_cast %parallel_loop3A_731 : i32 to index
        %parallel_loop3A_738 = arith.constant 0 : index
        %parallel_loop3A_739 = tpu.vector_load %arg11[%parallel_loop3A_737, %parallel_loop3A_738] {strides = array<i32>} : memref<200x128xf32, #tpu.memory_space<vmem>>, vector<1x16xf32>,
        %parallel_loop3A_740 = vector.shape_cast %parallel_loop3A_739 : vector<1x16xf32> to vector<16xf32>
        %parallel_loop3A_741 = vector.shape_cast %parallel_loop3A_736 : vector<16xf32> to vector<1x16xf32>
        tpu.vector_store %arg11[%parallel_loop3A_737, %parallel_loop3A_738], %parallel_loop3A_741 {strides = array<i32>} : memref<200x128xf32, #tpu.memory_space<vmem>>, vector<1x16xf32>,
        %parallel_loop3A_742 = arith.index_cast %parallel_loop3A_731 : i32 to index
        %parallel_loop3A_743 = arith.constant 16 : index
        %parallel_loop3A_744 = tpu.vector_load %arg11[%parallel_loop3A_742, %parallel_loop3A_743] {strides = array<i32>} : memref<200x128xf32, #tpu.memory_space<vmem>>, vector<1x16xf32>,
        %parallel_loop3A_745 = vector.shape_cast %parallel_loop3A_744 : vector<1x16xf32> to vector<16xf32>
        %parallel_loop3A_746 = arith.subf %parallel_loop3A_745, %get3A_662 : vector<16xf32>
        %parallel_loop3A_747 = arith.index_cast %parallel_loop3A_731 : i32 to index
        %parallel_loop3A_748 = arith.constant 16 : index
        %parallel_loop3A_749 = tpu.vector_load %arg11[%parallel_loop3A_747, %parallel_loop3A_748] {strides = array<i32>} : memref<200x128xf32, #tpu.memory_space<vmem>>, vector<1x16xf32>,
        %parallel_loop3A_750 = vector.shape_cast %parallel_loop3A_749 : vector<1x16xf32> to vector<16xf32>
        %parallel_loop3A_751 = vector.shape_cast %parallel_loop3A_746 : vector<16xf32> to vector<1x16xf32>
        tpu.vector_store %arg11[%parallel_loop3A_747, %parallel_loop3A_748], %parallel_loop3A_751 {strides = array<i32>} : memref<200x128xf32, #tpu.memory_space<vmem>>, vector<1x16xf32>,
        %parallel_loop3A_752 = arith.index_cast %parallel_loop3A_731 : i32 to index
        %parallel_loop3A_753 = arith.constant 32 : index
        %parallel_loop3A_754 = tpu.vector_load %arg11[%parallel_loop3A_752, %parallel_loop3A_753] {strides = array<i32>} : memref<200x128xf32, #tpu.memory_space<vmem>>, vector<1x16xf32>,
        %parallel_loop3A_755 = vector.shape_cast %parallel_loop3A_754 : vector<1x16xf32> to vector<16xf32>
        %parallel_loop3A_756 = arith.subf %parallel_loop3A_755, %get3A_666 : vector<16xf32>
        %parallel_loop3A_757 = arith.index_cast %parallel_loop3A_731 : i32 to index
        %parallel_loop3A_758 = arith.constant 32 : index
        %parallel_loop3A_759 = tpu.vector_load %arg11[%parallel_loop3A_757, %parallel_loop3A_758] {strides = array<i32>} : memref<200x128xf32, #tpu.memory_space<vmem>>, vector<1x16xf32>,
        %parallel_loop3A_760 = vector.shape_cast %parallel_loop3A_759 : vector<1x16xf32> to vector<16xf32>
        %parallel_loop3A_761 = vector.shape_cast %parallel_loop3A_756 : vector<16xf32> to vector<1x16xf32>
        tpu.vector_store %arg11[%parallel_loop3A_757, %parallel_loop3A_758], %parallel_loop3A_761 {strides = array<i32>} : memref<200x128xf32, #tpu.memory_space<vmem>>, vector<1x16xf32>,
        %parallel_loop3A_762 = arith.index_cast %parallel_loop3A_731 : i32 to index
        %parallel_loop3A_763 = arith.constant 48 : index
        %parallel_loop3A_764 = tpu.vector_load %arg11[%parallel_loop3A_762, %parallel_loop3A_763] {strides = array<i32>} : memref<200x128xf32, #tpu.memory_space<vmem>>, vector<1x16xf32>,
        %parallel_loop3A_765 = vector.shape_cast %parallel_loop3A_764 : vector<1x16xf32> to vector<16xf32>
        %parallel_loop3A_766 = arith.subf %parallel_loop3A_765, %get3A_670 : vector<16xf32>
        %parallel_loop3A_767 = arith.index_cast %parallel_loop3A_731 : i32 to index
        %parallel_loop3A_768 = arith.constant 48 : index
        %parallel_loop3A_769 = tpu.vector_load %arg11[%parallel_loop3A_767, %parallel_loop3A_768] {strides = array<i32>} : memref<200x128xf32, #tpu.memory_space<vmem>>, vector<1x16xf32>,
        %parallel_loop3A_770 = vector.shape_cast %parallel_loop3A_769 : vector<1x16xf32> to vector<16xf32>
        %parallel_loop3A_771 = vector.shape_cast %parallel_loop3A_766 : vector<16xf32> to vector<1x16xf32>
        tpu.vector_store %arg11[%parallel_loop3A_767, %parallel_loop3A_768], %parallel_loop3A_771 {strides = array<i32>} : memref<200x128xf32, #tpu.memory_space<vmem>>, vector<1x16xf32>,
        %parallel_loop3A_772 = arith.index_cast %parallel_loop3A_731 : i32 to index
        %parallel_loop3A_773 = arith.constant 64 : index
        %parallel_loop3A_774 = tpu.vector_load %arg11[%parallel_loop3A_772, %parallel_loop3A_773] {strides = array<i32>} : memref<200x128xf32, #tpu.memory_space<vmem>>, vector<1x16xf32>,
        %parallel_loop3A_775 = vector.shape_cast %parallel_loop3A_774 : vector<1x16xf32> to vector<16xf32>
        %parallel_loop3A_776 = arith.subf %parallel_loop3A_775, %get3A_674 : vector<16xf32>
        %parallel_loop3A_777 = arith.index_cast %parallel_loop3A_731 : i32 to index
        %parallel_loop3A_778 = arith.constant 64 : index
        %parallel_loop3A_779 = tpu.vector_load %arg11[%parallel_loop3A_777, %parallel_loop3A_778] {strides = array<i32>} : memref<200x128xf32, #tpu.memory_space<vmem>>, vector<1x16xf32>,
        %parallel_loop3A_780 = vector.shape_cast %parallel_loop3A_779 : vector<1x16xf32> to vector<16xf32>
        %parallel_loop3A_781 = vector.shape_cast %parallel_loop3A_776 : vector<16xf32> to vector<1x16xf32>
        tpu.vector_store %arg11[%parallel_loop3A_777, %parallel_loop3A_778], %parallel_loop3A_781 {strides = array<i32>} : memref<200x128xf32, #tpu.memory_space<vmem>>, vector<1x16xf32>,
        %parallel_loop3A_782 = arith.index_cast %parallel_loop3A_731 : i32 to index
        %parallel_loop3A_783 = arith.constant 80 : index
        %parallel_loop3A_784 = tpu.vector_load %arg11[%parallel_loop3A_782, %parallel_loop3A_783] {strides = array<i32>} : memref<200x128xf32, #tpu.memory_space<vmem>>, vector<1x16xf32>,
        %parallel_loop3A_785 = vector.shape_cast %parallel_loop3A_784 : vector<1x16xf32> to vector<16xf32>
        %parallel_loop3A_786 = arith.subf %parallel_loop3A_785, %get3A_678 : vector<16xf32>
        %parallel_loop3A_787 = arith.index_cast %parallel_loop3A_731 : i32 to index
        %parallel_loop3A_788 = arith.constant 80 : index
        %parallel_loop3A_789 = tpu.vector_load %arg11[%parallel_loop3A_787, %parallel_loop3A_788] {strides = array<i32>} : memref<200x128xf32, #tpu.memory_space<vmem>>, vector<1x16xf32>,
        %parallel_loop3A_790 = vector.shape_cast %parallel_loop3A_789 : vector<1x16xf32> to vector<16xf32>
        %parallel_loop3A_791 = vector.shape_cast %parallel_loop3A_786 : vector<16xf32> to vector<1x16xf32>
        tpu.vector_store %arg11[%parallel_loop3A_787, %parallel_loop3A_788], %parallel_loop3A_791 {strides = array<i32>} : memref<200x128xf32, #tpu.memory_space<vmem>>, vector<1x16xf32>,
        %parallel_loop3A_792 = arith.index_cast %parallel_loop3A_731 : i32 to index
        %parallel_loop3A_793 = arith.constant 96 : index
        %parallel_loop3A_794 = tpu.vector_load %arg11[%parallel_loop3A_792, %parallel_loop3A_793] {strides = array<i32>} : memref<200x128xf32, #tpu.memory_space<vmem>>, vector<1x16xf32>,
        %parallel_loop3A_795 = vector.shape_cast %parallel_loop3A_794 : vector<1x16xf32> to vector<16xf32>
        %parallel_loop3A_796 = arith.subf %parallel_loop3A_795, %get3A_682 : vector<16xf32>
        %parallel_loop3A_797 = arith.index_cast %parallel_loop3A_731 : i32 to index
        %parallel_loop3A_798 = arith.constant 96 : index
        %parallel_loop3A_799 = tpu.vector_load %arg11[%parallel_loop3A_797, %parallel_loop3A_798] {strides = array<i32>} : memref<200x128xf32, #tpu.memory_space<vmem>>, vector<1x16xf32>,
        %parallel_loop3A_800 = vector.shape_cast %parallel_loop3A_799 : vector<1x16xf32> to vector<16xf32>
        %parallel_loop3A_801 = vector.shape_cast %parallel_loop3A_796 : vector<16xf32> to vector<1x16xf32>
        tpu.vector_store %arg11[%parallel_loop3A_797, %parallel_loop3A_798], %parallel_loop3A_801 {strides = array<i32>} : memref<200x128xf32, #tpu.memory_space<vmem>>, vector<1x16xf32>,
        %parallel_loop3A_802 = arith.index_cast %parallel_loop3A_731 : i32 to index
        %parallel_loop3A_803 = arith.constant 112 : index
        %parallel_loop3A_804 = tpu.vector_load %arg11[%parallel_loop3A_802, %parallel_loop3A_803] {strides = array<i32>} : memref<200x128xf32, #tpu.memory_space<vmem>>, vector<1x16xf32>,
        %parallel_loop3A_805 = vector.shape_cast %parallel_loop3A_804 : vector<1x16xf32> to vector<16xf32>
        %parallel_loop3A_806 = arith.subf %parallel_loop3A_805, %get3A_686 : vector<16xf32>
        %parallel_loop3A_807 = arith.index_cast %parallel_loop3A_731 : i32 to index
        %parallel_loop3A_808 = arith.constant 112 : index
        %parallel_loop3A_809 = tpu.vector_load %arg11[%parallel_loop3A_807, %parallel_loop3A_808] {strides = array<i32>} : memref<200x128xf32, #tpu.memory_space<vmem>>, vector<1x16xf32>,
        %parallel_loop3A_810 = vector.shape_cast %parallel_loop3A_809 : vector<1x16xf32> to vector<16xf32>
        %parallel_loop3A_811 = vector.shape_cast %parallel_loop3A_806 : vector<16xf32> to vector<1x16xf32>
        tpu.vector_store %arg11[%parallel_loop3A_807, %parallel_loop3A_808], %parallel_loop3A_811 {strides = array<i32>} : memref<200x128xf32, #tpu.memory_space<vmem>>, vector<1x16xf32>,
      } {sc.loop_unroll_factor = 2 : i64, sc.parallel_access}
      %mul3A_690 = arith.constant 4 : i32
      %mul3A_691 = arith.muli %add3A_555, %mul3A_690 : i32
      %add3A_692 = arith.constant 3 : i32
      %add3A_693 = arith.addi %mul3A_691, %add3A_692 : i32
      %get3A_694 = arith.index_cast %add3A_693 : i32 to index
      %get3A_695 = arith.constant 0 : index
      %get3A_696 = tpu.vector_load %arg7[%get3A_694, %get3A_695] {strides = array<i32>} : memref<128x128xf32, #tpu.memory_space<vmem>>, vector<1x16xf32>,
      %get3A_697 = vector.shape_cast %get3A_696 : vector<1x16xf32> to vector<16xf32>
      %get3A_698 = arith.index_cast %add3A_693 : i32 to index
      %get3A_699 = arith.constant 16 : index
      %get3A_700 = tpu.vector_load %arg7[%get3A_698, %get3A_699] {strides = array<i32>} : memref<128x128xf32, #tpu.memory_space<vmem>>, vector<1x16xf32>,
      %get3A_701 = vector.shape_cast %get3A_700 : vector<1x16xf32> to vector<16xf32>
      %get3A_702 = arith.index_cast %add3A_693 : i32 to index
      %get3A_703 = arith.constant 32 : index
      %get3A_704 = tpu.vector_load %arg7[%get3A_702, %get3A_703] {strides = array<i32>} : memref<128x128xf32, #tpu.memory_space<vmem>>, vector<1x16xf32>,
      %get3A_705 = vector.shape_cast %get3A_704 : vector<1x16xf32> to vector<16xf32>
      %get3A_706 = arith.index_cast %add3A_693 : i32 to index
      %get3A_707 = arith.constant 48 : index
      %get3A_708 = tpu.vector_load %arg7[%get3A_706, %get3A_707] {strides = array<i32>} : memref<128x128xf32, #tpu.memory_space<vmem>>, vector<1x16xf32>,
      %get3A_709 = vector.shape_cast %get3A_708 : vector<1x16xf32> to vector<16xf32>
      %get3A_710 = arith.index_cast %add3A_693 : i32 to index
      %get3A_711 = arith.constant 64 : index
      %get3A_712 = tpu.vector_load %arg7[%get3A_710, %get3A_711] {strides = array<i32>} : memref<128x128xf32, #tpu.memory_space<vmem>>, vector<1x16xf32>,
      %get3A_713 = vector.shape_cast %get3A_712 : vector<1x16xf32> to vector<16xf32>
      %get3A_714 = arith.index_cast %add3A_693 : i32 to index
      %get3A_715 = arith.constant 80 : index
      %get3A_716 = tpu.vector_load %arg7[%get3A_714, %get3A_715] {strides = array<i32>} : memref<128x128xf32, #tpu.memory_space<vmem>>, vector<1x16xf32>,
      %get3A_717 = vector.shape_cast %get3A_716 : vector<1x16xf32> to vector<16xf32>
      %get3A_718 = arith.index_cast %add3A_693 : i32 to index
      %get3A_719 = arith.constant 96 : index
      %get3A_720 = tpu.vector_load %arg7[%get3A_718, %get3A_719] {strides = array<i32>} : memref<128x128xf32, #tpu.memory_space<vmem>>, vector<1x16xf32>,
      %get3A_721 = vector.shape_cast %get3A_720 : vector<1x16xf32> to vector<16xf32>
      %get3A_722 = arith.index_cast %add3A_693 : i32 to index
      %get3A_723 = arith.constant 112 : index
      %get3A_724 = tpu.vector_load %arg7[%get3A_722, %get3A_723] {strides = array<i32>} : memref<128x128xf32, #tpu.memory_space<vmem>>, vector<1x16xf32>,
      %get3A_725 = vector.shape_cast %get3A_724 : vector<1x16xf32> to vector<16xf32>
      %parallel_loop3A_726 = arith.constant 0 : i32
      %parallel_loop3A_727 = arith.constant 50 : i32
      %parallel_loop3A_728 = arith.constant 1 : i32
      scf.for %parallel_loop3A_729 = %parallel_loop3A_726 to %parallel_loop3A_727 step %parallel_loop3A_728  : i32 {
        %parallel_loop3A_730 = arith.constant 150 : i32
        %parallel_loop3A_731 = arith.addi %parallel_loop3A_730, %parallel_loop3A_729 : i32
        %parallel_loop3A_732 = arith.index_cast %parallel_loop3A_731 : i32 to index
        %parallel_loop3A_733 = arith.constant 0 : index
        %parallel_loop3A_734 = tpu.vector_load %arg11[%parallel_loop3A_732, %parallel_loop3A_733] {strides = array<i32>} : memref<200x128xf32, #tpu.memory_space<vmem>>, vector<1x16xf32>,
        %parallel_loop3A_735 = vector.shape_cast %parallel_loop3A_734 : vector<1x16xf32> to vector<16xf32>
        %parallel_loop3A_736 = arith.subf %parallel_loop3A_735, %get3A_697 : vector<16xf32>
        %parallel_loop3A_737 = arith.index_cast %parallel_loop3A_731 : i32 to index
        %parallel_loop3A_738 = arith.constant 0 : index
        %parallel_loop3A_739 = tpu.vector_load %arg11[%parallel_loop3A_737, %parallel_loop3A_738] {strides = array<i32>} : memref<200x128xf32, #tpu.memory_space<vmem>>, vector<1x16xf32>,
        %parallel_loop3A_740 = vector.shape_cast %parallel_loop3A_739 : vector<1x16xf32> to vector<16xf32>
        %parallel_loop3A_741 = vector.shape_cast %parallel_loop3A_736 : vector<16xf32> to vector<1x16xf32>
        tpu.vector_store %arg11[%parallel_loop3A_737, %parallel_loop3A_738], %parallel_loop3A_741 {strides = array<i32>} : memref<200x128xf32, #tpu.memory_space<vmem>>, vector<1x16xf32>,
        %parallel_loop3A_742 = arith.index_cast %parallel_loop3A_731 : i32 to index
        %parallel_loop3A_743 = arith.constant 16 : index
        %parallel_loop3A_744 = tpu.vector_load %arg11[%parallel_loop3A_742, %parallel_loop3A_743] {strides = array<i32>} : memref<200x128xf32, #tpu.memory_space<vmem>>, vector<1x16xf32>,
        %parallel_loop3A_745 = vector.shape_cast %parallel_loop3A_744 : vector<1x16xf32> to vector<16xf32>
        %parallel_loop3A_746 = arith.subf %parallel_loop3A_745, %get3A_701 : vector<16xf32>
        %parallel_loop3A_747 = arith.index_cast %parallel_loop3A_731 : i32 to index
        %parallel_loop3A_748 = arith.constant 16 : index
        %parallel_loop3A_749 = tpu.vector_load %arg11[%parallel_loop3A_747, %parallel_loop3A_748] {strides = array<i32>} : memref<200x128xf32, #tpu.memory_space<vmem>>, vector<1x16xf32>,
        %parallel_loop3A_750 = vector.shape_cast %parallel_loop3A_749 : vector<1x16xf32> to vector<16xf32>
        %parallel_loop3A_751 = vector.shape_cast %parallel_loop3A_746 : vector<16xf32> to vector<1x16xf32>
        tpu.vector_store %arg11[%parallel_loop3A_747, %parallel_loop3A_748], %parallel_loop3A_751 {strides = array<i32>} : memref<200x128xf32, #tpu.memory_space<vmem>>, vector<1x16xf32>,
        %parallel_loop3A_752 = arith.index_cast %parallel_loop3A_731 : i32 to index
        %parallel_loop3A_753 = arith.constant 32 : index
        %parallel_loop3A_754 = tpu.vector_load %arg11[%parallel_loop3A_752, %parallel_loop3A_753] {strides = array<i32>} : memref<200x128xf32, #tpu.memory_space<vmem>>, vector<1x16xf32>,
        %parallel_loop3A_755 = vector.shape_cast %parallel_loop3A_754 : vector<1x16xf32> to vector<16xf32>
        %parallel_loop3A_756 = arith.subf %parallel_loop3A_755, %get3A_705 : vector<16xf32>
        %parallel_loop3A_757 = arith.index_cast %parallel_loop3A_731 : i32 to index
        %parallel_loop3A_758 = arith.constant 32 : index
        %parallel_loop3A_759 = tpu.vector_load %arg11[%parallel_loop3A_757, %parallel_loop3A_758] {strides = array<i32>} : memref<200x128xf32, #tpu.memory_space<vmem>>, vector<1x16xf32>,
        %parallel_loop3A_760 = vector.shape_cast %parallel_loop3A_759 : vector<1x16xf32> to vector<16xf32>
        %parallel_loop3A_761 = vector.shape_cast %parallel_loop3A_756 : vector<16xf32> to vector<1x16xf32>
        tpu.vector_store %arg11[%parallel_loop3A_757, %parallel_loop3A_758], %parallel_loop3A_761 {strides = array<i32>} : memref<200x128xf32, #tpu.memory_space<vmem>>, vector<1x16xf32>,
        %parallel_loop3A_762 = arith.index_cast %parallel_loop3A_731 : i32 to index
        %parallel_loop3A_763 = arith.constant 48 : index
        %parallel_loop3A_764 = tpu.vector_load %arg11[%parallel_loop3A_762, %parallel_loop3A_763] {strides = array<i32>} : memref<200x128xf32, #tpu.memory_space<vmem>>, vector<1x16xf32>,
        %parallel_loop3A_765 = vector.shape_cast %parallel_loop3A_764 : vector<1x16xf32> to vector<16xf32>
        %parallel_loop3A_766 = arith.subf %parallel_loop3A_765, %get3A_709 : vector<16xf32>
        %parallel_loop3A_767 = arith.index_cast %parallel_loop3A_731 : i32 to index
        %parallel_loop3A_768 = arith.constant 48 : index
        %parallel_loop3A_769 = tpu.vector_load %arg11[%parallel_loop3A_767, %parallel_loop3A_768] {strides = array<i32>} : memref<200x128xf32, #tpu.memory_space<vmem>>, vector<1x16xf32>,
        %parallel_loop3A_770 = vector.shape_cast %parallel_loop3A_769 : vector<1x16xf32> to vector<16xf32>
        %parallel_loop3A_771 = vector.shape_cast %parallel_loop3A_766 : vector<16xf32> to vector<1x16xf32>
        tpu.vector_store %arg11[%parallel_loop3A_767, %parallel_loop3A_768], %parallel_loop3A_771 {strides = array<i32>} : memref<200x128xf32, #tpu.memory_space<vmem>>, vector<1x16xf32>,
        %parallel_loop3A_772 = arith.index_cast %parallel_loop3A_731 : i32 to index
        %parallel_loop3A_773 = arith.constant 64 : index
        %parallel_loop3A_774 = tpu.vector_load %arg11[%parallel_loop3A_772, %parallel_loop3A_773] {strides = array<i32>} : memref<200x128xf32, #tpu.memory_space<vmem>>, vector<1x16xf32>,
        %parallel_loop3A_775 = vector.shape_cast %parallel_loop3A_774 : vector<1x16xf32> to vector<16xf32>
        %parallel_loop3A_776 = arith.subf %parallel_loop3A_775, %get3A_713 : vector<16xf32>
        %parallel_loop3A_777 = arith.index_cast %parallel_loop3A_731 : i32 to index
        %parallel_loop3A_778 = arith.constant 64 : index
        %parallel_loop3A_779 = tpu.vector_load %arg11[%parallel_loop3A_777, %parallel_loop3A_778] {strides = array<i32>} : memref<200x128xf32, #tpu.memory_space<vmem>>, vector<1x16xf32>,
        %parallel_loop3A_780 = vector.shape_cast %parallel_loop3A_779 : vector<1x16xf32> to vector<16xf32>
        %parallel_loop3A_781 = vector.shape_cast %parallel_loop3A_776 : vector<16xf32> to vector<1x16xf32>
        tpu.vector_store %arg11[%parallel_loop3A_777, %parallel_loop3A_778], %parallel_loop3A_781 {strides = array<i32>} : memref<200x128xf32, #tpu.memory_space<vmem>>, vector<1x16xf32>,
        %parallel_loop3A_782 = arith.index_cast %parallel_loop3A_731 : i32 to index
        %parallel_loop3A_783 = arith.constant 80 : index
        %parallel_loop3A_784 = tpu.vector_load %arg11[%parallel_loop3A_782, %parallel_loop3A_783] {strides = array<i32>} : memref<200x128xf32, #tpu.memory_space<vmem>>, vector<1x16xf32>,
        %parallel_loop3A_785 = vector.shape_cast %parallel_loop3A_784 : vector<1x16xf32> to vector<16xf32>
        %parallel_loop3A_786 = arith.subf %parallel_loop3A_785, %get3A_717 : vector<16xf32>
        %parallel_loop3A_787 = arith.index_cast %parallel_loop3A_731 : i32 to index
        %parallel_loop3A_788 = arith.constant 80 : index
        %parallel_loop3A_789 = tpu.vector_load %arg11[%parallel_loop3A_787, %parallel_loop3A_788] {strides = array<i32>} : memref<200x128xf32, #tpu.memory_space<vmem>>, vector<1x16xf32>,
        %parallel_loop3A_790 = vector.shape_cast %parallel_loop3A_789 : vector<1x16xf32> to vector<16xf32>
        %parallel_loop3A_791 = vector.shape_cast %parallel_loop3A_786 : vector<16xf32> to vector<1x16xf32>
        tpu.vector_store %arg11[%parallel_loop3A_787, %parallel_loop3A_788], %parallel_loop3A_791 {strides = array<i32>} : memref<200x128xf32, #tpu.memory_space<vmem>>, vector<1x16xf32>,
        %parallel_loop3A_792 = arith.index_cast %parallel_loop3A_731 : i32 to index
        %parallel_loop3A_793 = arith.constant 96 : index
        %parallel_loop3A_794 = tpu.vector_load %arg11[%parallel_loop3A_792, %parallel_loop3A_793] {strides = array<i32>} : memref<200x128xf32, #tpu.memory_space<vmem>>, vector<1x16xf32>,
        %parallel_loop3A_795 = vector.shape_cast %parallel_loop3A_794 : vector<1x16xf32> to vector<16xf32>
        %parallel_loop3A_796 = arith.subf %parallel_loop3A_795, %get3A_721 : vector<16xf32>
        %parallel_loop3A_797 = arith.index_cast %parallel_loop3A_731 : i32 to index
        %parallel_loop3A_798 = arith.constant 96 : index
        %parallel_loop3A_799 = tpu.vector_load %arg11[%parallel_loop3A_797, %parallel_loop3A_798] {strides = array<i32>} : memref<200x128xf32, #tpu.memory_space<vmem>>, vector<1x16xf32>,
        %parallel_loop3A_800 = vector.shape_cast %parallel_loop3A_799 : vector<1x16xf32> to vector<16xf32>
        %parallel_loop3A_801 = vector.shape_cast %parallel_loop3A_796 : vector<16xf32> to vector<1x16xf32>
        tpu.vector_store %arg11[%parallel_loop3A_797, %parallel_loop3A_798], %parallel_loop3A_801 {strides = array<i32>} : memref<200x128xf32, #tpu.memory_space<vmem>>, vector<1x16xf32>,
        %parallel_loop3A_802 = arith.index_cast %parallel_loop3A_731 : i32 to index
        %parallel_loop3A_803 = arith.constant 112 : index
        %parallel_loop3A_804 = tpu.vector_load %arg11[%parallel_loop3A_802, %parallel_loop3A_803] {strides = array<i32>} : memref<200x128xf32, #tpu.memory_space<vmem>>, vector<1x16xf32>,
        %parallel_loop3A_805 = vector.shape_cast %parallel_loop3A_804 : vector<1x16xf32> to vector<16xf32>
        %parallel_loop3A_806 = arith.subf %parallel_loop3A_805, %get3A_725 : vector<16xf32>
        %parallel_loop3A_807 = arith.index_cast %parallel_loop3A_731 : i32 to index
        %parallel_loop3A_808 = arith.constant 112 : index
        %parallel_loop3A_809 = tpu.vector_load %arg11[%parallel_loop3A_807, %parallel_loop3A_808] {strides = array<i32>} : memref<200x128xf32, #tpu.memory_space<vmem>>, vector<1x16xf32>,
        %parallel_loop3A_810 = vector.shape_cast %parallel_loop3A_809 : vector<1x16xf32> to vector<16xf32>
        %parallel_loop3A_811 = vector.shape_cast %parallel_loop3A_806 : vector<16xf32> to vector<1x16xf32>
        tpu.vector_store %arg11[%parallel_loop3A_807, %parallel_loop3A_808], %parallel_loop3A_811 {strides = array<i32>} : memref<200x128xf32, #tpu.memory_space<vmem>>, vector<1x16xf32>,
      } {sc.loop_unroll_factor = 2 : i64, sc.parallel_access}
    }
    %scan3A_29 = arith.constant 8 : i32
    return
  }
}

</mosaic_0001>

<sc_bundles>
// kernel: kernel.3.cloned.1.call-start
scs
__scs_entry_jumppad:
0x0: {  	(pc) =	sbr.rel $0x88, $3  }
0x1: {  	(tag) =	ssettag $0x0;
	lr =	simm.s32 $0x1  }
0x2: {  	[smem:$0x3F9E] =	sst lr;
	_ =	strace $0xD0000000  }
0x3: {  	_ = 	snop  }
0x4: {  	_ = 	snop  }
0x5: {  	_ = 	snop  }
0x6: {  	_ = 	snop  }
0x7: {  	_ = 	snop  }
__scs_overlays_trampoline_lowered:
0x8: {  	[smem:$0x3FAD] =	sst s0  }
0x9: {  	[smem:$0x3FAE] =	sst s1  }
0xa: {  	[smem:$0x3FAF] =	sst s2  }
0xb: {  	[smem:$0x3FB0] =	sst s3  }
0xc: {  	[smem:$0x3FB1] =	sst s4  }
0xd: {  	[smem:$0x3FB2] =	sst s5  }
0xe: {  	[smem:$0x3FB3] =	sst s6  }
0xf: {  	[smem:$0x3FB4] =	sst s7  }
0x10: {  	[smem:$0x3FB5] =	sst s8  }
0x11: {  	[smem:$0x3FB6] =	sst s9;
	s0 =	simm.s32 @!p0 $0x0  }
0x12: {  	s1 =	sld [smem:$0x3F9C];
	s0 =	simm.s32 @p0 $0x1  }
0x13: {  	[smem:$0x3FB7] =	sst s0;
	s0 =	simm.s32 @!p1 $0x0  }
0x14: {  	s2 =	sld [smem:$0x3F9B];
	s0 =	simm.s32 @p1 $0x1  }
0x15: {  	[smem:$0x3FB8] =	sst s0;
	s0 =	simm.s32 @!p2 $0x0  }
0x16: {  	s3 =	sld [smem:$0x3FDB];
	s0 =	simm.s32 @p2 $0x1  }
0x17: {  	s4 =	simm.s32 $0x1BF5;
	[smem:$0x3FBA] =	sst s0  }
0x18: {  	s0 =	sld [smem:$0x3F9D];
	_ =	swait.ge [sflag:s4], $0x0  }
0x19: {  	s7 =	sld [smem:$0x3F9E]  }
0x1a: {  	s8 =	sadd.s32 $0xFFFFE003, lr  }
0x1b: {  	s9 =	sadd.s32 $0xFFFFFEF7, lr;
	s5 =	simm.s32 $0xFFFFFFFF;
	p2 =	slt.u32 s8, $0xFFFFF086  }
0x1c: {  	p1 =	slt.u32 s9, $0xF7A;
	s5 =	simm.s32 @!p2 $0x0  }
0x1d: {  	s5 =	simm.s32 @p1 $0x1;
	p0 =	seq.s32 s7, s2  }
0x1e: {  	s7 =	smul.u32 @!p0 $0xF7A, s2;
	p2 =	seq.s32 @!p0 s5, $0x0  }
0x1f: {  	s9 =	smul.u32 $0xF7A, s1;
	s8 =	simm.s32 @!p0 $0x1BF5;
	p2 =	por !p2, p0  }
0x20: {  	[sflag:s8] =	ssyncset.s32 @!p0 $0xFFFFF086;
	s6 =	sadd.s32 @!p0 s3, s7;
	s7 =	simm.s32 @!p0 $0x108  }
0x21: {  	s3 =	sadd.s32 s3, s9;
	s6 =	sadd.s32 @!p0 $0x88, s6;
	s7 =	simm.s32 @p2 $0x1082  }
0x22: {  	[simem:s7], [sflag:s8] =	dma.local @!p0 [hbm:s6], $0xF7A  }
0x23: {  	s9 =	sor.u32 $0xD0000000, s2;
	s6 =	simm.s32 $0x108;
	_ =	swait.ge @!p0 [sflag:s8], $0x0  }
0x24: {  	s3 =	sadd.s32 $0x88, s3;
	s6 =	simm.s32 @!p1 $0x1082;
	[sflag:s4] =	ssyncset.s32 $0xFFFFF086  }
0x25: {  	[simem:s6], [sflag:s4] =	dma.local [hbm:s3], $0xF7A  }
0x26: {  	[smem:$0x3F9E] =	sst s1;
	(tag) =	ssettag s2;
	_ =	strace s9  }
0x27: {  	s1 =	sld [smem:$0x3FAE]  }
0x28: {  	s2 =	sld [smem:$0x3FAF]  }
0x29: {  	s4 =	sld [smem:$0x3FB1]  }
0x2a: {  	p0 =	seq.s32 s5, $0x0;
	s5 =	sld [smem:$0x3FB2]  }
0x2b: {  	s6 =	sld [smem:$0x3FB3]  }
0x2c: {  	s7 =	sld [smem:$0x3FB4]  }
0x2d: {  	s3 =	simm.s32 $0x108;
	s8 =	sld [smem:$0x3FB5]  }
0x2e: {  	s3 =	simm.s32 @!p0 $0x1082;
	s9 =	sld [smem:$0x3FB6]  }
0x2f: {  	lr =	sadd.s32 s0, s3;
	s0 =	sld [smem:$0x3FAD]  }
0x30: {  	s3 =	sld [smem:$0x3FB0]  }
0x31: {  	[smem:$0x3FB9] =	sst s10  }
0x32: {  	s10 =	sld [smem:$0x3FB7];
	_ =	sdelay $0x3  }
0x33: {  	p0 =	seq.s32 s10, $0x1;
	s10 =	sld [smem:$0x3FB9];
	_ =	sdelay $0x3  }
0x34: {  	[smem:$0x3FB9] =	sst s10  }
0x35: {  	s10 =	sld [smem:$0x3FB8];
	_ =	sdelay $0x3  }
0x36: {  	p1 =	seq.s32 s10, $0x1;
	s10 =	sld [smem:$0x3FB9];
	_ =	sdelay $0x3  }
0x37: {  	[smem:$0x3FB9] =	sst s10  }
0x38: {  	s10 =	sld [smem:$0x3FBA]  }
0x39: {  	_ = 	snop;
	(pc) =	sbr.ind lr, $3  }
0x3a: {  	_ = 	snop  }
0x3b: {  	_ = 	snop  }
0x3c: {  	p2 =	seq.s32 s10, $0x1;
	s10 =	sld [smem:$0x3FB9]  }
0x3d: {  	_ =	shalt  }
0x3e: {  	_ =	shalt  }
0x3f: {  	_ =	shalt  }
0x40: {  	_ =	shalt  }
0x41: {  	_ =	shalt  }
0x42: {  	_ =	shalt  }
0x43: {  	_ =	shalt  }
0x44: {  	_ =	shalt  }
0x45: {  	_ =	shalt  }
0x46: {  	_ =	shalt  }
0x47: {  	_ =	shalt  }
0x48: {  	_ =	shalt  }
0x49: {  	_ =	shalt  }
0x4a: {  	_ =	shalt  }
0x4b: {  	_ =	shalt  }
0x4c: {  	_ =	shalt  }
0x4d: {  	_ =	shalt  }
0x4e: {  	_ =	shalt  }
0x4f: {  	_ =	shalt  }
0x50: {  	_ =	shalt  }
0x51: {  	_ =	shalt  }
0x52: {  	_ =	shalt  }
0x53: {  	_ =	shalt  }
0x54: {  	_ =	shalt  }
0x55: {  	_ =	shalt  }
0x56: {  	_ =	shalt  }
0x57: {  	_ =	shalt  }
0x58: {  	_ =	shalt  }
0x59: {  	_ =	shalt  }
0x5a: {  	_ =	shalt  }
0x5b: {  	_ =	shalt  }
0x5c: {  	_ =	shalt  }
0x5d: {  	_ =	shalt  }
0x5e: {  	_ =	shalt  }
0x5f: {  	_ =	shalt  }
0x60: {  	_ =	shalt  }
0x61: {  	_ =	shalt  }
0x62: {  	_ =	shalt  }
0x63: {  	_ =	shalt  }
0x64: {  	_ =	shalt  }
0x65: {  	_ =	shalt  }
0x66: {  	_ =	shalt  }
0x67: {  	_ =	shalt  }
0x68: {  	_ =	shalt  }
0x69: {  	_ =	shalt  }
0x6a: {  	_ =	shalt  }
0x6b: {  	_ =	shalt  }
0x6c: {  	_ =	shalt  }
0x6d: {  	_ =	shalt  }
0x6e: {  	_ =	shalt  }
0x6f: {  	_ =	shalt  }
0x70: {  	_ =	shalt  }
0x71: {  	_ =	shalt  }
0x72: {  	_ =	shalt  }
0x73: {  	_ =	shalt  }
0x74: {  	_ =	shalt  }
0x75: {  	_ =	shalt  }
0x76: {  	_ =	shalt  }
0x77: {  	_ =	shalt  }
0x78: {  	_ =	shalt  }
0x79: {  	_ =	shalt  }
0x7a: {  	_ =	shalt  }
0x7b: {  	_ =	shalt  }
0x7c: {  	_ =	shalt  }
0x7d: {  	_ =	shalt  }
0x7e: {  	_ =	shalt  }
0x7f: {  	_ =	shalt  }
0x80: {  	_ =	shalt  }
0x81: {  	_ =	shalt  }
0x82: {  	_ =	shalt  }
0x83: {  	_ =	shalt  }
0x84: {  	_ =	shalt  }
0x85: {  	_ =	shalt  }
0x86: {  	_ =	shalt  }
0x87: {  	_ =	shalt  }
.Lfunc_end0:
.L_simem_size_0:
called_computation_lowered:
.L_overlay_start_0:
0x88: {  	s2 =	sld [smem:$0x3FD9]  }
0x89: {  	s3 =	sld [smem:$0x3FFE];
	_ =	sdelay $0x1  }
0x8a: {  	s1 =	srdreg.scid  }
0x8b: {  	s0 =	sand.u32 $0x1, s1  }
0x8c: {  	s17 =	sshll.u32 s0, $0xA;
	s2 =	sadd.s32 s3, s2  }
0x8d: {  	s2 =	sadd.s32 s2, s17  }
0x8e: {  	[smem:$0x3FC5] =	sst s2  }
0x8f: {  	_ = 	snop  }
0x90: {  	s2 =	sld [smem:$0x3FC8]  }
0x91: {  	s18 =	sld [smem:$0x3FC7];
	(tm) =	ssettm $0x1  }
0x92: {  	s4 =	sld [smem:$0x3FFB];
	_ =	sdelay $0x3  }
0x93: {  	_ =	strace s4  }
0x94: {  	s4 =	sld [smem:$0x3FFC];
	_ =	sdelay $0x3  }
0x95: {  	_ =	strace s4  }
0x96: {  	s4 =	sld [smem:$0x3FFD];
	_ =	sdelay $0x3  }
0x97: {  	_ =	strace s4  }
0x98: {  	_ =	strace $0x8FFFFFFF  }
0x99: {  	s19 =	sld [smem:$0x3FDB];
	_ =	sdelay $0x1  }
0x9a: {  	s5 =	simm.s32 $_scs_section_size  }
0x9b: {  	s6 =	simm.s32 $_size__tile_overlayer_lowered;
	s7 =	simm.s32 $_tile_overlayer_lowered  }
0x9c: {  	s22 =	simm.s32 $0x1BFF;
	s21 =	sshll.u32 s7, $0x1;
	s4 =	sadd.s32 s5, s19  }
0x9d: {  	s8 =	simm.s32 $0x0;
	s20 =	sshll.u32 s6, $0x1;
	s6 =	sadd.s32 s21, s4  }
0x9e: {  	[timem:s8], [sflag:s22] =	dma.local [hbm:s6], s20  }
0x9f: {  	_ =	swait.ge [sflag:s22], s20  }
0xa0: {  	s5 =	ssub.s32 $0x0, s20;
	[sflag:s22] =	ssyncset.done $0x0  }
0xa1: {  	[sflag:s22] =	ssyncadd.s32 s5;
	_ =	sdelay $0x1  }
0xa2: {  	s23 =	simm.s32 $0x1B8B  }
0xa3: {  	_ =	swait.ge [sflag:s23], $0x1  }
0xa4: {  	[sflag:s23] =	ssyncset.done $0x0  }
0xa5: {  	s25 =	simm.s32 $0x1B8E;
	s24 =	sld [smem:$0x3FFE];
	[sflag:s23] =	ssyncadd.s32 $0xFFFFFFFF  }
0xa6: {  	s26 =	simm.s32 $execute0_lowered;
	[smem:$0x3FD2] =	sst s25  }
0xa7: {  	s6 =	sshll.u32 s26, $0x1;
	_ =	strace $0x80000046;
	[dreg:$0x1] =	wrdreg $0xFFFFFFFF  }
0xa8: {  	s28 =	simm.s32 $_size_execute0_lowered;
	s4 =	sadd.s32 s4, s6;
	[dreg:$0x0] =	wrdreg $0x0  }
0xa9: {  	s6 =	sshll.u32 s28, $0x1;
	[dreg:$0x2] =	wrdreg s4  }
0xaa: {  	[dreg:$0x3] =	wrdreg s6  }
0xab: {  	[dreg:$0x4] =	wrdreg $0xC0  }
0xac: {  	_ =	task [dreg:s8], $0x5FFFF  }
0xad: {  	[dreg:$0x1] =	wrdreg $0xFFFFFFFF  }
0xae: {  	[dreg:$0x0] =	wrdreg $0x60  }
0xaf: {  	[dreg:$0x2] =	wrdreg s18  }
0xb0: {  	[dreg:$0x3] =	wrdreg s24  }
0xb1: {  	[dreg:$0x4] =	wrdreg s2  }
0xb2: {  	[dreg:$0x5] =	wrdreg $0x9  }
0xb3: {  	_ =	task.clear_ibuf [dreg:s8], $0x6FFFF;
	_ =	strace $0x90000046  }
0xb4: {  	s29 =	simm.s32 $0x9;
	_ =	strace $0x80000048  }
0xb5: {  	_ =	swait.ge [sflag:s29], $0x1  }
0xb6: {  	[sflag:s29] =	ssyncadd.s32 $0xFFFFFFFF  }
0xb7: {  	_ =	strace $0x90000048  }
0xb8: {  	_ =	sfence  }
0xb9: {  	s30 =	sld [smem:$0x0];
	_ =	sdelay $0x2  }
0xba: {  	s31 =	sshll.u32 s1, $0xD;
	s1 =	sshrl.u32 s1, $0x2  }
0xbb: {  	s3 =	sand.u32 $0x4000, s31;
	s1 =	sadd.s32 s1, s30  }
0xbc: {  	s0 =	sor.u32 s3, s0;
	s1 =	sshll.u32 s1, $0x11  }
0xbd: {  	s0 =	sor.u32 s1, s0  }
0xbe: {  	s0 =	sadd.s32 $0x8F2B, s0  }
0xbf: {  	[sflag:s0] =	ssyncadd.remote.s32 $0x1  }
0xc0: {  	_ =	sfence.sel $0xFFFF  }
0xc1: {  	[dreg:$0x0] =	wrdreg $0xFFFFFFFF;
	(pc) =	sbr.abs _section_cstart, $3  }
0xc2: {  	[dreg:$0x1] =	wrdreg $0xFFFFFFFF  }
0xc3: {  	_ =	task.clear_ibuf [dreg:s8], $0x2FFFF;
	_ =	strace $0x9FFFFFFF  }
0xc4: {  	(tm) =	ssettm $0x7FFFFFFF  }
0xc5: {  	_ =	shalt  }
tec
execute0_lowered:
.L_overlay_start_1:
0x0: {  	(tag) =	ssettag $0x1  }
0x1: {  	s0 =	rddreg [dreg:$0x0]  }
0x2: {  	s1 =	srdreg.scid;
	s4 =	rddreg [dreg:$0x1]  }
0x3: {  	s6 =	rddreg [dreg:$0x2];
	s2 =	stileid.u32;
	s3 =	simm.s32 $0x0  }
0x4: {  	s10 =	simm.s32 $0x5900;
	s11 =	simm.s32 $0xBD00;
	s12 =	simm.s32 $0x12100  }
0x5: {  	s13 =	simm.s32 $0x1;
	s14 =	simm.s32 $0x18500;
	s15 =	simm.s32 $0x2  }
0x6: {  	s16 =	simm.s32 $0x3;
	s17 =	simm.s32 $0x4;
	s5 =	sand.u32 $0x1, s1  }
0x7: {  	s18 =	simm.s32 $0x0;
	s1 =	rddreg [dreg:$0x3];
	s7 =	sshll.u32 s5, $0x4  }
0x8: {  	[smem:$0x7FF] =	sst s3;
	s5 =	ssub.s32 $0x2, s5;
	s7 =	sor.u32 s2, s7  }
0x9: {  	_ =	strace $0x80000047;
	s9 =	sshrl.u32 s5, $0x1;
	s8 =	smul.u32 $0x320, s7  }
0xa: {  	s30 =	ssub.s32 s5, s9;
	s31 =	sshll.u32 s7, $0xB;
	s7 =	simm.s32 $0x5  }
0xb: {  	s9 =	simm.s32 $0xC8;
	s5 =	sadd.s32 s6, s31;
	s4 =	sadd.s32 s8, s4  }
0xc: {  	s6 =	smax.u32 s30, $0x1;
	s8 =	simm.s32 $0x1900;
	s4 =	sadd.s32 $0x400, s4  }
.LBB2_1:
0xd: {  	[tilespmem:s3], [sflag:$0x5] =	stream.linear.gather [hbm4b:s4+s3], $0x1900, $0x38;
	[tilespmem:$0x1E900] =	vst v63  }
0xe: {  	_ =	swait.ge [sflag:s7], $0x1900  }
0xf: {  	[sflag:s7] =	ssyncset.done $0x0  }
0x10: {  	[sflag:s7] =	ssyncadd.s32 $0xFFFFE700  }
0x11: {  	[tilespmem:s8], [sflag:$0x5] =	stream.linear.gather [hbm4b:s5+s3], $0x4000, $0x38;
	[tilespmem:$0x1E900] =	vst v63  }
0x12: {  	_ =	swait.ge [sflag:s7], $0x4000  }
0x13: {  	[sflag:s7] =	ssyncset.done $0x0  }
0x14: {  	[sflag:s7] =	ssyncadd.s32 $0xFFFFC000  }
0x15: {  	[tilespmem:s10], [sflag:$0x1] =	stream.indirect.gather [hbm4b:s0+s9], $0x80, s3, s9, $0xb8;
	[tilespmem:$0x1E900] =	vst v63  }
0x16: {  	s19 =	simm.s32 $0x0  }
0x17: {  	[tilespmem:s11], [sflag:$0x2] =	stream.indirect.gather [hbm4b:s0+s9], $0x80, s9, s9, $0xb8;
	[tilespmem:$0x1E900] =	vst v63  }
.LBB2_2:
0x18: {  	s20 =	sshll.u32 s19, $0x2  }
0x19: {  	s21 =	sor.u32 $0x2, s20  }
0x1a: {  	s22 =	smul.u32 $0x320, s21;
	_ =	sdelay $0x1  }
0x1b: {  	s22 =	sshra.s32 s22, $0x2  }
0x1c: {  	[tilespmem:s12], [sflag:$0x3] =	stream.indirect.gather [hbm4b:s0+s9], $0x80, s22, s9, $0xb8;
	[tilespmem:$0x1E900] =	vst v63  }
0x1d: {  	_ =	swait.ge [sflag:s13], $0x6400  }
0x1e: {  	s31 =	sshll.u32 s19, $0xD;
	[sflag:s13] =	ssyncset.done $0x0  }
0x1f: {  	s22 =	sshra.s32 s31, $0x2;
	[sflag:s13] =	ssyncadd.s32 $0xFFFF9C00  }
0x20: {  	v0 =	vld [tilespmem:s22+$0x1900]  }
0x21: {  	v5 =	vld [tilespmem:s22+$0x1910]  }
0x22: {  	v6 =	vld [tilespmem:s22+$0x1920]  }
0x23: {  	v4 =	vld [tilespmem:s22+$0x1930]  }
0x24: {  	v3 =	vld [tilespmem:s22+$0x1940]  }
0x25: {  	v2 =	vld [tilespmem:s22+$0x1950]  }
0x26: {  	v1 =	vld [tilespmem:s22+$0x1960]  }
0x27: {  	s23 =	simm.s32 $0x5980;
	v7 =	vld [tilespmem:s22+$0x1970]  }
0x28: {  	v8 =	vld [tilespmem:s23+$0x70]  }
0x29: {  	v9 =	vld [tilespmem:s23+$0xFFFFFF90]  }
0x2a: {  	v10 =	vld [tilespmem:s23+$0xFFFFFFA0]  }
0x2b: {  	v11 =	vld [tilespmem:s23+$0xFFFFFFB0]  }
0x2c: {  	v12 =	vld [tilespmem:s23+$0xFFFFFFC0]  }
0x2d: {  	v13 =	vld [tilespmem:s23+$0xFFFFFFD0];
	v8 =	vsub.f32 v8, v7  }
0x2e: {  	v14 =	vld [tilespmem:s23+$0xFFFFFFE0];
	v9 =	vsub.f32 v9, v5  }
0x2f: {  	v15 =	vld [tilespmem:s23+$0xFFFFFFF0];
	v10 =	vsub.f32 v10, v6;
	[tilespmem:s23+$0x70] =	vst v8  }
0x30: {  	[tilespmem:s23+$0xFFFFFF90] =	vst v9;
	v8 =	vsub.f32 v11, v4;
	v11 =	vld [tilespmem:s23+$0x0]  }
0x31: {  	[tilespmem:s23+$0xFFFFFFA0] =	vst v10;
	v9 =	vsub.f32 v12, v3;
	v12 =	vld [tilespmem:s23+$0x10]  }
0x32: {  	v16 =	vld [tilespmem:s23+$0x20];
	v10 =	vsub.f32 v13, v2;
	[tilespmem:s23+$0xFFFFFFB0] =	vst v8  }
0x33: {  	v13 =	vsub.f32 v14, v1;
	[tilespmem:s23+$0xFFFFFFC0] =	vst v9;
	v8 =	vld [tilespmem:s23+$0x30]  }
0x34: {  	v14 =	vsub.f32 v15, v7;
	[tilespmem:s23+$0xFFFFFFD0] =	vst v10;
	v9 =	vld [tilespmem:s23+$0x40]  }
0x35: {  	[tilespmem:s23+$0xFFFFFFE0] =	vst v13;
	v10 =	vld [tilespmem:s23+$0x50];
	v15 =	vsub.f32 v11, v0  }
0x36: {  	[tilespmem:s23+$0xFFFFFFF0] =	vst v14;
	v11 =	vld [tilespmem:s23+$0x60];
	v13 =	vsub.f32 v12, v5  }
0x37: {  	s24 =	simm.s32 $0x0;
	s25 =	simm.s32 $0x5A80;
	v14 =	vsub.f32 v16, v6;
	v12 =	vld [tilespmem:s23+$0xFFFFFF80];
	[tilespmem:s23+$0x0] =	vst v15  }
.LBB2_3:
0x38: {  	v15 =	vld [tilespmem:s25+$0x70];
	s24 =	sadd.s32 $0x2, s24;
	[tilespmem:s23+$0x10] =	vst v13;
	v8 =	vsub.f32 v8, v4  }
0x39: {  	v13 =	vld [tilespmem:s25+$0xFFFFFF90];
	p0 =	slt.u32 s24, $0x30;
	[tilespmem:s23+$0x20] =	vst v14;
	v9 =	vsub.f32 v9, v3  }
0x3a: {  	v14 =	vld [tilespmem:s25+$0xFFFFFFA0];
	[tilespmem:s23+$0x30] =	vst v8;
	v8 =	vsub.f32 v10, v2  }
0x3b: {  	v10 =	vld [tilespmem:s25+$0xFFFFFFB0];
	[tilespmem:s23+$0x40] =	vst v9;
	v9 =	vsub.f32 v11, v1  }
0x3c: {  	v11 =	vld [tilespmem:s25+$0xFFFFFFC0];
	v12 =	vsub.f32 v12, v0;
	[tilespmem:s23+$0x50] =	vst v8  }
0x3d: {  	v8 =	vld [tilespmem:s25+$0xFFFFFFD0];
	v15 =	vsub.f32 v15, v7;
	[tilespmem:s23+$0x60] =	vst v9  }
0x3e: {  	v9 =	vsub.f32 v13, v5;
	v13 =	vld [tilespmem:s25+$0xFFFFFFE0];
	[tilespmem:s23+$0xFFFFFF80] =	vst v12;
	s23 =	smov.u32 s25  }
0x3f: {  	v12 =	vsub.f32 v14, v6;
	v14 =	vld [tilespmem:s25+$0xFFFFFFF0];
	[tilespmem:s25+$0x70] =	vst v15  }
0x40: {  	[tilespmem:s25+$0xFFFFFF90] =	vst v9;
	v9 =	vsub.f32 v10, v4;
	v10 =	vld [tilespmem:s25+$0x0]  }
0x41: {  	[tilespmem:s25+$0xFFFFFFA0] =	vst v12;
	v11 =	vsub.f32 v11, v3;
	v12 =	vld [tilespmem:s25+$0x10]  }
0x42: {  	[tilespmem:s25+$0xFFFFFFB0] =	vst v9;
	v9 =	vsub.f32 v8, v2;
	v15 =	vld [tilespmem:s25+$0x20]  }
.Ltmp0:
0x43: {  	[tilespmem:s25+$0xFFFFFFC0] =	vst v11;
	v11 =	vsub.f32 v13, v1;
	v8 =	vld [tilespmem:s25+$0x30];
	(pc) =	sbr.rel @p0 .LBB2_3-.Ltmp0, $4  }
0x44: {  	[tilespmem:s25+$0xFFFFFFD0] =	vst v9;
	v13 =	vsub.f32 v14, v7;
	v9 =	vld [tilespmem:s25+$0x40]  }
0x45: {  	[tilespmem:s25+$0xFFFFFFE0] =	vst v11;
	v14 =	vsub.f32 v10, v0;
	v10 =	vld [tilespmem:s25+$0x50]  }
0x46: {  	[tilespmem:s25+$0xFFFFFFF0] =	vst v13;
	v13 =	vsub.f32 v12, v5;
	v11 =	vld [tilespmem:s25+$0x60]  }
0x47: {  	s25 =	sadd.s32 $0x100, s25;
	v12 =	vld [tilespmem:s23+$0xFFFFFF80];
	[tilespmem:s23+$0x0] =	vst v14;
	v14 =	vsub.f32 v15, v6  }
0x48: {  	[tilespmem:s23+$0x10] =	vst v13;
	v4 =	vsub.f32 v8, v4  }
0x49: {  	[tilespmem:s23+$0x20] =	vst v14;
	v3 =	vsub.f32 v9, v3  }
0x4a: {  	[tilespmem:s23+$0x30] =	vst v4;
	v2 =	vsub.f32 v10, v2  }
0x4b: {  	[tilespmem:s23+$0x40] =	vst v3;
	v1 =	vsub.f32 v11, v1  }
0x4c: {  	v0 =	vsub.f32 v12, v0;
	[tilespmem:s23+$0x50] =	vst v2  }
0x4d: {  	[tilespmem:s23+$0x60] =	vst v1  }
0x4e: {  	[tilespmem:s23+$0xFFFFFF80] =	vst v0  }
0x4f: {  	v0 =	vld [tilespmem:s22+$0x1980]  }
0x50: {  	v5 =	vld [tilespmem:s22+$0x1990]  }
0x51: {  	v6 =	vld [tilespmem:s22+$0x19A0]  }
0x52: {  	v4 =	vld [tilespmem:s22+$0x19B0]  }
0x53: {  	v3 =	vld [tilespmem:s22+$0x19C0]  }
0x54: {  	v2 =	vld [tilespmem:s22+$0x19D0]  }
0x55: {  	v1 =	vld [tilespmem:s22+$0x19E0]  }
0x56: {  	s23 =	simm.s32 $0x72F0;
	v7 =	vld [tilespmem:s22+$0x19F0]  }
0x57: {  	v8 =	vld [tilespmem:s23+$0x0]  }
0x58: {  	v9 =	vld [tilespmem:s23+$0xFFFFFF20]  }
0x59: {  	v10 =	vld [tilespmem:s23+$0xFFFFFF30]  }
0x5a: {  	v11 =	vld [tilespmem:s23+$0xFFFFFF40]  }
0x5b: {  	v12 =	vld [tilespmem:s23+$0xFFFFFF50]  }
0x5c: {  	v13 =	vld [tilespmem:s23+$0xFFFFFF60];
	v8 =	vsub.f32 v8, v7  }
0x5d: {  	v14 =	vld [tilespmem:s23+$0xFFFFFF70];
	v9 =	vsub.f32 v9, v5  }
0x5e: {  	v15 =	vld [tilespmem:s23+$0xFFFFFF80];
	v10 =	vsub.f32 v10, v6;
	[tilespmem:s23+$0x0] =	vst v8  }
0x5f: {  	[tilespmem:s23+$0xFFFFFF20] =	vst v9;
	v8 =	vsub.f32 v11, v4;
	v11 =	vld [tilespmem:s23+$0xFFFFFF90]  }
0x60: {  	[tilespmem:s23+$0xFFFFFF30] =	vst v10;
	v9 =	vsub.f32 v12, v3;
	v12 =	vld [tilespmem:s23+$0xFFFFFFA0]  }
0x61: {  	v16 =	vld [tilespmem:s23+$0xFFFFFFB0];
	v10 =	vsub.f32 v13, v2;
	[tilespmem:s23+$0xFFFFFF40] =	vst v8  }
0x62: {  	v13 =	vsub.f32 v14, v1;
	[tilespmem:s23+$0xFFFFFF50] =	vst v9;
	v8 =	vld [tilespmem:s23+$0xFFFFFFC0]  }
0x63: {  	v14 =	vsub.f32 v15, v7;
	[tilespmem:s23+$0xFFFFFF60] =	vst v10;
	v9 =	vld [tilespmem:s23+$0xFFFFFFD0]  }
0x64: {  	[tilespmem:s23+$0xFFFFFF70] =	vst v13;
	v10 =	vld [tilespmem:s23+$0xFFFFFFE0];
	v15 =	vsub.f32 v11, v0  }
0x65: {  	[tilespmem:s23+$0xFFFFFF80] =	vst v14;
	v11 =	vld [tilespmem:s23+$0xFFFFFFF0];
	v13 =	vsub.f32 v12, v5  }
0x66: {  	s24 =	simm.s32 $0x0;
	s25 =	simm.s32 $0x73F0;
	v14 =	vsub.f32 v16, v6;
	v12 =	vld [tilespmem:s23+$0xFFFFFF10];
	[tilespmem:s23+$0xFFFFFF90] =	vst v15  }
.LBB2_5:
0x67: {  	v15 =	vld [tilespmem:s25+$0x0];
	s24 =	sadd.s32 $0x2, s24;
	[tilespmem:s23+$0xFFFFFFA0] =	vst v13;
	v8 =	vsub.f32 v8, v4  }
0x68: {  	v13 =	vld [tilespmem:s25+$0xFFFFFF20];
	p0 =	slt.u32 s24, $0x30;
	[tilespmem:s23+$0xFFFFFFB0] =	vst v14;
	v9 =	vsub.f32 v9, v3  }
0x69: {  	v14 =	vld [tilespmem:s25+$0xFFFFFF30];
	[tilespmem:s23+$0xFFFFFFC0] =	vst v8;
	v8 =	vsub.f32 v10, v2  }
0x6a: {  	v10 =	vld [tilespmem:s25+$0xFFFFFF40];
	[tilespmem:s23+$0xFFFFFFD0] =	vst v9;
	v9 =	vsub.f32 v11, v1  }
0x6b: {  	v11 =	vld [tilespmem:s25+$0xFFFFFF50];
	v12 =	vsub.f32 v12, v0;
	[tilespmem:s23+$0xFFFFFFE0] =	vst v8  }
0x6c: {  	v8 =	vld [tilespmem:s25+$0xFFFFFF60];
	v15 =	vsub.f32 v15, v7;
	[tilespmem:s23+$0xFFFFFFF0] =	vst v9  }
0x6d: {  	v9 =	vsub.f32 v13, v5;
	v13 =	vld [tilespmem:s25+$0xFFFFFF70];
	[tilespmem:s23+$0xFFFFFF10] =	vst v12;
	s23 =	smov.u32 s25  }
0x6e: {  	v12 =	vsub.f32 v14, v6;
	v14 =	vld [tilespmem:s25+$0xFFFFFF80];
	[tilespmem:s25+$0x0] =	vst v15  }
0x6f: {  	[tilespmem:s25+$0xFFFFFF20] =	vst v9;
	v9 =	vsub.f32 v10, v4;
	v10 =	vld [tilespmem:s25+$0xFFFFFF90]  }
0x70: {  	[tilespmem:s25+$0xFFFFFF30] =	vst v12;
	v11 =	vsub.f32 v11, v3;
	v12 =	vld [tilespmem:s25+$0xFFFFFFA0]  }
0x71: {  	[tilespmem:s25+$0xFFFFFF40] =	vst v9;
	v9 =	vsub.f32 v8, v2;
	v15 =	vld [tilespmem:s25+$0xFFFFFFB0]  }
.Ltmp1:
0x72: {  	[tilespmem:s25+$0xFFFFFF50] =	vst v11;
	v11 =	vsub.f32 v13, v1;
	v8 =	vld [tilespmem:s25+$0xFFFFFFC0];
	(pc) =	sbr.rel @p0 .LBB2_5-.Ltmp1, $4  }
0x73: {  	[tilespmem:s25+$0xFFFFFF60] =	vst v9;
	v13 =	vsub.f32 v14, v7;
	v9 =	vld [tilespmem:s25+$0xFFFFFFD0]  }
0x74: {  	[tilespmem:s25+$0xFFFFFF70] =	vst v11;
	v14 =	vsub.f32 v10, v0;
	v10 =	vld [tilespmem:s25+$0xFFFFFFE0]  }
0x75: {  	[tilespmem:s25+$0xFFFFFF80] =	vst v13;
	v13 =	vsub.f32 v12, v5;
	v11 =	vld [tilespmem:s25+$0xFFFFFFF0]  }
0x76: {  	s25 =	sadd.s32 $0x100, s25;
	v12 =	vld [tilespmem:s23+$0xFFFFFF10];
	[tilespmem:s23+$0xFFFFFF90] =	vst v14;
	v14 =	vsub.f32 v15, v6  }
0x77: {  	[tilespmem:s23+$0xFFFFFFA0] =	vst v13;
	v4 =	vsub.f32 v8, v4  }
0x78: {  	[tilespmem:s23+$0xFFFFFFB0] =	vst v14;
	v3 =	vsub.f32 v9, v3  }
0x79: {  	[tilespmem:s23+$0xFFFFFFC0] =	vst v4;
	v2 =	vsub.f32 v10, v2  }
0x7a: {  	[tilespmem:s23+$0xFFFFFFD0] =	vst v3;
	v1 =	vsub.f32 v11, v1  }
0x7b: {  	v0 =	vsub.f32 v12, v0;
	[tilespmem:s23+$0xFFFFFFE0] =	vst v2  }
0x7c: {  	[tilespmem:s23+$0xFFFFFFF0] =	vst v1  }
0x7d: {  	[tilespmem:s23+$0xFFFFFF10] =	vst v0  }
0x7e: {  	v0 =	vld [tilespmem:s22+$0x1A00]  }
0x7f: {  	v5 =	vld [tilespmem:s22+$0x1A10]  }
0x80: {  	v6 =	vld [tilespmem:s22+$0x1A20]  }
0x81: {  	v4 =	vld [tilespmem:s22+$0x1A30]  }
0x82: {  	v3 =	vld [tilespmem:s22+$0x1A40]  }
0x83: {  	v2 =	vld [tilespmem:s22+$0x1A50]  }
0x84: {  	v1 =	vld [tilespmem:s22+$0x1A60]  }
0x85: {  	s23 =	simm.s32 $0x8BF0;
	v7 =	vld [tilespmem:s22+$0x1A70]  }
0x86: {  	v8 =	vld [tilespmem:s23+$0x0]  }
0x87: {  	v9 =	vld [tilespmem:s23+$0xFFFFFF20]  }
0x88: {  	v10 =	vld [tilespmem:s23+$0xFFFFFF30]  }
0x89: {  	v11 =	vld [tilespmem:s23+$0xFFFFFF40]  }
0x8a: {  	v12 =	vld [tilespmem:s23+$0xFFFFFF50]  }
0x8b: {  	v13 =	vld [tilespmem:s23+$0xFFFFFF60];
	v8 =	vsub.f32 v8, v7  }
0x8c: {  	v14 =	vld [tilespmem:s23+$0xFFFFFF70];
	v9 =	vsub.f32 v9, v5  }
0x8d: {  	v15 =	vld [tilespmem:s23+$0xFFFFFF80];
	v10 =	vsub.f32 v10, v6;
	[tilespmem:s23+$0x0] =	vst v8  }
0x8e: {  	[tilespmem:s23+$0xFFFFFF20] =	vst v9;
	v8 =	vsub.f32 v11, v4;
	v11 =	vld [tilespmem:s23+$0xFFFFFF90]  }
0x8f: {  	[tilespmem:s23+$0xFFFFFF30] =	vst v10;
	v9 =	vsub.f32 v12, v3;
	v12 =	vld [tilespmem:s23+$0xFFFFFFA0]  }
0x90: {  	v16 =	vld [tilespmem:s23+$0xFFFFFFB0];
	v10 =	vsub.f32 v13, v2;
	[tilespmem:s23+$0xFFFFFF40] =	vst v8  }
0x91: {  	v13 =	vsub.f32 v14, v1;
	[tilespmem:s23+$0xFFFFFF50] =	vst v9;
	v8 =	vld [tilespmem:s23+$0xFFFFFFC0]  }
0x92: {  	v14 =	vsub.f32 v15, v7;
	[tilespmem:s23+$0xFFFFFF60] =	vst v10;
	v9 =	vld [tilespmem:s23+$0xFFFFFFD0]  }
0x93: {  	[tilespmem:s23+$0xFFFFFF70] =	vst v13;
	v10 =	vld [tilespmem:s23+$0xFFFFFFE0];
	v15 =	vsub.f32 v11, v0  }
0x94: {  	[tilespmem:s23+$0xFFFFFF80] =	vst v14;
	v11 =	vld [tilespmem:s23+$0xFFFFFFF0];
	v13 =	vsub.f32 v12, v5  }
0x95: {  	s24 =	simm.s32 $0x0;
	s25 =	simm.s32 $0x8CF0;
	v14 =	vsub.f32 v16, v6;
	v12 =	vld [tilespmem:s23+$0xFFFFFF10];
	[tilespmem:s23+$0xFFFFFF90] =	vst v15  }
.LBB2_7:
0x96: {  	v15 =	vld [tilespmem:s25+$0x0];
	s24 =	sadd.s32 $0x2, s24;
	[tilespmem:s23+$0xFFFFFFA0] =	vst v13;
	v8 =	vsub.f32 v8, v4  }
0x97: {  	v13 =	vld [tilespmem:s25+$0xFFFFFF20];
	p0 =	slt.u32 s24, $0x30;
	[tilespmem:s23+$0xFFFFFFB0] =	vst v14;
	v9 =	vsub.f32 v9, v3  }
0x98: {  	v14 =	vld [tilespmem:s25+$0xFFFFFF30];
	[tilespmem:s23+$0xFFFFFFC0] =	vst v8;
	v8 =	vsub.f32 v10, v2  }
0x99: {  	v10 =	vld [tilespmem:s25+$0xFFFFFF40];
	[tilespmem:s23+$0xFFFFFFD0] =	vst v9;
	v9 =	vsub.f32 v11, v1  }
0x9a: {  	v11 =	vld [tilespmem:s25+$0xFFFFFF50];
	v12 =	vsub.f32 v12, v0;
	[tilespmem:s23+$0xFFFFFFE0] =	vst v8  }
0x9b: {  	v8 =	vld [tilespmem:s25+$0xFFFFFF60];
	v15 =	vsub.f32 v15, v7;
	[tilespmem:s23+$0xFFFFFFF0] =	vst v9  }
0x9c: {  	v9 =	vsub.f32 v13, v5;
	v13 =	vld [tilespmem:s25+$0xFFFFFF70];
	[tilespmem:s23+$0xFFFFFF10] =	vst v12;
	s23 =	smov.u32 s25  }
0x9d: {  	v12 =	vsub.f32 v14, v6;
	v14 =	vld [tilespmem:s25+$0xFFFFFF80];
	[tilespmem:s25+$0x0] =	vst v15  }
0x9e: {  	[tilespmem:s25+$0xFFFFFF20] =	vst v9;
	v9 =	vsub.f32 v10, v4;
	v10 =	vld [tilespmem:s25+$0xFFFFFF90]  }
0x9f: {  	[tilespmem:s25+$0xFFFFFF30] =	vst v12;
	v11 =	vsub.f32 v11, v3;
	v12 =	vld [tilespmem:s25+$0xFFFFFFA0]  }
0xa0: {  	[tilespmem:s25+$0xFFFFFF40] =	vst v9;
	v9 =	vsub.f32 v8, v2;
	v15 =	vld [tilespmem:s25+$0xFFFFFFB0]  }
.Ltmp2:
0xa1: {  	[tilespmem:s25+$0xFFFFFF50] =	vst v11;
	v11 =	vsub.f32 v13, v1;
	v8 =	vld [tilespmem:s25+$0xFFFFFFC0];
	(pc) =	sbr.rel @p0 .LBB2_7-.Ltmp2, $4  }
0xa2: {  	[tilespmem:s25+$0xFFFFFF60] =	vst v9;
	v13 =	vsub.f32 v14, v7;
	v9 =	vld [tilespmem:s25+$0xFFFFFFD0]  }
0xa3: {  	[tilespmem:s25+$0xFFFFFF70] =	vst v11;
	v14 =	vsub.f32 v10, v0;
	v10 =	vld [tilespmem:s25+$0xFFFFFFE0]  }
0xa4: {  	[tilespmem:s25+$0xFFFFFF80] =	vst v13;
	v13 =	vsub.f32 v12, v5;
	v11 =	vld [tilespmem:s25+$0xFFFFFFF0]  }
0xa5: {  	s25 =	sadd.s32 $0x100, s25;
	v12 =	vld [tilespmem:s23+$0xFFFFFF10];
	[tilespmem:s23+$0xFFFFFF90] =	vst v14;
	v14 =	vsub.f32 v15, v6  }
0xa6: {  	[tilespmem:s23+$0xFFFFFFA0] =	vst v13;
	v4 =	vsub.f32 v8, v4  }
0xa7: {  	[tilespmem:s23+$0xFFFFFFB0] =	vst v14;
	v3 =	vsub.f32 v9, v3  }
0xa8: {  	[tilespmem:s23+$0xFFFFFFC0] =	vst v4;
	v2 =	vsub.f32 v10, v2  }
0xa9: {  	[tilespmem:s23+$0xFFFFFFD0] =	vst v3;
	v1 =	vsub.f32 v11, v1  }
0xaa: {  	v0 =	vsub.f32 v12, v0;
	[tilespmem:s23+$0xFFFFFFE0] =	vst v2  }
0xab: {  	[tilespmem:s23+$0xFFFFFFF0] =	vst v1  }
0xac: {  	[tilespmem:s23+$0xFFFFFF10] =	vst v0  }
0xad: {  	v0 =	vld [tilespmem:s22+$0x1A80]  }
0xae: {  	v5 =	vld [tilespmem:s22+$0x1A90]  }
0xaf: {  	v6 =	vld [tilespmem:s22+$0x1AA0]  }
0xb0: {  	v4 =	vld [tilespmem:s22+$0x1AB0]  }
0xb1: {  	v3 =	vld [tilespmem:s22+$0x1AC0]  }
0xb2: {  	v2 =	vld [tilespmem:s22+$0x1AD0]  }
0xb3: {  	v1 =	vld [tilespmem:s22+$0x1AE0]  }
0xb4: {  	s23 =	simm.s32 $0xA400;
	v7 =	vld [tilespmem:s22+$0x1AF0]  }
0xb5: {  	v8 =	vld [tilespmem:s23+$0xF0]  }
0xb6: {  	v9 =	vld [tilespmem:s23+$0x10]  }
0xb7: {  	v10 =	vld [tilespmem:s23+$0x20]  }
0xb8: {  	v11 =	vld [tilespmem:s23+$0x30]  }
0xb9: {  	v12 =	vld [tilespmem:s23+$0x40]  }
0xba: {  	v13 =	vld [tilespmem:s23+$0x50];
	v8 =	vsub.f32 v8, v7  }
0xbb: {  	v14 =	vld [tilespmem:s23+$0x60];
	v9 =	vsub.f32 v9, v5  }
0xbc: {  	v15 =	vld [tilespmem:s23+$0x70];
	v10 =	vsub.f32 v10, v6;
	[tilespmem:s23+$0xF0] =	vst v8  }
0xbd: {  	[tilespmem:s23+$0x10] =	vst v9;
	v8 =	vsub.f32 v11, v4;
	v11 =	vld [tilespmem:s23+$0x80]  }
0xbe: {  	[tilespmem:s23+$0x20] =	vst v10;
	v9 =	vsub.f32 v12, v3;
	v12 =	vld [tilespmem:s23+$0x90]  }
0xbf: {  	v16 =	vld [tilespmem:s23+$0xA0];
	v10 =	vsub.f32 v13, v2;
	[tilespmem:s23+$0x30] =	vst v8  }
0xc0: {  	v13 =	vsub.f32 v14, v1;
	[tilespmem:s23+$0x40] =	vst v9;
	v8 =	vld [tilespmem:s23+$0xB0]  }
0xc1: {  	v14 =	vsub.f32 v15, v7;
	[tilespmem:s23+$0x50] =	vst v10;
	v9 =	vld [tilespmem:s23+$0xC0]  }
0xc2: {  	[tilespmem:s23+$0x60] =	vst v13;
	v10 =	vld [tilespmem:s23+$0xD0];
	v15 =	vsub.f32 v11, v0  }
0xc3: {  	[tilespmem:s23+$0x70] =	vst v14;
	v11 =	vld [tilespmem:s23+$0xE0];
	v13 =	vsub.f32 v12, v5  }
0xc4: {  	s24 =	simm.s32 $0x0;
	s25 =	simm.s32 $0xA500;
	v14 =	vsub.f32 v16, v6;
	v12 =	vld [tilespmem:s23+$0x0];
	[tilespmem:s23+$0x80] =	vst v15  }
.LBB2_9:
0xc5: {  	v15 =	vld [tilespmem:s25+$0xF0];
	s24 =	sadd.s32 $0x2, s24;
	[tilespmem:s23+$0x90] =	vst v13;
	v8 =	vsub.f32 v8, v4  }
0xc6: {  	v13 =	vld [tilespmem:s25+$0x10];
	p0 =	slt.u32 s24, $0x30;
	[tilespmem:s23+$0xA0] =	vst v14;
	v9 =	vsub.f32 v9, v3  }
0xc7: {  	v14 =	vld [tilespmem:s25+$0x20];
	[tilespmem:s23+$0xB0] =	vst v8;
	v8 =	vsub.f32 v10, v2  }
0xc8: {  	v10 =	vld [tilespmem:s25+$0x30];
	[tilespmem:s23+$0xC0] =	vst v9;
	v9 =	vsub.f32 v11, v1  }
0xc9: {  	v11 =	vld [tilespmem:s25+$0x40];
	v12 =	vsub.f32 v12, v0;
	[tilespmem:s23+$0xD0] =	vst v8  }
0xca: {  	v8 =	vld [tilespmem:s25+$0x50];
	v15 =	vsub.f32 v15, v7;
	[tilespmem:s23+$0xE0] =	vst v9  }
0xcb: {  	v9 =	vsub.f32 v13, v5;
	v13 =	vld [tilespmem:s25+$0x60];
	[tilespmem:s23+$0x0] =	vst v12;
	s23 =	smov.u32 s25  }
0xcc: {  	v12 =	vsub.f32 v14, v6;
	v14 =	vld [tilespmem:s25+$0x70];
	[tilespmem:s25+$0xF0] =	vst v15  }
0xcd: {  	[tilespmem:s25+$0x10] =	vst v9;
	v9 =	vsub.f32 v10, v4;
	v10 =	vld [tilespmem:s25+$0x80]  }
0xce: {  	[tilespmem:s25+$0x20] =	vst v12;
	v11 =	vsub.f32 v11, v3;
	v12 =	vld [tilespmem:s25+$0x90]  }
0xcf: {  	[tilespmem:s25+$0x30] =	vst v9;
	v9 =	vsub.f32 v8, v2;
	v15 =	vld [tilespmem:s25+$0xA0]  }
.Ltmp3:
0xd0: {  	[tilespmem:s25+$0x40] =	vst v11;
	v11 =	vsub.f32 v13, v1;
	v8 =	vld [tilespmem:s25+$0xB0];
	(pc) =	sbr.rel @p0 .LBB2_9-.Ltmp3, $4  }
0xd1: {  	[tilespmem:s25+$0x50] =	vst v9;
	v13 =	vsub.f32 v14, v7;
	v9 =	vld [tilespmem:s25+$0xC0]  }
0xd2: {  	[tilespmem:s25+$0x60] =	vst v11;
	v14 =	vsub.f32 v10, v0;
	v10 =	vld [tilespmem:s25+$0xD0]  }
0xd3: {  	[tilespmem:s25+$0x70] =	vst v13;
	v13 =	vsub.f32 v12, v5;
	v11 =	vld [tilespmem:s25+$0xE0]  }
0xd4: {  	s25 =	sadd.s32 $0x100, s25;
	v12 =	vld [tilespmem:s23+$0x0];
	[tilespmem:s23+$0x80] =	vst v14;
	v14 =	vsub.f32 v15, v6  }
0xd5: {  	[tilespmem:s23+$0x90] =	vst v13;
	v4 =	vsub.f32 v8, v4  }
0xd6: {  	[tilespmem:s23+$0xA0] =	vst v14;
	v3 =	vsub.f32 v9, v3  }
0xd7: {  	[tilespmem:s23+$0xB0] =	vst v4;
	v2 =	vsub.f32 v10, v2  }
0xd8: {  	s20 =	sor.u32 $0x3, s20;
	[tilespmem:s23+$0xC0] =	vst v3;
	v1 =	vsub.f32 v11, v1  }
0xd9: {  	s24 =	smul.u32 $0x320, s20;
	v0 =	vsub.f32 v12, v0;
	[tilespmem:s23+$0xD0] =	vst v2  }
0xda: {  	[tilespmem:s23+$0xE0] =	vst v1  }
0xdb: {  	s31 =	sshra.s32 s24, $0x2;
	[tilespmem:s23+$0x0] =	vst v0  }
0xdc: {  	[tilespmem:s14], [sflag:$0x4] =	stream.indirect.gather [hbm4b:s0+s9], $0x80, s31, s9, $0xb8;
	[tilespmem:$0x1E900] =	vst v63  }
0xdd: {  	_ =	swait.ge [sflag:s15], $0x6400  }
0xde: {  	[sflag:s15] =	ssyncset.done $0x0  }
0xdf: {  	[sflag:s15] =	ssyncadd.s32 $0xFFFF9C00  }
0xe0: {  	v0 =	vld [tilespmem:s22+$0x1B00]  }
0xe1: {  	v5 =	vld [tilespmem:s22+$0x1B10]  }
0xe2: {  	v6 =	vld [tilespmem:s22+$0x1B20]  }
0xe3: {  	v4 =	vld [tilespmem:s22+$0x1B30]  }
0xe4: {  	v3 =	vld [tilespmem:s22+$0x1B40]  }
0xe5: {  	v2 =	vld [tilespmem:s22+$0x1B50]  }
0xe6: {  	v1 =	vld [tilespmem:s22+$0x1B60]  }
0xe7: {  	s23 =	simm.s32 $0xBD80;
	v7 =	vld [tilespmem:s22+$0x1B70]  }
0xe8: {  	v8 =	vld [tilespmem:s23+$0x70]  }
0xe9: {  	v9 =	vld [tilespmem:s23+$0xFFFFFF90]  }
0xea: {  	v10 =	vld [tilespmem:s23+$0xFFFFFFA0]  }
0xeb: {  	v11 =	vld [tilespmem:s23+$0xFFFFFFB0]  }
0xec: {  	v12 =	vld [tilespmem:s23+$0xFFFFFFC0]  }
0xed: {  	v13 =	vld [tilespmem:s23+$0xFFFFFFD0];
	v8 =	vsub.f32 v8, v7  }
0xee: {  	v14 =	vld [tilespmem:s23+$0xFFFFFFE0];
	v9 =	vsub.f32 v9, v5  }
0xef: {  	v15 =	vld [tilespmem:s23+$0xFFFFFFF0];
	v10 =	vsub.f32 v10, v6;
	[tilespmem:s23+$0x70] =	vst v8  }
0xf0: {  	[tilespmem:s23+$0xFFFFFF90] =	vst v9;
	v8 =	vsub.f32 v11, v4;
	v11 =	vld [tilespmem:s23+$0x0]  }
0xf1: {  	[tilespmem:s23+$0xFFFFFFA0] =	vst v10;
	v9 =	vsub.f32 v12, v3;
	v12 =	vld [tilespmem:s23+$0x10]  }
0xf2: {  	v16 =	vld [tilespmem:s23+$0x20];
	v10 =	vsub.f32 v13, v2;
	[tilespmem:s23+$0xFFFFFFB0] =	vst v8  }
0xf3: {  	v13 =	vsub.f32 v14, v1;
	[tilespmem:s23+$0xFFFFFFC0] =	vst v9;
	v8 =	vld [tilespmem:s23+$0x30]  }
0xf4: {  	v14 =	vsub.f32 v15, v7;
	[tilespmem:s23+$0xFFFFFFD0] =	vst v10;
	v9 =	vld [tilespmem:s23+$0x40]  }
0xf5: {  	[tilespmem:s23+$0xFFFFFFE0] =	vst v13;
	v10 =	vld [tilespmem:s23+$0x50];
	v15 =	vsub.f32 v11, v0  }
0xf6: {  	[tilespmem:s23+$0xFFFFFFF0] =	vst v14;
	v11 =	vld [tilespmem:s23+$0x60];
	v13 =	vsub.f32 v12, v5  }
0xf7: {  	s25 =	simm.s32 $0xBE80;
	s24 =	simm.s32 $0x0;
	v14 =	vsub.f32 v16, v6;
	v12 =	vld [tilespmem:s23+$0xFFFFFF80];
	[tilespmem:s23+$0x0] =	vst v15  }
.LBB2_11:
0xf8: {  	v15 =	vld [tilespmem:s25+$0x70];
	s24 =	sadd.s32 $0x2, s24;
	[tilespmem:s23+$0x10] =	vst v13;
	v8 =	vsub.f32 v8, v4  }
0xf9: {  	v13 =	vld [tilespmem:s25+$0xFFFFFF90];
	p0 =	slt.u32 s24, $0x30;
	[tilespmem:s23+$0x20] =	vst v14;
	v9 =	vsub.f32 v9, v3  }
0xfa: {  	v14 =	vld [tilespmem:s25+$0xFFFFFFA0];
	[tilespmem:s23+$0x30] =	vst v8;
	v8 =	vsub.f32 v10, v2  }
0xfb: {  	v10 =	vld [tilespmem:s25+$0xFFFFFFB0];
	[tilespmem:s23+$0x40] =	vst v9;
	v9 =	vsub.f32 v11, v1  }
0xfc: {  	v11 =	vld [tilespmem:s25+$0xFFFFFFC0];
	v12 =	vsub.f32 v12, v0;
	[tilespmem:s23+$0x50] =	vst v8  }
0xfd: {  	v8 =	vld [tilespmem:s25+$0xFFFFFFD0];
	v15 =	vsub.f32 v15, v7;
	[tilespmem:s23+$0x60] =	vst v9  }
0xfe: {  	v9 =	vsub.f32 v13, v5;
	v13 =	vld [tilespmem:s25+$0xFFFFFFE0];
	[tilespmem:s23+$0xFFFFFF80] =	vst v12;
	s23 =	smov.u32 s25  }
0xff: {  	v12 =	vsub.f32 v14, v6;
	v14 =	vld [tilespmem:s25+$0xFFFFFFF0];
	[tilespmem:s25+$0x70] =	vst v15  }
0x100: {  	[tilespmem:s25+$0xFFFFFF90] =	vst v9;
	v9 =	vsub.f32 v10, v4;
	v10 =	vld [tilespmem:s25+$0x0]  }
0x101: {  	[tilespmem:s25+$0xFFFFFFA0] =	vst v12;
	v11 =	vsub.f32 v11, v3;
	v12 =	vld [tilespmem:s25+$0x10]  }
0x102: {  	[tilespmem:s25+$0xFFFFFFB0] =	vst v9;
	v9 =	vsub.f32 v8, v2;
	v15 =	vld [tilespmem:s25+$0x20]  }
.Ltmp4:
0x103: {  	[tilespmem:s25+$0xFFFFFFC0] =	vst v11;
	v11 =	vsub.f32 v13, v1;
	v8 =	vld [tilespmem:s25+$0x30];
	(pc) =	sbr.rel @p0 .LBB2_11-.Ltmp4, $4  }
0x104: {  	[tilespmem:s25+$0xFFFFFFD0] =	vst v9;
	v13 =	vsub.f32 v14, v7;
	v9 =	vld [tilespmem:s25+$0x40]  }
0x105: {  	[tilespmem:s25+$0xFFFFFFE0] =	vst v11;
	v14 =	vsub.f32 v10, v0;
	v10 =	vld [tilespmem:s25+$0x50]  }
0x106: {  	[tilespmem:s25+$0xFFFFFFF0] =	vst v13;
	v13 =	vsub.f32 v12, v5;
	v11 =	vld [tilespmem:s25+$0x60]  }
0x107: {  	s25 =	sadd.s32 $0x100, s25;
	v12 =	vld [tilespmem:s23+$0xFFFFFF80];
	[tilespmem:s23+$0x0] =	vst v14;
	v14 =	vsub.f32 v15, v6  }
0x108: {  	[tilespmem:s23+$0x10] =	vst v13;
	v4 =	vsub.f32 v8, v4  }
0x109: {  	[tilespmem:s23+$0x20] =	vst v14;
	v3 =	vsub.f32 v9, v3  }
0x10a: {  	[tilespmem:s23+$0x30] =	vst v4;
	v2 =	vsub.f32 v10, v2  }
0x10b: {  	[tilespmem:s23+$0x40] =	vst v3;
	v1 =	vsub.f32 v11, v1  }
0x10c: {  	v0 =	vsub.f32 v12, v0;
	[tilespmem:s23+$0x50] =	vst v2  }
0x10d: {  	[tilespmem:s23+$0x60] =	vst v1  }
0x10e: {  	[tilespmem:s23+$0xFFFFFF80] =	vst v0  }
0x10f: {  	v0 =	vld [tilespmem:s22+$0x1B80]  }
0x110: {  	v5 =	vld [tilespmem:s22+$0x1B90]  }
0x111: {  	v6 =	vld [tilespmem:s22+$0x1BA0]  }
0x112: {  	v4 =	vld [tilespmem:s22+$0x1BB0]  }
0x113: {  	v3 =	vld [tilespmem:s22+$0x1BC0]  }
0x114: {  	v2 =	vld [tilespmem:s22+$0x1BD0]  }
0x115: {  	v1 =	vld [tilespmem:s22+$0x1BE0]  }
0x116: {  	s23 =	simm.s32 $0xD6F0;
	v7 =	vld [tilespmem:s22+$0x1BF0]  }
0x117: {  	v8 =	vld [tilespmem:s23+$0x0]  }
0x118: {  	v9 =	vld [tilespmem:s23+$0xFFFFFF20]  }
0x119: {  	v10 =	vld [tilespmem:s23+$0xFFFFFF30]  }
0x11a: {  	v11 =	vld [tilespmem:s23+$0xFFFFFF40]  }
0x11b: {  	v12 =	vld [tilespmem:s23+$0xFFFFFF50]  }
0x11c: {  	v13 =	vld [tilespmem:s23+$0xFFFFFF60];
	v8 =	vsub.f32 v8, v7  }
0x11d: {  	v14 =	vld [tilespmem:s23+$0xFFFFFF70];
	v9 =	vsub.f32 v9, v5  }
0x11e: {  	v15 =	vld [tilespmem:s23+$0xFFFFFF80];
	v10 =	vsub.f32 v10, v6;
	[tilespmem:s23+$0x0] =	vst v8  }
0x11f: {  	[tilespmem:s23+$0xFFFFFF20] =	vst v9;
	v8 =	vsub.f32 v11, v4;
	v11 =	vld [tilespmem:s23+$0xFFFFFF90]  }
0x120: {  	[tilespmem:s23+$0xFFFFFF30] =	vst v10;
	v9 =	vsub.f32 v12, v3;
	v12 =	vld [tilespmem:s23+$0xFFFFFFA0]  }
0x121: {  	v16 =	vld [tilespmem:s23+$0xFFFFFFB0];
	v10 =	vsub.f32 v13, v2;
	[tilespmem:s23+$0xFFFFFF40] =	vst v8  }
0x122: {  	v13 =	vsub.f32 v14, v1;
	[tilespmem:s23+$0xFFFFFF50] =	vst v9;
	v8 =	vld [tilespmem:s23+$0xFFFFFFC0]  }
0x123: {  	v14 =	vsub.f32 v15, v7;
	[tilespmem:s23+$0xFFFFFF60] =	vst v10;
	v9 =	vld [tilespmem:s23+$0xFFFFFFD0]  }
0x124: {  	[tilespmem:s23+$0xFFFFFF70] =	vst v13;
	v10 =	vld [tilespmem:s23+$0xFFFFFFE0];
	v15 =	vsub.f32 v11, v0  }
0x125: {  	[tilespmem:s23+$0xFFFFFF80] =	vst v14;
	v11 =	vld [tilespmem:s23+$0xFFFFFFF0];
	v13 =	vsub.f32 v12, v5  }
0x126: {  	s24 =	simm.s32 $0x0;
	s25 =	simm.s32 $0xD7F0;
	v14 =	vsub.f32 v16, v6;
	v12 =	vld [tilespmem:s23+$0xFFFFFF10];
	[tilespmem:s23+$0xFFFFFF90] =	vst v15  }
.LBB2_13:
0x127: {  	v15 =	vld [tilespmem:s25+$0x0];
	s24 =	sadd.s32 $0x2, s24;
	[tilespmem:s23+$0xFFFFFFA0] =	vst v13;
	v8 =	vsub.f32 v8, v4  }
0x128: {  	v13 =	vld [tilespmem:s25+$0xFFFFFF20];
	p0 =	slt.u32 s24, $0x30;
	[tilespmem:s23+$0xFFFFFFB0] =	vst v14;
	v9 =	vsub.f32 v9, v3  }
0x129: {  	v14 =	vld [tilespmem:s25+$0xFFFFFF30];
	[tilespmem:s23+$0xFFFFFFC0] =	vst v8;
	v8 =	vsub.f32 v10, v2  }
0x12a: {  	v10 =	vld [tilespmem:s25+$0xFFFFFF40];
	[tilespmem:s23+$0xFFFFFFD0] =	vst v9;
	v9 =	vsub.f32 v11, v1  }
0x12b: {  	v11 =	vld [tilespmem:s25+$0xFFFFFF50];
	v12 =	vsub.f32 v12, v0;
	[tilespmem:s23+$0xFFFFFFE0] =	vst v8  }
0x12c: {  	v8 =	vld [tilespmem:s25+$0xFFFFFF60];
	v15 =	vsub.f32 v15, v7;
	[tilespmem:s23+$0xFFFFFFF0] =	vst v9  }
0x12d: {  	v9 =	vsub.f32 v13, v5;
	v13 =	vld [tilespmem:s25+$0xFFFFFF70];
	[tilespmem:s23+$0xFFFFFF10] =	vst v12;
	s23 =	smov.u32 s25  }
0x12e: {  	v12 =	vsub.f32 v14, v6;
	v14 =	vld [tilespmem:s25+$0xFFFFFF80];
	[tilespmem:s25+$0x0] =	vst v15  }
0x12f: {  	[tilespmem:s25+$0xFFFFFF20] =	vst v9;
	v9 =	vsub.f32 v10, v4;
	v10 =	vld [tilespmem:s25+$0xFFFFFF90]  }
0x130: {  	[tilespmem:s25+$0xFFFFFF30] =	vst v12;
	v11 =	vsub.f32 v11, v3;
	v12 =	vld [tilespmem:s25+$0xFFFFFFA0]  }
0x131: {  	[tilespmem:s25+$0xFFFFFF40] =	vst v9;
	v9 =	vsub.f32 v8, v2;
	v15 =	vld [tilespmem:s25+$0xFFFFFFB0]  }
.Ltmp5:
0x132: {  	[tilespmem:s25+$0xFFFFFF50] =	vst v11;
	v11 =	vsub.f32 v13, v1;
	v8 =	vld [tilespmem:s25+$0xFFFFFFC0];
	(pc) =	sbr.rel @p0 .LBB2_13-.Ltmp5, $4  }
0x133: {  	[tilespmem:s25+$0xFFFFFF60] =	vst v9;
	v13 =	vsub.f32 v14, v7;
	v9 =	vld [tilespmem:s25+$0xFFFFFFD0]  }
0x134: {  	[tilespmem:s25+$0xFFFFFF70] =	vst v11;
	v14 =	vsub.f32 v10, v0;
	v10 =	vld [tilespmem:s25+$0xFFFFFFE0]  }
0x135: {  	[tilespmem:s25+$0xFFFFFF80] =	vst v13;
	v13 =	vsub.f32 v12, v5;
	v11 =	vld [tilespmem:s25+$0xFFFFFFF0]  }
0x136: {  	s25 =	sadd.s32 $0x100, s25;
	v12 =	vld [tilespmem:s23+$0xFFFFFF10];
	[tilespmem:s23+$0xFFFFFF90] =	vst v14;
	v14 =	vsub.f32 v15, v6  }
0x137: {  	[tilespmem:s23+$0xFFFFFFA0] =	vst v13;
	v4 =	vsub.f32 v8, v4  }
0x138: {  	[tilespmem:s23+$0xFFFFFFB0] =	vst v14;
	v3 =	vsub.f32 v9, v3  }
0x139: {  	[tilespmem:s23+$0xFFFFFFC0] =	vst v4;
	v2 =	vsub.f32 v10, v2  }
0x13a: {  	[tilespmem:s23+$0xFFFFFFD0] =	vst v3;
	v1 =	vsub.f32 v11, v1  }
0x13b: {  	v0 =	vsub.f32 v12, v0;
	[tilespmem:s23+$0xFFFFFFE0] =	vst v2  }
0x13c: {  	[tilespmem:s23+$0xFFFFFFF0] =	vst v1  }
0x13d: {  	[tilespmem:s23+$0xFFFFFF10] =	vst v0  }
0x13e: {  	v0 =	vld [tilespmem:s22+$0x1C00]  }
0x13f: {  	v5 =	vld [tilespmem:s22+$0x1C10]  }
0x140: {  	v6 =	vld [tilespmem:s22+$0x1C20]  }
0x141: {  	v4 =	vld [tilespmem:s22+$0x1C30]  }
0x142: {  	v3 =	vld [tilespmem:s22+$0x1C40]  }
0x143: {  	v2 =	vld [tilespmem:s22+$0x1C50]  }
0x144: {  	v1 =	vld [tilespmem:s22+$0x1C60]  }
0x145: {  	s23 =	simm.s32 $0xEFF0;
	v7 =	vld [tilespmem:s22+$0x1C70]  }
0x146: {  	v8 =	vld [tilespmem:s23+$0x0]  }
0x147: {  	v9 =	vld [tilespmem:s23+$0xFFFFFF20]  }
0x148: {  	v10 =	vld [tilespmem:s23+$0xFFFFFF30]  }
0x149: {  	v11 =	vld [tilespmem:s23+$0xFFFFFF40]  }
0x14a: {  	v12 =	vld [tilespmem:s23+$0xFFFFFF50]  }
0x14b: {  	v13 =	vld [tilespmem:s23+$0xFFFFFF60];
	v8 =	vsub.f32 v8, v7  }
0x14c: {  	v14 =	vld [tilespmem:s23+$0xFFFFFF70];
	v9 =	vsub.f32 v9, v5  }
0x14d: {  	v15 =	vld [tilespmem:s23+$0xFFFFFF80];
	v10 =	vsub.f32 v10, v6;
	[tilespmem:s23+$0x0] =	vst v8  }
0x14e: {  	[tilespmem:s23+$0xFFFFFF20] =	vst v9;
	v8 =	vsub.f32 v11, v4;
	v11 =	vld [tilespmem:s23+$0xFFFFFF90]  }
0x14f: {  	[tilespmem:s23+$0xFFFFFF30] =	vst v10;
	v9 =	vsub.f32 v12, v3;
	v12 =	vld [tilespmem:s23+$0xFFFFFFA0]  }
0x150: {  	v16 =	vld [tilespmem:s23+$0xFFFFFFB0];
	v10 =	vsub.f32 v13, v2;
	[tilespmem:s23+$0xFFFFFF40] =	vst v8  }
0x151: {  	v13 =	vsub.f32 v14, v1;
	[tilespmem:s23+$0xFFFFFF50] =	vst v9;
	v8 =	vld [tilespmem:s23+$0xFFFFFFC0]  }
0x152: {  	v14 =	vsub.f32 v15, v7;
	[tilespmem:s23+$0xFFFFFF60] =	vst v10;
	v9 =	vld [tilespmem:s23+$0xFFFFFFD0]  }
0x153: {  	[tilespmem:s23+$0xFFFFFF70] =	vst v13;
	v10 =	vld [tilespmem:s23+$0xFFFFFFE0];
	v15 =	vsub.f32 v11, v0  }
0x154: {  	[tilespmem:s23+$0xFFFFFF80] =	vst v14;
	v11 =	vld [tilespmem:s23+$0xFFFFFFF0];
	v13 =	vsub.f32 v12, v5  }
0x155: {  	s24 =	simm.s32 $0x0;
	s25 =	simm.s32 $0xF0F0;
	v14 =	vsub.f32 v16, v6;
	v12 =	vld [tilespmem:s23+$0xFFFFFF10];
	[tilespmem:s23+$0xFFFFFF90] =	vst v15  }
.LBB2_15:
0x156: {  	v15 =	vld [tilespmem:s25+$0x0];
	s24 =	sadd.s32 $0x2, s24;
	[tilespmem:s23+$0xFFFFFFA0] =	vst v13;
	v8 =	vsub.f32 v8, v4  }
0x157: {  	v13 =	vld [tilespmem:s25+$0xFFFFFF20];
	p0 =	slt.u32 s24, $0x30;
	[tilespmem:s23+$0xFFFFFFB0] =	vst v14;
	v9 =	vsub.f32 v9, v3  }
0x158: {  	v14 =	vld [tilespmem:s25+$0xFFFFFF30];
	[tilespmem:s23+$0xFFFFFFC0] =	vst v8;
	v8 =	vsub.f32 v10, v2  }
0x159: {  	v10 =	vld [tilespmem:s25+$0xFFFFFF40];
	[tilespmem:s23+$0xFFFFFFD0] =	vst v9;
	v9 =	vsub.f32 v11, v1  }
0x15a: {  	v11 =	vld [tilespmem:s25+$0xFFFFFF50];
	v12 =	vsub.f32 v12, v0;
	[tilespmem:s23+$0xFFFFFFE0] =	vst v8  }
0x15b: {  	v8 =	vld [tilespmem:s25+$0xFFFFFF60];
	v15 =	vsub.f32 v15, v7;
	[tilespmem:s23+$0xFFFFFFF0] =	vst v9  }
0x15c: {  	v9 =	vsub.f32 v13, v5;
	v13 =	vld [tilespmem:s25+$0xFFFFFF70];
	[tilespmem:s23+$0xFFFFFF10] =	vst v12;
	s23 =	smov.u32 s25  }
0x15d: {  	v12 =	vsub.f32 v14, v6;
	v14 =	vld [tilespmem:s25+$0xFFFFFF80];
	[tilespmem:s25+$0x0] =	vst v15  }
0x15e: {  	[tilespmem:s25+$0xFFFFFF20] =	vst v9;
	v9 =	vsub.f32 v10, v4;
	v10 =	vld [tilespmem:s25+$0xFFFFFF90]  }
0x15f: {  	[tilespmem:s25+$0xFFFFFF30] =	vst v12;
	v11 =	vsub.f32 v11, v3;
	v12 =	vld [tilespmem:s25+$0xFFFFFFA0]  }
0x160: {  	[tilespmem:s25+$0xFFFFFF40] =	vst v9;
	v9 =	vsub.f32 v8, v2;
	v15 =	vld [tilespmem:s25+$0xFFFFFFB0]  }
.Ltmp6:
0x161: {  	[tilespmem:s25+$0xFFFFFF50] =	vst v11;
	v11 =	vsub.f32 v13, v1;
	v8 =	vld [tilespmem:s25+$0xFFFFFFC0];
	(pc) =	sbr.rel @p0 .LBB2_15-.Ltmp6, $4  }
0x162: {  	[tilespmem:s25+$0xFFFFFF60] =	vst v9;
	v13 =	vsub.f32 v14, v7;
	v9 =	vld [tilespmem:s25+$0xFFFFFFD0]  }
0x163: {  	[tilespmem:s25+$0xFFFFFF70] =	vst v11;
	v14 =	vsub.f32 v10, v0;
	v10 =	vld [tilespmem:s25+$0xFFFFFFE0]  }
0x164: {  	[tilespmem:s25+$0xFFFFFF80] =	vst v13;
	v13 =	vsub.f32 v12, v5;
	v11 =	vld [tilespmem:s25+$0xFFFFFFF0]  }
0x165: {  	s25 =	sadd.s32 $0x100, s25;
	v12 =	vld [tilespmem:s23+$0xFFFFFF10];
	[tilespmem:s23+$0xFFFFFF90] =	vst v14;
	v14 =	vsub.f32 v15, v6  }
0x166: {  	[tilespmem:s23+$0xFFFFFFA0] =	vst v13;
	v4 =	vsub.f32 v8, v4  }
0x167: {  	[tilespmem:s23+$0xFFFFFFB0] =	vst v14;
	v3 =	vsub.f32 v9, v3  }
0x168: {  	[tilespmem:s23+$0xFFFFFFC0] =	vst v4;
	v2 =	vsub.f32 v10, v2  }
0x169: {  	[tilespmem:s23+$0xFFFFFFD0] =	vst v3;
	v1 =	vsub.f32 v11, v1  }
0x16a: {  	v0 =	vsub.f32 v12, v0;
	[tilespmem:s23+$0xFFFFFFE0] =	vst v2  }
0x16b: {  	[tilespmem:s23+$0xFFFFFFF0] =	vst v1  }
0x16c: {  	[tilespmem:s23+$0xFFFFFF10] =	vst v0  }
0x16d: {  	v0 =	vld [tilespmem:s22+$0x1C80]  }
0x16e: {  	v5 =	vld [tilespmem:s22+$0x1C90]  }
0x16f: {  	v6 =	vld [tilespmem:s22+$0x1CA0]  }
0x170: {  	v4 =	vld [tilespmem:s22+$0x1CB0]  }
0x171: {  	v3 =	vld [tilespmem:s22+$0x1CC0]  }
0x172: {  	v2 =	vld [tilespmem:s22+$0x1CD0]  }
0x173: {  	v1 =	vld [tilespmem:s22+$0x1CE0]  }
0x174: {  	s23 =	simm.s32 $0x10800;
	v7 =	vld [tilespmem:s22+$0x1CF0]  }
0x175: {  	v8 =	vld [tilespmem:s23+$0xF0]  }
0x176: {  	v9 =	vld [tilespmem:s23+$0x10]  }
0x177: {  	v10 =	vld [tilespmem:s23+$0x20]  }
0x178: {  	v11 =	vld [tilespmem:s23+$0x30]  }
0x179: {  	v12 =	vld [tilespmem:s23+$0x40]  }
0x17a: {  	v13 =	vld [tilespmem:s23+$0x50];
	v8 =	vsub.f32 v8, v7  }
0x17b: {  	v14 =	vld [tilespmem:s23+$0x60];
	v9 =	vsub.f32 v9, v5  }
0x17c: {  	v15 =	vld [tilespmem:s23+$0x70];
	v10 =	vsub.f32 v10, v6;
	[tilespmem:s23+$0xF0] =	vst v8  }
0x17d: {  	[tilespmem:s23+$0x10] =	vst v9;
	v8 =	vsub.f32 v11, v4;
	v11 =	vld [tilespmem:s23+$0x80]  }
0x17e: {  	v16 =	vld [tilespmem:s23+$0x90];
	[tilespmem:s23+$0x20] =	vst v10;
	v9 =	vsub.f32 v12, v3  }
0x17f: {  	v17 =	vld [tilespmem:s23+$0xA0];
	v10 =	vsub.f32 v13, v2;
	[tilespmem:s23+$0x30] =	vst v8  }
0x180: {  	v12 =	vsub.f32 v14, v1;
	[tilespmem:s23+$0x40] =	vst v9;
	v8 =	vld [tilespmem:s23+$0xB0]  }
0x181: {  	[tilespmem:s23+$0x50] =	vst v10;
	v10 =	vsub.f32 v15, v7;
	v9 =	vld [tilespmem:s23+$0xC0]  }
0x182: {  	[tilespmem:s23+$0x60] =	vst v12;
	v12 =	vld [tilespmem:s23+$0xD0];
	v14 =	vsub.f32 v11, v0  }
0x183: {  	v13 =	vsub.f32 v16, v5;
	[tilespmem:s23+$0x70] =	vst v10;
	v10 =	vld [tilespmem:s23+$0xE0]  }
0x184: {  	s24 =	simm.s32 $0x10900;
	s22 =	simm.s32 $0x0;
	v11 =	vld [tilespmem:s23+$0x0];
	[tilespmem:s23+$0x80] =	vst v14;
	v14 =	vsub.f32 v17, v6  }
.LBB2_17:
0x185: {  	v15 =	vld [tilespmem:s24+$0xF0];
	s22 =	sadd.s32 $0x2, s22;
	[tilespmem:s23+$0x90] =	vst v13;
	v8 =	vsub.f32 v8, v4  }
0x186: {  	v13 =	vld [tilespmem:s24+$0x10];
	p0 =	slt.u32 s22, $0x30;
	[tilespmem:s23+$0xA0] =	vst v14;
	v9 =	vsub.f32 v9, v3  }
0x187: {  	v14 =	vld [tilespmem:s24+$0x20];
	[tilespmem:s23+$0xB0] =	vst v8;
	v8 =	vsub.f32 v12, v2  }
0x188: {  	v12 =	vld [tilespmem:s24+$0x30];
	[tilespmem:s23+$0xC0] =	vst v9;
	v9 =	vsub.f32 v10, v1  }
0x189: {  	v10 =	vld [tilespmem:s24+$0x40];
	v11 =	vsub.f32 v11, v0;
	[tilespmem:s23+$0xD0] =	vst v8  }
0x18a: {  	v8 =	vld [tilespmem:s24+$0x50];
	v15 =	vsub.f32 v15, v7;
	[tilespmem:s23+$0xE0] =	vst v9  }
0x18b: {  	v9 =	vsub.f32 v13, v5;
	v13 =	vld [tilespmem:s24+$0x60];
	[tilespmem:s23+$0x0] =	vst v11;
	s23 =	smov.u32 s24  }
0x18c: {  	v11 =	vsub.f32 v14, v6;
	v14 =	vld [tilespmem:s24+$0x70];
	[tilespmem:s24+$0xF0] =	vst v15  }
0x18d: {  	[tilespmem:s24+$0x10] =	vst v9;
	v9 =	vsub.f32 v12, v4;
	v12 =	vld [tilespmem:s24+$0x80]  }
0x18e: {  	[tilespmem:s24+$0x20] =	vst v11;
	v10 =	vsub.f32 v10, v3;
	v11 =	vld [tilespmem:s24+$0x90]  }
0x18f: {  	[tilespmem:s24+$0x30] =	vst v9;
	v9 =	vsub.f32 v8, v2;
	v15 =	vld [tilespmem:s24+$0xA0]  }
.Ltmp7:
0x190: {  	[tilespmem:s24+$0x40] =	vst v10;
	v10 =	vsub.f32 v13, v1;
	v8 =	vld [tilespmem:s24+$0xB0];
	(pc) =	sbr.rel @p0 .LBB2_17-.Ltmp7, $4  }
0x191: {  	[tilespmem:s24+$0x50] =	vst v9;
	v13 =	vsub.f32 v14, v7;
	v9 =	vld [tilespmem:s24+$0xC0]  }
0x192: {  	[tilespmem:s24+$0x60] =	vst v10;
	v14 =	vsub.f32 v12, v0;
	v12 =	vld [tilespmem:s24+$0xD0]  }
0x193: {  	[tilespmem:s24+$0x70] =	vst v13;
	v13 =	vsub.f32 v11, v5;
	v10 =	vld [tilespmem:s24+$0xE0]  }
0x194: {  	s24 =	sadd.s32 $0x100, s24;
	v11 =	vld [tilespmem:s23+$0x0];
	[tilespmem:s23+$0x80] =	vst v14;
	v14 =	vsub.f32 v15, v6  }
0x195: {  	[tilespmem:s23+$0x90] =	vst v13;
	v4 =	vsub.f32 v8, v4  }
0x196: {  	[tilespmem:s23+$0xA0] =	vst v14;
	v3 =	vsub.f32 v9, v3  }
0x197: {  	p0 =	seq.s32 s19, $0x7;
	[tilespmem:s23+$0xB0] =	vst v4;
	v2 =	vsub.f32 v12, v2  }
0x198: {  	s22 =	smul.u32 @!p0 $0xC80, s19;
	[tilespmem:s23+$0xC0] =	vst v3;
	v1 =	vsub.f32 v10, v1  }
0x199: {  	v0 =	vsub.f32 v11, v0;
	[tilespmem:s23+$0xD0] =	vst v2  }
0x19a: {  	s22 =	sshra.s32 @!p0 s22, $0x2;
	[tilespmem:s23+$0xE0] =	vst v1  }
0x19b: {  	s24 =	simm.s32 @!p0 $0xC8;
	s25 =	simm.s32 @!p0 $0x5900;
	[tilespmem:s23+$0x0] =	vst v0;
	s23 =	sadd.s32 @!p0 $0x320, s22  }
0x19c: {  	[tilespmem:s25], [sflag:$0x1] =	stream.indirect.gather @!p0 [hbm4b:s0+s24], $0x80, s23, s24, $0xb8;
	[tilespmem:$0x1E900] =	vst v63  }
0x19d: {  	_ =	swait.ge [sflag:s16], $0x6400  }
0x19e: {  	s21 =	sshll.u32 s21, $0x9;
	[sflag:s16] =	ssyncset.done $0x0  }
0x19f: {  	s21 =	sand.u32 $0x3FFFFE00, s21;
	[sflag:s16] =	ssyncadd.s32 $0xFFFF9C00  }
0x1a0: {  	v0 =	vld [tilespmem:s21+$0x1900]  }
0x1a1: {  	v5 =	vld [tilespmem:s21+$0x1910]  }
0x1a2: {  	v6 =	vld [tilespmem:s21+$0x1920]  }
0x1a3: {  	v4 =	vld [tilespmem:s21+$0x1930]  }
0x1a4: {  	v3 =	vld [tilespmem:s21+$0x1940]  }
0x1a5: {  	v2 =	vld [tilespmem:s21+$0x1950]  }
0x1a6: {  	v1 =	vld [tilespmem:s21+$0x1960]  }
0x1a7: {  	s23 =	simm.s32 $0x12180;
	v7 =	vld [tilespmem:s21+$0x1970]  }
0x1a8: {  	v8 =	vld [tilespmem:s23+$0x70]  }
0x1a9: {  	v9 =	vld [tilespmem:s23+$0xFFFFFF90]  }
0x1aa: {  	v10 =	vld [tilespmem:s23+$0xFFFFFFA0]  }
0x1ab: {  	v11 =	vld [tilespmem:s23+$0xFFFFFFB0]  }
0x1ac: {  	v12 =	vld [tilespmem:s23+$0xFFFFFFC0]  }
0x1ad: {  	v13 =	vld [tilespmem:s23+$0xFFFFFFD0];
	v8 =	vsub.f32 v8, v7  }
0x1ae: {  	v14 =	vld [tilespmem:s23+$0xFFFFFFE0];
	v9 =	vsub.f32 v9, v5  }
0x1af: {  	v15 =	vld [tilespmem:s23+$0xFFFFFFF0];
	v10 =	vsub.f32 v10, v6;
	[tilespmem:s23+$0x70] =	vst v8  }
0x1b0: {  	[tilespmem:s23+$0xFFFFFF90] =	vst v9;
	v8 =	vsub.f32 v11, v4;
	v11 =	vld [tilespmem:s23+$0x0]  }
0x1b1: {  	[tilespmem:s23+$0xFFFFFFA0] =	vst v10;
	v9 =	vsub.f32 v12, v3;
	v12 =	vld [tilespmem:s23+$0x10]  }
0x1b2: {  	v16 =	vld [tilespmem:s23+$0x20];
	v10 =	vsub.f32 v13, v2;
	[tilespmem:s23+$0xFFFFFFB0] =	vst v8  }
0x1b3: {  	v13 =	vsub.f32 v14, v1;
	[tilespmem:s23+$0xFFFFFFC0] =	vst v9;
	v8 =	vld [tilespmem:s23+$0x30]  }
0x1b4: {  	v14 =	vsub.f32 v15, v7;
	[tilespmem:s23+$0xFFFFFFD0] =	vst v10;
	v9 =	vld [tilespmem:s23+$0x40]  }
0x1b5: {  	[tilespmem:s23+$0xFFFFFFE0] =	vst v13;
	v10 =	vld [tilespmem:s23+$0x50];
	v15 =	vsub.f32 v11, v0  }
0x1b6: {  	[tilespmem:s23+$0xFFFFFFF0] =	vst v14;
	v11 =	vld [tilespmem:s23+$0x60];
	v13 =	vsub.f32 v12, v5  }
0x1b7: {  	s24 =	simm.s32 $0x0;
	s25 =	simm.s32 $0x12280;
	v14 =	vsub.f32 v16, v6;
	v12 =	vld [tilespmem:s23+$0xFFFFFF80];
	[tilespmem:s23+$0x0] =	vst v15  }
.LBB2_19:
0x1b8: {  	v15 =	vld [tilespmem:s25+$0x70];
	s24 =	sadd.s32 $0x2, s24;
	[tilespmem:s23+$0x10] =	vst v13;
	v8 =	vsub.f32 v8, v4  }
0x1b9: {  	v13 =	vld [tilespmem:s25+$0xFFFFFF90];
	p1 =	slt.u32 s24, $0x30;
	[tilespmem:s23+$0x20] =	vst v14;
	v9 =	vsub.f32 v9, v3  }
0x1ba: {  	v14 =	vld [tilespmem:s25+$0xFFFFFFA0];
	[tilespmem:s23+$0x30] =	vst v8;
	v8 =	vsub.f32 v10, v2  }
0x1bb: {  	v10 =	vld [tilespmem:s25+$0xFFFFFFB0];
	[tilespmem:s23+$0x40] =	vst v9;
	v9 =	vsub.f32 v11, v1  }
0x1bc: {  	v11 =	vld [tilespmem:s25+$0xFFFFFFC0];
	v12 =	vsub.f32 v12, v0;
	[tilespmem:s23+$0x50] =	vst v8  }
0x1bd: {  	v8 =	vld [tilespmem:s25+$0xFFFFFFD0];
	v15 =	vsub.f32 v15, v7;
	[tilespmem:s23+$0x60] =	vst v9  }
0x1be: {  	v9 =	vsub.f32 v13, v5;
	v13 =	vld [tilespmem:s25+$0xFFFFFFE0];
	[tilespmem:s23+$0xFFFFFF80] =	vst v12;
	s23 =	smov.u32 s25  }
0x1bf: {  	v12 =	vsub.f32 v14, v6;
	v14 =	vld [tilespmem:s25+$0xFFFFFFF0];
	[tilespmem:s25+$0x70] =	vst v15  }
0x1c0: {  	[tilespmem:s25+$0xFFFFFF90] =	vst v9;
	v9 =	vsub.f32 v10, v4;
	v10 =	vld [tilespmem:s25+$0x0]  }
0x1c1: {  	[tilespmem:s25+$0xFFFFFFA0] =	vst v12;
	v11 =	vsub.f32 v11, v3;
	v12 =	vld [tilespmem:s25+$0x10]  }
0x1c2: {  	[tilespmem:s25+$0xFFFFFFB0] =	vst v9;
	v9 =	vsub.f32 v8, v2;
	v15 =	vld [tilespmem:s25+$0x20]  }
.Ltmp8:
0x1c3: {  	[tilespmem:s25+$0xFFFFFFC0] =	vst v11;
	v11 =	vsub.f32 v13, v1;
	v8 =	vld [tilespmem:s25+$0x30];
	(pc) =	sbr.rel @p1 .LBB2_19-.Ltmp8, $4  }
0x1c4: {  	[tilespmem:s25+$0xFFFFFFD0] =	vst v9;
	v13 =	vsub.f32 v14, v7;
	v9 =	vld [tilespmem:s25+$0x40]  }
0x1c5: {  	[tilespmem:s25+$0xFFFFFFE0] =	vst v11;
	v14 =	vsub.f32 v10, v0;
	v10 =	vld [tilespmem:s25+$0x50]  }
0x1c6: {  	[tilespmem:s25+$0xFFFFFFF0] =	vst v13;
	v13 =	vsub.f32 v12, v5;
	v11 =	vld [tilespmem:s25+$0x60]  }
0x1c7: {  	s25 =	sadd.s32 $0x100, s25;
	v12 =	vld [tilespmem:s23+$0xFFFFFF80];
	[tilespmem:s23+$0x0] =	vst v14;
	v14 =	vsub.f32 v15, v6  }
0x1c8: {  	[tilespmem:s23+$0x10] =	vst v13;
	v4 =	vsub.f32 v8, v4  }
0x1c9: {  	[tilespmem:s23+$0x20] =	vst v14;
	v3 =	vsub.f32 v9, v3  }
0x1ca: {  	[tilespmem:s23+$0x30] =	vst v4;
	v2 =	vsub.f32 v10, v2  }
0x1cb: {  	[tilespmem:s23+$0x40] =	vst v3;
	v1 =	vsub.f32 v11, v1  }
0x1cc: {  	v0 =	vsub.f32 v12, v0;
	[tilespmem:s23+$0x50] =	vst v2  }
0x1cd: {  	[tilespmem:s23+$0x60] =	vst v1  }
0x1ce: {  	[tilespmem:s23+$0xFFFFFF80] =	vst v0  }
0x1cf: {  	v0 =	vld [tilespmem:s21+$0x1980]  }
0x1d0: {  	v5 =	vld [tilespmem:s21+$0x1990]  }
0x1d1: {  	v6 =	vld [tilespmem:s21+$0x19A0]  }
0x1d2: {  	v4 =	vld [tilespmem:s21+$0x19B0]  }
0x1d3: {  	v3 =	vld [tilespmem:s21+$0x19C0]  }
0x1d4: {  	v2 =	vld [tilespmem:s21+$0x19D0]  }
0x1d5: {  	v1 =	vld [tilespmem:s21+$0x19E0]  }
0x1d6: {  	s23 =	simm.s32 $0x13AF0;
	v7 =	vld [tilespmem:s21+$0x19F0]  }
0x1d7: {  	v8 =	vld [tilespmem:s23+$0x0]  }
0x1d8: {  	v9 =	vld [tilespmem:s23+$0xFFFFFF20]  }
0x1d9: {  	v10 =	vld [tilespmem:s23+$0xFFFFFF30]  }
0x1da: {  	v11 =	vld [tilespmem:s23+$0xFFFFFF40]  }
0x1db: {  	v12 =	vld [tilespmem:s23+$0xFFFFFF50]  }
0x1dc: {  	v13 =	vld [tilespmem:s23+$0xFFFFFF60];
	v8 =	vsub.f32 v8, v7  }
0x1dd: {  	v14 =	vld [tilespmem:s23+$0xFFFFFF70];
	v9 =	vsub.f32 v9, v5  }
0x1de: {  	v15 =	vld [tilespmem:s23+$0xFFFFFF80];
	v10 =	vsub.f32 v10, v6;
	[tilespmem:s23+$0x0] =	vst v8  }
0x1df: {  	[tilespmem:s23+$0xFFFFFF20] =	vst v9;
	v8 =	vsub.f32 v11, v4;
	v11 =	vld [tilespmem:s23+$0xFFFFFF90]  }
0x1e0: {  	[tilespmem:s23+$0xFFFFFF30] =	vst v10;
	v9 =	vsub.f32 v12, v3;
	v12 =	vld [tilespmem:s23+$0xFFFFFFA0]  }
0x1e1: {  	v16 =	vld [tilespmem:s23+$0xFFFFFFB0];
	v10 =	vsub.f32 v13, v2;
	[tilespmem:s23+$0xFFFFFF40] =	vst v8  }
0x1e2: {  	v13 =	vsub.f32 v14, v1;
	[tilespmem:s23+$0xFFFFFF50] =	vst v9;
	v8 =	vld [tilespmem:s23+$0xFFFFFFC0]  }
0x1e3: {  	v14 =	vsub.f32 v15, v7;
	[tilespmem:s23+$0xFFFFFF60] =	vst v10;
	v9 =	vld [tilespmem:s23+$0xFFFFFFD0]  }
0x1e4: {  	[tilespmem:s23+$0xFFFFFF70] =	vst v13;
	v10 =	vld [tilespmem:s23+$0xFFFFFFE0];
	v15 =	vsub.f32 v11, v0  }
0x1e5: {  	[tilespmem:s23+$0xFFFFFF80] =	vst v14;
	v11 =	vld [tilespmem:s23+$0xFFFFFFF0];
	v13 =	vsub.f32 v12, v5  }
0x1e6: {  	s24 =	simm.s32 $0x0;
	s25 =	simm.s32 $0x13BF0;
	v14 =	vsub.f32 v16, v6;
	v12 =	vld [tilespmem:s23+$0xFFFFFF10];
	[tilespmem:s23+$0xFFFFFF90] =	vst v15  }
.LBB2_21:
0x1e7: {  	v15 =	vld [tilespmem:s25+$0x0];
	s24 =	sadd.s32 $0x2, s24;
	[tilespmem:s23+$0xFFFFFFA0] =	vst v13;
	v8 =	vsub.f32 v8, v4  }
0x1e8: {  	v13 =	vld [tilespmem:s25+$0xFFFFFF20];
	p1 =	slt.u32 s24, $0x30;
	[tilespmem:s23+$0xFFFFFFB0] =	vst v14;
	v9 =	vsub.f32 v9, v3  }
0x1e9: {  	v14 =	vld [tilespmem:s25+$0xFFFFFF30];
	[tilespmem:s23+$0xFFFFFFC0] =	vst v8;
	v8 =	vsub.f32 v10, v2  }
0x1ea: {  	v10 =	vld [tilespmem:s25+$0xFFFFFF40];
	[tilespmem:s23+$0xFFFFFFD0] =	vst v9;
	v9 =	vsub.f32 v11, v1  }
0x1eb: {  	v11 =	vld [tilespmem:s25+$0xFFFFFF50];
	v12 =	vsub.f32 v12, v0;
	[tilespmem:s23+$0xFFFFFFE0] =	vst v8  }
0x1ec: {  	v8 =	vld [tilespmem:s25+$0xFFFFFF60];
	v15 =	vsub.f32 v15, v7;
	[tilespmem:s23+$0xFFFFFFF0] =	vst v9  }
0x1ed: {  	v9 =	vsub.f32 v13, v5;
	v13 =	vld [tilespmem:s25+$0xFFFFFF70];
	[tilespmem:s23+$0xFFFFFF10] =	vst v12;
	s23 =	smov.u32 s25  }
0x1ee: {  	v12 =	vsub.f32 v14, v6;
	v14 =	vld [tilespmem:s25+$0xFFFFFF80];
	[tilespmem:s25+$0x0] =	vst v15  }
0x1ef: {  	[tilespmem:s25+$0xFFFFFF20] =	vst v9;
	v9 =	vsub.f32 v10, v4;
	v10 =	vld [tilespmem:s25+$0xFFFFFF90]  }
0x1f0: {  	[tilespmem:s25+$0xFFFFFF30] =	vst v12;
	v11 =	vsub.f32 v11, v3;
	v12 =	vld [tilespmem:s25+$0xFFFFFFA0]  }
0x1f1: {  	[tilespmem:s25+$0xFFFFFF40] =	vst v9;
	v9 =	vsub.f32 v8, v2;
	v15 =	vld [tilespmem:s25+$0xFFFFFFB0]  }
.Ltmp9:
0x1f2: {  	[tilespmem:s25+$0xFFFFFF50] =	vst v11;
	v11 =	vsub.f32 v13, v1;
	v8 =	vld [tilespmem:s25+$0xFFFFFFC0];
	(pc) =	sbr.rel @p1 .LBB2_21-.Ltmp9, $4  }
0x1f3: {  	[tilespmem:s25+$0xFFFFFF60] =	vst v9;
	v13 =	vsub.f32 v14, v7;
	v9 =	vld [tilespmem:s25+$0xFFFFFFD0]  }
0x1f4: {  	[tilespmem:s25+$0xFFFFFF70] =	vst v11;
	v14 =	vsub.f32 v10, v0;
	v10 =	vld [tilespmem:s25+$0xFFFFFFE0]  }
0x1f5: {  	[tilespmem:s25+$0xFFFFFF80] =	vst v13;
	v13 =	vsub.f32 v12, v5;
	v11 =	vld [tilespmem:s25+$0xFFFFFFF0]  }
0x1f6: {  	s25 =	sadd.s32 $0x100, s25;
	v12 =	vld [tilespmem:s23+$0xFFFFFF10];
	[tilespmem:s23+$0xFFFFFF90] =	vst v14;
	v14 =	vsub.f32 v15, v6  }
0x1f7: {  	[tilespmem:s23+$0xFFFFFFA0] =	vst v13;
	v4 =	vsub.f32 v8, v4  }
0x1f8: {  	[tilespmem:s23+$0xFFFFFFB0] =	vst v14;
	v3 =	vsub.f32 v9, v3  }
0x1f9: {  	[tilespmem:s23+$0xFFFFFFC0] =	vst v4;
	v2 =	vsub.f32 v10, v2  }
0x1fa: {  	[tilespmem:s23+$0xFFFFFFD0] =	vst v3;
	v1 =	vsub.f32 v11, v1  }
0x1fb: {  	v0 =	vsub.f32 v12, v0;
	[tilespmem:s23+$0xFFFFFFE0] =	vst v2  }
0x1fc: {  	[tilespmem:s23+$0xFFFFFFF0] =	vst v1  }
0x1fd: {  	[tilespmem:s23+$0xFFFFFF10] =	vst v0  }
0x1fe: {  	v0 =	vld [tilespmem:s21+$0x1A00]  }
0x1ff: {  	v5 =	vld [tilespmem:s21+$0x1A10]  }
0x200: {  	v6 =	vld [tilespmem:s21+$0x1A20]  }
0x201: {  	v4 =	vld [tilespmem:s21+$0x1A30]  }
0x202: {  	v3 =	vld [tilespmem:s21+$0x1A40]  }
0x203: {  	v2 =	vld [tilespmem:s21+$0x1A50]  }
0x204: {  	v1 =	vld [tilespmem:s21+$0x1A60]  }
0x205: {  	s23 =	simm.s32 $0x153F0;
	v7 =	vld [tilespmem:s21+$0x1A70]  }
0x206: {  	v8 =	vld [tilespmem:s23+$0x0]  }
0x207: {  	v9 =	vld [tilespmem:s23+$0xFFFFFF20]  }
0x208: {  	v10 =	vld [tilespmem:s23+$0xFFFFFF30]  }
0x209: {  	v11 =	vld [tilespmem:s23+$0xFFFFFF40]  }
0x20a: {  	v12 =	vld [tilespmem:s23+$0xFFFFFF50]  }
0x20b: {  	v13 =	vld [tilespmem:s23+$0xFFFFFF60];
	v8 =	vsub.f32 v8, v7  }
0x20c: {  	v14 =	vld [tilespmem:s23+$0xFFFFFF70];
	v9 =	vsub.f32 v9, v5  }
0x20d: {  	v15 =	vld [tilespmem:s23+$0xFFFFFF80];
	v10 =	vsub.f32 v10, v6;
	[tilespmem:s23+$0x0] =	vst v8  }
0x20e: {  	[tilespmem:s23+$0xFFFFFF20] =	vst v9;
	v8 =	vsub.f32 v11, v4;
	v11 =	vld [tilespmem:s23+$0xFFFFFF90]  }
0x20f: {  	[tilespmem:s23+$0xFFFFFF30] =	vst v10;
	v9 =	vsub.f32 v12, v3;
	v12 =	vld [tilespmem:s23+$0xFFFFFFA0]  }
0x210: {  	v16 =	vld [tilespmem:s23+$0xFFFFFFB0];
	v10 =	vsub.f32 v13, v2;
	[tilespmem:s23+$0xFFFFFF40] =	vst v8  }
0x211: {  	v13 =	vsub.f32 v14, v1;
	[tilespmem:s23+$0xFFFFFF50] =	vst v9;
	v8 =	vld [tilespmem:s23+$0xFFFFFFC0]  }
0x212: {  	v14 =	vsub.f32 v15, v7;
	[tilespmem:s23+$0xFFFFFF60] =	vst v10;
	v9 =	vld [tilespmem:s23+$0xFFFFFFD0]  }
0x213: {  	[tilespmem:s23+$0xFFFFFF70] =	vst v13;
	v10 =	vld [tilespmem:s23+$0xFFFFFFE0];
	v15 =	vsub.f32 v11, v0  }
0x214: {  	[tilespmem:s23+$0xFFFFFF80] =	vst v14;
	v11 =	vld [tilespmem:s23+$0xFFFFFFF0];
	v13 =	vsub.f32 v12, v5  }
0x215: {  	s24 =	simm.s32 $0x0;
	s25 =	simm.s32 $0x154F0;
	v14 =	vsub.f32 v16, v6;
	v12 =	vld [tilespmem:s23+$0xFFFFFF10];
	[tilespmem:s23+$0xFFFFFF90] =	vst v15  }
.LBB2_23:
0x216: {  	v15 =	vld [tilespmem:s25+$0x0];
	s24 =	sadd.s32 $0x2, s24;
	[tilespmem:s23+$0xFFFFFFA0] =	vst v13;
	v8 =	vsub.f32 v8, v4  }
0x217: {  	v13 =	vld [tilespmem:s25+$0xFFFFFF20];
	p1 =	slt.u32 s24, $0x30;
	[tilespmem:s23+$0xFFFFFFB0] =	vst v14;
	v9 =	vsub.f32 v9, v3  }
0x218: {  	v14 =	vld [tilespmem:s25+$0xFFFFFF30];
	[tilespmem:s23+$0xFFFFFFC0] =	vst v8;
	v8 =	vsub.f32 v10, v2  }
0x219: {  	v10 =	vld [tilespmem:s25+$0xFFFFFF40];
	[tilespmem:s23+$0xFFFFFFD0] =	vst v9;
	v9 =	vsub.f32 v11, v1  }
0x21a: {  	v11 =	vld [tilespmem:s25+$0xFFFFFF50];
	v12 =	vsub.f32 v12, v0;
	[tilespmem:s23+$0xFFFFFFE0] =	vst v8  }
0x21b: {  	v8 =	vld [tilespmem:s25+$0xFFFFFF60];
	v15 =	vsub.f32 v15, v7;
	[tilespmem:s23+$0xFFFFFFF0] =	vst v9  }
0x21c: {  	v9 =	vsub.f32 v13, v5;
	v13 =	vld [tilespmem:s25+$0xFFFFFF70];
	[tilespmem:s23+$0xFFFFFF10] =	vst v12;
	s23 =	smov.u32 s25  }
0x21d: {  	v12 =	vsub.f32 v14, v6;
	v14 =	vld [tilespmem:s25+$0xFFFFFF80];
	[tilespmem:s25+$0x0] =	vst v15  }
0x21e: {  	[tilespmem:s25+$0xFFFFFF20] =	vst v9;
	v9 =	vsub.f32 v10, v4;
	v10 =	vld [tilespmem:s25+$0xFFFFFF90]  }
0x21f: {  	[tilespmem:s25+$0xFFFFFF30] =	vst v12;
	v11 =	vsub.f32 v11, v3;
	v12 =	vld [tilespmem:s25+$0xFFFFFFA0]  }
0x220: {  	[tilespmem:s25+$0xFFFFFF40] =	vst v9;
	v9 =	vsub.f32 v8, v2;
	v15 =	vld [tilespmem:s25+$0xFFFFFFB0]  }
.Ltmp10:
0x221: {  	[tilespmem:s25+$0xFFFFFF50] =	vst v11;
	v11 =	vsub.f32 v13, v1;
	v8 =	vld [tilespmem:s25+$0xFFFFFFC0];
	(pc) =	sbr.rel @p1 .LBB2_23-.Ltmp10, $4  }
0x222: {  	[tilespmem:s25+$0xFFFFFF60] =	vst v9;
	v13 =	vsub.f32 v14, v7;
	v9 =	vld [tilespmem:s25+$0xFFFFFFD0]  }
0x223: {  	[tilespmem:s25+$0xFFFFFF70] =	vst v11;
	v14 =	vsub.f32 v10, v0;
	v10 =	vld [tilespmem:s25+$0xFFFFFFE0]  }
0x224: {  	[tilespmem:s25+$0xFFFFFF80] =	vst v13;
	v13 =	vsub.f32 v12, v5;
	v11 =	vld [tilespmem:s25+$0xFFFFFFF0]  }
0x225: {  	s25 =	sadd.s32 $0x100, s25;
	v12 =	vld [tilespmem:s23+$0xFFFFFF10];
	[tilespmem:s23+$0xFFFFFF90] =	vst v14;
	v14 =	vsub.f32 v15, v6  }
0x226: {  	[tilespmem:s23+$0xFFFFFFA0] =	vst v13;
	v4 =	vsub.f32 v8, v4  }
0x227: {  	[tilespmem:s23+$0xFFFFFFB0] =	vst v14;
	v3 =	vsub.f32 v9, v3  }
0x228: {  	[tilespmem:s23+$0xFFFFFFC0] =	vst v4;
	v2 =	vsub.f32 v10, v2  }
0x229: {  	[tilespmem:s23+$0xFFFFFFD0] =	vst v3;
	v1 =	vsub.f32 v11, v1  }
0x22a: {  	v0 =	vsub.f32 v12, v0;
	[tilespmem:s23+$0xFFFFFFE0] =	vst v2  }
0x22b: {  	[tilespmem:s23+$0xFFFFFFF0] =	vst v1  }
0x22c: {  	[tilespmem:s23+$0xFFFFFF10] =	vst v0  }
0x22d: {  	v0 =	vld [tilespmem:s21+$0x1A80]  }
0x22e: {  	v5 =	vld [tilespmem:s21+$0x1A90]  }
0x22f: {  	v6 =	vld [tilespmem:s21+$0x1AA0]  }
0x230: {  	v4 =	vld [tilespmem:s21+$0x1AB0]  }
0x231: {  	v3 =	vld [tilespmem:s21+$0x1AC0]  }
0x232: {  	v2 =	vld [tilespmem:s21+$0x1AD0]  }
0x233: {  	v1 =	vld [tilespmem:s21+$0x1AE0]  }
0x234: {  	v7 =	vld [tilespmem:s21+$0x1AF0];
	s21 =	simm.s32 $0x16C00  }
0x235: {  	v8 =	vld [tilespmem:s21+$0xF0]  }
0x236: {  	v9 =	vld [tilespmem:s21+$0x10]  }
0x237: {  	v10 =	vld [tilespmem:s21+$0x20]  }
0x238: {  	v11 =	vld [tilespmem:s21+$0x30]  }
0x239: {  	v12 =	vld [tilespmem:s21+$0x40]  }
0x23a: {  	v13 =	vld [tilespmem:s21+$0x50];
	v8 =	vsub.f32 v8, v7  }
0x23b: {  	v14 =	vld [tilespmem:s21+$0x60];
	v9 =	vsub.f32 v9, v5  }
0x23c: {  	v15 =	vld [tilespmem:s21+$0x70];
	v10 =	vsub.f32 v10, v6;
	[tilespmem:s21+$0xF0] =	vst v8  }
0x23d: {  	[tilespmem:s21+$0x10] =	vst v9;
	v8 =	vsub.f32 v11, v4;
	v11 =	vld [tilespmem:s21+$0x80]  }
0x23e: {  	[tilespmem:s21+$0x20] =	vst v10;
	v9 =	vsub.f32 v12, v3;
	v12 =	vld [tilespmem:s21+$0x90]  }
0x23f: {  	v16 =	vld [tilespmem:s21+$0xA0];
	v10 =	vsub.f32 v13, v2;
	[tilespmem:s21+$0x30] =	vst v8  }
0x240: {  	v13 =	vsub.f32 v14, v1;
	[tilespmem:s21+$0x40] =	vst v9;
	v8 =	vld [tilespmem:s21+$0xB0]  }
0x241: {  	v14 =	vsub.f32 v15, v7;
	[tilespmem:s21+$0x50] =	vst v10;
	v9 =	vld [tilespmem:s21+$0xC0]  }
0x242: {  	[tilespmem:s21+$0x60] =	vst v13;
	v10 =	vld [tilespmem:s21+$0xD0];
	v15 =	vsub.f32 v11, v0  }
0x243: {  	[tilespmem:s21+$0x70] =	vst v14;
	v11 =	vld [tilespmem:s21+$0xE0];
	v13 =	vsub.f32 v12, v5  }
0x244: {  	s24 =	simm.s32 $0x16D00;
	s23 =	simm.s32 $0x0;
	v14 =	vsub.f32 v16, v6;
	v12 =	vld [tilespmem:s21+$0x0];
	[tilespmem:s21+$0x80] =	vst v15  }
.LBB2_25:
0x245: {  	v15 =	vld [tilespmem:s24+$0xF0];
	s23 =	sadd.s32 $0x2, s23;
	[tilespmem:s21+$0x90] =	vst v13;
	v8 =	vsub.f32 v8, v4  }
0x246: {  	v13 =	vld [tilespmem:s24+$0x10];
	p1 =	slt.u32 s23, $0x30;
	[tilespmem:s21+$0xA0] =	vst v14;
	v9 =	vsub.f32 v9, v3  }
0x247: {  	v14 =	vld [tilespmem:s24+$0x20];
	[tilespmem:s21+$0xB0] =	vst v8;
	v8 =	vsub.f32 v10, v2  }
0x248: {  	v10 =	vld [tilespmem:s24+$0x30];
	[tilespmem:s21+$0xC0] =	vst v9;
	v9 =	vsub.f32 v11, v1  }
0x249: {  	v11 =	vld [tilespmem:s24+$0x40];
	v12 =	vsub.f32 v12, v0;
	[tilespmem:s21+$0xD0] =	vst v8  }
0x24a: {  	v8 =	vld [tilespmem:s24+$0x50];
	v15 =	vsub.f32 v15, v7;
	[tilespmem:s21+$0xE0] =	vst v9  }
0x24b: {  	v9 =	vsub.f32 v13, v5;
	v13 =	vld [tilespmem:s24+$0x60];
	[tilespmem:s21+$0x0] =	vst v12;
	s21 =	smov.u32 s24  }
0x24c: {  	v12 =	vsub.f32 v14, v6;
	v14 =	vld [tilespmem:s24+$0x70];
	[tilespmem:s24+$0xF0] =	vst v15  }
0x24d: {  	[tilespmem:s24+$0x10] =	vst v9;
	v9 =	vsub.f32 v10, v4;
	v10 =	vld [tilespmem:s24+$0x80]  }
0x24e: {  	[tilespmem:s24+$0x20] =	vst v12;
	v11 =	vsub.f32 v11, v3;
	v12 =	vld [tilespmem:s24+$0x90]  }
0x24f: {  	[tilespmem:s24+$0x30] =	vst v9;
	v9 =	vsub.f32 v8, v2;
	v15 =	vld [tilespmem:s24+$0xA0]  }
.Ltmp11:
0x250: {  	[tilespmem:s24+$0x40] =	vst v11;
	v11 =	vsub.f32 v13, v1;
	v8 =	vld [tilespmem:s24+$0xB0];
	(pc) =	sbr.rel @p1 .LBB2_25-.Ltmp11, $4  }
0x251: {  	[tilespmem:s24+$0x50] =	vst v9;
	v13 =	vsub.f32 v14, v7;
	v9 =	vld [tilespmem:s24+$0xC0]  }
0x252: {  	[tilespmem:s24+$0x60] =	vst v11;
	v14 =	vsub.f32 v10, v0;
	v10 =	vld [tilespmem:s24+$0xD0]  }
0x253: {  	[tilespmem:s24+$0x70] =	vst v13;
	v13 =	vsub.f32 v12, v5;
	v11 =	vld [tilespmem:s24+$0xE0]  }
0x254: {  	s24 =	sadd.s32 $0x100, s24;
	v12 =	vld [tilespmem:s21+$0x0];
	[tilespmem:s21+$0x80] =	vst v14;
	v14 =	vsub.f32 v15, v6  }
0x255: {  	[tilespmem:s21+$0x90] =	vst v13;
	v4 =	vsub.f32 v8, v4  }
0x256: {  	[tilespmem:s21+$0xA0] =	vst v14;
	v3 =	vsub.f32 v9, v3  }
0x257: {  	[tilespmem:s21+$0xB0] =	vst v4;
	v2 =	vsub.f32 v10, v2  }
0x258: {  	[tilespmem:s21+$0xC0] =	vst v3;
	v1 =	vsub.f32 v11, v1  }
0x259: {  	v0 =	vsub.f32 v12, v0;
	[tilespmem:s21+$0xD0] =	vst v2  }
0x25a: {  	[tilespmem:s21+$0xE0] =	vst v1  }
0x25b: {  	s23 =	simm.s32 @!p0 $0xBD00;
	[tilespmem:s21+$0x0] =	vst v0;
	s21 =	sadd.s32 @!p0 $0x3E8, s22;
	s22 =	simm.s32 @!p0 $0xC8  }
0x25c: {  	[tilespmem:s23], [sflag:$0x2] =	stream.indirect.gather @!p0 [hbm4b:s0+s22], $0x80, s21, s22, $0xb8;
	[tilespmem:$0x1E900] =	vst v63  }
0x25d: {  	_ =	swait.ge [sflag:s17], $0x6400  }
0x25e: {  	s20 =	sshll.u32 s20, $0x9;
	[sflag:s17] =	ssyncset.done $0x0  }
0x25f: {  	s20 =	sand.u32 $0x3FFFFE00, s20;
	[sflag:s17] =	ssyncadd.s32 $0xFFFF9C00  }
0x260: {  	v0 =	vld [tilespmem:s20+$0x1900]  }
0x261: {  	v5 =	vld [tilespmem:s20+$0x1910]  }
0x262: {  	v6 =	vld [tilespmem:s20+$0x1920]  }
0x263: {  	v4 =	vld [tilespmem:s20+$0x1930]  }
0x264: {  	v3 =	vld [tilespmem:s20+$0x1940]  }
0x265: {  	v2 =	vld [tilespmem:s20+$0x1950]  }
0x266: {  	v1 =	vld [tilespmem:s20+$0x1960]  }
0x267: {  	s21 =	simm.s32 $0x18580;
	v7 =	vld [tilespmem:s20+$0x1970]  }
0x268: {  	v8 =	vld [tilespmem:s21+$0x70]  }
0x269: {  	v9 =	vld [tilespmem:s21+$0xFFFFFF90]  }
0x26a: {  	v10 =	vld [tilespmem:s21+$0xFFFFFFA0]  }
0x26b: {  	v11 =	vld [tilespmem:s21+$0xFFFFFFB0]  }
0x26c: {  	v12 =	vld [tilespmem:s21+$0xFFFFFFC0]  }
0x26d: {  	v13 =	vld [tilespmem:s21+$0xFFFFFFD0];
	v8 =	vsub.f32 v8, v7  }
0x26e: {  	v14 =	vld [tilespmem:s21+$0xFFFFFFE0];
	v9 =	vsub.f32 v9, v5  }
0x26f: {  	v15 =	vld [tilespmem:s21+$0xFFFFFFF0];
	v10 =	vsub.f32 v10, v6;
	[tilespmem:s21+$0x70] =	vst v8  }
0x270: {  	[tilespmem:s21+$0xFFFFFF90] =	vst v9;
	v8 =	vsub.f32 v11, v4;
	v11 =	vld [tilespmem:s21+$0x0]  }
0x271: {  	[tilespmem:s21+$0xFFFFFFA0] =	vst v10;
	v9 =	vsub.f32 v12, v3;
	v12 =	vld [tilespmem:s21+$0x10]  }
0x272: {  	v16 =	vld [tilespmem:s21+$0x20];
	v10 =	vsub.f32 v13, v2;
	[tilespmem:s21+$0xFFFFFFB0] =	vst v8  }
0x273: {  	v13 =	vsub.f32 v14, v1;
	[tilespmem:s21+$0xFFFFFFC0] =	vst v9;
	v8 =	vld [tilespmem:s21+$0x30]  }
0x274: {  	v14 =	vsub.f32 v15, v7;
	[tilespmem:s21+$0xFFFFFFD0] =	vst v10;
	v9 =	vld [tilespmem:s21+$0x40]  }
0x275: {  	[tilespmem:s21+$0xFFFFFFE0] =	vst v13;
	v10 =	vld [tilespmem:s21+$0x50];
	v15 =	vsub.f32 v11, v0  }
0x276: {  	[tilespmem:s21+$0xFFFFFFF0] =	vst v14;
	v11 =	vld [tilespmem:s21+$0x60];
	v13 =	vsub.f32 v12, v5  }
0x277: {  	s22 =	simm.s32 $0x0;
	s23 =	simm.s32 $0x18680;
	v14 =	vsub.f32 v16, v6;
	v12 =	vld [tilespmem:s21+$0xFFFFFF80];
	[tilespmem:s21+$0x0] =	vst v15  }
.LBB2_27:
0x278: {  	v15 =	vld [tilespmem:s23+$0x70];
	s22 =	sadd.s32 $0x2, s22;
	[tilespmem:s21+$0x10] =	vst v13;
	v8 =	vsub.f32 v8, v4  }
0x279: {  	v13 =	vld [tilespmem:s23+$0xFFFFFF90];
	p0 =	slt.u32 s22, $0x30;
	[tilespmem:s21+$0x20] =	vst v14;
	v9 =	vsub.f32 v9, v3  }
0x27a: {  	v14 =	vld [tilespmem:s23+$0xFFFFFFA0];
	[tilespmem:s21+$0x30] =	vst v8;
	v8 =	vsub.f32 v10, v2  }
0x27b: {  	v10 =	vld [tilespmem:s23+$0xFFFFFFB0];
	[tilespmem:s21+$0x40] =	vst v9;
	v9 =	vsub.f32 v11, v1  }
0x27c: {  	v11 =	vld [tilespmem:s23+$0xFFFFFFC0];
	v12 =	vsub.f32 v12, v0;
	[tilespmem:s21+$0x50] =	vst v8  }
0x27d: {  	v8 =	vld [tilespmem:s23+$0xFFFFFFD0];
	v15 =	vsub.f32 v15, v7;
	[tilespmem:s21+$0x60] =	vst v9  }
0x27e: {  	v9 =	vsub.f32 v13, v5;
	v13 =	vld [tilespmem:s23+$0xFFFFFFE0];
	[tilespmem:s21+$0xFFFFFF80] =	vst v12;
	s21 =	smov.u32 s23  }
0x27f: {  	v12 =	vsub.f32 v14, v6;
	v14 =	vld [tilespmem:s23+$0xFFFFFFF0];
	[tilespmem:s23+$0x70] =	vst v15  }
0x280: {  	[tilespmem:s23+$0xFFFFFF90] =	vst v9;
	v9 =	vsub.f32 v10, v4;
	v10 =	vld [tilespmem:s23+$0x0]  }
0x281: {  	[tilespmem:s23+$0xFFFFFFA0] =	vst v12;
	v11 =	vsub.f32 v11, v3;
	v12 =	vld [tilespmem:s23+$0x10]  }
0x282: {  	[tilespmem:s23+$0xFFFFFFB0] =	vst v9;
	v9 =	vsub.f32 v8, v2;
	v15 =	vld [tilespmem:s23+$0x20]  }
.Ltmp12:
0x283: {  	[tilespmem:s23+$0xFFFFFFC0] =	vst v11;
	v11 =	vsub.f32 v13, v1;
	v8 =	vld [tilespmem:s23+$0x30];
	(pc) =	sbr.rel @p0 .LBB2_27-.Ltmp12, $4  }
0x284: {  	[tilespmem:s23+$0xFFFFFFD0] =	vst v9;
	v13 =	vsub.f32 v14, v7;
	v9 =	vld [tilespmem:s23+$0x40]  }
0x285: {  	[tilespmem:s23+$0xFFFFFFE0] =	vst v11;
	v14 =	vsub.f32 v10, v0;
	v10 =	vld [tilespmem:s23+$0x50]  }
0x286: {  	[tilespmem:s23+$0xFFFFFFF0] =	vst v13;
	v13 =	vsub.f32 v12, v5;
	v11 =	vld [tilespmem:s23+$0x60]  }
0x287: {  	s23 =	sadd.s32 $0x100, s23;
	v12 =	vld [tilespmem:s21+$0xFFFFFF80];
	[tilespmem:s21+$0x0] =	vst v14;
	v14 =	vsub.f32 v15, v6  }
0x288: {  	[tilespmem:s21+$0x10] =	vst v13;
	v4 =	vsub.f32 v8, v4  }
0x289: {  	[tilespmem:s21+$0x20] =	vst v14;
	v3 =	vsub.f32 v9, v3  }
0x28a: {  	[tilespmem:s21+$0x30] =	vst v4;
	v2 =	vsub.f32 v10, v2  }
0x28b: {  	[tilespmem:s21+$0x40] =	vst v3;
	v1 =	vsub.f32 v11, v1  }
0x28c: {  	v0 =	vsub.f32 v12, v0;
	[tilespmem:s21+$0x50] =	vst v2  }
0x28d: {  	[tilespmem:s21+$0x60] =	vst v1  }
0x28e: {  	[tilespmem:s21+$0xFFFFFF80] =	vst v0  }
0x28f: {  	v0 =	vld [tilespmem:s20+$0x1980]  }
0x290: {  	v5 =	vld [tilespmem:s20+$0x1990]  }
0x291: {  	v6 =	vld [tilespmem:s20+$0x19A0]  }
0x292: {  	v4 =	vld [tilespmem:s20+$0x19B0]  }
0x293: {  	v3 =	vld [tilespmem:s20+$0x19C0]  }
0x294: {  	v2 =	vld [tilespmem:s20+$0x19D0]  }
0x295: {  	v1 =	vld [tilespmem:s20+$0x19E0]  }
0x296: {  	s21 =	simm.s32 $0x19EF0;
	v7 =	vld [tilespmem:s20+$0x19F0]  }
0x297: {  	v8 =	vld [tilespmem:s21+$0x0]  }
0x298: {  	v9 =	vld [tilespmem:s21+$0xFFFFFF20]  }
0x299: {  	v10 =	vld [tilespmem:s21+$0xFFFFFF30]  }
0x29a: {  	v11 =	vld [tilespmem:s21+$0xFFFFFF40]  }
0x29b: {  	v12 =	vld [tilespmem:s21+$0xFFFFFF50]  }
0x29c: {  	v13 =	vld [tilespmem:s21+$0xFFFFFF60];
	v8 =	vsub.f32 v8, v7  }
0x29d: {  	v14 =	vld [tilespmem:s21+$0xFFFFFF70];
	v9 =	vsub.f32 v9, v5  }
0x29e: {  	v15 =	vld [tilespmem:s21+$0xFFFFFF80];
	v10 =	vsub.f32 v10, v6;
	[tilespmem:s21+$0x0] =	vst v8  }
0x29f: {  	[tilespmem:s21+$0xFFFFFF20] =	vst v9;
	v8 =	vsub.f32 v11, v4;
	v11 =	vld [tilespmem:s21+$0xFFFFFF90]  }
0x2a0: {  	[tilespmem:s21+$0xFFFFFF30] =	vst v10;
	v9 =	vsub.f32 v12, v3;
	v12 =	vld [tilespmem:s21+$0xFFFFFFA0]  }
0x2a1: {  	v16 =	vld [tilespmem:s21+$0xFFFFFFB0];
	v10 =	vsub.f32 v13, v2;
	[tilespmem:s21+$0xFFFFFF40] =	vst v8  }
0x2a2: {  	v13 =	vsub.f32 v14, v1;
	[tilespmem:s21+$0xFFFFFF50] =	vst v9;
	v8 =	vld [tilespmem:s21+$0xFFFFFFC0]  }
0x2a3: {  	v14 =	vsub.f32 v15, v7;
	[tilespmem:s21+$0xFFFFFF60] =	vst v10;
	v9 =	vld [tilespmem:s21+$0xFFFFFFD0]  }
0x2a4: {  	[tilespmem:s21+$0xFFFFFF70] =	vst v13;
	v10 =	vld [tilespmem:s21+$0xFFFFFFE0];
	v15 =	vsub.f32 v11, v0  }
0x2a5: {  	[tilespmem:s21+$0xFFFFFF80] =	vst v14;
	v11 =	vld [tilespmem:s21+$0xFFFFFFF0];
	v13 =	vsub.f32 v12, v5  }
0x2a6: {  	s22 =	simm.s32 $0x0;
	s23 =	simm.s32 $0x19FF0;
	v14 =	vsub.f32 v16, v6;
	v12 =	vld [tilespmem:s21+$0xFFFFFF10];
	[tilespmem:s21+$0xFFFFFF90] =	vst v15  }
.LBB2_29:
0x2a7: {  	v15 =	vld [tilespmem:s23+$0x0];
	s22 =	sadd.s32 $0x2, s22;
	[tilespmem:s21+$0xFFFFFFA0] =	vst v13;
	v8 =	vsub.f32 v8, v4  }
0x2a8: {  	v13 =	vld [tilespmem:s23+$0xFFFFFF20];
	p0 =	slt.u32 s22, $0x30;
	[tilespmem:s21+$0xFFFFFFB0] =	vst v14;
	v9 =	vsub.f32 v9, v3  }
0x2a9: {  	v14 =	vld [tilespmem:s23+$0xFFFFFF30];
	[tilespmem:s21+$0xFFFFFFC0] =	vst v8;
	v8 =	vsub.f32 v10, v2  }
0x2aa: {  	v10 =	vld [tilespmem:s23+$0xFFFFFF40];
	[tilespmem:s21+$0xFFFFFFD0] =	vst v9;
	v9 =	vsub.f32 v11, v1  }
0x2ab: {  	v11 =	vld [tilespmem:s23+$0xFFFFFF50];
	v12 =	vsub.f32 v12, v0;
	[tilespmem:s21+$0xFFFFFFE0] =	vst v8  }
0x2ac: {  	v8 =	vld [tilespmem:s23+$0xFFFFFF60];
	v15 =	vsub.f32 v15, v7;
	[tilespmem:s21+$0xFFFFFFF0] =	vst v9  }
0x2ad: {  	v9 =	vsub.f32 v13, v5;
	v13 =	vld [tilespmem:s23+$0xFFFFFF70];
	[tilespmem:s21+$0xFFFFFF10] =	vst v12;
	s21 =	smov.u32 s23  }
0x2ae: {  	v12 =	vsub.f32 v14, v6;
	v14 =	vld [tilespmem:s23+$0xFFFFFF80];
	[tilespmem:s23+$0x0] =	vst v15  }
0x2af: {  	[tilespmem:s23+$0xFFFFFF20] =	vst v9;
	v9 =	vsub.f32 v10, v4;
	v10 =	vld [tilespmem:s23+$0xFFFFFF90]  }
0x2b0: {  	[tilespmem:s23+$0xFFFFFF30] =	vst v12;
	v11 =	vsub.f32 v11, v3;
	v12 =	vld [tilespmem:s23+$0xFFFFFFA0]  }
0x2b1: {  	[tilespmem:s23+$0xFFFFFF40] =	vst v9;
	v9 =	vsub.f32 v8, v2;
	v15 =	vld [tilespmem:s23+$0xFFFFFFB0]  }
.Ltmp13:
0x2b2: {  	[tilespmem:s23+$0xFFFFFF50] =	vst v11;
	v11 =	vsub.f32 v13, v1;
	v8 =	vld [tilespmem:s23+$0xFFFFFFC0];
	(pc) =	sbr.rel @p0 .LBB2_29-.Ltmp13, $4  }
0x2b3: {  	[tilespmem:s23+$0xFFFFFF60] =	vst v9;
	v13 =	vsub.f32 v14, v7;
	v9 =	vld [tilespmem:s23+$0xFFFFFFD0]  }
0x2b4: {  	[tilespmem:s23+$0xFFFFFF70] =	vst v11;
	v14 =	vsub.f32 v10, v0;
	v10 =	vld [tilespmem:s23+$0xFFFFFFE0]  }
0x2b5: {  	[tilespmem:s23+$0xFFFFFF80] =	vst v13;
	v13 =	vsub.f32 v12, v5;
	v11 =	vld [tilespmem:s23+$0xFFFFFFF0]  }
0x2b6: {  	s23 =	sadd.s32 $0x100, s23;
	v12 =	vld [tilespmem:s21+$0xFFFFFF10];
	[tilespmem:s21+$0xFFFFFF90] =	vst v14;
	v14 =	vsub.f32 v15, v6  }
0x2b7: {  	[tilespmem:s21+$0xFFFFFFA0] =	vst v13;
	v4 =	vsub.f32 v8, v4  }
0x2b8: {  	[tilespmem:s21+$0xFFFFFFB0] =	vst v14;
	v3 =	vsub.f32 v9, v3  }
0x2b9: {  	[tilespmem:s21+$0xFFFFFFC0] =	vst v4;
	v2 =	vsub.f32 v10, v2  }
0x2ba: {  	[tilespmem:s21+$0xFFFFFFD0] =	vst v3;
	v1 =	vsub.f32 v11, v1  }
0x2bb: {  	v0 =	vsub.f32 v12, v0;
	[tilespmem:s21+$0xFFFFFFE0] =	vst v2  }
0x2bc: {  	[tilespmem:s21+$0xFFFFFFF0] =	vst v1  }
0x2bd: {  	[tilespmem:s21+$0xFFFFFF10] =	vst v0  }
0x2be: {  	v0 =	vld [tilespmem:s20+$0x1A00]  }
0x2bf: {  	v5 =	vld [tilespmem:s20+$0x1A10]  }
0x2c0: {  	v6 =	vld [tilespmem:s20+$0x1A20]  }
0x2c1: {  	v4 =	vld [tilespmem:s20+$0x1A30]  }
0x2c2: {  	v3 =	vld [tilespmem:s20+$0x1A40]  }
0x2c3: {  	v2 =	vld [tilespmem:s20+$0x1A50]  }
0x2c4: {  	v1 =	vld [tilespmem:s20+$0x1A60]  }
0x2c5: {  	s21 =	simm.s32 $0x1B7F0;
	v7 =	vld [tilespmem:s20+$0x1A70]  }
0x2c6: {  	v8 =	vld [tilespmem:s21+$0x0]  }
0x2c7: {  	v9 =	vld [tilespmem:s21+$0xFFFFFF20]  }
0x2c8: {  	v10 =	vld [tilespmem:s21+$0xFFFFFF30]  }
0x2c9: {  	v11 =	vld [tilespmem:s21+$0xFFFFFF40]  }
0x2ca: {  	v12 =	vld [tilespmem:s21+$0xFFFFFF50]  }
0x2cb: {  	v13 =	vld [tilespmem:s21+$0xFFFFFF60];
	v8 =	vsub.f32 v8, v7  }
0x2cc: {  	v14 =	vld [tilespmem:s21+$0xFFFFFF70];
	v9 =	vsub.f32 v9, v5  }
0x2cd: {  	v15 =	vld [tilespmem:s21+$0xFFFFFF80];
	v10 =	vsub.f32 v10, v6;
	[tilespmem:s21+$0x0] =	vst v8  }
0x2ce: {  	[tilespmem:s21+$0xFFFFFF20] =	vst v9;
	v8 =	vsub.f32 v11, v4;
	v11 =	vld [tilespmem:s21+$0xFFFFFF90]  }
0x2cf: {  	[tilespmem:s21+$0xFFFFFF30] =	vst v10;
	v9 =	vsub.f32 v12, v3;
	v12 =	vld [tilespmem:s21+$0xFFFFFFA0]  }
0x2d0: {  	v16 =	vld [tilespmem:s21+$0xFFFFFFB0];
	v10 =	vsub.f32 v13, v2;
	[tilespmem:s21+$0xFFFFFF40] =	vst v8  }
0x2d1: {  	v13 =	vsub.f32 v14, v1;
	[tilespmem:s21+$0xFFFFFF50] =	vst v9;
	v8 =	vld [tilespmem:s21+$0xFFFFFFC0]  }
0x2d2: {  	v14 =	vsub.f32 v15, v7;
	[tilespmem:s21+$0xFFFFFF60] =	vst v10;
	v9 =	vld [tilespmem:s21+$0xFFFFFFD0]  }
0x2d3: {  	[tilespmem:s21+$0xFFFFFF70] =	vst v13;
	v10 =	vld [tilespmem:s21+$0xFFFFFFE0];
	v15 =	vsub.f32 v11, v0  }
0x2d4: {  	[tilespmem:s21+$0xFFFFFF80] =	vst v14;
	v11 =	vld [tilespmem:s21+$0xFFFFFFF0];
	v13 =	vsub.f32 v12, v5  }
0x2d5: {  	s22 =	simm.s32 $0x0;
	s23 =	simm.s32 $0x1B8F0;
	v14 =	vsub.f32 v16, v6;
	v12 =	vld [tilespmem:s21+$0xFFFFFF10];
	[tilespmem:s21+$0xFFFFFF90] =	vst v15  }
.LBB2_31:
0x2d6: {  	v15 =	vld [tilespmem:s23+$0x0];
	s22 =	sadd.s32 $0x2, s22;
	[tilespmem:s21+$0xFFFFFFA0] =	vst v13;
	v8 =	vsub.f32 v8, v4  }
0x2d7: {  	v13 =	vld [tilespmem:s23+$0xFFFFFF20];
	p0 =	slt.u32 s22, $0x30;
	[tilespmem:s21+$0xFFFFFFB0] =	vst v14;
	v9 =	vsub.f32 v9, v3  }
0x2d8: {  	v14 =	vld [tilespmem:s23+$0xFFFFFF30];
	[tilespmem:s21+$0xFFFFFFC0] =	vst v8;
	v8 =	vsub.f32 v10, v2  }
0x2d9: {  	v10 =	vld [tilespmem:s23+$0xFFFFFF40];
	[tilespmem:s21+$0xFFFFFFD0] =	vst v9;
	v9 =	vsub.f32 v11, v1  }
0x2da: {  	v11 =	vld [tilespmem:s23+$0xFFFFFF50];
	v12 =	vsub.f32 v12, v0;
	[tilespmem:s21+$0xFFFFFFE0] =	vst v8  }
0x2db: {  	v8 =	vld [tilespmem:s23+$0xFFFFFF60];
	v15 =	vsub.f32 v15, v7;
	[tilespmem:s21+$0xFFFFFFF0] =	vst v9  }
0x2dc: {  	v9 =	vsub.f32 v13, v5;
	v13 =	vld [tilespmem:s23+$0xFFFFFF70];
	[tilespmem:s21+$0xFFFFFF10] =	vst v12;
	s21 =	smov.u32 s23  }
0x2dd: {  	v12 =	vsub.f32 v14, v6;
	v14 =	vld [tilespmem:s23+$0xFFFFFF80];
	[tilespmem:s23+$0x0] =	vst v15  }
0x2de: {  	[tilespmem:s23+$0xFFFFFF20] =	vst v9;
	v9 =	vsub.f32 v10, v4;
	v10 =	vld [tilespmem:s23+$0xFFFFFF90]  }
0x2df: {  	[tilespmem:s23+$0xFFFFFF30] =	vst v12;
	v11 =	vsub.f32 v11, v3;
	v12 =	vld [tilespmem:s23+$0xFFFFFFA0]  }
0x2e0: {  	[tilespmem:s23+$0xFFFFFF40] =	vst v9;
	v9 =	vsub.f32 v8, v2;
	v15 =	vld [tilespmem:s23+$0xFFFFFFB0]  }
.Ltmp14:
0x2e1: {  	[tilespmem:s23+$0xFFFFFF50] =	vst v11;
	v11 =	vsub.f32 v13, v1;
	v8 =	vld [tilespmem:s23+$0xFFFFFFC0];
	(pc) =	sbr.rel @p0 .LBB2_31-.Ltmp14, $4  }
0x2e2: {  	[tilespmem:s23+$0xFFFFFF60] =	vst v9;
	v13 =	vsub.f32 v14, v7;
	v9 =	vld [tilespmem:s23+$0xFFFFFFD0]  }
0x2e3: {  	[tilespmem:s23+$0xFFFFFF70] =	vst v11;
	v14 =	vsub.f32 v10, v0;
	v10 =	vld [tilespmem:s23+$0xFFFFFFE0]  }
0x2e4: {  	[tilespmem:s23+$0xFFFFFF80] =	vst v13;
	v13 =	vsub.f32 v12, v5;
	v11 =	vld [tilespmem:s23+$0xFFFFFFF0]  }
0x2e5: {  	s23 =	sadd.s32 $0x100, s23;
	v12 =	vld [tilespmem:s21+$0xFFFFFF10];
	[tilespmem:s21+$0xFFFFFF90] =	vst v14;
	v14 =	vsub.f32 v15, v6  }
0x2e6: {  	[tilespmem:s21+$0xFFFFFFA0] =	vst v13;
	v4 =	vsub.f32 v8, v4  }
0x2e7: {  	[tilespmem:s21+$0xFFFFFFB0] =	vst v14;
	v3 =	vsub.f32 v9, v3  }
0x2e8: {  	[tilespmem:s21+$0xFFFFFFC0] =	vst v4;
	v2 =	vsub.f32 v10, v2  }
0x2e9: {  	[tilespmem:s21+$0xFFFFFFD0] =	vst v3;
	v1 =	vsub.f32 v11, v1  }
0x2ea: {  	v0 =	vsub.f32 v12, v0;
	[tilespmem:s21+$0xFFFFFFE0] =	vst v2  }
0x2eb: {  	[tilespmem:s21+$0xFFFFFFF0] =	vst v1  }
0x2ec: {  	[tilespmem:s21+$0xFFFFFF10] =	vst v0  }
0x2ed: {  	v0 =	vld [tilespmem:s20+$0x1A80]  }
0x2ee: {  	v5 =	vld [tilespmem:s20+$0x1A90]  }
0x2ef: {  	v6 =	vld [tilespmem:s20+$0x1AA0]  }
0x2f0: {  	v4 =	vld [tilespmem:s20+$0x1AB0]  }
0x2f1: {  	v3 =	vld [tilespmem:s20+$0x1AC0]  }
0x2f2: {  	v2 =	vld [tilespmem:s20+$0x1AD0]  }
0x2f3: {  	v1 =	vld [tilespmem:s20+$0x1AE0]  }
0x2f4: {  	v7 =	vld [tilespmem:s20+$0x1AF0];
	s20 =	simm.s32 $0x1D000  }
0x2f5: {  	v8 =	vld [tilespmem:s20+$0xF0]  }
0x2f6: {  	v9 =	vld [tilespmem:s20+$0x10]  }
0x2f7: {  	v10 =	vld [tilespmem:s20+$0x20]  }
0x2f8: {  	v11 =	vld [tilespmem:s20+$0x30]  }
0x2f9: {  	v12 =	vld [tilespmem:s20+$0x40]  }
0x2fa: {  	v13 =	vld [tilespmem:s20+$0x50];
	v8 =	vsub.f32 v8, v7  }
0x2fb: {  	v14 =	vld [tilespmem:s20+$0x60];
	v9 =	vsub.f32 v9, v5  }
0x2fc: {  	v15 =	vld [tilespmem:s20+$0x70];
	v10 =	vsub.f32 v10, v6;
	[tilespmem:s20+$0xF0] =	vst v8  }
0x2fd: {  	[tilespmem:s20+$0x10] =	vst v9;
	v8 =	vsub.f32 v11, v4;
	v11 =	vld [tilespmem:s20+$0x80]  }
0x2fe: {  	[tilespmem:s20+$0x20] =	vst v10;
	v9 =	vsub.f32 v12, v3;
	v12 =	vld [tilespmem:s20+$0x90]  }
0x2ff: {  	v16 =	vld [tilespmem:s20+$0xA0];
	v10 =	vsub.f32 v13, v2;
	[tilespmem:s20+$0x30] =	vst v8  }
0x300: {  	v13 =	vsub.f32 v14, v1;
	[tilespmem:s20+$0x40] =	vst v9;
	v8 =	vld [tilespmem:s20+$0xB0]  }
0x301: {  	v14 =	vsub.f32 v15, v7;
	[tilespmem:s20+$0x50] =	vst v10;
	v9 =	vld [tilespmem:s20+$0xC0]  }
0x302: {  	[tilespmem:s20+$0x60] =	vst v13;
	v10 =	vld [tilespmem:s20+$0xD0];
	v15 =	vsub.f32 v11, v0  }
0x303: {  	[tilespmem:s20+$0x70] =	vst v14;
	v11 =	vld [tilespmem:s20+$0xE0];
	v13 =	vsub.f32 v12, v5  }
0x304: {  	s22 =	simm.s32 $0x1D100;
	s21 =	simm.s32 $0x0;
	v14 =	vsub.f32 v16, v6;
	v12 =	vld [tilespmem:s20+$0x0];
	[tilespmem:s20+$0x80] =	vst v15  }
.LBB2_33:
0x305: {  	v15 =	vld [tilespmem:s22+$0xF0];
	s21 =	sadd.s32 $0x2, s21;
	[tilespmem:s20+$0x90] =	vst v13;
	v8 =	vsub.f32 v8, v4  }
0x306: {  	v13 =	vld [tilespmem:s22+$0x10];
	p0 =	slt.u32 s21, $0x30;
	[tilespmem:s20+$0xA0] =	vst v14;
	v9 =	vsub.f32 v9, v3  }
0x307: {  	v14 =	vld [tilespmem:s22+$0x20];
	[tilespmem:s20+$0xB0] =	vst v8;
	v8 =	vsub.f32 v10, v2  }
0x308: {  	v10 =	vld [tilespmem:s22+$0x30];
	[tilespmem:s20+$0xC0] =	vst v9;
	v9 =	vsub.f32 v11, v1  }
0x309: {  	v11 =	vld [tilespmem:s22+$0x40];
	v12 =	vsub.f32 v12, v0;
	[tilespmem:s20+$0xD0] =	vst v8  }
0x30a: {  	v8 =	vld [tilespmem:s22+$0x50];
	v15 =	vsub.f32 v15, v7;
	[tilespmem:s20+$0xE0] =	vst v9  }
0x30b: {  	v9 =	vsub.f32 v13, v5;
	v13 =	vld [tilespmem:s22+$0x60];
	[tilespmem:s20+$0x0] =	vst v12;
	s20 =	smov.u32 s22  }
0x30c: {  	v12 =	vsub.f32 v14, v6;
	v14 =	vld [tilespmem:s22+$0x70];
	[tilespmem:s22+$0xF0] =	vst v15  }
0x30d: {  	[tilespmem:s22+$0x10] =	vst v9;
	v9 =	vsub.f32 v10, v4;
	v10 =	vld [tilespmem:s22+$0x80]  }
0x30e: {  	[tilespmem:s22+$0x20] =	vst v12;
	v11 =	vsub.f32 v11, v3;
	v12 =	vld [tilespmem:s22+$0x90]  }
0x30f: {  	[tilespmem:s22+$0x30] =	vst v9;
	v9 =	vsub.f32 v8, v2;
	v15 =	vld [tilespmem:s22+$0xA0]  }
.Ltmp15:
0x310: {  	[tilespmem:s22+$0x40] =	vst v11;
	v11 =	vsub.f32 v13, v1;
	v8 =	vld [tilespmem:s22+$0xB0];
	(pc) =	sbr.rel @p0 .LBB2_33-.Ltmp15, $4  }
0x311: {  	[tilespmem:s22+$0x50] =	vst v9;
	v13 =	vsub.f32 v14, v7;
	v9 =	vld [tilespmem:s22+$0xC0]  }
0x312: {  	[tilespmem:s22+$0x60] =	vst v11;
	v14 =	vsub.f32 v10, v0;
	v10 =	vld [tilespmem:s22+$0xD0]  }
0x313: {  	[tilespmem:s22+$0x70] =	vst v13;
	v13 =	vsub.f32 v12, v5;
	v11 =	vld [tilespmem:s22+$0xE0]  }
0x314: {  	s22 =	sadd.s32 $0x100, s22;
	v12 =	vld [tilespmem:s20+$0x0];
	[tilespmem:s20+$0x80] =	vst v14;
	v14 =	vsub.f32 v15, v6  }
0x315: {  	[tilespmem:s20+$0x90] =	vst v13;
	v4 =	vsub.f32 v8, v4;
	s19 =	sadd.s32 $0x1, s19  }
0x316: {  	[tilespmem:s20+$0xA0] =	vst v14;
	v3 =	vsub.f32 v9, v3;
	p0 =	sne.s32 s19, $0x8  }
.Ltmp16:
0x317: {  	[tilespmem:s20+$0xB0] =	vst v4;
	v2 =	vsub.f32 v10, v2;
	(pc) =	sbr.rel @p0 .LBB2_2-.Ltmp16, $4  }
0x318: {  	[tilespmem:s20+$0xC0] =	vst v3;
	v1 =	vsub.f32 v11, v1  }
0x319: {  	v0 =	vsub.f32 v12, v0;
	[tilespmem:s20+$0xD0] =	vst v2  }
0x31a: {  	[tilespmem:s20+$0xE0] =	vst v1  }
0x31b: {  	[tilespmem:s20+$0x0] =	vst v0  }
0x31c: {  	s18 =	sadd.s32 $0x1, s18  }
0x31d: {  	p0 =	sne.s32 s18, s6  }
.Ltmp17:
0x31e: {  	_ = 	snop;
	(pc) =	sbr.rel @p0 .LBB2_1-.Ltmp17, $1  }
0x31f: {  	_ =	sdelay $0x3  }
0x320: {  	_ =	sfence.sel $0x180000  }
0x321: {  	[bflag:$0x0] =	sbarrier.arrive $0xFFFF  }
0x322: {  	p0 =	sne.s32 s2, $0x0;
	_ =	strace $0x90000047  }
0x323: {  	s0 =	sadd.s32 @!p0 $0x100000, s1;
	[bflag:$0x2] =	sbarrier.arrive $0xFFFF  }
0x324: {  	[sflag:s0] =	ssyncadd.tile.s32 @!p0 $0x1;
	_ =	shalt  }
.Lfunc_end2:
_tile_overlayer_lowered:
.L_overlay_start_2:
0x325: {  	(tag) =	ssettag $0x2  }
0x326: {  	s0 =	rddreg [dreg:$0x0];
	s2 =	stileid.u32  }
0x327: {  	s1 =	rddreg [dreg:$0x1];
	p0 =	sne.s32 s2, $0x0  }
0x328: {  	s3 =	rddreg [dreg:$0x2];
	[bflag:$0x3] =	sbarrier.arrive $0xFFFF;
	s2 =	simm.s32 @!p0 $0x1C05  }
0x329: {  	[timem:s3], [sflag:s2] =	dma.local @!p0 [hbm:s0], s1  }
0x32a: {  	s0 =	simm.s32 @!p0 $0x5  }
0x32b: {  	_ =	swait.ge @!p0 [sflag:s0], s1  }
0x32c: {  	s1 =	ssub.s32 @!p0 $0x0, s1;
	[sflag:s0] =	ssyncset.done @!p0 $0x0  }
0x32d: {  	[sflag:s0] =	ssyncadd.s32 @!p0 s1  }
0x32e: {  	[bflag:$0x3] =	sbarrier.arrive $0xFFFF  }
0x32f: {  	_ =	shalt  }

</sc_bundles>
